<compile_context>
chip_gen: v7x
topology: tpu7x:2x2x1
jax: 0.10.2.dev20260603
libtpu: 0.0.44.dev20260713+nightly
codegen_flags: <defaults>
</compile_context>

<pallas_src>
import functools

import jax
import jax.numpy as jnp
from jax import lax
from jax.experimental import pallas as pl
from jax.experimental.pallas import tpu as pltpu
from jax.experimental.pallas import tpu_sc as plsc

N = 100000
D = 128
E = 300000
NC = 2
NS = 16
EP = 19200
E_PAD = NS * EP
CH = 1600
NCHROWS = 8192
NRANGES = 14
NPAD = NRANGES * NCHROWS
RPS = NRANGES // NC
STRIPE = NCHROWS // NS
SUBBLK = 128
CB = CH + SUBBLK + 64
CW = 8
SENTINEL = 2 ** 30


def _agg_body(xsrc, srcp, dstp, ewp, zrow_hbm, zcnt_hbm, ones_hbm,
              feat_out, cnt_out,
              shared_feat, shared_cnt,
              dstv, srcv, ewv,
              cdst, csrc, cew,
              dstb, srcb, ewb,
              grows, ones_v, zcnt_v, sem):
    c = lax.axis_index("c")
    s = lax.axis_index("s")
    ebase = s * EP
    pltpu.sync_copy(zcnt_hbm, zcnt_v)
    pltpu.sync_copy(zrow_hbm, grows)

    def n_range(k, _r):
        def n_j(j, _m):
            pltpu.sync_copy(grows,
                            shared_feat.at[pl.ds(s * STRIPE + j * SUBBLK, SUBBLK)])
            pltpu.sync_copy(zcnt_v,
                            shared_cnt.at[pl.ds(s * STRIPE + j * SUBBLK, SUBBLK)])
            return 0

        lax.fori_loop(0, STRIPE // SUBBLK, n_j, 0)
        return 0

    lax.fori_loop(0, RPS, n_range, 0)


@functools.cache
def _make_agg():
  return pl.kernel(
    _agg_body,
    out_type=(jax.ShapeDtypeStruct((NPAD, D), jnp.float32),
              jax.ShapeDtypeStruct((NPAD, CW), jnp.float32)),
    mesh=plsc.VectorSubcoreMesh(core_axis_name="c", subcore_axis_name="s",
                                num_cores=NC, num_subcores=NS),
    scratch_types=[
        pltpu.VMEM_SHARED((NCHROWS + 8, D), jnp.float32),
        pltpu.VMEM_SHARED((NCHROWS + 8, CW), jnp.float32),
        pltpu.VMEM((CH,), jnp.int32),
        pltpu.VMEM((CH,), jnp.int32),
        pltpu.VMEM((CH,), jnp.float32),
        pltpu.VMEM((CB,), jnp.int32),
        pltpu.VMEM((CB,), jnp.int32),
        pltpu.VMEM((CB,), jnp.float32),
        pltpu.VMEM((SUBBLK,), jnp.int32),
        pltpu.VMEM((SUBBLK,), jnp.int32),
        pltpu.VMEM((SUBBLK,), jnp.float32),
        pltpu.VMEM((SUBBLK, D), jnp.float32),
        pltpu.VMEM((SUBBLK, CW), jnp.float32),
        pltpu.VMEM((SUBBLK, CW), jnp.float32),
        pltpu.SemaphoreType.DMA,
    ],
    compiler_params=pltpu.CompilerParams(needs_layout_passes=False),
  )


def _dense_body(relu, final, *refs):
    if final:
        (sum_ref, cnt_ref, xd_ref, wl_ref, bl_ref, wr_ref,
         wc_ref, bc_ref, out_ref) = refs
    else:
        sum_ref, cnt_ref, xd_ref, wl_ref, bl_ref, wr_ref, out_ref = refs
    cnt = cnt_ref[:, 0:1]
    mean = sum_ref[...] / jnp.maximum(cnt, 1.0)
    pre = (lax.dot_general(mean, wl_ref[...], (((1,), (1,)), ((), ())),
                           preferred_element_type=jnp.float32)
           + bl_ref[...]
           + lax.dot_general(xd_ref[...], wr_ref[...], (((1,), (1,)), ((), ())),
                             preferred_element_type=jnp.float32))
    nrm2 = jnp.sum(pre * pre, axis=1, keepdims=True)
    h = pre * lax.rsqrt(jnp.maximum(nrm2, 1e-24))
    if relu:
        h = jnp.maximum(h, 0.0)
    if final:
        out_ref[...] = (lax.dot_general(h, wc_ref[...], (((1,), (1,)), ((), ())),
                                        preferred_element_type=jnp.float32)
                        + bc_ref[...])
    else:
        out_ref[...] = h


_BLK = 1000


def _dense(summed, cnt, x_dst, wl, bl, wr, wc=None, bc=None, relu=False):
    final = wc is not None
    grid = N // _BLK
    in_specs = [
        pl.BlockSpec((_BLK, D), lambda i: (i, 0)),
        pl.BlockSpec((_BLK, CW), lambda i: (i, 0)),
        pl.BlockSpec((_BLK, D), lambda i: (i, 0)),
        pl.BlockSpec((D, D), lambda i: (0, 0)),
        pl.BlockSpec((1, D), lambda i: (0, 0)),
        pl.BlockSpec((D, D), lambda i: (0, 0)),
    ]
    args = [summed, cnt, x_dst, wl, bl.reshape(1, D), wr]
    if final:
        in_specs += [pl.BlockSpec((2, D), lambda i: (0, 0)),
                     pl.BlockSpec((1, 2), lambda i: (0, 0))]
        args += [wc, bc.reshape(1, 2)]
        out_shape = jax.ShapeDtypeStruct((N, 2), jnp.float32)
        out_spec = pl.BlockSpec((_BLK, 2), lambda i: (i, 0))
    else:
        out_shape = jax.ShapeDtypeStruct((N, D), jnp.float32)
        out_spec = pl.BlockSpec((_BLK, D), lambda i: (i, 0))
    return pl.pallas_call(
        functools.partial(_dense_body, relu, final),
        grid=(grid,),
        in_specs=in_specs,
        out_specs=out_spec,
        out_shape=out_shape,
    )(*args)


def _pad_edges(ei, ew):
    pad = E_PAD - E
    src = jnp.concatenate([ei[0], jnp.zeros((pad,), jnp.int32)])
    dst = jnp.concatenate([ei[1], jnp.full((pad,), SENTINEL, jnp.int32)])
    eww = jnp.concatenate([ew, jnp.zeros((pad,), jnp.float32)])
    return src, dst, eww


def kernel(x_application, x_attribute, ei_app2attr, ei_attr2app,
           ew_app2attr, ew_attr2app,
           Wl1_a2b, bl1_a2b, Wr1_a2b, Wl1_b2a, bl1_b2a, Wr1_b2a,
           Wl2_a2b, bl2_a2b, Wr2_a2b, Wl2_b2a, bl2_b2a, Wr2_b2a,
           Wc, bc):
    zfeat = jnp.zeros((SUBBLK, D), jnp.float32)
    zcnt = jnp.zeros((SUBBLK, CW), jnp.float32)
    ones_rows = jnp.zeros((SUBBLK, CW), jnp.float32).at[:, 0].set(1.0)

    src_ab, dst_ab, ew_ab = _pad_edges(ei_app2attr, ew_app2attr)
    src_ba, dst_ba, ew_ba = _pad_edges(ei_attr2app, ew_attr2app)

    def _aggx(x_src, ei, ew):
        msgs = x_src[ei[0]] * ew[:, None]
        summed = jax.ops.segment_sum(msgs, ei[1], num_segments=N)
        cnt = jax.ops.segment_sum(jnp.ones_like(ew), ei[1], num_segments=N)
        cnt8 = jnp.zeros((N, CW), jnp.float32).at[:, 0].set(cnt)
        return summed, cnt8

    sum1, cnt1 = _aggx(x_application, ei_app2attr, ew_app2attr)
    h_attr = _dense(sum1, cnt1, x_attribute, Wl1_a2b, bl1_a2b, Wr1_a2b, relu=True)
    sum2, cnt2 = _aggx(x_attribute, ei_attr2app, ew_attr2app)
    h_app = _dense(sum2, cnt2, x_application, Wl1_b2a, bl1_b2a, Wr1_b2a, relu=True)

    sum3, cnt3 = _aggx(h_attr, ei_attr2app, ew_attr2app)
    return _dense(sum3, cnt3, h_app, Wl2_b2a, bl2_b2a, Wr2_b2a,
                  wc=Wc, bc=bc)

# --- scband reference (transcript-rebuilt; emitter-appended) ---
"""Pipeline reference for scband-hetero-graph-sage-2388001816836 (READ-ONLY COPY).

The authoritative reference and input builder live on the scoring server;
editing this copy changes nothing except your own understanding.
"""

import jax, jax.numpy as jnp
import numpy as np

N_APP = 100000
N_ATTR = 100000
E = 300000
D = 128
H = 128
C = 2


def _lin(key, out_dim, in_dim):
    s = 1.0 / np.sqrt(in_dim)
    return jax.random.uniform(key, (out_dim, in_dim), jnp.float32, -s, s)


def setup_inputs(seed: int = 0) -> dict:
    key = jax.random.key(seed)
    ks = jax.random.split(key, 24)
    inp = {}
    inp["x_application"] = jax.random.normal(ks[0], (N_APP, D), jnp.float32)
    inp["x_attribute"] = jax.random.normal(ks[1], (N_ATTR, D), jnp.float32)
    inp["ei_app2attr"] = jax.random.randint(ks[2], (2, E), 0, N_APP, jnp.int32)
    inp["ei_attr2app"] = jax.random.randint(ks[3], (2, E), 0, N_ATTR, jnp.int32)
    inp["ew_app2attr"] = jax.random.uniform(ks[4], (E,), jnp.float32)
    inp["ew_attr2app"] = jax.random.uniform(ks[5], (E,), jnp.float32)
    # conv1 weights (per edge type): lin_l (neighbor agg) with bias, lin_r (root)
    inp["Wl1_a2b"] = _lin(ks[6], H, D); inp["bl1_a2b"] = jnp.zeros((H,), jnp.float32); inp["Wr1_a2b"] = _lin(ks[7], H, D)
    inp["Wl1_b2a"] = _lin(ks[8], H, D); inp["bl1_b2a"] = jnp.zeros((H,), jnp.float32); inp["Wr1_b2a"] = _lin(ks[9], H, D)
    # conv2 weights
    inp["Wl2_a2b"] = _lin(ks[10], H, H); inp["bl2_a2b"] = jnp.zeros((H,), jnp.float32); inp["Wr2_a2b"] = _lin(ks[11], H, H)
    inp["Wl2_b2a"] = _lin(ks[12], H, H); inp["bl2_b2a"] = jnp.zeros((H,), jnp.float32); inp["Wr2_b2a"] = _lin(ks[13], H, H)
    # classifier
    inp["Wc"] = _lin(ks[14], C, H); inp["bc"] = jnp.zeros((C,), jnp.float32)
    return inp


def _sage(x_src, x_dst, ei, ew, Wl, bl, Wr):
    src = ei[0]
    dst = ei[1]
    msgs = x_src[src] * ew[:, None]
    summed = jax.ops.segment_sum(msgs, dst, num_segments=x_dst.shape[0])
    cnt = jax.ops.segment_sum(jnp.ones_like(ew), dst, num_segments=x_dst.shape[0])
    mean = summed / jnp.clip(cnt, 1.0, None)[:, None]
    out = mean @ Wl.T + bl + x_dst @ Wr.T
    nrm = jnp.sqrt(jnp.sum(out * out, axis=-1, keepdims=True))
    return out / jnp.clip(nrm, 1e-12, None)


def reference(x_application, x_attribute, ei_app2attr, ei_attr2app, ew_app2attr, ew_attr2app,
              Wl1_a2b, bl1_a2b, Wr1_a2b, Wl1_b2a, bl1_b2a, Wr1_b2a,
              Wl2_a2b, bl2_a2b, Wr2_a2b, Wl2_b2a, bl2_b2a, Wr2_b2a,
              Wc, bc):
    # conv1 (HeteroConv, aggr='sum'; each dst type receives exactly one edge type here)
    h_attr = _sage(x_application, x_attribute, ei_app2attr, ew_app2attr, Wl1_a2b, bl1_a2b, Wr1_a2b)
    h_app = _sage(x_attribute, x_application, ei_attr2app, ew_attr2app, Wl1_b2a, bl1_b2a, Wr1_b2a)
    h_app = jax.nn.relu(h_app)
    h_attr = jax.nn.relu(h_attr)
    # conv2
    h_attr2 = _sage(h_app, h_attr, ei_app2attr, ew_app2attr, Wl2_a2b, bl2_a2b, Wr2_a2b)
    h_app2 = _sage(h_attr, h_app, ei_attr2app, ew_attr2app, Wl2_b2a, bl2_b2a, Wr2_b2a)
    out = h_app2 @ Wc.T + bc
    return out


if False:  # reference __main__ guard neutralized (emitter)
    o = reference(**setup_inputs())
    print(o.shape, o.dtype)

if __name__ == "__main__":
    import jax
    _d = setup_inputs()
    print(jax.jit(kernel)(*tuple(_d.values())))

</pallas_src>

<mosaic_0001>
module attributes {stable_mosaic.version = 14 : i64} {
  func.func @_dense_body(%arg0: i32, %arg1: memref<1000x128xf32, #tpu.memory_space<vmem>>, %arg2: memref<1000x8xf32, #tpu.memory_space<vmem>>, %arg3: memref<1000x128xf32, #tpu.memory_space<vmem>>, %arg4: memref<128x128xf32, #tpu.memory_space<vmem>>, %arg5: memref<1x128xf32, #tpu.memory_space<vmem>>, %arg6: memref<128x128xf32, #tpu.memory_space<vmem>>, %arg7: memref<1000x128xf32, #tpu.memory_space<vmem>>) attributes {dimension_semantics = [#tpu.dimension_semantics<arbitrary>], iteration_bounds = array<i64: 100>, scalar_prefetch = 0 : i64, scratch_operands = 0 : i64, tpu.core_type = #tpu.core_type<tc>, window_params = [{transform_indices = @transform_0, window_bounds = array<i64: 1000, 128>}, {transform_indices = @transform_1, window_bounds = array<i64: 1000, 8>}, {transform_indices = @transform_2, window_bounds = array<i64: 1000, 128>}, {pipeline_mode = #tpu.pipeline_mode<synchronous>, transform_indices = @transform_3, window_bounds = array<i64: 128, 128>}, {pipeline_mode = #tpu.pipeline_mode<synchronous>, transform_indices = @transform_4, window_bounds = array<i64: 1, 128>}, {pipeline_mode = #tpu.pipeline_mode<synchronous>, transform_indices = @transform_5, window_bounds = array<i64: 128, 128>}, {transform_indices = @transform_6, window_bounds = array<i64: 1000, 128>}]} {
    %get3A = arith.constant 0 : index
    %get3A_0 = arith.constant 0 : index
    %get3A_1 = vector.load %arg2[%get3A, %get3A_0] : memref<1000x8xf32, #tpu.memory_space<vmem>>, vector<1000x1xf32>
    %get3A_2 = arith.constant 0 : index
    %get3A_3 = arith.constant 0 : index
    %get3A_4 = vector.load %arg1[%get3A_2, %get3A_3] : memref<1000x128xf32, #tpu.memory_space<vmem>>, vector<1000x128xf32>
    %max3A = arith.constant 1.000000e+00 : f32
    %max3A_5 = vector.broadcast %max3A : f32 to vector<1000x1xf32>
    %max3A_6 = arith.maximumf %get3A_1, %max3A_5 : vector<1000x1xf32>
    %div3A = vector.broadcast %max3A_6 : vector<1000x1xf32> to vector<1000x128xf32>
    %div3A_7 = arith.divf %get3A_4, %div3A : vector<1000x128xf32>
    %get3A_8 = arith.constant 0 : index
    %get3A_9 = arith.constant 0 : index
    %get3A_10 = vector.load %arg4[%get3A_8, %get3A_9] : memref<128x128xf32, #tpu.memory_space<vmem>>, vector<128x128xf32>
    %dot_general3A = arith.constant dense<0.000000e+00> : vector<1000x128xf32>
    %dot_general3A_11 = tpu.matmul %div3A_7, %get3A_10, %dot_general3A {dimension_numbers = #tpu.dot_dimension_numbers<[1], [1], [0], [0], [0, 0, 1, 0], [], []>, transpose_lhs_hint = false} : vector<1000x128xf32>, vector<128x128xf32>, vector<1000x128xf32> -> vector<1000x128xf32>
    %get3A_12 = arith.constant 0 : index
    %get3A_13 = arith.constant 0 : index
    %get3A_14 = vector.load %arg5[%get3A_12, %get3A_13] : memref<1x128xf32, #tpu.memory_space<vmem>>, vector<1x128xf32>
    %add3A = vector.broadcast %get3A_14 : vector<1x128xf32> to vector<1000x128xf32>
    %add3A_15 = arith.addf %dot_general3A_11, %add3A : vector<1000x128xf32>
    %get3A_16 = arith.constant 0 : index
    %get3A_17 = arith.constant 0 : index
    %get3A_18 = vector.load %arg3[%get3A_16, %get3A_17] : memref<1000x128xf32, #tpu.memory_space<vmem>>, vector<1000x128xf32>
    %get3A_19 = arith.constant 0 : index
    %get3A_20 = arith.constant 0 : index
    %get3A_21 = vector.load %arg6[%get3A_19, %get3A_20] : memref<128x128xf32, #tpu.memory_space<vmem>>, vector<128x128xf32>
    %dot_general3A_22 = arith.constant dense<0.000000e+00> : vector<1000x128xf32>
    %dot_general3A_23 = tpu.matmul %get3A_18, %get3A_21, %dot_general3A_22 {dimension_numbers = #tpu.dot_dimension_numbers<[1], [1], [0], [0], [0, 0, 1, 0], [], []>, transpose_lhs_hint = false} : vector<1000x128xf32>, vector<128x128xf32>, vector<1000x128xf32> -> vector<1000x128xf32>
    %add3A_24 = arith.addf %add3A_15, %dot_general3A_23 : vector<1000x128xf32>
    %mul3A = arith.mulf %add3A_24, %add3A_24 : vector<1000x128xf32>
    %reduce_sum3A = arith.constant dense<0.000000e+00> : vector<1000xf32>
    %reduce_sum3A_25 = vector.multi_reduction <add>, %mul3A, %reduce_sum3A [1] : vector<1000x128xf32> to vector<1000xf32>
    %broadcast_in_dim3A = vector.shape_cast %reduce_sum3A_25 : vector<1000xf32> to vector<1000x1xf32>
    %max3A_26 = arith.constant 1.000000e-24 : f32
    %max3A_27 = vector.broadcast %max3A_26 : f32 to vector<1000x1xf32>
    %max3A_28 = arith.maximumf %broadcast_in_dim3A, %max3A_27 : vector<1000x1xf32>
    %rsqrt3A = math.rsqrt %max3A_28 : vector<1000x1xf32>
    %mul3A_29 = vector.broadcast %rsqrt3A : vector<1000x1xf32> to vector<1000x128xf32>
    %mul3A_30 = arith.mulf %add3A_24, %mul3A_29 : vector<1000x128xf32>
    %max3A_31 = arith.constant 0.000000e+00 : f32
    %max3A_32 = vector.broadcast %max3A_31 : f32 to vector<1000x128xf32>
    %max3A_33 = arith.maximumf %mul3A_30, %max3A_32 : vector<1000x128xf32>
    %swap3A = arith.constant 0 : index
    %swap3A_34 = arith.constant 0 : index
    %swap3A_35 = vector.load %arg7[%swap3A, %swap3A_34] : memref<1000x128xf32, #tpu.memory_space<vmem>>, vector<1000x128xf32>
    tpu.vector_store %arg7[%swap3A, %swap3A_34], %max3A_33 {strides = array<i32>} : memref<1000x128xf32, #tpu.memory_space<vmem>>, vector<1000x128xf32>,
    return
  }
  func.func @transform_0(%arg0: i32) -> (i32, i32) {
    %c0_i32 = arith.constant 0 : i32
    %c0_i32_0 = arith.constant 0 : i32
    return %arg0, %c0_i32 : i32, i32
  }
  func.func @transform_1(%arg0: i32) -> (i32, i32) {
    %c0_i32 = arith.constant 0 : i32
    %c0_i32_0 = arith.constant 0 : i32
    return %arg0, %c0_i32 : i32, i32
  }
  func.func @transform_2(%arg0: i32) -> (i32, i32) {
    %c0_i32 = arith.constant 0 : i32
    %c0_i32_0 = arith.constant 0 : i32
    return %arg0, %c0_i32 : i32, i32
  }
  func.func @transform_3(%arg0: i32) -> (i32, i32) {
    %c0_i32 = arith.constant 0 : i32
    %c0_i32_0 = arith.constant 0 : i32
    %c0_i32_1 = arith.constant 0 : i32
    return %c0_i32, %c0_i32_0 : i32, i32
  }
  func.func @transform_4(%arg0: i32) -> (i32, i32) {
    %c0_i32 = arith.constant 0 : i32
    %c0_i32_0 = arith.constant 0 : i32
    %c0_i32_1 = arith.constant 0 : i32
    return %c0_i32, %c0_i32_0 : i32, i32
  }
  func.func @transform_5(%arg0: i32) -> (i32, i32) {
    %c0_i32 = arith.constant 0 : i32
    %c0_i32_0 = arith.constant 0 : i32
    %c0_i32_1 = arith.constant 0 : i32
    return %c0_i32, %c0_i32_0 : i32, i32
  }
  func.func @transform_6(%arg0: i32) -> (i32, i32) {
    %c0_i32 = arith.constant 0 : i32
    %c0_i32_0 = arith.constant 0 : i32
    return %arg0, %c0_i32 : i32, i32
  }
}

module attributes {stable_mosaic.version = 14 : i64} {
  func.func @_dense_body(%arg0: i32, %arg1: memref<1000x128xf32, #tpu.memory_space<vmem>>, %arg2: memref<1000x8xf32, #tpu.memory_space<vmem>>, %arg3: memref<1000x128xf32, #tpu.memory_space<vmem>>, %arg4: memref<128x128xf32, #tpu.memory_space<vmem>>, %arg5: memref<1x128xf32, #tpu.memory_space<vmem>>, %arg6: memref<128x128xf32, #tpu.memory_space<vmem>>, %arg7: memref<2x128xf32, #tpu.memory_space<vmem>>, %arg8: memref<1x2xf32, #tpu.memory_space<vmem>>, %arg9: memref<1000x2xf32, #tpu.memory_space<vmem>>) attributes {dimension_semantics = [#tpu.dimension_semantics<arbitrary>], iteration_bounds = array<i64: 100>, scalar_prefetch = 0 : i64, scratch_operands = 0 : i64, tpu.core_type = #tpu.core_type<tc>, window_params = [{transform_indices = @transform_0, window_bounds = array<i64: 1000, 128>}, {transform_indices = @transform_1, window_bounds = array<i64: 1000, 8>}, {transform_indices = @transform_2, window_bounds = array<i64: 1000, 128>}, {pipeline_mode = #tpu.pipeline_mode<synchronous>, transform_indices = @transform_3, window_bounds = array<i64: 128, 128>}, {pipeline_mode = #tpu.pipeline_mode<synchronous>, transform_indices = @transform_4, window_bounds = array<i64: 1, 128>}, {pipeline_mode = #tpu.pipeline_mode<synchronous>, transform_indices = @transform_5, window_bounds = array<i64: 128, 128>}, {pipeline_mode = #tpu.pipeline_mode<synchronous>, transform_indices = @transform_6, window_bounds = array<i64: 2, 128>}, {pipeline_mode = #tpu.pipeline_mode<synchronous>, transform_indices = @transform_7, window_bounds = array<i64: 1, 2>}, {transform_indices = @transform_8, window_bounds = array<i64: 1000, 2>}]} {
    %get3A = arith.constant 0 : index
    %get3A_0 = arith.constant 0 : index
    %get3A_1 = vector.load %arg2[%get3A, %get3A_0] : memref<1000x8xf32, #tpu.memory_space<vmem>>, vector<1000x1xf32>
    %get3A_2 = arith.constant 0 : index
    %get3A_3 = arith.constant 0 : index
    %get3A_4 = vector.load %arg1[%get3A_2, %get3A_3] : memref<1000x128xf32, #tpu.memory_space<vmem>>, vector<1000x128xf32>
    %max3A = arith.constant 1.000000e+00 : f32
    %max3A_5 = vector.broadcast %max3A : f32 to vector<1000x1xf32>
    %max3A_6 = arith.maximumf %get3A_1, %max3A_5 : vector<1000x1xf32>
    %div3A = vector.broadcast %max3A_6 : vector<1000x1xf32> to vector<1000x128xf32>
    %div3A_7 = arith.divf %get3A_4, %div3A : vector<1000x128xf32>
    %get3A_8 = arith.constant 0 : index
    %get3A_9 = arith.constant 0 : index
    %get3A_10 = vector.load %arg4[%get3A_8, %get3A_9] : memref<128x128xf32, #tpu.memory_space<vmem>>, vector<128x128xf32>
    %dot_general3A = arith.constant dense<0.000000e+00> : vector<1000x128xf32>
    %dot_general3A_11 = tpu.matmul %div3A_7, %get3A_10, %dot_general3A {dimension_numbers = #tpu.dot_dimension_numbers<[1], [1], [0], [0], [0, 0, 1, 0], [], []>, transpose_lhs_hint = false} : vector<1000x128xf32>, vector<128x128xf32>, vector<1000x128xf32> -> vector<1000x128xf32>
    %get3A_12 = arith.constant 0 : index
    %get3A_13 = arith.constant 0 : index
    %get3A_14 = vector.load %arg5[%get3A_12, %get3A_13] : memref<1x128xf32, #tpu.memory_space<vmem>>, vector<1x128xf32>
    %add3A = vector.broadcast %get3A_14 : vector<1x128xf32> to vector<1000x128xf32>
    %add3A_15 = arith.addf %dot_general3A_11, %add3A : vector<1000x128xf32>
    %get3A_16 = arith.constant 0 : index
    %get3A_17 = arith.constant 0 : index
    %get3A_18 = vector.load %arg3[%get3A_16, %get3A_17] : memref<1000x128xf32, #tpu.memory_space<vmem>>, vector<1000x128xf32>
    %get3A_19 = arith.constant 0 : index
    %get3A_20 = arith.constant 0 : index
    %get3A_21 = vector.load %arg6[%get3A_19, %get3A_20] : memref<128x128xf32, #tpu.memory_space<vmem>>, vector<128x128xf32>
    %dot_general3A_22 = arith.constant dense<0.000000e+00> : vector<1000x128xf32>
    %dot_general3A_23 = tpu.matmul %get3A_18, %get3A_21, %dot_general3A_22 {dimension_numbers = #tpu.dot_dimension_numbers<[1], [1], [0], [0], [0, 0, 1, 0], [], []>, transpose_lhs_hint = false} : vector<1000x128xf32>, vector<128x128xf32>, vector<1000x128xf32> -> vector<1000x128xf32>
    %add3A_24 = arith.addf %add3A_15, %dot_general3A_23 : vector<1000x128xf32>
    %mul3A = arith.mulf %add3A_24, %add3A_24 : vector<1000x128xf32>
    %reduce_sum3A = arith.constant dense<0.000000e+00> : vector<1000xf32>
    %reduce_sum3A_25 = vector.multi_reduction <add>, %mul3A, %reduce_sum3A [1] : vector<1000x128xf32> to vector<1000xf32>
    %broadcast_in_dim3A = vector.shape_cast %reduce_sum3A_25 : vector<1000xf32> to vector<1000x1xf32>
    %max3A_26 = arith.constant 1.000000e-24 : f32
    %max3A_27 = vector.broadcast %max3A_26 : f32 to vector<1000x1xf32>
    %max3A_28 = arith.maximumf %broadcast_in_dim3A, %max3A_27 : vector<1000x1xf32>
    %rsqrt3A = math.rsqrt %max3A_28 : vector<1000x1xf32>
    %mul3A_29 = vector.broadcast %rsqrt3A : vector<1000x1xf32> to vector<1000x128xf32>
    %mul3A_30 = arith.mulf %add3A_24, %mul3A_29 : vector<1000x128xf32>
    %get3A_31 = arith.constant 0 : index
    %get3A_32 = arith.constant 0 : index
    %get3A_33 = vector.load %arg7[%get3A_31, %get3A_32] : memref<2x128xf32, #tpu.memory_space<vmem>>, vector<2x128xf32>
    %dot_general3A_34 = arith.constant dense<0.000000e+00> : vector<1000x2xf32>
    %dot_general3A_35 = tpu.matmul %mul3A_30, %get3A_33, %dot_general3A_34 {dimension_numbers = #tpu.dot_dimension_numbers<[1], [1], [0], [0], [0, 0, 1, 0], [], []>, transpose_lhs_hint = false} : vector<1000x128xf32>, vector<2x128xf32>, vector<1000x2xf32> -> vector<1000x2xf32>
    %get3A_36 = arith.constant 0 : index
    %get3A_37 = arith.constant 0 : index
    %get3A_38 = vector.load %arg8[%get3A_36, %get3A_37] : memref<1x2xf32, #tpu.memory_space<vmem>>, vector<1x2xf32>
    %add3A_39 = vector.broadcast %get3A_38 : vector<1x2xf32> to vector<1000x2xf32>
    %add3A_40 = arith.addf %dot_general3A_35, %add3A_39 : vector<1000x2xf32>
    %swap3A = arith.constant 0 : index
    %swap3A_41 = arith.constant 0 : index
    %swap3A_42 = vector.load %arg9[%swap3A, %swap3A_41] : memref<1000x2xf32, #tpu.memory_space<vmem>>, vector<1000x2xf32>
    tpu.vector_store %arg9[%swap3A, %swap3A_41], %add3A_40 {strides = array<i32>} : memref<1000x2xf32, #tpu.memory_space<vmem>>, vector<1000x2xf32>,
    return
  }
  func.func @transform_0(%arg0: i32) -> (i32, i32) {
    %c0_i32 = arith.constant 0 : i32
    %c0_i32_0 = arith.constant 0 : i32
    return %arg0, %c0_i32 : i32, i32
  }
  func.func @transform_1(%arg0: i32) -> (i32, i32) {
    %c0_i32 = arith.constant 0 : i32
    %c0_i32_0 = arith.constant 0 : i32
    return %arg0, %c0_i32 : i32, i32
  }
  func.func @transform_2(%arg0: i32) -> (i32, i32) {
    %c0_i32 = arith.constant 0 : i32
    %c0_i32_0 = arith.constant 0 : i32
    return %arg0, %c0_i32 : i32, i32
  }
  func.func @transform_3(%arg0: i32) -> (i32, i32) {
    %c0_i32 = arith.constant 0 : i32
    %c0_i32_0 = arith.constant 0 : i32
    %c0_i32_1 = arith.constant 0 : i32
    return %c0_i32, %c0_i32_0 : i32, i32
  }
  func.func @transform_4(%arg0: i32) -> (i32, i32) {
    %c0_i32 = arith.constant 0 : i32
    %c0_i32_0 = arith.constant 0 : i32
    %c0_i32_1 = arith.constant 0 : i32
    return %c0_i32, %c0_i32_0 : i32, i32
  }
  func.func @transform_5(%arg0: i32) -> (i32, i32) {
    %c0_i32 = arith.constant 0 : i32
    %c0_i32_0 = arith.constant 0 : i32
    %c0_i32_1 = arith.constant 0 : i32
    return %c0_i32, %c0_i32_0 : i32, i32
  }
  func.func @transform_6(%arg0: i32) -> (i32, i32) {
    %c0_i32 = arith.constant 0 : i32
    %c0_i32_0 = arith.constant 0 : i32
    %c0_i32_1 = arith.constant 0 : i32
    return %c0_i32, %c0_i32_0 : i32, i32
  }
  func.func @transform_7(%arg0: i32) -> (i32, i32) {
    %c0_i32 = arith.constant 0 : i32
    %c0_i32_0 = arith.constant 0 : i32
    %c0_i32_1 = arith.constant 0 : i32
    return %c0_i32, %c0_i32_0 : i32, i32
  }
  func.func @transform_8(%arg0: i32) -> (i32, i32) {
    %c0_i32 = arith.constant 0 : i32
    %c0_i32_0 = arith.constant 0 : i32
    return %arg0, %c0_i32 : i32, i32
  }
}

</mosaic_0001>

<sc_bundles>
// kernel: gather_offload_async_start.1
scs
__scs_entry_jumppad:
0x0: {  	(pc) =	sbr.rel $0x88, $3  }
0x1: {  	(tag) =	ssettag $0x0;
	lr =	simm.s32 $0x1  }
0x2: {  	[smem:$0x3F90] =	sst lr;
	_ =	strace $0xD0000000  }
0x3: {  	_ = 	snop  }
0x4: {  	_ = 	snop  }
0x5: {  	_ = 	snop  }
0x6: {  	_ = 	snop  }
0x7: {  	_ = 	snop  }
__scs_overlays_trampoline_lowered:
0x8: {  	[smem:$0x3F9F] =	sst s0  }
0x9: {  	[smem:$0x3FA0] =	sst s1  }
0xa: {  	[smem:$0x3FA1] =	sst s2  }
0xb: {  	[smem:$0x3FA2] =	sst s3  }
0xc: {  	[smem:$0x3FA3] =	sst s4  }
0xd: {  	[smem:$0x3FA4] =	sst s5  }
0xe: {  	[smem:$0x3FA5] =	sst s6  }
0xf: {  	[smem:$0x3FA6] =	sst s7  }
0x10: {  	[smem:$0x3FA7] =	sst s8  }
0x11: {  	[smem:$0x3FA8] =	sst s9;
	s0 =	simm.s32 @!p0 $0x0  }
0x12: {  	s1 =	sld [smem:$0x3F8E];
	s0 =	simm.s32 @p0 $0x1  }
0x13: {  	[smem:$0x3FA9] =	sst s0;
	s0 =	simm.s32 @!p1 $0x0  }
0x14: {  	s2 =	sld [smem:$0x3F8D];
	s0 =	simm.s32 @p1 $0x1  }
0x15: {  	[smem:$0x3FAA] =	sst s0;
	s0 =	simm.s32 @!p2 $0x0  }
0x16: {  	s3 =	sld [smem:$0x3FDB];
	s0 =	simm.s32 @p2 $0x1  }
0x17: {  	s4 =	simm.s32 $0x1BF5;
	[smem:$0x3FAC] =	sst s0  }
0x18: {  	s0 =	sld [smem:$0x3F8F];
	_ =	swait.ge [sflag:s4], $0x0  }
0x19: {  	s7 =	sld [smem:$0x3F90]  }
0x1a: {  	s8 =	sadd.s32 $0xFFFFE003, lr  }
0x1b: {  	s9 =	sadd.s32 $0xFFFFFEF7, lr;
	s5 =	simm.s32 $0xFFFFFFFF;
	p2 =	slt.u32 s8, $0xFFFFF086  }
0x1c: {  	p1 =	slt.u32 s9, $0xF7A;
	s5 =	simm.s32 @!p2 $0x0  }
0x1d: {  	s5 =	simm.s32 @p1 $0x1;
	p0 =	seq.s32 s7, s2  }
0x1e: {  	s7 =	smul.u32 @!p0 $0xF7A, s2;
	p2 =	seq.s32 @!p0 s5, $0x0  }
0x1f: {  	s9 =	smul.u32 $0xF7A, s1;
	s8 =	simm.s32 @!p0 $0x1BF5;
	p2 =	por !p2, p0  }
0x20: {  	[sflag:s8] =	ssyncset.s32 @!p0 $0xFFFFF086;
	s6 =	sadd.s32 @!p0 s3, s7;
	s7 =	simm.s32 @!p0 $0x108  }
0x21: {  	s3 =	sadd.s32 s3, s9;
	s6 =	sadd.s32 @!p0 $0x88, s6;
	s7 =	simm.s32 @p2 $0x1082  }
0x22: {  	[simem:s7], [sflag:s8] =	dma.local @!p0 [hbm:s6], $0xF7A  }
0x23: {  	s9 =	sor.u32 $0xD0000000, s2;
	s6 =	simm.s32 $0x108;
	_ =	swait.ge @!p0 [sflag:s8], $0x0  }
0x24: {  	s3 =	sadd.s32 $0x88, s3;
	s6 =	simm.s32 @!p1 $0x1082;
	[sflag:s4] =	ssyncset.s32 $0xFFFFF086  }
0x25: {  	[simem:s6], [sflag:s4] =	dma.local [hbm:s3], $0xF7A  }
0x26: {  	[smem:$0x3F90] =	sst s1;
	(tag) =	ssettag s2;
	_ =	strace s9  }
0x27: {  	s1 =	sld [smem:$0x3FA0]  }
0x28: {  	s2 =	sld [smem:$0x3FA1]  }
0x29: {  	s4 =	sld [smem:$0x3FA3]  }
0x2a: {  	p0 =	seq.s32 s5, $0x0;
	s5 =	sld [smem:$0x3FA4]  }
0x2b: {  	s6 =	sld [smem:$0x3FA5]  }
0x2c: {  	s7 =	sld [smem:$0x3FA6]  }
0x2d: {  	s3 =	simm.s32 $0x108;
	s8 =	sld [smem:$0x3FA7]  }
0x2e: {  	s3 =	simm.s32 @!p0 $0x1082;
	s9 =	sld [smem:$0x3FA8]  }
0x2f: {  	lr =	sadd.s32 s0, s3;
	s0 =	sld [smem:$0x3F9F]  }
0x30: {  	s3 =	sld [smem:$0x3FA2]  }
0x31: {  	[smem:$0x3FAB] =	sst s10  }
0x32: {  	s10 =	sld [smem:$0x3FA9];
	_ =	sdelay $0x3  }
0x33: {  	p0 =	seq.s32 s10, $0x1;
	s10 =	sld [smem:$0x3FAB];
	_ =	sdelay $0x3  }
0x34: {  	[smem:$0x3FAB] =	sst s10  }
0x35: {  	s10 =	sld [smem:$0x3FAA];
	_ =	sdelay $0x3  }
0x36: {  	p1 =	seq.s32 s10, $0x1;
	s10 =	sld [smem:$0x3FAB];
	_ =	sdelay $0x3  }
0x37: {  	[smem:$0x3FAB] =	sst s10  }
0x38: {  	s10 =	sld [smem:$0x3FAC]  }
0x39: {  	_ = 	snop;
	(pc) =	sbr.ind lr, $3  }
0x3a: {  	_ = 	snop  }
0x3b: {  	_ = 	snop  }
0x3c: {  	p2 =	seq.s32 s10, $0x1;
	s10 =	sld [smem:$0x3FAB]  }
0x3d: {  	_ =	shalt  }
0x3e: {  	_ =	shalt  }
0x3f: {  	_ =	shalt  }
0x40: {  	_ =	shalt  }
0x41: {  	_ =	shalt  }
0x42: {  	_ =	shalt  }
0x43: {  	_ =	shalt  }
0x44: {  	_ =	shalt  }
0x45: {  	_ =	shalt  }
0x46: {  	_ =	shalt  }
0x47: {  	_ =	shalt  }
0x48: {  	_ =	shalt  }
0x49: {  	_ =	shalt  }
0x4a: {  	_ =	shalt  }
0x4b: {  	_ =	shalt  }
0x4c: {  	_ =	shalt  }
0x4d: {  	_ =	shalt  }
0x4e: {  	_ =	shalt  }
0x4f: {  	_ =	shalt  }
0x50: {  	_ =	shalt  }
0x51: {  	_ =	shalt  }
0x52: {  	_ =	shalt  }
0x53: {  	_ =	shalt  }
0x54: {  	_ =	shalt  }
0x55: {  	_ =	shalt  }
0x56: {  	_ =	shalt  }
0x57: {  	_ =	shalt  }
0x58: {  	_ =	shalt  }
0x59: {  	_ =	shalt  }
0x5a: {  	_ =	shalt  }
0x5b: {  	_ =	shalt  }
0x5c: {  	_ =	shalt  }
0x5d: {  	_ =	shalt  }
0x5e: {  	_ =	shalt  }
0x5f: {  	_ =	shalt  }
0x60: {  	_ =	shalt  }
0x61: {  	_ =	shalt  }
0x62: {  	_ =	shalt  }
0x63: {  	_ =	shalt  }
0x64: {  	_ =	shalt  }
0x65: {  	_ =	shalt  }
0x66: {  	_ =	shalt  }
0x67: {  	_ =	shalt  }
0x68: {  	_ =	shalt  }
0x69: {  	_ =	shalt  }
0x6a: {  	_ =	shalt  }
0x6b: {  	_ =	shalt  }
0x6c: {  	_ =	shalt  }
0x6d: {  	_ =	shalt  }
0x6e: {  	_ =	shalt  }
0x6f: {  	_ =	shalt  }
0x70: {  	_ =	shalt  }
0x71: {  	_ =	shalt  }
0x72: {  	_ =	shalt  }
0x73: {  	_ =	shalt  }
0x74: {  	_ =	shalt  }
0x75: {  	_ =	shalt  }
0x76: {  	_ =	shalt  }
0x77: {  	_ =	shalt  }
0x78: {  	_ =	shalt  }
0x79: {  	_ =	shalt  }
0x7a: {  	_ =	shalt  }
0x7b: {  	_ =	shalt  }
0x7c: {  	_ =	shalt  }
0x7d: {  	_ =	shalt  }
0x7e: {  	_ =	shalt  }
0x7f: {  	_ =	shalt  }
0x80: {  	_ =	shalt  }
0x81: {  	_ =	shalt  }
0x82: {  	_ =	shalt  }
0x83: {  	_ =	shalt  }
0x84: {  	_ =	shalt  }
0x85: {  	_ =	shalt  }
0x86: {  	_ =	shalt  }
0x87: {  	_ =	shalt  }
.Lfunc_end0:
.L_simem_size_0:
called_computation.6_lowered:
.L_overlay_start_0:
0x88: {  	s2 =	sld [smem:$0x3FD9]  }
0x89: {  	s3 =	sld [smem:$0x3FFE];
	_ =	sdelay $0x1  }
0x8a: {  	s1 =	srdreg.scid  }
0x8b: {  	s0 =	sand.u32 $0x1, s1  }
0x8c: {  	s17 =	sshll.u32 s0, $0xA;
	s2 =	sadd.s32 s3, s2  }
0x8d: {  	s2 =	sadd.s32 s2, s17  }
0x8e: {  	[smem:$0x3FB7] =	sst s2  }
0x8f: {  	_ = 	snop  }
0x90: {  	s18 =	sld [smem:$0x3FC8];
	(tm) =	ssettm $0x1  }
0x91: {  	s19 =	sld [smem:$0x3FFB];
	_ =	sdelay $0x3  }
0x92: {  	_ =	strace s19  }
0x93: {  	s2 =	sld [smem:$0x3FFC];
	_ =	sdelay $0x3  }
0x94: {  	_ =	strace s2  }
0x95: {  	s2 =	sld [smem:$0x3FFD];
	_ =	sdelay $0x3  }
0x96: {  	_ =	strace s2  }
0x97: {  	_ =	strace $0x8FFFFFFF  }
0x98: {  	s20 =	sld [smem:$0x3FDB];
	_ =	sdelay $0x1  }
0x99: {  	s4 =	simm.s32 $_scs_section_size  }
0x9a: {  	s5 =	simm.s32 $_size__tile_overlayer_lowered;
	s6 =	simm.s32 $_tile_overlayer_lowered  }
0x9b: {  	s7 =	simm.s32 $0x1BFF;
	s21 =	sshll.u32 s6, $0x1;
	s4 =	sadd.s32 s4, s20  }
0x9c: {  	s22 =	simm.s32 $0x0;
	s5 =	sshll.u32 s5, $0x1;
	s6 =	sadd.s32 s21, s4  }
0x9d: {  	[timem:s22], [sflag:s7] =	dma.local [hbm:s6], s5  }
0x9e: {  	_ =	swait.ge [sflag:s7], s5  }
0x9f: {  	s5 =	ssub.s32 $0x0, s5;
	[sflag:s7] =	ssyncset.done $0x0  }
0xa0: {  	[sflag:s7] =	ssyncadd.s32 s5;
	_ =	sdelay $0x1  }
0xa1: {  	s23 =	simm.s32 $0x1B8B  }
0xa2: {  	_ =	swait.ge [sflag:s23], $0x1  }
0xa3: {  	[sflag:s23] =	ssyncset.done $0x0  }
0xa4: {  	[sflag:s23] =	ssyncadd.s32 $0xFFFFFFFF  }
0xa5: {  	s5 =	sld [smem:$0x0]  }
0xa6: {  	s6 =	sand.u32 $0xFFFFFFFE, s1  }
0xa7: {  	p0 =	sne.s32 s1, s6  }
0xa8: {  	s6 =	sshll.u32 @p0 s6, $0xE  }
0xa9: {  	s6 =	sadd.s32 @p0 $0x11B8D, s6;
	s7 =	sshll.u32 @p0 s5, $0x11  }
0xaa: {  	s6 =	sor.u32 @p0 s7, s6  }
0xab: {  	[sflag:s6] =	ssyncadd.remote.s32 @p0 $0x1;
	_ =	sdelay $0x1  }
0xac: {  	s6 =	simm.s32 @p0 $0x1B8D  }
0xad: {  	_ =	swait.eq @p0 [sflag:s6], $0x1  }
0xae: {  	[sflag:s6] =	ssyncadd.s32 @p0 $0xFFFFFFFF  }
0xaf: {  	s7 =	sshll.u32 @!p0 s1, $0xE  }
0xb0: {  	s7 =	sor.u32 @!p0 $0x4000, s7;
	s6 =	simm.s32 @!p0 $0x1B8D  }
0xb1: {  	s5 =	sshll.u32 @!p0 s5, $0x11;
	s7 =	sadd.s32 @!p0 $0x11B8D, s7;
	_ =	swait.eq @!p0 [sflag:s6], $0x1  }
0xb2: {  	s5 =	sor.u32 @!p0 s5, s7;
	[sflag:s6] =	ssyncadd.s32 @!p0 $0xFFFFFFFF  }
0xb3: {  	s25 =	simm.s32 $0x1B8E;
	s24 =	sld [smem:$0x3FFE];
	[sflag:s5] =	ssyncadd.remote.s32 @!p0 $0x1  }
0xb4: {  	s26 =	simm.s32 $execute0_lowered;
	[smem:$0x3FD2] =	sst s25  }
0xb5: {  	s6 =	sshll.u32 s26, $0x1;
	_ =	strace $0x8000005B;
	[dreg:$0x1] =	wrdreg $0xFFFFFFFF  }
0xb6: {  	s28 =	simm.s32 $_size_execute0_lowered;
	s4 =	sadd.s32 s4, s6;
	[dreg:$0x0] =	wrdreg $0x0  }
0xb7: {  	s6 =	sshll.u32 s28, $0x1;
	[dreg:$0x2] =	wrdreg s4  }
0xb8: {  	[dreg:$0x3] =	wrdreg s6  }
0xb9: {  	[dreg:$0x4] =	wrdreg $0xC0  }
0xba: {  	_ =	task [dreg:s22], $0x5FFFF  }
0xbb: {  	[dreg:$0x1] =	wrdreg $0xFFFFFFFF  }
0xbc: {  	[dreg:$0x0] =	wrdreg $0x60  }
0xbd: {  	[dreg:$0x2] =	wrdreg s18  }
0xbe: {  	[dreg:$0x3] =	wrdreg s24  }
0xbf: {  	[dreg:$0x4] =	wrdreg $0xD  }
0xc0: {  	_ =	task.clear_ibuf [dreg:s22], $0x5FFFF;
	_ =	strace $0x9000005B  }
0xc1: {  	s29 =	simm.s32 $0xD;
	_ =	strace $0x8000005D  }
0xc2: {  	_ =	swait.ge [sflag:s29], $0x1  }
0xc3: {  	[sflag:s29] =	ssyncadd.s32 $0xFFFFFFFF  }
0xc4: {  	_ =	strace $0x9000005D  }
0xc5: {  	_ =	sfence  }
0xc6: {  	s30 =	sld [smem:$0x0];
	_ =	sdelay $0x2  }
0xc7: {  	s31 =	sshll.u32 s1, $0xD;
	s1 =	sshrl.u32 s1, $0x2  }
0xc8: {  	s4 =	sand.u32 $0x4000, s31;
	s1 =	sadd.s32 s1, s30  }
0xc9: {  	s0 =	sor.u32 s4, s0;
	s1 =	sshll.u32 s1, $0x11  }
0xca: {  	s0 =	sor.u32 s1, s0  }
0xcb: {  	s0 =	sadd.s32 $0x8F2B, s0  }
0xcc: {  	[sflag:s0] =	ssyncadd.remote.s32 $0x1  }
0xcd: {  	_ =	sfence.sel $0xFFFF  }
0xce: {  	[dreg:$0x0] =	wrdreg $0xFFFFFFFF;
	(pc) =	sbr.abs _section_cstart, $3  }
0xcf: {  	[dreg:$0x1] =	wrdreg $0xFFFFFFFF  }
0xd0: {  	_ =	task.clear_ibuf [dreg:s22], $0x2FFFF;
	_ =	strace $0x9FFFFFFF  }
0xd1: {  	(tm) =	ssettm $0x7FFFFFFF  }
tec
execute0_lowered:
.L_overlay_start_1:
0x0: {  	(tag) =	ssettag $0x1  }
0x1: {  	s0 =	srdreg.scid  }
0x2: {  	s1 =	sshll.u32 s0, $0x4  }
0x3: {  	s0 =	stileid.u32;
	s1 =	sand.u32 $0x10, s1  }
0x4: {  	s2 =	sor.u32 s0, s1  }
0x5: {  	s1 =	smul.u32 $0x17, s2  }
0x6: {  	s3 =	smin.u32 s2, $0xE  }
0x7: {  	s1 =	sadd.s32 s3, s1  }
0x8: {  	p0 =	slt.u32 s2, $0xE;
	s2 =	simm.s32 $0x2580;
	s1 =	smul.u32 $0x190, s1  }
0x9: {  	s2 =	simm.s32 @!p0 $0x23F0  }
0xa: {  	s2 =	sadd.s32 s2, s1  }
0xb: {  	s3 =	smin.u32 s2, $0x493E0  }
0xc: {  	s7 =	ssub.s32 s3, s1  }
0xd: {  	p0 =	sgt.s32 s7, $0x0  }
0xe: {  	s7 =	simm.s32 @!p0 $0x0  }
0xf: {  	s4 =	rddreg [dreg:$0x0];
	s31 =	smulhi.u32 $0x51EB851F, s7  }
0x10: {  	s9 =	rddreg [dreg:$0x1];
	s6 =	simm.s32 $0x1  }
0x11: {  	s11 =	simm.s32 $0x3;
	s13 =	simm.s32 $0x0;
	s8 =	sshrl.u32 s31, $0x7  }
0x12: {  	s12 =	simm.s32 $0x0;
	s5 =	sadd.s32 $0x30D600, s9;
	s10 =	smul.u32 $0x190, s8  }
.Ltmp0:
0x13: {  	s9 =	sadd.s32 $0x978200, s9;
	s2 =	rddreg [dreg:$0x2];
	(pc) =	sbr.rel .LBB2_1-.Ltmp0, $4  }
0x14: {  	_ =	strace $0x8000005C;
	p0 =	sne.s32 s7, s10;
	s10 =	simm.s32 $0x1  }
0x15: {  	[sflag:s6] =	ssyncpa.u1 $0x0;
	s7 =	simm.s32 $0x2;
	s10 =	simm.s32 @!p0 $0x0  }
0x16: {  	[sflag:s7] =	ssyncpa.u1 $0x0;
	p0 =	por $0x0, $0x0;
	s8 =	sadd.s32 s10, s8  }
0x17: {  	vm0 =	vmmov $0xff;
	vm1 =	vcmask $0x3F20;
	[sflag:s11] =	ssyncpa.u1 $0x0;
	s11 =	smov.u32 s1;
	s10 =	sadd.s32 $0x1, s8  }
.LBB2_6:
0x18: {  	[hbm:s17] =	stream.linear.scatter [tilespmem:s14], [sflag:$0x3], $0x400, $0x38;
	[tilespmem:$0x19320] =	vst v63  }
.LBB2_7:
0x19: {  	s13 =	sadd.s32 $0x190, s11  }
0x1a: {  	s15 =	smov.u32 s1;
	p2 =	slt.s32 s13, s3  }
0x1b: {  	s15 =	smov.u32 @p2 s13;
	p2 =	sne.s32 s12, s10  }
.Ltmp1:
0x1c: {  	p1 =	slt.u32 s12, $0x2;
	(pc) =	sbr.rel @!p2 .LBB2_8-.Ltmp1, $4  }
0x1d: {  	s14 =	simm.s32 @!p1 $0x3  }
0x1e: {  	s16 =	sadd.s32 $0x1, s12;
	_ =	swait.ge @!p1 [sflag:s14], $0xC800  }
0x1f: {  	p0 =	por !p0, !p0;
	s13 =	smov.u32 s11;
	[sflag:s14] =	ssyncset.done @!p1 $0x0  }
0x20: {  	s12 =	smov.u32 s16;
	s11 =	smov.u32 s15;
	[sflag:s14] =	ssyncadd.s32 @!p1 $0xFFFF3800  }
.LBB2_1:
0x21: {  	p1 =	sge.u32 s12, s8  }
0x22: {  	s14 =	sxor.u32 @!p1 $0xFFFFFFFF, s12  }
0x23: {  	s14 =	sand.u32 @!p1 $0x1, s14  }
0x24: {  	s14 =	smul.u32 @!p1 $0x640, s14  }
0x25: {  	s31 =	sadd.s32 $0xFFFFFFFF, s12;
	s15 =	sshrl.u32 @!p1 s11, $0x3  }
0x26: {  	s16 =	sand.u32 @!p1 $0x7, s11;
	s15 =	sadd.s32 @!p1 s5, s15;
	s14 =	sshrl.u32 @!p1 s14, $0x2  }
0x27: {  	[tilespmem:s14], [sflag:$0x2] =	stream.linear.gather @!p1 [hbm4b:s15+s16], $0x190, $0x38;
	[tilespmem:$0x19320] =	vst v63  }
0x28: {  	p1 =	sge.u32 s31, s8  }
.Ltmp2:
0x29: {  	_ = 	snop;
	(pc) =	sbr.rel @p1 .LBB2_7-.Ltmp2, $1  }
0x2a: {  	_ =	sdelay $0x3  }
0x2b: {  	s14 =	simm.s32 $0x1  }
0x2c: {  	s14 =	simm.s32 @!p0 $0x0  }
0x2d: {  	s15 =	smul.u32 $0x640, s14  }
0x2e: {  	_ =	swait.ge [sflag:s7], $0x190  }
0x2f: {  	[sflag:s7] =	ssyncset.done $0x0;
	s16 =	sshrl.u32 s15, $0x2  }
0x30: {  	[sflag:s7] =	ssyncadd.s32 $0xFFFFFE70;
	s15 =	sadd.s32 $0x0, s16  }
0x31: {  	v0 =	vld.msk [tilespmem:s15+$0x0 ss:$0x1], $0xffff;
	_ =	sdelay $0x4  }
0x32: {  	vm2 =	vgt.s32 v0, $0x0  }
0x33: {  	v0 =	vnsel vm2, $0x0, v0  }
0x34: {  	v0 =	vmin.u32 v0, $0x1869F  }
0x35: {  	v0 =	vshll.u32 v0, $0x4  }
0x36: {  	s14 =	smul.u32 $0x32000, s14;
	_ =	sdelay $0x1  }
0x37: {  	s14 =	sshrl.u32 s14, $0x2  }
0x38: {  	s14 =	sor.u32 $0x320, s14  }
0x39: {  	[tilespmem:s14], [sflag:$0x1] =	stream.indirect_vreg.gather [hbm:s4], $0x80, v0, vm0, $0x38;
	[tilespmem:$0x19320] =	vst v63  }
0x3a: {  	s17 =	sadd.s32 $0x10, s16;
	s15 =	sadd.s32 $0x400, s14  }
0x3b: {  	[tilespmem:s15], [sflag:$0x1] =	stream.indirect_vreg.gather [hbm:s4], $0x80, v0, vm1, $0x38;
	[tilespmem:$0x19320] =	vst v63  }
0x3c: {  	s18 =	simm.s32 $0x80;
	v0 =	vld.msk [tilespmem:s17+$0x0 ss:$0x1], $0xffff;
	s17 =	smov.u32 s14  }
.LBB2_3:
0x3d: {  	p1 =	sne.s32 s18, $0x600;
	_ =	sdelay $0x4  }
0x3e: {  	vm2 =	vgt.s32 v0, $0x0  }
0x3f: {  	v0 =	vnsel vm2, $0x0, v0  }
0x40: {  	v0 =	vmin.u32 v0, $0x1869F  }
0x41: {  	v0 =	vshll.u32 v0, $0x4;
	_ =	sdelay $0x3  }
.Ltmp3:
0x42: {  	s19 =	sshra.s32 s18, $0x2;
	s17 =	sadd.s32 $0x800, s17;
	(pc) =	sbr.rel @p1 .LBB2_3-.Ltmp3, $4  }
0x43: {  	[tilespmem:s17], [sflag:$0x1] =	stream.indirect_vreg.gather [hbm:s4], $0x80, v0, vm0, $0x38;
	[tilespmem:$0x19320] =	vst v63  }
0x44: {  	s19 =	sadd.s32 s19, s16;
	s20 =	sadd.s32 $0x400, s17  }
0x45: {  	[tilespmem:s20], [sflag:$0x1] =	stream.indirect_vreg.gather [hbm:s4], $0x80, v0, vm1, $0x38;
	[tilespmem:$0x19320] =	vst v63  }
0x46: {  	s18 =	sadd.s32 $0x40, s18;
	v0 =	vld.msk [tilespmem:s19+$0x0 ss:$0x1], $0xffff  }
0x47: {  	_ =	sdelay $0x3  }
0x48: {  	vm2 =	vgt.s32 v0, $0x0  }
0x49: {  	v0 =	vnsel vm2, $0x0, v0  }
0x4a: {  	v0 =	vmin.u32 v0, $0x1869F  }
0x4b: {  	v0 =	vshll.u32 v0, $0x4;
	_ =	sdelay $0x3  }
0x4c: {  	s16 =	sadd.s32 $0x800, s17  }
0x4d: {  	[tilespmem:s16], [sflag:$0x1] =	stream.indirect_vreg.gather [hbm:s4], $0x80, v0, vm0, $0x38;
	[tilespmem:$0x19320] =	vst v63  }
0x4e: {  	s16 =	sadd.s32 $0x400, s16  }
0x4f: {  	[tilespmem:s16], [sflag:$0x1] =	stream.indirect_vreg.gather [hbm:s4], $0x80, v0, vm1, $0x38;
	[tilespmem:$0x19320] =	vst v63  }
0x50: {  	s13 =	sshll.u32 s13, $0x4;
	_ =	swait.ge [sflag:s6], $0xC800  }
0x51: {  	s13 =	sadd.s32 s13, s9;
	[sflag:s6] =	ssyncset.done $0x0  }
0x52: {  	s17 =	sadd.s32 $0x0, s13;
	s16 =	simm.s32 $0x80;
	[sflag:s6] =	ssyncadd.s32 $0xFFFF3800  }
.LBB2_5:
0x53: {  	[hbm:s17] =	stream.linear.scatter [tilespmem:s14], [sflag:$0x3], $0x400, $0x38;
	[tilespmem:$0x19320] =	vst v63  }
0x54: {  	s17 =	smov.u32 s16;
	s14 =	smov.u32 s15;
	p1 =	sne.s32 s16, $0x1880  }
.Ltmp4:
0x55: {  	s16 =	sadd.s32 $0x80, s16;
	(pc) =	sbr.rel @p1 .LBB2_5-.Ltmp4, $2  }
0x56: {  	_ =	sdelay $0x2  }
0x57: {  	s15 =	sadd.s32 $0x400, s15;
	s17 =	sadd.s32 s17, s13  }
.Ltmp5:
0x58: {  	_ = 	snop;
	(pc) =	sbr.rel .LBB2_6-.Ltmp5, $1  }
0x59: {  	_ =	sdelay $0x3  }
.LBB2_8:
0x5a: {  	_ =	sfence.sel $0x180000  }
0x5b: {  	s1 =	simm.s32 $0x2;
	[bflag:$0x0] =	sbarrier.arrive $0xFFFF  }
0x5c: {  	s30 =	simm.s32 $0x3;
	[sflag:s1] =	ssyncpa.u1 $0x1  }
0x5d: {  	s31 =	simm.s32 $0x1;
	[sflag:s30] =	ssyncpa.u1 $0x1  }
0x5e: {  	[sflag:s31] =	ssyncpa.u1 $0x1  }
0x5f: {  	p0 =	sne.s32 s0, $0x0;
	_ =	strace $0x9000005C  }
0x60: {  	s0 =	sadd.s32 @!p0 $0x100000, s2;
	[bflag:$0x2] =	sbarrier.arrive $0xFFFF  }
0x61: {  	[sflag:s0] =	ssyncadd.tile.s32 @!p0 $0x1;
	_ =	shalt  }
.Lfunc_end2:
_tile_overlayer_lowered:
.L_overlay_start_2:
0x62: {  	(tag) =	ssettag $0x2  }
0x63: {  	s0 =	rddreg [dreg:$0x0];
	s2 =	stileid.u32  }
0x64: {  	s1 =	rddreg [dreg:$0x1];
	p0 =	sne.s32 s2, $0x0  }
0x65: {  	s3 =	rddreg [dreg:$0x2];
	[bflag:$0x3] =	sbarrier.arrive $0xFFFF;
	s2 =	simm.s32 @!p0 $0x1C01  }
0x66: {  	[timem:s3], [sflag:s2] =	dma.local @!p0 [hbm:s0], s1  }
0x67: {  	s0 =	simm.s32 @!p0 $0x1  }
0x68: {  	_ =	swait.ge @!p0 [sflag:s0], s1  }
0x69: {  	s1 =	ssub.s32 @!p0 $0x0, s1;
	[sflag:s0] =	ssyncset.done @!p0 $0x0  }
0x6a: {  	[sflag:s0] =	ssyncadd.s32 @!p0 s1  }
0x6b: {  	[bflag:$0x3] =	sbarrier.arrive $0xFFFF  }
0x6c: {  	_ =	shalt  }

// kernel: gather_offload_async_start.2
scs
__scs_entry_jumppad:
0x0: {  	(pc) =	sbr.rel $0x88, $3  }
0x1: {  	(tag) =	ssettag $0x0;
	lr =	simm.s32 $0x1  }
0x2: {  	[smem:$0x3F90] =	sst lr;
	_ =	strace $0xD0000000  }
0x3: {  	_ = 	snop  }
0x4: {  	_ = 	snop  }
0x5: {  	_ = 	snop  }
0x6: {  	_ = 	snop  }
0x7: {  	_ = 	snop  }
__scs_overlays_trampoline_lowered:
0x8: {  	[smem:$0x3F9F] =	sst s0  }
0x9: {  	[smem:$0x3FA0] =	sst s1  }
0xa: {  	[smem:$0x3FA1] =	sst s2  }
0xb: {  	[smem:$0x3FA2] =	sst s3  }
0xc: {  	[smem:$0x3FA3] =	sst s4  }
0xd: {  	[smem:$0x3FA4] =	sst s5  }
0xe: {  	[smem:$0x3FA5] =	sst s6  }
0xf: {  	[smem:$0x3FA6] =	sst s7  }
0x10: {  	[smem:$0x3FA7] =	sst s8  }
0x11: {  	[smem:$0x3FA8] =	sst s9;
	s0 =	simm.s32 @!p0 $0x0  }
0x12: {  	s1 =	sld [smem:$0x3F8E];
	s0 =	simm.s32 @p0 $0x1  }
0x13: {  	[smem:$0x3FA9] =	sst s0;
	s0 =	simm.s32 @!p1 $0x0  }
0x14: {  	s2 =	sld [smem:$0x3F8D];
	s0 =	simm.s32 @p1 $0x1  }
0x15: {  	[smem:$0x3FAA] =	sst s0;
	s0 =	simm.s32 @!p2 $0x0  }
0x16: {  	s3 =	sld [smem:$0x3FDB];
	s0 =	simm.s32 @p2 $0x1  }
0x17: {  	s4 =	simm.s32 $0x1BF5;
	[smem:$0x3FAC] =	sst s0  }
0x18: {  	s0 =	sld [smem:$0x3F8F];
	_ =	swait.ge [sflag:s4], $0x0  }
0x19: {  	s7 =	sld [smem:$0x3F90]  }
0x1a: {  	s8 =	sadd.s32 $0xFFFFE003, lr  }
0x1b: {  	s9 =	sadd.s32 $0xFFFFFEF7, lr;
	s5 =	simm.s32 $0xFFFFFFFF;
	p2 =	slt.u32 s8, $0xFFFFF086  }
0x1c: {  	p1 =	slt.u32 s9, $0xF7A;
	s5 =	simm.s32 @!p2 $0x0  }
0x1d: {  	s5 =	simm.s32 @p1 $0x1;
	p0 =	seq.s32 s7, s2  }
0x1e: {  	s7 =	smul.u32 @!p0 $0xF7A, s2;
	p2 =	seq.s32 @!p0 s5, $0x0  }
0x1f: {  	s9 =	smul.u32 $0xF7A, s1;
	s8 =	simm.s32 @!p0 $0x1BF5;
	p2 =	por !p2, p0  }
0x20: {  	[sflag:s8] =	ssyncset.s32 @!p0 $0xFFFFF086;
	s6 =	sadd.s32 @!p0 s3, s7;
	s7 =	simm.s32 @!p0 $0x108  }
0x21: {  	s3 =	sadd.s32 s3, s9;
	s6 =	sadd.s32 @!p0 $0x88, s6;
	s7 =	simm.s32 @p2 $0x1082  }
0x22: {  	[simem:s7], [sflag:s8] =	dma.local @!p0 [hbm:s6], $0xF7A  }
0x23: {  	s9 =	sor.u32 $0xD0000000, s2;
	s6 =	simm.s32 $0x108;
	_ =	swait.ge @!p0 [sflag:s8], $0x0  }
0x24: {  	s3 =	sadd.s32 $0x88, s3;
	s6 =	simm.s32 @!p1 $0x1082;
	[sflag:s4] =	ssyncset.s32 $0xFFFFF086  }
0x25: {  	[simem:s6], [sflag:s4] =	dma.local [hbm:s3], $0xF7A  }
0x26: {  	[smem:$0x3F90] =	sst s1;
	(tag) =	ssettag s2;
	_ =	strace s9  }
0x27: {  	s1 =	sld [smem:$0x3FA0]  }
0x28: {  	s2 =	sld [smem:$0x3FA1]  }
0x29: {  	s4 =	sld [smem:$0x3FA3]  }
0x2a: {  	p0 =	seq.s32 s5, $0x0;
	s5 =	sld [smem:$0x3FA4]  }
0x2b: {  	s6 =	sld [smem:$0x3FA5]  }
0x2c: {  	s7 =	sld [smem:$0x3FA6]  }
0x2d: {  	s3 =	simm.s32 $0x108;
	s8 =	sld [smem:$0x3FA7]  }
0x2e: {  	s3 =	simm.s32 @!p0 $0x1082;
	s9 =	sld [smem:$0x3FA8]  }
0x2f: {  	lr =	sadd.s32 s0, s3;
	s0 =	sld [smem:$0x3F9F]  }
0x30: {  	s3 =	sld [smem:$0x3FA2]  }
0x31: {  	[smem:$0x3FAB] =	sst s10  }
0x32: {  	s10 =	sld [smem:$0x3FA9];
	_ =	sdelay $0x3  }
0x33: {  	p0 =	seq.s32 s10, $0x1;
	s10 =	sld [smem:$0x3FAB];
	_ =	sdelay $0x3  }
0x34: {  	[smem:$0x3FAB] =	sst s10  }
0x35: {  	s10 =	sld [smem:$0x3FAA];
	_ =	sdelay $0x3  }
0x36: {  	p1 =	seq.s32 s10, $0x1;
	s10 =	sld [smem:$0x3FAB];
	_ =	sdelay $0x3  }
0x37: {  	[smem:$0x3FAB] =	sst s10  }
0x38: {  	s10 =	sld [smem:$0x3FAC]  }
0x39: {  	_ = 	snop;
	(pc) =	sbr.ind lr, $3  }
0x3a: {  	_ = 	snop  }
0x3b: {  	_ = 	snop  }
0x3c: {  	p2 =	seq.s32 s10, $0x1;
	s10 =	sld [smem:$0x3FAB]  }
0x3d: {  	_ =	shalt  }
0x3e: {  	_ =	shalt  }
0x3f: {  	_ =	shalt  }
0x40: {  	_ =	shalt  }
0x41: {  	_ =	shalt  }
0x42: {  	_ =	shalt  }
0x43: {  	_ =	shalt  }
0x44: {  	_ =	shalt  }
0x45: {  	_ =	shalt  }
0x46: {  	_ =	shalt  }
0x47: {  	_ =	shalt  }
0x48: {  	_ =	shalt  }
0x49: {  	_ =	shalt  }
0x4a: {  	_ =	shalt  }
0x4b: {  	_ =	shalt  }
0x4c: {  	_ =	shalt  }
0x4d: {  	_ =	shalt  }
0x4e: {  	_ =	shalt  }
0x4f: {  	_ =	shalt  }
0x50: {  	_ =	shalt  }
0x51: {  	_ =	shalt  }
0x52: {  	_ =	shalt  }
0x53: {  	_ =	shalt  }
0x54: {  	_ =	shalt  }
0x55: {  	_ =	shalt  }
0x56: {  	_ =	shalt  }
0x57: {  	_ =	shalt  }
0x58: {  	_ =	shalt  }
0x59: {  	_ =	shalt  }
0x5a: {  	_ =	shalt  }
0x5b: {  	_ =	shalt  }
0x5c: {  	_ =	shalt  }
0x5d: {  	_ =	shalt  }
0x5e: {  	_ =	shalt  }
0x5f: {  	_ =	shalt  }
0x60: {  	_ =	shalt  }
0x61: {  	_ =	shalt  }
0x62: {  	_ =	shalt  }
0x63: {  	_ =	shalt  }
0x64: {  	_ =	shalt  }
0x65: {  	_ =	shalt  }
0x66: {  	_ =	shalt  }
0x67: {  	_ =	shalt  }
0x68: {  	_ =	shalt  }
0x69: {  	_ =	shalt  }
0x6a: {  	_ =	shalt  }
0x6b: {  	_ =	shalt  }
0x6c: {  	_ =	shalt  }
0x6d: {  	_ =	shalt  }
0x6e: {  	_ =	shalt  }
0x6f: {  	_ =	shalt  }
0x70: {  	_ =	shalt  }
0x71: {  	_ =	shalt  }
0x72: {  	_ =	shalt  }
0x73: {  	_ =	shalt  }
0x74: {  	_ =	shalt  }
0x75: {  	_ =	shalt  }
0x76: {  	_ =	shalt  }
0x77: {  	_ =	shalt  }
0x78: {  	_ =	shalt  }
0x79: {  	_ =	shalt  }
0x7a: {  	_ =	shalt  }
0x7b: {  	_ =	shalt  }
0x7c: {  	_ =	shalt  }
0x7d: {  	_ =	shalt  }
0x7e: {  	_ =	shalt  }
0x7f: {  	_ =	shalt  }
0x80: {  	_ =	shalt  }
0x81: {  	_ =	shalt  }
0x82: {  	_ =	shalt  }
0x83: {  	_ =	shalt  }
0x84: {  	_ =	shalt  }
0x85: {  	_ =	shalt  }
0x86: {  	_ =	shalt  }
0x87: {  	_ =	shalt  }
.Lfunc_end0:
.L_simem_size_0:
called_computation.7_lowered:
.L_overlay_start_0:
0x88: {  	s2 =	sld [smem:$0x3FD9]  }
0x89: {  	s3 =	sld [smem:$0x3FFE];
	_ =	sdelay $0x1  }
0x8a: {  	s1 =	srdreg.scid  }
0x8b: {  	s0 =	sand.u32 $0x1, s1  }
0x8c: {  	s17 =	sshll.u32 s0, $0xA;
	s2 =	sadd.s32 s3, s2  }
0x8d: {  	s2 =	sadd.s32 s2, s17  }
0x8e: {  	[smem:$0x3FB7] =	sst s2  }
0x8f: {  	_ = 	snop  }
0x90: {  	(tm) =	ssettm $0x1  }
0x91: {  	s18 =	sld [smem:$0x3FFB];
	_ =	sdelay $0x3  }
0x92: {  	_ =	strace s18  }
0x93: {  	s2 =	sld [smem:$0x3FFC];
	_ =	sdelay $0x3  }
0x94: {  	_ =	strace s2  }
0x95: {  	s2 =	sld [smem:$0x3FFD];
	_ =	sdelay $0x3  }
0x96: {  	_ =	strace s2  }
0x97: {  	_ =	strace $0x8FFFFFFF  }
0x98: {  	s19 =	sld [smem:$0x3FDB];
	_ =	sdelay $0x1  }
0x99: {  	s20 =	simm.s32 $_scs_section_size  }
0x9a: {  	s4 =	simm.s32 $_size__tile_overlayer_lowered;
	s5 =	simm.s32 $_tile_overlayer_lowered  }
0x9b: {  	s6 =	simm.s32 $0x1BFF;
	s21 =	sshll.u32 s5, $0x1;
	s3 =	sadd.s32 s20, s19  }
0x9c: {  	s22 =	simm.s32 $0x0;
	s4 =	sshll.u32 s4, $0x1;
	s5 =	sadd.s32 s21, s3  }
0x9d: {  	[timem:s22], [sflag:s6] =	dma.local [hbm:s5], s4  }
0x9e: {  	_ =	swait.ge [sflag:s6], s4  }
0x9f: {  	s4 =	ssub.s32 $0x0, s4;
	[sflag:s6] =	ssyncset.done $0x0  }
0xa0: {  	[sflag:s6] =	ssyncadd.s32 s4;
	_ =	sdelay $0x1  }
0xa1: {  	s23 =	simm.s32 $0x1B8B  }
0xa2: {  	_ =	swait.ge [sflag:s23], $0x1  }
0xa3: {  	[sflag:s23] =	ssyncset.done $0x0  }
0xa4: {  	[sflag:s23] =	ssyncadd.s32 $0xFFFFFFFF  }
0xa5: {  	s4 =	sld [smem:$0x0]  }
0xa6: {  	s5 =	sand.u32 $0xFFFFFFFE, s1  }
0xa7: {  	p0 =	sne.s32 s1, s5  }
0xa8: {  	s5 =	sshll.u32 @p0 s5, $0xE  }
0xa9: {  	s5 =	sadd.s32 @p0 $0x11B8D, s5;
	s6 =	sshll.u32 @p0 s4, $0x11  }
0xaa: {  	s5 =	sor.u32 @p0 s6, s5  }
0xab: {  	[sflag:s5] =	ssyncadd.remote.s32 @p0 $0x1;
	_ =	sdelay $0x1  }
0xac: {  	s5 =	simm.s32 @p0 $0x1B8D  }
0xad: {  	_ =	swait.eq @p0 [sflag:s5], $0x1  }
0xae: {  	[sflag:s5] =	ssyncadd.s32 @p0 $0xFFFFFFFF  }
0xaf: {  	s6 =	sshll.u32 @!p0 s1, $0xE  }
0xb0: {  	s6 =	sor.u32 @!p0 $0x4000, s6;
	s5 =	simm.s32 @!p0 $0x1B8D  }
0xb1: {  	s4 =	sshll.u32 @!p0 s4, $0x11;
	s6 =	sadd.s32 @!p0 $0x11B8D, s6;
	_ =	swait.eq @!p0 [sflag:s5], $0x1  }
0xb2: {  	s4 =	sor.u32 @!p0 s4, s6;
	[sflag:s5] =	ssyncadd.s32 @!p0 $0xFFFFFFFF  }
0xb3: {  	s25 =	simm.s32 $0x1B8E;
	s24 =	sld [smem:$0x3FFE];
	[sflag:s4] =	ssyncadd.remote.s32 @!p0 $0x1  }
0xb4: {  	s26 =	simm.s32 $execute0_lowered;
	[smem:$0x3FD2] =	sst s25  }
0xb5: {  	s5 =	sshll.u32 s26, $0x1;
	_ =	strace $0x8000005E;
	[dreg:$0x1] =	wrdreg $0xFFFFFFFF  }
0xb6: {  	s28 =	simm.s32 $_size_execute0_lowered;
	s3 =	sadd.s32 s3, s5;
	[dreg:$0x0] =	wrdreg $0x0  }
0xb7: {  	s5 =	sshll.u32 s28, $0x1;
	[dreg:$0x2] =	wrdreg s3  }
0xb8: {  	[dreg:$0x3] =	wrdreg s5  }
0xb9: {  	[dreg:$0x4] =	wrdreg $0xC0  }
0xba: {  	_ =	task [dreg:s22], $0x5FFFF  }
0xbb: {  	[dreg:$0x1] =	wrdreg $0xFFFFFFFF  }
0xbc: {  	[dreg:$0x0] =	wrdreg $0x60  }
0xbd: {  	[dreg:$0x2] =	wrdreg s24  }
0xbe: {  	[dreg:$0x3] =	wrdreg $0x9  }
0xbf: {  	_ =	task.clear_ibuf [dreg:s22], $0x4FFFF;
	_ =	strace $0x9000005E  }
0xc0: {  	s29 =	simm.s32 $0x9;
	_ =	strace $0x80000060  }
0xc1: {  	_ =	swait.ge [sflag:s29], $0x1  }
0xc2: {  	[sflag:s29] =	ssyncadd.s32 $0xFFFFFFFF  }
0xc3: {  	_ =	strace $0x90000060  }
0xc4: {  	_ =	sfence  }
0xc5: {  	s30 =	sld [smem:$0x0];
	_ =	sdelay $0x2  }
0xc6: {  	s31 =	sshll.u32 s1, $0xD;
	s1 =	sshrl.u32 s1, $0x2  }
0xc7: {  	s4 =	sand.u32 $0x4000, s31;
	s1 =	sadd.s32 s1, s30  }
0xc8: {  	s0 =	sor.u32 s4, s0;
	s1 =	sshll.u32 s1, $0x11  }
0xc9: {  	s0 =	sor.u32 s1, s0  }
0xca: {  	s0 =	sadd.s32 $0x8F2B, s0  }
0xcb: {  	[sflag:s0] =	ssyncadd.remote.s32 $0x1  }
0xcc: {  	_ =	sfence.sel $0xFFFF  }
0xcd: {  	[dreg:$0x0] =	wrdreg $0xFFFFFFFF;
	(pc) =	sbr.abs _section_cstart, $3  }
0xce: {  	[dreg:$0x1] =	wrdreg $0xFFFFFFFF  }
0xcf: {  	_ =	task.clear_ibuf [dreg:s22], $0x2FFFF;
	_ =	strace $0x9FFFFFFF  }
0xd0: {  	(tm) =	ssettm $0x7FFFFFFF  }
0xd1: {  	_ =	shalt  }
tec
execute0_lowered:
.L_overlay_start_1:
0x0: {  	(tag) =	ssettag $0x1  }
0x1: {  	s0 =	srdreg.scid  }
0x2: {  	s1 =	sshll.u32 s0, $0x4  }
0x3: {  	s0 =	stileid.u32;
	s1 =	sand.u32 $0x10, s1  }
0x4: {  	s1 =	sor.u32 s0, s1  }
0x5: {  	s2 =	smul.u32 $0x17, s1  }
0x6: {  	s3 =	smin.u32 s1, $0xE  }
0x7: {  	s2 =	sadd.s32 s3, s2  }
0x8: {  	p0 =	slt.u32 s1, $0xE;
	s1 =	simm.s32 $0x2580;
	s2 =	smul.u32 $0x190, s2  }
0x9: {  	s1 =	simm.s32 @!p0 $0x23F0  }
0xa: {  	s1 =	sadd.s32 s1, s2  }
0xb: {  	s3 =	smin.u32 s1, $0x493E0  }
0xc: {  	s7 =	ssub.s32 s3, s2  }
0xd: {  	p0 =	sgt.s32 s7, $0x0  }
0xe: {  	s7 =	simm.s32 @!p0 $0x0  }
0xf: {  	s4 =	smulhi.u32 $0x51EB851F, s7  }
0x10: {  	s9 =	rddreg [dreg:$0x0];
	s6 =	simm.s32 $0x1;
	s11 =	simm.s32 $0x3  }
0x11: {  	s13 =	simm.s32 $0x0;
	s12 =	simm.s32 $0x0;
	s8 =	sshrl.u32 s4, $0x7  }
0x12: {  	s1 =	rddreg [dreg:$0x1];
	_ =	strace $0x8000005F;
	s10 =	smul.u32 $0x190, s8  }
.Ltmp0:
0x13: {  	s5 =	sadd.s32 $0x30D600, s9;
	[sflag:s6] =	ssyncpa.u1 $0x0;
	(pc) =	sbr.rel .LBB2_1-.Ltmp0, $4  }
0x14: {  	s4 =	sadd.s32 $0x316A00, s9;
	p0 =	sne.s32 s7, s10;
	s10 =	simm.s32 $0x1  }
0x15: {  	s9 =	sadd.s32 $0x4CEA00, s9;
	s7 =	simm.s32 $0x2;
	s10 =	simm.s32 @!p0 $0x0  }
0x16: {  	[sflag:s7] =	ssyncpa.u1 $0x0;
	p0 =	por $0x0, $0x0;
	s8 =	sadd.s32 s10, s8  }
0x17: {  	vm0 =	vmmov $0xff;
	vm1 =	vcmask $0x3F20;
	[sflag:s11] =	ssyncpa.u1 $0x0;
	s11 =	smov.u32 s2;
	s10 =	sadd.s32 $0x1, s8  }
.LBB2_6:
0x18: {  	[hbm:s17] =	stream.linear.scatter [tilespmem:s14], [sflag:$0x3], $0x400, $0x38;
	[tilespmem:$0x19320] =	vst v63  }
.LBB2_7:
0x19: {  	s13 =	sadd.s32 $0x190, s11  }
0x1a: {  	s15 =	smov.u32 s2;
	p2 =	slt.s32 s13, s3  }
0x1b: {  	s15 =	smov.u32 @p2 s13;
	p2 =	sne.s32 s12, s10  }
.Ltmp1:
0x1c: {  	p1 =	slt.u32 s12, $0x2;
	(pc) =	sbr.rel @!p2 .LBB2_8-.Ltmp1, $4  }
0x1d: {  	s14 =	simm.s32 @!p1 $0x3  }
0x1e: {  	s16 =	sadd.s32 $0x1, s12;
	_ =	swait.ge @!p1 [sflag:s14], $0xC800  }
0x1f: {  	p0 =	por !p0, !p0;
	s13 =	smov.u32 s11;
	[sflag:s14] =	ssyncset.done @!p1 $0x0  }
0x20: {  	s12 =	smov.u32 s16;
	s11 =	smov.u32 s15;
	[sflag:s14] =	ssyncadd.s32 @!p1 $0xFFFF3800  }
.LBB2_1:
0x21: {  	p1 =	sge.u32 s12, s8  }
0x22: {  	s14 =	sxor.u32 @!p1 $0xFFFFFFFF, s12  }
0x23: {  	s14 =	sand.u32 @!p1 $0x1, s14  }
0x24: {  	s14 =	smul.u32 @!p1 $0x640, s14  }
0x25: {  	s31 =	sadd.s32 $0xFFFFFFFF, s12;
	s15 =	sshrl.u32 @!p1 s11, $0x3  }
0x26: {  	s16 =	sand.u32 @!p1 $0x7, s11;
	s15 =	sadd.s32 @!p1 s5, s15;
	s14 =	sshrl.u32 @!p1 s14, $0x2  }
0x27: {  	[tilespmem:s14], [sflag:$0x2] =	stream.linear.gather @!p1 [hbm4b:s15+s16], $0x190, $0x38;
	[tilespmem:$0x19320] =	vst v63  }
0x28: {  	p1 =	sge.u32 s31, s8  }
.Ltmp2:
0x29: {  	_ = 	snop;
	(pc) =	sbr.rel @p1 .LBB2_7-.Ltmp2, $1  }
0x2a: {  	_ =	sdelay $0x3  }
0x2b: {  	s14 =	simm.s32 $0x1  }
0x2c: {  	s14 =	simm.s32 @!p0 $0x0  }
0x2d: {  	s15 =	smul.u32 $0x640, s14  }
0x2e: {  	_ =	swait.ge [sflag:s7], $0x190  }
0x2f: {  	[sflag:s7] =	ssyncset.done $0x0;
	s16 =	sshrl.u32 s15, $0x2  }
0x30: {  	[sflag:s7] =	ssyncadd.s32 $0xFFFFFE70;
	s15 =	sadd.s32 $0x0, s16  }
0x31: {  	v0 =	vld.msk [tilespmem:s15+$0x0 ss:$0x1], $0xffff;
	_ =	sdelay $0x4  }
0x32: {  	vm2 =	vgt.s32 v0, $0x0  }
0x33: {  	v0 =	vnsel vm2, $0x0, v0  }
0x34: {  	v0 =	vmin.u32 v0, $0x1869F  }
0x35: {  	v0 =	vshll.u32 v0, $0x4  }
0x36: {  	s14 =	smul.u32 $0x32000, s14;
	_ =	sdelay $0x1  }
0x37: {  	s14 =	sshrl.u32 s14, $0x2  }
0x38: {  	s14 =	sor.u32 $0x320, s14  }
0x39: {  	[tilespmem:s14], [sflag:$0x1] =	stream.indirect_vreg.gather [hbm:s4], $0x80, v0, vm0, $0x38;
	[tilespmem:$0x19320] =	vst v63  }
0x3a: {  	s17 =	sadd.s32 $0x10, s16;
	s15 =	sadd.s32 $0x400, s14  }
0x3b: {  	[tilespmem:s15], [sflag:$0x1] =	stream.indirect_vreg.gather [hbm:s4], $0x80, v0, vm1, $0x38;
	[tilespmem:$0x19320] =	vst v63  }
0x3c: {  	s18 =	simm.s32 $0x80;
	v0 =	vld.msk [tilespmem:s17+$0x0 ss:$0x1], $0xffff;
	s17 =	smov.u32 s14  }
.LBB2_3:
0x3d: {  	p1 =	sne.s32 s18, $0x600;
	_ =	sdelay $0x4  }
0x3e: {  	vm2 =	vgt.s32 v0, $0x0  }
0x3f: {  	v0 =	vnsel vm2, $0x0, v0  }
0x40: {  	v0 =	vmin.u32 v0, $0x1869F  }
0x41: {  	v0 =	vshll.u32 v0, $0x4;
	_ =	sdelay $0x3  }
.Ltmp3:
0x42: {  	s19 =	sshra.s32 s18, $0x2;
	s17 =	sadd.s32 $0x800, s17;
	(pc) =	sbr.rel @p1 .LBB2_3-.Ltmp3, $4  }
0x43: {  	[tilespmem:s17], [sflag:$0x1] =	stream.indirect_vreg.gather [hbm:s4], $0x80, v0, vm0, $0x38;
	[tilespmem:$0x19320] =	vst v63  }
0x44: {  	s19 =	sadd.s32 s19, s16;
	s20 =	sadd.s32 $0x400, s17  }
0x45: {  	[tilespmem:s20], [sflag:$0x1] =	stream.indirect_vreg.gather [hbm:s4], $0x80, v0, vm1, $0x38;
	[tilespmem:$0x19320] =	vst v63  }
0x46: {  	s18 =	sadd.s32 $0x40, s18;
	v0 =	vld.msk [tilespmem:s19+$0x0 ss:$0x1], $0xffff  }
0x47: {  	_ =	sdelay $0x3  }
0x48: {  	vm2 =	vgt.s32 v0, $0x0  }
0x49: {  	v0 =	vnsel vm2, $0x0, v0  }
0x4a: {  	v0 =	vmin.u32 v0, $0x1869F  }
0x4b: {  	v0 =	vshll.u32 v0, $0x4;
	_ =	sdelay $0x3  }
0x4c: {  	s16 =	sadd.s32 $0x800, s17  }
0x4d: {  	[tilespmem:s16], [sflag:$0x1] =	stream.indirect_vreg.gather [hbm:s4], $0x80, v0, vm0, $0x38;
	[tilespmem:$0x19320] =	vst v63  }
0x4e: {  	s16 =	sadd.s32 $0x400, s16  }
0x4f: {  	[tilespmem:s16], [sflag:$0x1] =	stream.indirect_vreg.gather [hbm:s4], $0x80, v0, vm1, $0x38;
	[tilespmem:$0x19320] =	vst v63  }
0x50: {  	s13 =	sshll.u32 s13, $0x4;
	_ =	swait.ge [sflag:s6], $0xC800  }
0x51: {  	s13 =	sadd.s32 s13, s9;
	[sflag:s6] =	ssyncset.done $0x0  }
0x52: {  	s17 =	sadd.s32 $0x0, s13;
	s16 =	simm.s32 $0x80;
	[sflag:s6] =	ssyncadd.s32 $0xFFFF3800  }
.LBB2_5:
0x53: {  	[hbm:s17] =	stream.linear.scatter [tilespmem:s14], [sflag:$0x3], $0x400, $0x38;
	[tilespmem:$0x19320] =	vst v63  }
0x54: {  	s17 =	smov.u32 s16;
	s14 =	smov.u32 s15;
	p1 =	sne.s32 s16, $0x1880  }
.Ltmp4:
0x55: {  	s16 =	sadd.s32 $0x80, s16;
	(pc) =	sbr.rel @p1 .LBB2_5-.Ltmp4, $2  }
0x56: {  	_ =	sdelay $0x2  }
0x57: {  	s15 =	sadd.s32 $0x400, s15;
	s17 =	sadd.s32 s17, s13  }
.Ltmp5:
0x58: {  	_ = 	snop;
	(pc) =	sbr.rel .LBB2_6-.Ltmp5, $1  }
0x59: {  	_ =	sdelay $0x3  }
.LBB2_8:
0x5a: {  	_ =	sfence.sel $0x180000  }
0x5b: {  	s2 =	simm.s32 $0x2;
	[bflag:$0x0] =	sbarrier.arrive $0xFFFF  }
0x5c: {  	s30 =	simm.s32 $0x3;
	[sflag:s2] =	ssyncpa.u1 $0x1  }
0x5d: {  	s31 =	simm.s32 $0x1;
	[sflag:s30] =	ssyncpa.u1 $0x1  }
0x5e: {  	[sflag:s31] =	ssyncpa.u1 $0x1  }
0x5f: {  	p0 =	sne.s32 s0, $0x0;
	_ =	strace $0x9000005F  }
0x60: {  	s0 =	sadd.s32 @!p0 $0x100000, s1;
	[bflag:$0x2] =	sbarrier.arrive $0xFFFF  }
0x61: {  	[sflag:s0] =	ssyncadd.tile.s32 @!p0 $0x1;
	_ =	shalt  }
.Lfunc_end2:
_tile_overlayer_lowered:
.L_overlay_start_2:
0x62: {  	(tag) =	ssettag $0x2  }
0x63: {  	s0 =	rddreg [dreg:$0x0];
	s2 =	stileid.u32  }
0x64: {  	s1 =	rddreg [dreg:$0x1];
	p0 =	sne.s32 s2, $0x0  }
0x65: {  	s3 =	rddreg [dreg:$0x2];
	[bflag:$0x3] =	sbarrier.arrive $0xFFFF;
	s2 =	simm.s32 @!p0 $0x1C01  }
0x66: {  	[timem:s3], [sflag:s2] =	dma.local @!p0 [hbm:s0], s1  }
0x67: {  	s0 =	simm.s32 @!p0 $0x1  }
0x68: {  	_ =	swait.ge @!p0 [sflag:s0], s1  }
0x69: {  	s1 =	ssub.s32 @!p0 $0x0, s1;
	[sflag:s0] =	ssyncset.done @!p0 $0x0  }
0x6a: {  	[sflag:s0] =	ssyncadd.s32 @!p0 s1  }
0x6b: {  	[bflag:$0x3] =	sbarrier.arrive $0xFFFF  }
0x6c: {  	_ =	shalt  }

// kernel: gather_offload_async_start
scs
__scs_entry_jumppad:
0x0: {  	(pc) =	sbr.rel $0x88, $3  }
0x1: {  	(tag) =	ssettag $0x0;
	lr =	simm.s32 $0x1  }
0x2: {  	[smem:$0x3F90] =	sst lr;
	_ =	strace $0xD0000000  }
0x3: {  	_ = 	snop  }
0x4: {  	_ = 	snop  }
0x5: {  	_ = 	snop  }
0x6: {  	_ = 	snop  }
0x7: {  	_ = 	snop  }
__scs_overlays_trampoline_lowered:
0x8: {  	[smem:$0x3F9F] =	sst s0  }
0x9: {  	[smem:$0x3FA0] =	sst s1  }
0xa: {  	[smem:$0x3FA1] =	sst s2  }
0xb: {  	[smem:$0x3FA2] =	sst s3  }
0xc: {  	[smem:$0x3FA3] =	sst s4  }
0xd: {  	[smem:$0x3FA4] =	sst s5  }
0xe: {  	[smem:$0x3FA5] =	sst s6  }
0xf: {  	[smem:$0x3FA6] =	sst s7  }
0x10: {  	[smem:$0x3FA7] =	sst s8  }
0x11: {  	[smem:$0x3FA8] =	sst s9;
	s0 =	simm.s32 @!p0 $0x0  }
0x12: {  	s1 =	sld [smem:$0x3F8E];
	s0 =	simm.s32 @p0 $0x1  }
0x13: {  	[smem:$0x3FA9] =	sst s0;
	s0 =	simm.s32 @!p1 $0x0  }
0x14: {  	s2 =	sld [smem:$0x3F8D];
	s0 =	simm.s32 @p1 $0x1  }
0x15: {  	[smem:$0x3FAA] =	sst s0;
	s0 =	simm.s32 @!p2 $0x0  }
0x16: {  	s3 =	sld [smem:$0x3FDB];
	s0 =	simm.s32 @p2 $0x1  }
0x17: {  	s4 =	simm.s32 $0x1BF5;
	[smem:$0x3FAC] =	sst s0  }
0x18: {  	s0 =	sld [smem:$0x3F8F];
	_ =	swait.ge [sflag:s4], $0x0  }
0x19: {  	s7 =	sld [smem:$0x3F90]  }
0x1a: {  	s8 =	sadd.s32 $0xFFFFE003, lr  }
0x1b: {  	s9 =	sadd.s32 $0xFFFFFEF7, lr;
	s5 =	simm.s32 $0xFFFFFFFF;
	p2 =	slt.u32 s8, $0xFFFFF086  }
0x1c: {  	p1 =	slt.u32 s9, $0xF7A;
	s5 =	simm.s32 @!p2 $0x0  }
0x1d: {  	s5 =	simm.s32 @p1 $0x1;
	p0 =	seq.s32 s7, s2  }
0x1e: {  	s7 =	smul.u32 @!p0 $0xF7A, s2;
	p2 =	seq.s32 @!p0 s5, $0x0  }
0x1f: {  	s9 =	smul.u32 $0xF7A, s1;
	s8 =	simm.s32 @!p0 $0x1BF5;
	p2 =	por !p2, p0  }
0x20: {  	[sflag:s8] =	ssyncset.s32 @!p0 $0xFFFFF086;
	s6 =	sadd.s32 @!p0 s3, s7;
	s7 =	simm.s32 @!p0 $0x108  }
0x21: {  	s3 =	sadd.s32 s3, s9;
	s6 =	sadd.s32 @!p0 $0x88, s6;
	s7 =	simm.s32 @p2 $0x1082  }
0x22: {  	[simem:s7], [sflag:s8] =	dma.local @!p0 [hbm:s6], $0xF7A  }
0x23: {  	s9 =	sor.u32 $0xD0000000, s2;
	s6 =	simm.s32 $0x108;
	_ =	swait.ge @!p0 [sflag:s8], $0x0  }
0x24: {  	s3 =	sadd.s32 $0x88, s3;
	s6 =	simm.s32 @!p1 $0x1082;
	[sflag:s4] =	ssyncset.s32 $0xFFFFF086  }
0x25: {  	[simem:s6], [sflag:s4] =	dma.local [hbm:s3], $0xF7A  }
0x26: {  	[smem:$0x3F90] =	sst s1;
	(tag) =	ssettag s2;
	_ =	strace s9  }
0x27: {  	s1 =	sld [smem:$0x3FA0]  }
0x28: {  	s2 =	sld [smem:$0x3FA1]  }
0x29: {  	s4 =	sld [smem:$0x3FA3]  }
0x2a: {  	p0 =	seq.s32 s5, $0x0;
	s5 =	sld [smem:$0x3FA4]  }
0x2b: {  	s6 =	sld [smem:$0x3FA5]  }
0x2c: {  	s7 =	sld [smem:$0x3FA6]  }
0x2d: {  	s3 =	simm.s32 $0x108;
	s8 =	sld [smem:$0x3FA7]  }
0x2e: {  	s3 =	simm.s32 @!p0 $0x1082;
	s9 =	sld [smem:$0x3FA8]  }
0x2f: {  	lr =	sadd.s32 s0, s3;
	s0 =	sld [smem:$0x3F9F]  }
0x30: {  	s3 =	sld [smem:$0x3FA2]  }
0x31: {  	[smem:$0x3FAB] =	sst s10  }
0x32: {  	s10 =	sld [smem:$0x3FA9];
	_ =	sdelay $0x3  }
0x33: {  	p0 =	seq.s32 s10, $0x1;
	s10 =	sld [smem:$0x3FAB];
	_ =	sdelay $0x3  }
0x34: {  	[smem:$0x3FAB] =	sst s10  }
0x35: {  	s10 =	sld [smem:$0x3FAA];
	_ =	sdelay $0x3  }
0x36: {  	p1 =	seq.s32 s10, $0x1;
	s10 =	sld [smem:$0x3FAB];
	_ =	sdelay $0x3  }
0x37: {  	[smem:$0x3FAB] =	sst s10  }
0x38: {  	s10 =	sld [smem:$0x3FAC]  }
0x39: {  	_ = 	snop;
	(pc) =	sbr.ind lr, $3  }
0x3a: {  	_ = 	snop  }
0x3b: {  	_ = 	snop  }
0x3c: {  	p2 =	seq.s32 s10, $0x1;
	s10 =	sld [smem:$0x3FAB]  }
0x3d: {  	_ =	shalt  }
0x3e: {  	_ =	shalt  }
0x3f: {  	_ =	shalt  }
0x40: {  	_ =	shalt  }
0x41: {  	_ =	shalt  }
0x42: {  	_ =	shalt  }
0x43: {  	_ =	shalt  }
0x44: {  	_ =	shalt  }
0x45: {  	_ =	shalt  }
0x46: {  	_ =	shalt  }
0x47: {  	_ =	shalt  }
0x48: {  	_ =	shalt  }
0x49: {  	_ =	shalt  }
0x4a: {  	_ =	shalt  }
0x4b: {  	_ =	shalt  }
0x4c: {  	_ =	shalt  }
0x4d: {  	_ =	shalt  }
0x4e: {  	_ =	shalt  }
0x4f: {  	_ =	shalt  }
0x50: {  	_ =	shalt  }
0x51: {  	_ =	shalt  }
0x52: {  	_ =	shalt  }
0x53: {  	_ =	shalt  }
0x54: {  	_ =	shalt  }
0x55: {  	_ =	shalt  }
0x56: {  	_ =	shalt  }
0x57: {  	_ =	shalt  }
0x58: {  	_ =	shalt  }
0x59: {  	_ =	shalt  }
0x5a: {  	_ =	shalt  }
0x5b: {  	_ =	shalt  }
0x5c: {  	_ =	shalt  }
0x5d: {  	_ =	shalt  }
0x5e: {  	_ =	shalt  }
0x5f: {  	_ =	shalt  }
0x60: {  	_ =	shalt  }
0x61: {  	_ =	shalt  }
0x62: {  	_ =	shalt  }
0x63: {  	_ =	shalt  }
0x64: {  	_ =	shalt  }
0x65: {  	_ =	shalt  }
0x66: {  	_ =	shalt  }
0x67: {  	_ =	shalt  }
0x68: {  	_ =	shalt  }
0x69: {  	_ =	shalt  }
0x6a: {  	_ =	shalt  }
0x6b: {  	_ =	shalt  }
0x6c: {  	_ =	shalt  }
0x6d: {  	_ =	shalt  }
0x6e: {  	_ =	shalt  }
0x6f: {  	_ =	shalt  }
0x70: {  	_ =	shalt  }
0x71: {  	_ =	shalt  }
0x72: {  	_ =	shalt  }
0x73: {  	_ =	shalt  }
0x74: {  	_ =	shalt  }
0x75: {  	_ =	shalt  }
0x76: {  	_ =	shalt  }
0x77: {  	_ =	shalt  }
0x78: {  	_ =	shalt  }
0x79: {  	_ =	shalt  }
0x7a: {  	_ =	shalt  }
0x7b: {  	_ =	shalt  }
0x7c: {  	_ =	shalt  }
0x7d: {  	_ =	shalt  }
0x7e: {  	_ =	shalt  }
0x7f: {  	_ =	shalt  }
0x80: {  	_ =	shalt  }
0x81: {  	_ =	shalt  }
0x82: {  	_ =	shalt  }
0x83: {  	_ =	shalt  }
0x84: {  	_ =	shalt  }
0x85: {  	_ =	shalt  }
0x86: {  	_ =	shalt  }
0x87: {  	_ =	shalt  }
.Lfunc_end0:
.L_simem_size_0:
called_computation.5_lowered:
.L_overlay_start_0:
0x88: {  	s2 =	sld [smem:$0x3FD9]  }
0x89: {  	s3 =	sld [smem:$0x3FFE];
	_ =	sdelay $0x1  }
0x8a: {  	s1 =	srdreg.scid  }
0x8b: {  	s0 =	sand.u32 $0x1, s1  }
0x8c: {  	s17 =	sshll.u32 s0, $0xA;
	s2 =	sadd.s32 s3, s2  }
0x8d: {  	s2 =	sadd.s32 s2, s17  }
0x8e: {  	[smem:$0x3FB7] =	sst s2  }
0x8f: {  	_ = 	snop  }
0x90: {  	s2 =	sld [smem:$0x3FC9];
	(tm) =	ssettm $0x1  }
0x91: {  	s18 =	sld [smem:$0x3FFB];
	_ =	sdelay $0x3  }
0x92: {  	_ =	strace s18  }
0x93: {  	s3 =	sld [smem:$0x3FFC];
	_ =	sdelay $0x3  }
0x94: {  	_ =	strace s3  }
0x95: {  	s3 =	sld [smem:$0x3FFD];
	_ =	sdelay $0x3  }
0x96: {  	_ =	strace s3  }
0x97: {  	_ =	strace $0x8FFFFFFF  }
0x98: {  	s19 =	sld [smem:$0x3FDB];
	_ =	sdelay $0x1  }
0x99: {  	s4 =	simm.s32 $_scs_section_size  }
0x9a: {  	s5 =	simm.s32 $_size__tile_overlayer_lowered;
	s6 =	simm.s32 $_tile_overlayer_lowered  }
0x9b: {  	s22 =	simm.s32 $0x1BFF;
	s21 =	sshll.u32 s6, $0x1;
	s3 =	sadd.s32 s4, s19  }
0x9c: {  	s7 =	simm.s32 $0x0;
	s20 =	sshll.u32 s5, $0x1;
	s5 =	sadd.s32 s21, s3  }
0x9d: {  	[timem:s7], [sflag:s22] =	dma.local [hbm:s5], s20  }
0x9e: {  	_ =	swait.ge [sflag:s22], s20  }
0x9f: {  	s4 =	ssub.s32 $0x0, s20;
	[sflag:s22] =	ssyncset.done $0x0  }
0xa0: {  	[sflag:s22] =	ssyncadd.s32 s4;
	_ =	sdelay $0x1  }
0xa1: {  	s23 =	simm.s32 $0x1B8B  }
0xa2: {  	_ =	swait.ge [sflag:s23], $0x1  }
0xa3: {  	[sflag:s23] =	ssyncset.done $0x0  }
0xa4: {  	s25 =	simm.s32 $0x1B8E;
	s24 =	sld [smem:$0x3FFE];
	[sflag:s23] =	ssyncadd.s32 $0xFFFFFFFF  }
0xa5: {  	s26 =	simm.s32 $execute0_lowered;
	[smem:$0x3FD2] =	sst s25  }
0xa6: {  	s5 =	sshll.u32 s26, $0x1;
	_ =	strace $0x80000046;
	[dreg:$0x1] =	wrdreg $0xFFFFFFFF  }
0xa7: {  	s28 =	simm.s32 $_size_execute0_lowered;
	s3 =	sadd.s32 s3, s5;
	[dreg:$0x0] =	wrdreg $0x0  }
0xa8: {  	s5 =	sshll.u32 s28, $0x1;
	[dreg:$0x2] =	wrdreg s3  }
0xa9: {  	[dreg:$0x3] =	wrdreg s5  }
0xaa: {  	[dreg:$0x4] =	wrdreg $0xC0  }
0xab: {  	_ =	task [dreg:s7], $0x5FFFF  }
0xac: {  	[dreg:$0x1] =	wrdreg $0xFFFFFFFF  }
0xad: {  	[dreg:$0x0] =	wrdreg $0x60  }
0xae: {  	[dreg:$0x2] =	wrdreg s2  }
0xaf: {  	[dreg:$0x3] =	wrdreg s24  }
0xb0: {  	[dreg:$0x4] =	wrdreg $0xD  }
0xb1: {  	_ =	task.clear_ibuf [dreg:s7], $0x5FFFF;
	_ =	strace $0x90000046  }
0xb2: {  	s29 =	simm.s32 $0xD;
	_ =	strace $0x80000048  }
0xb3: {  	_ =	swait.ge [sflag:s29], $0x1  }
0xb4: {  	[sflag:s29] =	ssyncadd.s32 $0xFFFFFFFF  }
0xb5: {  	_ =	strace $0x90000048  }
0xb6: {  	_ =	sfence  }
0xb7: {  	s30 =	sld [smem:$0x0];
	_ =	sdelay $0x2  }
0xb8: {  	s31 =	sshll.u32 s1, $0xD;
	s1 =	sshrl.u32 s1, $0x2  }
0xb9: {  	s3 =	sand.u32 $0x4000, s31;
	s1 =	sadd.s32 s1, s30  }
0xba: {  	s0 =	sor.u32 s3, s0;
	s1 =	sshll.u32 s1, $0x11  }
0xbb: {  	s0 =	sor.u32 s1, s0  }
0xbc: {  	s0 =	sadd.s32 $0x8F2B, s0  }
0xbd: {  	[sflag:s0] =	ssyncadd.remote.s32 $0x1  }
0xbe: {  	_ =	sfence.sel $0xFFFF  }
0xbf: {  	[dreg:$0x0] =	wrdreg $0xFFFFFFFF;
	(pc) =	sbr.abs _section_cstart, $3  }
0xc0: {  	[dreg:$0x1] =	wrdreg $0xFFFFFFFF  }
0xc1: {  	_ =	task.clear_ibuf [dreg:s7], $0x2FFFF;
	_ =	strace $0x9FFFFFFF  }
0xc2: {  	(tm) =	ssettm $0x7FFFFFFF  }
0xc3: {  	_ =	shalt  }
tec
execute0_lowered:
.L_overlay_start_1:
0x0: {  	(tag) =	ssettag $0x1  }
0x1: {  	s0 =	srdreg.scid  }
0x2: {  	s1 =	sshll.u32 s0, $0x4  }
0x3: {  	s0 =	stileid.u32;
	s1 =	sand.u32 $0x10, s1  }
0x4: {  	s2 =	sor.u32 s0, s1  }
0x5: {  	s1 =	smul.u32 $0x17, s2  }
0x6: {  	s3 =	smin.u32 s2, $0xE  }
0x7: {  	s1 =	sadd.s32 s3, s1  }
0x8: {  	p0 =	slt.u32 s2, $0xE;
	s2 =	simm.s32 $0x2580;
	s1 =	smul.u32 $0x190, s1  }
0x9: {  	s2 =	simm.s32 @!p0 $0x23F0  }
0xa: {  	s2 =	sadd.s32 s2, s1  }
0xb: {  	s3 =	smin.u32 s2, $0x493E0  }
0xc: {  	s7 =	ssub.s32 s3, s1  }
0xd: {  	p0 =	sgt.s32 s7, $0x0  }
0xe: {  	s7 =	simm.s32 @!p0 $0x0  }
0xf: {  	s4 =	rddreg [dreg:$0x0];
	s31 =	smulhi.u32 $0x51EB851F, s7  }
0x10: {  	s9 =	rddreg [dreg:$0x1];
	s6 =	simm.s32 $0x1  }
0x11: {  	s11 =	simm.s32 $0x3;
	s13 =	simm.s32 $0x0;
	s8 =	sshrl.u32 s31, $0x7  }
0x12: {  	s12 =	simm.s32 $0x0;
	s5 =	sadd.s32 $0x200, s9;
	s10 =	smul.u32 $0x190, s8  }
.Ltmp0:
0x13: {  	s9 =	sadd.s32 $0x9600, s9;
	s2 =	rddreg [dreg:$0x2];
	(pc) =	sbr.rel .LBB2_1-.Ltmp0, $4  }
0x14: {  	_ =	strace $0x80000047;
	p0 =	sne.s32 s7, s10;
	s10 =	simm.s32 $0x1  }
0x15: {  	[sflag:s6] =	ssyncpa.u1 $0x0;
	s7 =	simm.s32 $0x2;
	s10 =	simm.s32 @!p0 $0x0  }
0x16: {  	[sflag:s7] =	ssyncpa.u1 $0x0;
	p0 =	por $0x0, $0x0;
	s8 =	sadd.s32 s10, s8  }
0x17: {  	vm0 =	vmmov $0xff;
	vm1 =	vcmask $0x3F20;
	[sflag:s11] =	ssyncpa.u1 $0x0;
	s11 =	smov.u32 s1;
	s10 =	sadd.s32 $0x1, s8  }
.LBB2_6:
0x18: {  	[hbm:s17] =	stream.linear.scatter [tilespmem:s14], [sflag:$0x3], $0x400, $0x38;
	[tilespmem:$0x19320] =	vst v63  }
.LBB2_7:
0x19: {  	s13 =	sadd.s32 $0x190, s11  }
0x1a: {  	s15 =	smov.u32 s1;
	p2 =	slt.s32 s13, s3  }
0x1b: {  	s15 =	smov.u32 @p2 s13;
	p2 =	sne.s32 s12, s10  }
.Ltmp1:
0x1c: {  	p1 =	slt.u32 s12, $0x2;
	(pc) =	sbr.rel @!p2 .LBB2_8-.Ltmp1, $4  }
0x1d: {  	s14 =	simm.s32 @!p1 $0x3  }
0x1e: {  	s16 =	sadd.s32 $0x1, s12;
	_ =	swait.ge @!p1 [sflag:s14], $0xC800  }
0x1f: {  	p0 =	por !p0, !p0;
	s13 =	smov.u32 s11;
	[sflag:s14] =	ssyncset.done @!p1 $0x0  }
0x20: {  	s12 =	smov.u32 s16;
	s11 =	smov.u32 s15;
	[sflag:s14] =	ssyncadd.s32 @!p1 $0xFFFF3800  }
.LBB2_1:
0x21: {  	p1 =	sge.u32 s12, s8  }
0x22: {  	s14 =	sxor.u32 @!p1 $0xFFFFFFFF, s12  }
0x23: {  	s14 =	sand.u32 @!p1 $0x1, s14  }
0x24: {  	s14 =	smul.u32 @!p1 $0x640, s14  }
0x25: {  	s31 =	sadd.s32 $0xFFFFFFFF, s12;
	s15 =	sshrl.u32 @!p1 s11, $0x3  }
0x26: {  	s16 =	sand.u32 @!p1 $0x7, s11;
	s15 =	sadd.s32 @!p1 s5, s15;
	s14 =	sshrl.u32 @!p1 s14, $0x2  }
0x27: {  	[tilespmem:s14], [sflag:$0x2] =	stream.linear.gather @!p1 [hbm4b:s15+s16], $0x190, $0x38;
	[tilespmem:$0x19320] =	vst v63  }
0x28: {  	p1 =	sge.u32 s31, s8  }
.Ltmp2:
0x29: {  	_ = 	snop;
	(pc) =	sbr.rel @p1 .LBB2_7-.Ltmp2, $1  }
0x2a: {  	_ =	sdelay $0x3  }
0x2b: {  	s14 =	simm.s32 $0x1  }
0x2c: {  	s14 =	simm.s32 @!p0 $0x0  }
0x2d: {  	s15 =	smul.u32 $0x640, s14  }
0x2e: {  	_ =	swait.ge [sflag:s7], $0x190  }
0x2f: {  	[sflag:s7] =	ssyncset.done $0x0;
	s16 =	sshrl.u32 s15, $0x2  }
0x30: {  	[sflag:s7] =	ssyncadd.s32 $0xFFFFFE70;
	s15 =	sadd.s32 $0x0, s16  }
0x31: {  	v0 =	vld.msk [tilespmem:s15+$0x0 ss:$0x1], $0xffff;
	_ =	sdelay $0x4  }
0x32: {  	vm2 =	vgt.s32 v0, $0x0  }
0x33: {  	v0 =	vnsel vm2, $0x0, v0  }
0x34: {  	v0 =	vmin.u32 v0, $0x1869F  }
0x35: {  	v0 =	vshll.u32 v0, $0x4  }
0x36: {  	s14 =	smul.u32 $0x32000, s14;
	_ =	sdelay $0x1  }
0x37: {  	s14 =	sshrl.u32 s14, $0x2  }
0x38: {  	s14 =	sor.u32 $0x320, s14  }
0x39: {  	[tilespmem:s14], [sflag:$0x1] =	stream.indirect_vreg.gather [hbm:s4], $0x80, v0, vm0, $0x38;
	[tilespmem:$0x19320] =	vst v63  }
0x3a: {  	s17 =	sadd.s32 $0x10, s16;
	s15 =	sadd.s32 $0x400, s14  }
0x3b: {  	[tilespmem:s15], [sflag:$0x1] =	stream.indirect_vreg.gather [hbm:s4], $0x80, v0, vm1, $0x38;
	[tilespmem:$0x19320] =	vst v63  }
0x3c: {  	s18 =	simm.s32 $0x80;
	v0 =	vld.msk [tilespmem:s17+$0x0 ss:$0x1], $0xffff;
	s17 =	smov.u32 s14  }
.LBB2_3:
0x3d: {  	p1 =	sne.s32 s18, $0x600;
	_ =	sdelay $0x4  }
0x3e: {  	vm2 =	vgt.s32 v0, $0x0  }
0x3f: {  	v0 =	vnsel vm2, $0x0, v0  }
0x40: {  	v0 =	vmin.u32 v0, $0x1869F  }
0x41: {  	v0 =	vshll.u32 v0, $0x4;
	_ =	sdelay $0x3  }
.Ltmp3:
0x42: {  	s19 =	sshra.s32 s18, $0x2;
	s17 =	sadd.s32 $0x800, s17;
	(pc) =	sbr.rel @p1 .LBB2_3-.Ltmp3, $4  }
0x43: {  	[tilespmem:s17], [sflag:$0x1] =	stream.indirect_vreg.gather [hbm:s4], $0x80, v0, vm0, $0x38;
	[tilespmem:$0x19320] =	vst v63  }
0x44: {  	s19 =	sadd.s32 s19, s16;
	s20 =	sadd.s32 $0x400, s17  }
0x45: {  	[tilespmem:s20], [sflag:$0x1] =	stream.indirect_vreg.gather [hbm:s4], $0x80, v0, vm1, $0x38;
	[tilespmem:$0x19320] =	vst v63  }
0x46: {  	s18 =	sadd.s32 $0x40, s18;
	v0 =	vld.msk [tilespmem:s19+$0x0 ss:$0x1], $0xffff  }
0x47: {  	_ =	sdelay $0x3  }
0x48: {  	vm2 =	vgt.s32 v0, $0x0  }
0x49: {  	v0 =	vnsel vm2, $0x0, v0  }
0x4a: {  	v0 =	vmin.u32 v0, $0x1869F  }
0x4b: {  	v0 =	vshll.u32 v0, $0x4;
	_ =	sdelay $0x3  }
0x4c: {  	s16 =	sadd.s32 $0x800, s17  }
0x4d: {  	[tilespmem:s16], [sflag:$0x1] =	stream.indirect_vreg.gather [hbm:s4], $0x80, v0, vm0, $0x38;
	[tilespmem:$0x19320] =	vst v63  }
0x4e: {  	s16 =	sadd.s32 $0x400, s16  }
0x4f: {  	[tilespmem:s16], [sflag:$0x1] =	stream.indirect_vreg.gather [hbm:s4], $0x80, v0, vm1, $0x38;
	[tilespmem:$0x19320] =	vst v63  }
0x50: {  	s13 =	sshll.u32 s13, $0x4;
	_ =	swait.ge [sflag:s6], $0xC800  }
0x51: {  	s13 =	sadd.s32 s13, s9;
	[sflag:s6] =	ssyncset.done $0x0  }
0x52: {  	s17 =	sadd.s32 $0x0, s13;
	s16 =	simm.s32 $0x80;
	[sflag:s6] =	ssyncadd.s32 $0xFFFF3800  }
.LBB2_5:
0x53: {  	[hbm:s17] =	stream.linear.scatter [tilespmem:s14], [sflag:$0x3], $0x400, $0x38;
	[tilespmem:$0x19320] =	vst v63  }
0x54: {  	s17 =	smov.u32 s16;
	s14 =	smov.u32 s15;
	p1 =	sne.s32 s16, $0x1880  }
.Ltmp4:
0x55: {  	s16 =	sadd.s32 $0x80, s16;
	(pc) =	sbr.rel @p1 .LBB2_5-.Ltmp4, $2  }
0x56: {  	_ =	sdelay $0x2  }
0x57: {  	s15 =	sadd.s32 $0x400, s15;
	s17 =	sadd.s32 s17, s13  }
.Ltmp5:
0x58: {  	_ = 	snop;
	(pc) =	sbr.rel .LBB2_6-.Ltmp5, $1  }
0x59: {  	_ =	sdelay $0x3  }
.LBB2_8:
0x5a: {  	_ =	sfence.sel $0x180000  }
0x5b: {  	s1 =	simm.s32 $0x2;
	[bflag:$0x0] =	sbarrier.arrive $0xFFFF  }
0x5c: {  	s30 =	simm.s32 $0x3;
	[sflag:s1] =	ssyncpa.u1 $0x1  }
0x5d: {  	s31 =	simm.s32 $0x1;
	[sflag:s30] =	ssyncpa.u1 $0x1  }
0x5e: {  	[sflag:s31] =	ssyncpa.u1 $0x1  }
0x5f: {  	p0 =	sne.s32 s0, $0x0;
	_ =	strace $0x90000047  }
0x60: {  	s0 =	sadd.s32 @!p0 $0x100000, s2;
	[bflag:$0x2] =	sbarrier.arrive $0xFFFF  }
0x61: {  	[sflag:s0] =	ssyncadd.tile.s32 @!p0 $0x1;
	_ =	shalt  }
.Lfunc_end2:
_tile_overlayer_lowered:
.L_overlay_start_2:
0x62: {  	(tag) =	ssettag $0x2  }
0x63: {  	s0 =	rddreg [dreg:$0x0];
	s2 =	stileid.u32  }
0x64: {  	s1 =	rddreg [dreg:$0x1];
	p0 =	sne.s32 s2, $0x0  }
0x65: {  	s3 =	rddreg [dreg:$0x2];
	[bflag:$0x3] =	sbarrier.arrive $0xFFFF;
	s2 =	simm.s32 @!p0 $0x1C01  }
0x66: {  	[timem:s3], [sflag:s2] =	dma.local @!p0 [hbm:s0], s1  }
0x67: {  	s0 =	simm.s32 @!p0 $0x1  }
0x68: {  	_ =	swait.ge @!p0 [sflag:s0], s1  }
0x69: {  	s1 =	ssub.s32 @!p0 $0x0, s1;
	[sflag:s0] =	ssyncset.done @!p0 $0x0  }
0x6a: {  	[sflag:s0] =	ssyncadd.s32 @!p0 s1  }
0x6b: {  	[bflag:$0x3] =	sbarrier.arrive $0xFFFF  }
0x6c: {  	_ =	shalt  }

// kernel: scatter_offload_async_start.1
scs
__scs_entry_jumppad:
0x0: {  	(pc) =	sbr.rel $0x88, $3  }
0x1: {  	(tag) =	ssettag $0x0;
	lr =	simm.s32 $0x1  }
0x2: {  	[smem:$0x3F90] =	sst lr;
	_ =	strace $0xD0000000  }
0x3: {  	_ = 	snop  }
0x4: {  	_ = 	snop  }
0x5: {  	_ = 	snop  }
0x6: {  	_ = 	snop  }
0x7: {  	_ = 	snop  }
__scs_overlays_trampoline_lowered:
0x8: {  	[smem:$0x3F9F] =	sst s0  }
0x9: {  	[smem:$0x3FA0] =	sst s1  }
0xa: {  	[smem:$0x3FA1] =	sst s2  }
0xb: {  	[smem:$0x3FA2] =	sst s3  }
0xc: {  	[smem:$0x3FA3] =	sst s4  }
0xd: {  	[smem:$0x3FA4] =	sst s5  }
0xe: {  	[smem:$0x3FA5] =	sst s6  }
0xf: {  	[smem:$0x3FA6] =	sst s7  }
0x10: {  	[smem:$0x3FA7] =	sst s8  }
0x11: {  	[smem:$0x3FA8] =	sst s9;
	s0 =	simm.s32 @!p0 $0x0  }
0x12: {  	s1 =	sld [smem:$0x3F8E];
	s0 =	simm.s32 @p0 $0x1  }
0x13: {  	[smem:$0x3FA9] =	sst s0;
	s0 =	simm.s32 @!p1 $0x0  }
0x14: {  	s2 =	sld [smem:$0x3F8D];
	s0 =	simm.s32 @p1 $0x1  }
0x15: {  	[smem:$0x3FAA] =	sst s0;
	s0 =	simm.s32 @!p2 $0x0  }
0x16: {  	s3 =	sld [smem:$0x3FDB];
	s0 =	simm.s32 @p2 $0x1  }
0x17: {  	s4 =	simm.s32 $0x1BF5;
	[smem:$0x3FAC] =	sst s0  }
0x18: {  	s0 =	sld [smem:$0x3F8F];
	_ =	swait.ge [sflag:s4], $0x0  }
0x19: {  	s7 =	sld [smem:$0x3F90]  }
0x1a: {  	s8 =	sadd.s32 $0xFFFFE003, lr  }
0x1b: {  	s9 =	sadd.s32 $0xFFFFFEF7, lr;
	s5 =	simm.s32 $0xFFFFFFFF;
	p2 =	slt.u32 s8, $0xFFFFF086  }
0x1c: {  	p1 =	slt.u32 s9, $0xF7A;
	s5 =	simm.s32 @!p2 $0x0  }
0x1d: {  	s5 =	simm.s32 @p1 $0x1;
	p0 =	seq.s32 s7, s2  }
0x1e: {  	s7 =	smul.u32 @!p0 $0xF7A, s2;
	p2 =	seq.s32 @!p0 s5, $0x0  }
0x1f: {  	s9 =	smul.u32 $0xF7A, s1;
	s8 =	simm.s32 @!p0 $0x1BF5;
	p2 =	por !p2, p0  }
0x20: {  	[sflag:s8] =	ssyncset.s32 @!p0 $0xFFFFF086;
	s6 =	sadd.s32 @!p0 s3, s7;
	s7 =	simm.s32 @!p0 $0x108  }
0x21: {  	s3 =	sadd.s32 s3, s9;
	s6 =	sadd.s32 @!p0 $0x88, s6;
	s7 =	simm.s32 @p2 $0x1082  }
0x22: {  	[simem:s7], [sflag:s8] =	dma.local @!p0 [hbm:s6], $0xF7A  }
0x23: {  	s9 =	sor.u32 $0xD0000000, s2;
	s6 =	simm.s32 $0x108;
	_ =	swait.ge @!p0 [sflag:s8], $0x0  }
0x24: {  	s3 =	sadd.s32 $0x88, s3;
	s6 =	simm.s32 @!p1 $0x1082;
	[sflag:s4] =	ssyncset.s32 $0xFFFFF086  }
0x25: {  	[simem:s6], [sflag:s4] =	dma.local [hbm:s3], $0xF7A  }
0x26: {  	[smem:$0x3F90] =	sst s1;
	(tag) =	ssettag s2;
	_ =	strace s9  }
0x27: {  	s1 =	sld [smem:$0x3FA0]  }
0x28: {  	s2 =	sld [smem:$0x3FA1]  }
0x29: {  	s4 =	sld [smem:$0x3FA3]  }
0x2a: {  	p0 =	seq.s32 s5, $0x0;
	s5 =	sld [smem:$0x3FA4]  }
0x2b: {  	s6 =	sld [smem:$0x3FA5]  }
0x2c: {  	s7 =	sld [smem:$0x3FA6]  }
0x2d: {  	s3 =	simm.s32 $0x108;
	s8 =	sld [smem:$0x3FA7]  }
0x2e: {  	s3 =	simm.s32 @!p0 $0x1082;
	s9 =	sld [smem:$0x3FA8]  }
0x2f: {  	lr =	sadd.s32 s0, s3;
	s0 =	sld [smem:$0x3F9F]  }
0x30: {  	s3 =	sld [smem:$0x3FA2]  }
0x31: {  	[smem:$0x3FAB] =	sst s10  }
0x32: {  	s10 =	sld [smem:$0x3FA9];
	_ =	sdelay $0x3  }
0x33: {  	p0 =	seq.s32 s10, $0x1;
	s10 =	sld [smem:$0x3FAB];
	_ =	sdelay $0x3  }
0x34: {  	[smem:$0x3FAB] =	sst s10  }
0x35: {  	s10 =	sld [smem:$0x3FAA];
	_ =	sdelay $0x3  }
0x36: {  	p1 =	seq.s32 s10, $0x1;
	s10 =	sld [smem:$0x3FAB];
	_ =	sdelay $0x3  }
0x37: {  	[smem:$0x3FAB] =	sst s10  }
0x38: {  	s10 =	sld [smem:$0x3FAC]  }
0x39: {  	_ = 	snop;
	(pc) =	sbr.ind lr, $3  }
0x3a: {  	_ = 	snop  }
0x3b: {  	_ = 	snop  }
0x3c: {  	p2 =	seq.s32 s10, $0x1;
	s10 =	sld [smem:$0x3FAB]  }
0x3d: {  	_ =	shalt  }
0x3e: {  	_ =	shalt  }
0x3f: {  	_ =	shalt  }
0x40: {  	_ =	shalt  }
0x41: {  	_ =	shalt  }
0x42: {  	_ =	shalt  }
0x43: {  	_ =	shalt  }
0x44: {  	_ =	shalt  }
0x45: {  	_ =	shalt  }
0x46: {  	_ =	shalt  }
0x47: {  	_ =	shalt  }
0x48: {  	_ =	shalt  }
0x49: {  	_ =	shalt  }
0x4a: {  	_ =	shalt  }
0x4b: {  	_ =	shalt  }
0x4c: {  	_ =	shalt  }
0x4d: {  	_ =	shalt  }
0x4e: {  	_ =	shalt  }
0x4f: {  	_ =	shalt  }
0x50: {  	_ =	shalt  }
0x51: {  	_ =	shalt  }
0x52: {  	_ =	shalt  }
0x53: {  	_ =	shalt  }
0x54: {  	_ =	shalt  }
0x55: {  	_ =	shalt  }
0x56: {  	_ =	shalt  }
0x57: {  	_ =	shalt  }
0x58: {  	_ =	shalt  }
0x59: {  	_ =	shalt  }
0x5a: {  	_ =	shalt  }
0x5b: {  	_ =	shalt  }
0x5c: {  	_ =	shalt  }
0x5d: {  	_ =	shalt  }
0x5e: {  	_ =	shalt  }
0x5f: {  	_ =	shalt  }
0x60: {  	_ =	shalt  }
0x61: {  	_ =	shalt  }
0x62: {  	_ =	shalt  }
0x63: {  	_ =	shalt  }
0x64: {  	_ =	shalt  }
0x65: {  	_ =	shalt  }
0x66: {  	_ =	shalt  }
0x67: {  	_ =	shalt  }
0x68: {  	_ =	shalt  }
0x69: {  	_ =	shalt  }
0x6a: {  	_ =	shalt  }
0x6b: {  	_ =	shalt  }
0x6c: {  	_ =	shalt  }
0x6d: {  	_ =	shalt  }
0x6e: {  	_ =	shalt  }
0x6f: {  	_ =	shalt  }
0x70: {  	_ =	shalt  }
0x71: {  	_ =	shalt  }
0x72: {  	_ =	shalt  }
0x73: {  	_ =	shalt  }
0x74: {  	_ =	shalt  }
0x75: {  	_ =	shalt  }
0x76: {  	_ =	shalt  }
0x77: {  	_ =	shalt  }
0x78: {  	_ =	shalt  }
0x79: {  	_ =	shalt  }
0x7a: {  	_ =	shalt  }
0x7b: {  	_ =	shalt  }
0x7c: {  	_ =	shalt  }
0x7d: {  	_ =	shalt  }
0x7e: {  	_ =	shalt  }
0x7f: {  	_ =	shalt  }
0x80: {  	_ =	shalt  }
0x81: {  	_ =	shalt  }
0x82: {  	_ =	shalt  }
0x83: {  	_ =	shalt  }
0x84: {  	_ =	shalt  }
0x85: {  	_ =	shalt  }
0x86: {  	_ =	shalt  }
0x87: {  	_ =	shalt  }
.Lfunc_end0:
.L_simem_size_0:
called_computation.1_lowered:
.L_overlay_start_0:
0x88: {  	s0 =	sld [smem:$0x3FD9]  }
0x89: {  	s1 =	sld [smem:$0x3FFE];
	_ =	sdelay $0x3  }
0x8a: {  	s0 =	sadd.s32 s1, s0  }
0x8b: {  	[smem:$0x3FB7] =	sst s0  }
0x8c: {  	_ = 	snop  }
0x8d: {  	s14 =	sld [smem:$0x3FD0];
	(tm) =	ssettm $0x1  }
0x8e: {  	s15 =	sld [smem:$0x3FFB];
	_ =	sdelay $0x3  }
0x8f: {  	_ =	strace s15  }
0x90: {  	s0 =	sld [smem:$0x3FFC];
	_ =	sdelay $0x3  }
0x91: {  	_ =	strace s0  }
0x92: {  	s0 =	sld [smem:$0x3FFD];
	_ =	sdelay $0x3  }
0x93: {  	_ =	strace s0  }
0x94: {  	_ =	strace $0x8FFFFFFF  }
0x95: {  	s16 =	sld [smem:$0x3FDB];
	_ =	sdelay $0x1  }
0x96: {  	s2 =	simm.s32 $_scs_section_size  }
0x97: {  	s3 =	simm.s32 $_size__tile_overlayer_lowered;
	s4 =	simm.s32 $_tile_overlayer_lowered  }
0x98: {  	s5 =	simm.s32 $0x1BFF;
	s17 =	sshll.u32 s4, $0x1;
	s2 =	sadd.s32 s2, s16  }
0x99: {  	s18 =	simm.s32 $0x0;
	s3 =	sshll.u32 s3, $0x1;
	s4 =	sadd.s32 s17, s2  }
0x9a: {  	[timem:s18], [sflag:s5] =	dma.local [hbm:s4], s3  }
0x9b: {  	_ =	swait.ge [sflag:s5], s3  }
0x9c: {  	s3 =	ssub.s32 $0x0, s3;
	[sflag:s5] =	ssyncset.done $0x0  }
0x9d: {  	[sflag:s5] =	ssyncadd.s32 s3;
	_ =	sdelay $0x1  }
0x9e: {  	s19 =	simm.s32 $0x1B8B  }
0x9f: {  	_ =	swait.ge [sflag:s19], $0x1  }
0xa0: {  	[sflag:s19] =	ssyncset.done $0x0  }
0xa1: {  	s21 =	simm.s32 $0x1B8E;
	s20 =	sld [smem:$0x3FFE];
	[sflag:s19] =	ssyncadd.s32 $0xFFFFFFFF  }
0xa2: {  	s22 =	simm.s32 $execute0_lowered;
	[smem:$0x3FD2] =	sst s21  }
0xa3: {  	s4 =	sshll.u32 s22, $0x1;
	_ =	strace $0x80000049;
	[dreg:$0x1] =	wrdreg $0xFFFFFFFF  }
0xa4: {  	s23 =	simm.s32 $_size_execute0_lowered;
	s4 =	sadd.s32 s2, s4;
	[dreg:$0x0] =	wrdreg $0x0  }
0xa5: {  	s5 =	sshll.u32 s23, $0x1;
	[dreg:$0x2] =	wrdreg s4  }
0xa6: {  	[dreg:$0x3] =	wrdreg s5  }
0xa7: {  	[dreg:$0x4] =	wrdreg $0xC0  }
0xa8: {  	s24 =	simm.s32 $execute1_lowered;
	_ =	task [dreg:s18], $0x5FFFF  }
0xa9: {  	s4 =	sshll.u32 s24, $0x1;
	[dreg:$0x1] =	wrdreg $0xFFFFFFFF  }
0xaa: {  	s2 =	sadd.s32 s2, s4;
	[dreg:$0x0] =	wrdreg $0x60  }
0xab: {  	[dreg:$0x2] =	wrdreg s2  }
0xac: {  	[dreg:$0x3] =	wrdreg s14  }
0xad: {  	[dreg:$0x4] =	wrdreg s20  }
0xae: {  	[dreg:$0x5] =	wrdreg $0x9  }
0xaf: {  	_ =	task.clear_ibuf [dreg:s18], $0x6FFFF;
	_ =	strace $0x90000049  }
0xb0: {  	s25 =	simm.s32 $0x9;
	_ =	strace $0x8000004B  }
0xb1: {  	_ =	swait.ge [sflag:s25], $0x1  }
0xb2: {  	[sflag:s25] =	ssyncadd.s32 $0xFFFFFFFF  }
0xb3: {  	_ =	strace $0x9000004B  }
0xb4: {  	_ =	strace $0x8000004C;
	[dreg:$0x1] =	wrdreg $0xFFFFFFFF  }
0xb5: {  	[dreg:$0x0] =	wrdreg $0x2030  }
0xb6: {  	[dreg:$0x2] =	wrdreg s20  }
0xb7: {  	[dreg:$0x3] =	wrdreg $0xA  }
0xb8: {  	_ =	task.clear_ibuf [dreg:s18], $0x4FFFF;
	_ =	strace $0x9000004C  }
0xb9: {  	s26 =	simm.s32 $0xA;
	_ =	strace $0x8000004E  }
0xba: {  	_ =	swait.ge [sflag:s26], $0x1  }
0xbb: {  	[sflag:s26] =	ssyncadd.s32 $0xFFFFFFFF  }
0xbc: {  	_ =	strace $0x9000004E  }
0xbd: {  	_ =	sfence  }
0xbe: {  	s28 =	sld [smem:$0x0];
	_ =	sdelay $0x1  }
0xbf: {  	s29 =	srdreg.scid  }
0xc0: {  	s30 =	sshll.u32 s29, $0xD;
	s31 =	sshrl.u32 s29, $0x2  }
0xc1: {  	s3 =	sand.u32 $0x4000, s30;
	s2 =	sand.u32 $0x1, s29;
	s1 =	sadd.s32 s31, s28  }
0xc2: {  	s2 =	sor.u32 s3, s2;
	s1 =	sshll.u32 s1, $0x11  }
0xc3: {  	s1 =	sor.u32 s1, s2  }
0xc4: {  	s1 =	sadd.s32 $0x8F2B, s1  }
0xc5: {  	[sflag:s1] =	ssyncadd.remote.s32 $0x1  }
0xc6: {  	_ =	sfence.sel $0xFFFF  }
0xc7: {  	[dreg:$0x0] =	wrdreg $0xFFFFFFFF;
	(pc) =	sbr.abs _section_cstart, $3  }
0xc8: {  	[dreg:$0x1] =	wrdreg $0xFFFFFFFF  }
0xc9: {  	_ =	task.clear_ibuf [dreg:s18], $0x2FFFF;
	_ =	strace $0x9FFFFFFF  }
0xca: {  	(tm) =	ssettm $0x7FFFFFFF  }
0xcb: {  	_ =	shalt  }
tec
execute0_lowered:
.L_overlay_start_1:
0x0: {  	(tag) =	ssettag $0x1  }
0x1: {  	s3 =	rddreg [dreg:$0x0]  }
0x2: {  	s2 =	rddreg [dreg:$0x1]  }
0x3: {  	s5 =	rddreg [dreg:$0x2]  }
0x4: {  	s0 =	rddreg [dreg:$0x3]  }
0x5: {  	s4 =	stileid.u32;
	[bflag:$0x3] =	sbarrier.arrive $0xFFFF;
	s1 =	simm.s32 $_size_execute1_lowered  }
0x6: {  	s31 =	simm.s32 $0x2;
	p0 =	sne.s32 s4, $0x0;
	s1 =	sshll.u32 s1, $0x1  }
.Ltmp0:
0x7: {  	s6 =	simm.s32 @!p0 $0x1C3F;
	s7 =	simm.s32 @!p0 $0x4060;
	(pc) =	sbr.rel .LBB2_1-.Ltmp0, $4  }
0x8: {  	[timem:s7], [sflag:s6] =	dma.local @!p0 [hbm:s3], s1  }
0x9: {  	s3 =	smul.u32 $0xC40, s4;
	s4 =	simm.s32 $0x1;
	_ =	strace $0x8000004A  }
0xa: {  	s8 =	simm.s32 $0x0;
	s5 =	sadd.s32 $0x4C2400, s5;
	[sflag:s4] =	ssyncpa.u1 $0x0  }
0xb: {  	s6 =	simm.s32 $0x0;
	s7 =	smov.u32 s3;
	[sflag:s31] =	ssyncpa.u1 $0x0  }
.LBB2_7:
0xc: {  	s10 =	sadd.s32 $0xC400, s7  }
0xd: {  	p1 =	slt.u32 s6, $0x2;
	s6 =	sadd.s32 $0x1, s6;
	p2 =	sgt.s32 s10, $0x1869F  }
0xe: {  	s10 =	smov.u32 @p2 s3;
	p2 =	sne.s32 s6, $0x4  }
.Ltmp1:
0xf: {  	_ = 	snop;
	(pc) =	sbr.rel @!p2 .LBB2_8-.Ltmp1, $4  }
0x10: {  	s9 =	simm.s32 @!p1 $0x2  }
0x11: {  	_ =	swait.ge @!p1 [sflag:s9], $0xC40  }
0x12: {  	[sflag:s9] =	ssyncset.done @!p1 $0x0  }
0x13: {  	s8 =	smov.u32 s7;
	s7 =	smov.u32 s10;
	[sflag:s9] =	ssyncadd.s32 @!p1 $0xFFFFF3C0  }
.LBB2_1:
0x14: {  	p1 =	sgt.u32 s6, $0x1  }
0x15: {  	s9 =	sxor.u32 @!p1 $0x1, s6  }
0x16: {  	s9 =	smul.u32 @!p1 $0x3100, s9  }
0x17: {  	s10 =	sshrl.u32 @!p1 s7, $0x3  }
0x18: {  	s11 =	sand.u32 @!p1 $0x7, s7;
	s10 =	sadd.s32 @!p1 s2, s10;
	s9 =	sshra.s32 @!p1 s9, $0x2  }
0x19: {  	[tilespmem:s9], [sflag:$0x1] =	stream.linear.gather @!p1 [hbm4b:s10+s11], $0xC40, $0x38;
	[tilespmem:$0x3100] =	vst v63  }
0x1a: {  	p1 =	seq.s32 s6, $0x0  }
0x1b: {  	p2 =	seq.s32 @!p1 s6, $0x3  }
0x1c: {  	p1 =	por p1, p2  }
.Ltmp2:
0x1d: {  	_ = 	snop;
	(pc) =	sbr.rel @p1 .LBB2_7-.Ltmp2, $1  }
0x1e: {  	_ =	sdelay $0x3  }
0x1f: {  	s9 =	sand.u32 $0x1, s6  }
0x20: {  	_ =	swait.ge [sflag:s4], $0xC40;
	s11 =	simm.s32 $0xC40;
	p1 =	seq.s32 s9, $0x1  }
0x21: {  	[sflag:s4] =	ssyncset.done $0x0;
	s11 =	simm.s32 @!p1 $0x0  }
0x22: {  	[sflag:s4] =	ssyncadd.s32 $0xFFFFF3C0;
	s13 =	sor.u32 $0x80, s11  }
0x23: {  	v0 =	vld [tilespmem:s13+$0x70]  }
0x24: {  	v1 =	vld [tilespmem:s13+$0xFFFFFF90]  }
0x25: {  	v2 =	vld [tilespmem:s13+$0xFFFFFFA0]  }
0x26: {  	v3 =	vld [tilespmem:s13+$0xFFFFFFB0]  }
0x27: {  	s9 =	sadd.s32 $0x1900, s11;
	v4 =	vld [tilespmem:s13+$0xFFFFFFC0]  }
0x28: {  	v5 =	vld [tilespmem:s13+$0xFFFFFFD0];
	[tilespmem:s9+$0x70] =	vst v0  }
0x29: {  	[tilespmem:s9+$0xFFFFFF90] =	vst v1;
	v0 =	vld [tilespmem:s13+$0xFFFFFFE0]  }
0x2a: {  	[tilespmem:s9+$0xFFFFFFA0] =	vst v2;
	v1 =	vld [tilespmem:s13+$0xFFFFFFF0]  }
0x2b: {  	[tilespmem:s9+$0xFFFFFFB0] =	vst v3;
	v2 =	vld [tilespmem:s13+$0x0]  }
0x2c: {  	[tilespmem:s9+$0xFFFFFFC0] =	vst v4;
	v3 =	vld [tilespmem:s13+$0x10]  }
0x2d: {  	[tilespmem:s9+$0xFFFFFFD0] =	vst v5;
	v5 =	vld [tilespmem:s13+$0x20]  }
0x2e: {  	[tilespmem:s9+$0xFFFFFFE0] =	vst v0;
	v0 =	vld [tilespmem:s13+$0x30]  }
0x2f: {  	[tilespmem:s9+$0xFFFFFFF0] =	vst v1;
	v1 =	vld [tilespmem:s13+$0x40]  }
0x30: {  	[tilespmem:s9+$0x0] =	vst v2;
	v2 =	vld [tilespmem:s13+$0x50]  }
0x31: {  	s12 =	simm.s32 $0x0;
	[tilespmem:s9+$0x10] =	vst v3;
	v3 =	vld [tilespmem:s13+$0x60]  }
0x32: {  	s10 =	sadd.s32 $0x1880, s11;
	s11 =	sshll.u32 s11, $0x2;
	v4 =	vld [tilespmem:s13+$0xFFFFFF80];
	[tilespmem:s9+$0x20] =	vst v5;
	s13 =	sadd.s32 $0x100, s13  }
.LBB2_3:
0x33: {  	v5 =	vld [tilespmem:s13+$0x70];
	s12 =	sadd.s32 $0x100, s12;
	[tilespmem:s9+$0x30] =	vst v0  }
0x34: {  	v0 =	vld [tilespmem:s13+$0xFFFFFF90];
	p1 =	slt.u32 s12, $0xB00;
	[tilespmem:s9+$0x40] =	vst v1  }
0x35: {  	v1 =	vld [tilespmem:s13+$0xFFFFFFA0];
	[tilespmem:s9+$0x50] =	vst v2  }
0x36: {  	v2 =	vld [tilespmem:s13+$0xFFFFFFB0];
	[tilespmem:s9+$0x60] =	vst v3  }
0x37: {  	v3 =	vld [tilespmem:s13+$0xFFFFFFC0];
	[tilespmem:s9+$0xFFFFFF80] =	vst v4;
	s9 =	sadd.s32 $0x100, s9  }
0x38: {  	v4 =	vld [tilespmem:s13+$0xFFFFFFD0];
	[tilespmem:s9+$0x70] =	vst v5  }
0x39: {  	[tilespmem:s9+$0xFFFFFF90] =	vst v0;
	v0 =	vld [tilespmem:s13+$0xFFFFFFE0]  }
0x3a: {  	[tilespmem:s9+$0xFFFFFFA0] =	vst v1;
	v1 =	vld [tilespmem:s13+$0xFFFFFFF0]  }
0x3b: {  	[tilespmem:s9+$0xFFFFFFB0] =	vst v2;
	v2 =	vld [tilespmem:s13+$0x0]  }
0x3c: {  	[tilespmem:s9+$0xFFFFFFC0] =	vst v3;
	v3 =	vld [tilespmem:s13+$0x10]  }
0x3d: {  	[tilespmem:s9+$0xFFFFFFD0] =	vst v4;
	v5 =	vld [tilespmem:s13+$0x20]  }
.Ltmp3:
0x3e: {  	[tilespmem:s9+$0xFFFFFFE0] =	vst v0;
	v0 =	vld [tilespmem:s13+$0x30];
	(pc) =	sbr.rel @p1 .LBB2_3-.Ltmp3, $4  }
0x3f: {  	[tilespmem:s9+$0xFFFFFFF0] =	vst v1;
	v1 =	vld [tilespmem:s13+$0x40]  }
0x40: {  	[tilespmem:s9+$0x0] =	vst v2;
	v2 =	vld [tilespmem:s13+$0x50]  }
0x41: {  	[tilespmem:s9+$0x10] =	vst v3;
	v3 =	vld [tilespmem:s13+$0x60]  }
0x42: {  	v4 =	vld [tilespmem:s13+$0xFFFFFF80];
	[tilespmem:s9+$0x20] =	vst v5;
	s13 =	sadd.s32 $0x100, s13  }
0x43: {  	[tilespmem:s9+$0x30] =	vst v0  }
0x44: {  	[tilespmem:s9+$0x40] =	vst v1  }
0x45: {  	[tilespmem:s9+$0x50] =	vst v2  }
0x46: {  	s11 =	sshrl.u32 s11, $0x2;
	[tilespmem:s9+$0x60] =	vst v3  }
0x47: {  	s12 =	simm.s32 $0xBF0;
	[tilespmem:s9+$0xFFFFFF80] =	vst v4;
	s9 =	sadd.s32 $0x2480, s11;
	s11 =	sadd.s32 $0xC00, s11  }
.LBB2_5:
0x48: {  	s12 =	sadd.s32 $0x10, s12  }
0x49: {  	v0 =	vld [tilespmem:s11+$0x0];
	p1 =	slt.u32 s12, $0xC30  }
.Ltmp4:
0x4a: {  	_ = 	snop;
	(pc) =	sbr.rel @p1 .LBB2_5-.Ltmp4, $2  }
0x4b: {  	_ =	sdelay $0x2  }
0x4c: {  	s11 =	sadd.s32 $0x10, s11;
	[tilespmem:s9+$0x0] =	vst v0;
	s9 =	sadd.s32 $0x10, s9  }
.Ltmp5:
0x4d: {  	(pc) =	sbr.rel .LBB2_7-.Ltmp5, $4  }
0x4e: {  	_ = 	snop  }
0x4f: {  	s9 =	sshrl.u32 s8, $0x3  }
0x50: {  	s31 =	sand.u32 $0x7, s8;
	s9 =	sadd.s32 s5, s9  }
0x51: {  	[hbm4b:s9+s31] =	stream.linear.scatter [tilespmem:s10], [sflag:$0x2], $0xC40, $0x38;
	[tilespmem:$0x3100] =	vst v63  }
.LBB2_8:
0x52: {  	_ =	sfence.sel $0x180000  }
0x53: {  	s2 =	simm.s32 $0x1;
	[bflag:$0x0] =	sbarrier.arrive $0xFFFF  }
0x54: {  	s31 =	simm.s32 $0x2;
	[sflag:s2] =	ssyncpa.u1 $0x1  }
0x55: {  	[sflag:s31] =	ssyncpa.u1 $0x1  }
0x56: {  	_ =	strace $0x9000004A  }
0x57: {  	s0 =	sadd.s32 @!p0 $0x100000, s0;
	[bflag:$0x2] =	sbarrier.arrive $0xFFFF  }
0x58: {  	[sflag:s0] =	ssyncadd.tile.s32 @!p0 $0x1;
	s0 =	simm.s32 @!p0 $0x3F  }
0x59: {  	_ =	swait.ge @!p0 [sflag:s0], s1  }
0x5a: {  	s1 =	ssub.s32 @!p0 $0x0, s1;
	[sflag:s0] =	ssyncset.done @!p0 $0x0  }
0x5b: {  	[sflag:s0] =	ssyncadd.s32 @!p0 s1  }
0x5c: {  	[bflag:$0x3] =	sbarrier.arrive $0xFFFF  }
0x5d: {  	_ =	shalt  }
.Lfunc_end2:
execute1_lowered:
.L_overlay_start_2:
0x5e: {  	(tag) =	ssettag $0x2  }
0x5f: {  	s0 =	rddreg [dreg:$0x0]  }
0x60: {  	s6 =	stileid.u32;
	_ =	strace $0x8000004D;
	s2 =	simm.s32 $0x1  }
0x61: {  	v1 =	vimm.s32 $0xFFFFFFFF;
	s1 =	smul.u32 $0x3, s6;
	[sflag:s2] =	ssyncpa.u1 $0x0  }
0x62: {  	s3 =	smin.u32 s6, $0x2;
	[tilespmem:$0x10] =	vst v1  }
0x63: {  	v0 =	vimm.f32 $0.0e+00;
	[tilespmem:$0x20] =	vst v1;
	s1 =	sadd.s32 s3, s1  }
0x64: {  	p0 =	slt.u32 s6, $0x2;
	[tilespmem:$0x30] =	vst v0;
	s3 =	smul.u32 $0x1770, s1;
	s1 =	simm.s32 $0x5DC0  }
0x65: {  	[tilespmem:$0x40] =	vst v0;
	s1 =	simm.s32 @!p0 $0x4650  }
0x66: {  	[tilespmem:$0x50] =	vst v0;
	s1 =	sadd.s32 s1, s3  }
0x67: {  	[tilespmem:$0x60] =	vst v1;
	s4 =	smin.u32 s1, $0x493E0  }
0x68: {  	s7 =	simm.s32 $0x2;
	[tilespmem:$0x70] =	vst v1;
	s9 =	ssub.s32 s4, s3  }
0x69: {  	s8 =	simm.s32 $0x8;
	s31 =	simm.s32 $0x9;
	[tilespmem:$0x80] =	vst v1;
	p0 =	sgt.s32 s9, $0x0  }
0x6a: {  	s16 =	simm.s32 $0x0;
	s17 =	simm.s32 $0xF0;
	v1 =	vimm.s32 $0x0;
	[tilespmem:$0xB0] =	vst v0;
	s9 =	simm.s32 @!p0 $0x0  }
0x6b: {  	s18 =	simm.s32 $0xFFFFFFFF;
	s19 =	simm.s32 $0xFFFFD220;
	[tilespmem:$0x90] =	vst v1;
	s5 =	smulhi.u32 $0x57619F1, s9  }
0x6c: {  	s20 =	simm.s32 $0xFFFFFFFE;
	[tilespmem:$0xA0] =	vst v1;
	[sflag:s7] =	ssyncpa.u1 $0x0;
	s7 =	simm.s32 $0x7  }
0x6d: {  	s21 =	simm.s32 $0xF;
	[sflag:s7] =	ssyncpa.u1 $0x0;
	s10 =	sshrl.u32 s5, $0x7  }
0x6e: {  	s25 =	simm.s32 $0x0;
	[sflag:s8] =	ssyncpa.u1 $0x0;
	s11 =	smul.u32 $0x1770, s10  }
0x6f: {  	s24 =	simm.s32 $0x0;
	s14 =	sshllo.u32 s6, $0x1;
	[sflag:s31] =	ssyncpa.u1 $0x0  }
.Ltmp6:
0x70: {  	s1 =	sadd.s32 $0x4C2400, s0;
	p0 =	sne.s32 s9, s11;
	(pc) =	sbr.rel .LBB3_1-.Ltmp6, $4  }
0x71: {  	s5 =	sadd.s32 $0x4AFC00, s0;
	s0 =	sadd.s32 $0x4B9000, s0;
	s2 =	simm.s32 @!p0 $0x0  }
0x72: {  	s23 =	smov.u32 s3;
	[dreg:$0x2] =	wrdreg s0;
	s9 =	sadd.s32 s2, s10  }
0x73: {  	vm0 =	vmmov $0xffff;
	v2 =	vlaneseq.u32;
	p0 =	por $0x0, $0x0;
	s10 =	sshll.u32 s6, $0x1;
	s11 =	sadd.s32 $0x1, s9  }
0x74: {  	vm1 =	vmxor vm1, vm1;
	vm2 =	vmmov $0x1;
	vm3 =	vcmask $0x3F3C;
	s12 =	sadd.s32 $0x2, s9;
	s13 =	sor.u32 $0x81, s10;
	s15 =	sor.u32 $0x80, s10  }
.LBB3_9:
0x75: {  	p1 =	slt.u32 s24, $0x3  }
0x76: {  	s0 =	simm.s32 @!p1 $0x2  }
0x77: {  	_ =	swait.ge @!p1 [sflag:s0], $0x1770  }
0x78: {  	[sflag:s0] =	ssyncset.done @!p1 $0x0  }
0x79: {  	[sflag:s0] =	ssyncadd.s32 @!p1 $0xFFFFE890;
	s0 =	simm.s32 @!p1 $0x9  }
0x7a: {  	_ =	swait.ge @!p1 [sflag:s0], $0x10  }
0x7b: {  	[sflag:s0] =	ssyncset.done @!p1 $0x0  }
0x7c: {  	[sflag:s0] =	ssyncadd.s32 @!p1 $0xFFFFFFF0;
	p1 =	sne.s32 s24, s12  }
.Ltmp7:
0x7d: {  	s2 =	sadd.s32 $0x1770, s23;
	(pc) =	sbr.rel @!p1 .LBB3_10-.Ltmp7, $4  }
0x7e: {  	s6 =	smov.u32 s3;
	s31 =	sadd.s32 $0x1, s24;
	s17 =	sadd.s32 $0x1770, s17  }
0x7f: {  	s18 =	sadd.s32 $0x1, s18;
	s25 =	smov.u32 s23;
	p2 =	slt.s32 s2, s4  }
0x80: {  	p0 =	por !p0, !p0;
	s19 =	sadd.s32 $0x1770, s19;
	s6 =	smov.u32 @p2 s2  }
0x81: {  	s20 =	sadd.s32 $0x1, s20;
	s23 =	smov.u32 s6;
	s24 =	smov.u32 s31  }
.LBB3_1:
0x82: {  	p1 =	sge.u32 s24, s9  }
0x83: {  	s0 =	smulhi.u32 @!p1 $0xAAAAAAAB, s24;
	_ =	sdelay $0x1  }
0x84: {  	s0 =	sshrl.u32 @!p1 s0, $0x1  }
0x85: {  	s0 =	smul.u32 @!p1 $0x3, s0;
	_ =	sdelay $0x1  }
0x86: {  	s0 =	ssub.s32 @!p1 s24, s0  }
0x87: {  	s0 =	smul.u32 @!p1 $0x5DC0, s0;
	_ =	sdelay $0x1  }
0x88: {  	s2 =	sshrl.u32 @!p1 s23, $0x3;
	s0 =	sshrl.u32 @!p1 s0, $0x2  }
0x89: {  	s22 =	sand.u32 @!p1 $0x7, s23;
	s2 =	sadd.s32 @!p1 s5, s2;
	s0 =	sadd.s32 @!p1 $0x100, s0  }
0x8a: {  	[tilespmem:s0], [sflag:$0x7] =	stream.linear.gather @!p1 [hbm4b:s2+s22], $0x1770, $0x38;
	[tilespmem:$0xD410] =	vst v63  }
0x8b: {  	s0 =	sadd.s32 $0xFFFFFFFF, s24  }
0x8c: {  	p1 =	sge.u32 s0, s9  }
.Ltmp8:
0x8d: {  	_ = 	snop;
	(pc) =	sbr.rel @p1 .LBB3_5-.Ltmp8, $1  }
0x8e: {  	_ =	sdelay $0x3  }
0x8f: {  	s2 =	smulhi.u32 $0xAAAAAAAB, s0;
	_ =	sdelay $0x1  }
0x90: {  	s2 =	sshrl.u32 s2, $0x1  }
0x91: {  	s2 =	smul.u32 $0x3, s2;
	_ =	sdelay $0x1  }
0x92: {  	s2 =	ssub.s32 s0, s2  }
0x93: {  	s2 =	smul.u32 $0x5DC0, s2  }
0x94: {  	_ =	swait.ge [sflag:s7], $0x1770  }
0x95: {  	[sflag:s7] =	ssyncset.done $0x0;
	s2 =	sshrl.u32 s2, $0x2  }
0x96: {  	[sflag:s7] =	ssyncadd.s32 $0xFFFFE890;
	(ifvalue) =	ssetifvalue $0xFFFFFFFF;
	v3 =	vld.msk [tilespmem:s2+$0x100 ss:$0x1], $0xffff;
	_ =	sdelay $0x2  }
0x97: {  	s30 =	smulhi.u32 $0xAAAAAAAB, s18;
	p1 =	sne.s32 s24, $0x1  }
0x98: {  	v4 =	vimm.s32 @!p1 $0x0  }
0x99: {  	s2 =	sshrl.u32 s30, $0x1;
	v4 =	vperm.xlane @!p1 v3, v4  }
0x9a: {  	s22 =	sshll.u32 s24, $0x4;
	s2 =	smul.u32 $0xFFFEE6C0, s2;
	vm4 =	vlt.u32 v3, $0x18800  }
0x9b: {  	s22 =	sand.u32 $0x10, s22;
	v3 =	vnsel vm4, $0xFFFFFFFE, v3;
	vm4 =	vlt.u32 @!p1 v4, $0x18800  }
0x9c: {  	s2 =	sshra.s32 s2, $0x2;
	[tilespmem:s22+$0x60] =	vst v3;
	v3 =	vnsel @!p1 vm4, $0xFFFFFFFE, v4  }
0x9d: {  	s28 =	sadd.s32 s2, s17;
	[tilespmem:$0x80] =	vst @!p1 v3  }
0x9e: {  	v3 =	vld.msk [tilespmem:s28+$0x0 ss:$0x1], $0xffff;
	_ =	sdelay $0x4  }
0x9f: {  	(xrf1) =	vunique.msk.u32 $0xffff, v3;
	_ =	sdelay $0xd  }
0xa0: {  	v4 =	vimm.s32 $0xFFFFFFFF;
	v5, _, _ =	vpop (xrf1)  }
0xa1: {  	vm5 =	vne.s32 v3, v4;
	vm4 =	veq.s32 v5, v2  }
0xa2: {  	vm6 =	vlt.u32 v3, $0x18800;
	vm4 =	vmand vm5, vm4  }
0xa3: {  	vm4 =	vmand vm6, vm4  }
0xa4: {  	v4 =	vnsel vm4, $0xFFFFFFFF, v3  }
0xa5: {  	s31 =	sand.u32 $0x1, s0  }
0xa6: {  	s0 =	simm.s32 $0x1770;
	p1 =	seq.s32 s31, $0x1  }
0xa7: {  	s0 =	simm.s32 @!p1 $0x0  }
0xa8: {  	s26 =	sadd.s32 $0x5EB0, s0;
	(ifvalue) =	ssetifvalue $0xFFFFFFFF  }
0xa9: {  	v3 =	vperm.xlane v3, v1;
	[tilespmem:s26], [sflag:$0x8] =	stream.indirect_vreg.gather [hbm4b:s1+s16], $0x1, v4, vm0, $0x4038;
	v4 =	vnsel vm6, $0xFFFFFFFE, v4;
	[tilespmem:$0xD410] =	vst v63  }
0xaa: {  	s2 =	simm.s32 $0x0;
	s22 =	sadd.s32 $0xFFFFFFF0, s28;
	[tilespmem:s28+$0x0] =	vst v4  }
.LBB3_3:
0xab: {  	v4 =	vld.msk [tilespmem:s22+$0x0 ss:$0x1], $0xffff;
	s2 =	sadd.s32 $0x10, s2;
	v5 =	vmov v3;
	s28 =	smov.u32 s22  }
0xac: {  	p1 =	slt.u32 s2, $0x1760;
	_ =	sdelay $0x4  }
0xad: {  	v3 =	vperm.xlane v4, v1;
	(xrf1) =	vunique.msk.u32 $0xffff, v4;
	_ =	sdelay $0xd  }
0xae: {  	v6, _, _ =	vpop (xrf1)  }
0xaf: {  	vm5 =	vne.s32 v4, v5;
	vm4 =	veq.s32 v6, v2  }
0xb0: {  	vm6 =	vlt.u32 v4, $0x18800;
	vm4 =	vmand vm5, vm4  }
0xb1: {  	vm4 =	vmand vm6, vm4  }
0xb2: {  	v4 =	vnsel vm4, $0xFFFFFFFF, v4  }
.Ltmp9:
0xb3: {  	v5 =	vnsel vm6, $0xFFFFFFFE, v4;
	(pc) =	sbr.rel @p1 .LBB3_3-.Ltmp9, $3  }
0xb4: {  	_ =	sdelay $0x1  }
0xb5: {  	s22 =	sadd.s32 $0xFFFFFFF0, s22;
	s26 =	sadd.s32 $0xFFFFFFF0, s26;
	(ifvalue) =	ssetifvalue $0xFFFFFFFF  }
0xb6: {  	[tilespmem:s26], [sflag:$0x8] =	stream.indirect_vreg.gather [hbm4b:s1+s16], $0x1, v4, vm0, $0x4038;
	[tilespmem:s28+$0x0] =	vst v5  }
0xb7: {  	s2 =	sshrl.u32 s25, $0x3;
	s6 =	rddreg [dreg:$0x2]  }
0xb8: {  	s0 =	sadd.s32 $0x7630, s0;
	s2 =	sadd.s32 s6, s2  }
0xb9: {  	[tilespmem:s0], [sflag:$0x8] =	stream.linear.gather [hbm:s2], $0x1770, $0x38;
	[tilespmem:$0xD410] =	vst v63  }
.LBB3_5:
0xba: {  	p1 =	slt.u32 s24, $0x2  }
0xbb: {  	p2 =	sge.u32 @!p1 s24, s12  }
0xbc: {  	p1 =	por p1, p2  }
.Ltmp10:
0xbd: {  	_ = 	snop;
	(pc) =	sbr.rel @p1 .LBB3_9-.Ltmp10, $1  }
0xbe: {  	_ =	sdelay $0x3  }
0xbf: {  	s0 =	sadd.s32 $0xFFFFFFFE, s24  }
0xc0: {  	s2 =	smulhi.u32 $0xAAAAAAAB, s0;
	_ =	sdelay $0x1  }
0xc1: {  	s2 =	sshrl.u32 s2, $0x1  }
0xc2: {  	s2 =	smul.u32 $0x3, s2;
	_ =	sdelay $0x1  }
0xc3: {  	s0 =	ssub.s32 s0, s2  }
0xc4: {  	_ =	swait.ge [sflag:s8], $0x2EE0;
	s0 =	smul.u32 $0x1770, s0  }
0xc5: {  	p1 =	sne.s32 s24, s11;
	[sflag:s8] =	ssyncset.done $0x0  }
0xc6: {  	[sflag:s8] =	ssyncadd.s32 $0xFFFFD120;
	s2 =	sadd.s32 @!p1 $0x186F, s0  }
0xc7: {  	[spmem:s13] =	stream.linear.scatter @!p1 [tilespmem:s2], [sflag:$0x1], $0x1, $0x38;
	[tilespmem:$0xD410] =	vst v63  }
0xc8: {  	s2 =	simm.s32 @!p1 $0x1  }
0xc9: {  	_ =	swait.ge @!p1 [sflag:s2], $0x1  }
0xca: {  	s22 =	sshll.u32 s24, $0x4;
	[sflag:s2] =	ssyncset.done @!p1 $0x0  }
0xcb: {  	s25 =	sand.u32 $0x10, s22;
	[sflag:s2] =	ssyncadd.s32 @!p1 $0xFFFFFFFF  }
0xcc: {  	s2 =	sxor.u32 $0x10, s25;
	v4 =	vld [tilespmem:s25+$0x10]  }
0xcd: {  	v5 =	vld [tilespmem:s2+$0x60]  }
0xce: {  	v3 =	vld [tilespmem:$0x80];
	_ =	sdelay $0x2  }
0xcf: {  	(v2sf) =	vpush v4, $0x0  }
0xd0: {  	(v2sf) =	vpush v5, $0x0  }
0xd1: {  	(v2sf) =	vpush v3, $0x0;
	_ =	sdelay $0xc  }
0xd2: {  	s6 =	spop (v2sf)  }
0xd3: {  	s28 =	spop (v2sf)  }
0xd4: {  	s26 =	spop (v2sf)  }
0xd5: {  	p2 =	seq.s32 s6, s28;
	p3 =	seq.s32 s26, s6  }
0xd6: {  	p3 =	por p2, p3  }
0xd7: {  	s6 =	sand.u32 $0x1, s24;
	v4 =	vpsel p3, $0xFFFFFFFF, v4  }
0xd8: {  	s28 =	smul.u32 $0x1770, s6;
	[tilespmem:s25+$0x10] =	vst.msk $0x1, v4  }
0xd9: {  	v4 =	vld [tilespmem:$0x30]  }
0xda: {  	v5 =	vld [tilespmem:s28+$0x7630]  }
0xdb: {  	v6 =	vld [tilespmem:s25+$0x40];
	_ =	sdelay $0x3  }
0xdc: {  	vm4 =	vmmov vm1;
	v5 =	vadd.f32 v5, v4  }
0xdd: {  	vm5 =	vmmov vm2;
	vm4 =	vmmov @p2 vm2;
	v4 =	vadd.f32 v6, v4  }
0xde: {  	s22 =	sshll.u32 s6, $0x4;
	vm5 =	vmmov @p3 vm1;
	[tilespmem:s28+$0x7630] =	vst.msk vm4, v5  }
0xdf: {  	[tilespmem:s22+$0xD3F0] =	vst.msk vm5, v4  }
0xe0: {  	v4 =	vld [tilespmem:s28+$0x5EB0];
	_ =	sdelay $0x3  }
0xe1: {  	v5 =	vimm.f32 $0.0e+00  }
0xe2: {  	v4 =	vshift.insert v4, v5, s21  }
0xe3: {  	s29 =	sor.u32 $0x40, s2  }
0xe4: {  	[tilespmem:s29+$0x0] =	vst.msk $0x1, v4  }
0xe5: {  	[tilespmem:s28+$0x5EBF] =	vst.msk $0x1, v5  }
0xe6: {  	v4 =	vld [tilespmem:s0+$0x1860];
	_ =	sdelay $0x1  }
0xe7: {  	s29 =	smulhi.u32 $0xAAAAAAAB, s20;
	s0 =	simm.s32 $0x1  }
0xe8: {  	s0 =	simm.s32 @!p0 $0x0  }
0xe9: {  	s29 =	sshrl.u32 s29, $0x1;
	s0 =	smul.u32 $0x5DC0, s0  }
0xea: {  	s29 =	smul.u32 $0xFFFEE6C0, s29;
	v4 =	vshift.insert v4, v1, s21  }
0xeb: {  	s0 =	sshrl.u32 s0, $0x2  }
0xec: {  	s29 =	sshra.s32 s29, $0x2;
	s30 =	sadd.s32 $0x7630, s0;
	[tilespmem:s2+$0x10] =	vst.msk $0x1, v4  }
0xed: {  	s6 =	sadd.s32 s29, s19;
	v6 =	vld [tilespmem:s30+$0x0]  }
0xee: {  	v7 =	vld [tilespmem:s6+$0x0];
	_ =	sdelay $0x3  }
0xef: {  	v5 =	vadd.f32 v6, v5  }
0xf0: {  	vm4 =	vne.s32 v7, $0xFFFFFFFF  }
0xf1: {  	(xrf2) =	vadd.seg.scan.f32 vm4, v5;
	_ =	sdelay $0x3  }
0xf2: {  	s31 =	sadd.s32 $0x4750, s0;
	v5 =	vperm.xlane v4, v1  }
0xf3: {  	v6 =	vld [tilespmem:s31+$0x0]  }
0xf4: {  	vm5 =	veq.s32 v7, v3;
	vm6 =	veq.s32 v7, v5  }
0xf5: {  	vm7 =	vgt.u32 v7, $0xFFFFFFFD;
	vm6 =	vmor vm6, vm5  }
0xf6: {  	vm6 =	vmor vm6, vm7  }
0xf7: {  	v9 =	vld [tilespmem:$0xA0];
	v7 =	vsel vm6, $0xFFFFFFFF, v7  }
0xf8: {  	v10 =	vld [tilespmem:$0x90];
	v6 =	vsel vm5, $0x0, v6;
	v8, _, _ =	vpop (xrf2)  }
0xf9: {  	v6 =	vadd.f32 v8, v6  }
0xfa: {  	s0 =	sadd.s32 $0xA510, s0  }
0xfb: {  	vm4 =	vmand vm4, vm3;
	[tilespmem:s0+$0x0] =	vst v6;
	(ifvalue) =	ssetifvalue $0xFFFFFFFF  }
0xfc: {  	vm6 =	veq.s32 v9, $0x1;
	[hbm4b:s1+s16] =	stream.indirect_vreg.scatter [tilespmem:s0], [sflag:$0x2], $0x1, v7, vm0, $0x4038;
	v7 =	vsel vm4, $0x0, v8;
	[tilespmem:$0xD410] =	vst v63  }
0xfd: {  	s29 =	sadd.s32 $0xD3F0, s22;
	s22 =	sadd.s32 $0x10, s6;
	s2 =	simm.s32 $0x0;
	vm4 =	vmor vm6, vm5;
	v6 =	vsel vm5, v8, v10;
	v7 =	vshift.insert v7, v0, s21  }
.LBB3_7:
0xfe: {  	v8 =	vld [tilespmem:s22+$0x0];
	s30 =	sadd.s32 $0x10, s30  }
0xff: {  	s31 =	sadd.s32 $0x10, s31;
	v9 =	vld [tilespmem:s30+$0x0]  }
0x100: {  	s2 =	sadd.s32 $0x10, s2;
	v10 =	vld [tilespmem:s31+$0x0]  }
0x101: {  	p2 =	slt.u32 s2, $0x1760;
	_ =	sdelay $0x2  }
0x102: {  	v7 =	vadd.f32 v9, v7  }
0x103: {  	vm5 =	vne.s32 v8, $0xFFFFFFFF  }
0x104: {  	vm6 =	vmand vm5, vm3;
	(xrf2) =	vadd.seg.scan.f32 vm5, v7;
	_ =	sdelay $0x5  }
0x105: {  	vm7 =	veq.s32 v8, v5;
	vm5 =	veq.s32 v8, v3  }
0x106: {  	vm8 =	vgt.u32 v8, $0xFFFFFFFD;
	vm4 =	vmor vm4, vm5;
	vm7 =	vmor vm7, vm5  }
0x107: {  	vm7 =	vmor vm7, vm8  }
0x108: {  	v8 =	vsel vm7, $0xFFFFFFFF, v8  }
.Ltmp11:
0x109: {  	v7 =	vsel vm5, $0x0, v10;
	v9, _, _ =	vpop (xrf2);
	(pc) =	sbr.rel @p2 .LBB3_7-.Ltmp11, $4  }
0x10a: {  	v6 =	vsel vm5, v9, v6;
	v10 =	vadd.f32 v9, v7;
	v7 =	vsel vm6, $0x0, v9  }
0x10b: {  	s0 =	sadd.s32 $0x10, s0;
	v7 =	vshift.insert v7, v0, s21  }
0x10c: {  	s22 =	sadd.s32 $0x10, s22;
	[tilespmem:s0+$0x0] =	vst v10;
	(ifvalue) =	ssetifvalue $0xFFFFFFFF  }
0x10d: {  	[hbm4b:s1+s16] =	stream.indirect_vreg.scatter [tilespmem:s0], [sflag:$0x2], $0x1, v8, vm0, $0x4038;
	[tilespmem:$0xD410] =	vst v63  }
0x10e: {  	v3 =	vld [tilespmem:s28+$0xBC70];
	_ =	sdelay $0x4  }
0x10f: {  	v3 =	vshift.insert v3, v0, s21  }
0x110: {  	s0 =	simm.s32 $0x30  }
0x111: {  	[tilespmem:s0+$0x0] =	vst.msk $0x1, v3  }
0x112: {  	v3 =	vsel vm4, $0x1, v1;
	[tilespmem:$0x90] =	vst v6  }
0x113: {  	s0 =	sadd.s32 @!p1 $0xBC7F, s28;
	[tilespmem:$0xA0] =	vst v3  }
0x114: {  	[spmem:s14] =	stream.linear.scatter @!p1 [tilespmem:s0], [sflag:$0x1], $0x1, $0x38;
	[tilespmem:$0xD410] =	vst v63  }
0x115: {  	s0 =	simm.s32 @!p1 $0x1  }
0x116: {  	v3 =	vmctz.xlane @!p1 vm4;
	_ =	swait.ge @!p1 [sflag:s0], $0x1  }
0x117: {  	(v2sf) =	vpush @!p1 v4, $0x0  }
0x118: {  	(v2sf) =	vpush @!p1 v3, $0x0;
	_ =	sdelay $0xd  }
0x119: {  	s2 =	spop @!p1 (v2sf)  }
0x11a: {  	s6 =	spop @!p1 (v2sf)  }
0x11b: {  	p2 =	sne.s32 @!p1 s26, s2;
	p3 =	slt.s32 @!p1 s6, $0xF  }
0x11c: {  	[sflag:s0] =	ssyncset.done @!p1 $0x0;
	p2 =	por p2, p1;
	p3 =	por !p3, p1  }
0x11d: {  	[sflag:s0] =	ssyncadd.s32 @!p1 $0xFFFFFFFF;
	v3 =	vimm.s32 @!p2 $0xFFFFFFFF;
	s6 =	simm.s32 @p3 $0xF  }
0x11e: {  	[tilespmem:$0x80] =	vst @!p2 v3;
	s2 =	sadd.s32 @!p1 $0x90, s6  }
0x11f: {  	[spmem:s10] =	stream.linear.scatter @!p1 [tilespmem:s2], [sflag:$0x1], $0x1, $0x38;
	[tilespmem:$0xD410] =	vst v63  }
0x120: {  	_ =	swait.ge @!p1 [sflag:s0], $0x1  }
0x121: {  	[sflag:s0] =	ssyncset.done @!p1 $0x0  }
0x122: {  	s2 =	simm.s32 @!p1 $0x80;
	[sflag:s0] =	ssyncadd.s32 @!p1 $0xFFFFFFFF  }
0x123: {  	[spmem:s15] =	stream.linear.scatter @!p1 [tilespmem:s2], [sflag:$0x1], $0x1, $0x38;
	[tilespmem:$0xD410] =	vst v63  }
0x124: {  	_ =	swait.ge @!p1 [sflag:s0], $0x1  }
0x125: {  	[sflag:s0] =	ssyncset.done @!p1 $0x0  }
0x126: {  	[sflag:s0] =	ssyncadd.s32 @!p1 $0xFFFFFFFF;
	(ifvalue) =	ssetifvalue $0xFFFFFFFF;
	v3 =	vld [tilespmem:s25+$0x10];
	_ =	sdelay $0x3  }
.Ltmp12:
0x127: {  	_ = 	snop;
	(pc) =	sbr.rel .LBB3_9-.Ltmp12, $3  }
0x128: {  	_ =	sdelay $0x1  }
0x129: {  	(ifvalue) =	ssetifvalue $0xFFFFFFFF  }
0x12a: {  	[hbm4b:s1+s16] =	stream.indirect_vreg.scatter [tilespmem:s29], [sflag:$0x9], $0x1, v3, vm0, $0x4038;
	[tilespmem:$0xD410] =	vst v63  }
.LBB3_10:
0x12b: {  	_ =	sfence.sel $0x180000  }
0x12c: {  	s0 =	simm.s32 $0x7;
	[bflag:$0x0] =	sbarrier.arrive $0xFFFF  }
0x12d: {  	s26 =	simm.s32 $0x8;
	[sflag:s0] =	ssyncpa.u1 $0x1  }
0x12e: {  	s28 =	simm.s32 $0x9;
	[sflag:s26] =	ssyncpa.u1 $0x1  }
0x12f: {  	[sflag:s28] =	ssyncpa.u1 $0x1  }
0x130: {  	_ =	sfence.stream.spmem  }
0x131: {  	s29 =	simm.s32 $0x3;
	[bflag:$0x0] =	sbarrier.arrive $0xFFFF  }
0x132: {  	s30 =	simm.s32 $0x4;
	[sflag:s29] =	ssyncpa.u1 $0x1  }
0x133: {  	s31 =	simm.s32 $0x3C;
	s2 =	stileid.u32;
	[sflag:s30] =	ssyncpa.u1 $0x1  }
0x134: {  	p0 =	sne.s32 s2, $0x0;
	[sflag:s31] =	ssyncpa.u1 $0x1  }
0x135: {  	s0 =	simm.s32 @p0 $0x1;
	_ =	sfence @p0  }
0x136: {  	[sflag:s0] =	ssyncpa.u1 @p0 $0x1;
	s0 =	simm.s32 @p0 $0x2  }
0x137: {  	[sflag:s0] =	ssyncpa.u1 @p0 $0x1  }
0x138: {  	_ =	strace @p0 $0x9000004D  }
0x139: {  	[bflag:$0x2] =	sbarrier.arrive @p0 $0xFFFF  }
0x13a: {  	_ =	shalt @p0  }
.LBB3_11:
0x13b: {  	_ =	sfence.stream.spmem;
	s0 =	simm.s32 $0x5  }
0x13c: {  	s2 =	simm.s32 $0x80;
	s3 =	simm.s32 $0xC0;
	[sflag:s0] =	ssyncpa.u1 $0x0  }
0x13d: {  	[tilespmem:s3], [sflag:$0x5] =	stream.linear.gather [spmem:s2], $0x20, $0x38;
	[tilespmem:$0xD410] =	vst v63  }
0x13e: {  	s2 =	simm.s32 $0x0;
	s3 =	simm.s32 $0xE0  }
0x13f: {  	[tilespmem:s3], [sflag:$0x5] =	stream.linear.gather [spmem:s2], $0x20, $0x38;
	[tilespmem:$0xD410] =	vst v63  }
.Ltmp13:
0x140: {  	_ = 	snop;
	(pc) =	sbr.rel .LBB3_12-.Ltmp13, $4  }
0x141: {  	_ =	swait.ge [sflag:s0], $0x40  }
0x142: {  	[sflag:s0] =	ssyncset.done $0x0  }
0x143: {  	s31 =	simm.s32 $0x6;
	[sflag:s0] =	ssyncadd.s32 $0xFFFFFFC0  }
0x144: {  	s4 =	simm.s32 $0x0;
	[sflag:s31] =	ssyncpa.u1 $0x0  }
.LBB3_17:
0x145: {  	p0 =	sgt.u32 s5, $0x187FF  }
0x146: {  	s0 =	sshrl.u32 @!p0 s5, $0x3  }
0x147: {  	s5 =	sand.u32 @!p0 $0x7, s5;
	s6 =	simm.s32 @!p0 $0xB0;
	s0 =	sadd.s32 @!p0 s1, s0  }
0x148: {  	[tilespmem:s6], [sflag:$0x6] =	stream.linear.gather @!p0 [hbm4b:s0+s5], $0x1, $0x38;
	[tilespmem:$0xD410] =	vst v63  }
0x149: {  	s0 =	simm.s32 @!p0 $0x6  }
0x14a: {  	_ =	swait.ge @!p0 [sflag:s0], $0x1  }
0x14b: {  	[sflag:s0] =	ssyncset.done @!p0 $0x0  }
0x14c: {  	[sflag:s0] =	ssyncadd.s32 @!p0 $0xFFFFFFFF  }
0x14d: {  	v2 =	vmov @!p0 s4;
	v1 =	vld.msk @!p0 [tilespmem:$0xB0], $0x1;
	_ =	sdelay $0x3  }
0x14e: {  	s0 =	simm.s32 @!p0 $0xE0  }
0x14f: {  	[tilespmem:v2+s0+$0x0], v1 =	vst.idx.ret.add.f32.msk @!p0 $0x1, v1  }
0x150: {  	[tilespmem:s2+$0xC0] =	vst.msk $0x1, v0  }
0x151: {  	v0 =	vld.msk [tilespmem:s4+$0xE0], $0x1;
	_ =	sdelay $0x4  }
0x152: {  	[tilespmem:s2+$0xE0] =	vst.msk $0x1, v0;
	s2 =	sadd.s32 $0x1, s2  }
.LBB3_19:
0x153: {  	s4 =	sadd.s32 $0x1, s4  }
0x154: {  	p0 =	sne.s32 s4, $0x20  }
.Ltmp14:
0x155: {  	_ = 	snop;
	(pc) =	sbr.rel @!p0 .LBB3_20-.Ltmp14, $1  }
0x156: {  	_ =	sdelay $0x3  }
.LBB3_12:
0x157: {  	v0 =	vld.msk [tilespmem:s4+$0xC0], $0x1;
	_ =	sdelay $0x4  }
0x158: {  	(v2sf) =	vpush v0, $0x0;
	_ =	sdelay $0xe  }
0x159: {  	s5 =	spop (v2sf)  }
0x15a: {  	p0 =	seq.s32 s5, $0xFFFFFFFF  }
.Ltmp15:
0x15b: {  	_ = 	snop;
	(pc) =	sbr.rel @p0 .LBB3_19-.Ltmp15, $1  }
0x15c: {  	_ =	sdelay $0x3  }
0x15d: {  	p0 =	slt.s32 s2, $0x1  }
.Ltmp16:
0x15e: {  	_ = 	snop;
	(pc) =	sbr.rel @p0 .LBB3_17-.Ltmp16, $1  }
0x15f: {  	_ =	sdelay $0x3  }
0x160: {  	s0 =	simm.s32 $0xC0;
	p0 =	por $0x0, $0x0  }
0x161: {  	v1 =	vld.msk @!p0 [tilespmem:s0+$0x0], $0x1;
	_ =	sdelay $0x4  }
0x162: {  	(v2sf) =	vpush @!p0 v1, $0x0;
	_ =	sdelay $0xd  }
0x163: {  	p2 =	sne.s32 s2, $0x1  }
.Ltmp17:
0x164: {  	s6 =	spop @!p0 (v2sf);
	(pc) =	sbr.rel @!p2 .LBB3_16-.Ltmp17, $4  }
0x165: {  	p1 =	seq.s32 @!p0 s5, s6  }
0x166: {  	s6 =	simm.s32 $0x0;
	p1 =	por !p1, p0  }
0x167: {  	s8 =	simm.s32 $0xFFFFFFFF;
	s6 =	simm.s32 @p1 $0xFFFFFFFF  }
0x168: {  	s7 =	simm.s32 $0x1;
	s6 =	smov.u32 @p0 s8  }
.LBB3_15:
0x169: {  	s8 =	smov.u32 s6;
	p0 =	sne.s32 s6, $0xFFFFFFFF  }
0x16a: {  	s0 =	sadd.s32 $0x1, s0;
	s6 =	smov.u32 s7;
	s7 =	sadd.s32 $0x1, s7  }
0x16b: {  	p1 =	sne.s32 s2, s7;
	v1 =	vld.msk @!p0 [tilespmem:s0+$0x0], $0x1;
	_ =	sdelay $0x4  }
0x16c: {  	(v2sf) =	vpush @!p0 v1, $0x0;
	_ =	sdelay $0xe  }
.Ltmp18:
0x16d: {  	s9 =	spop @!p0 (v2sf);
	(pc) =	sbr.rel @p1 .LBB3_15-.Ltmp18, $4  }
0x16e: {  	p2 =	seq.s32 @!p0 s5, s9  }
0x16f: {  	p2 =	por !p2, p0  }
0x170: {  	s6 =	simm.s32 @p2 $0xFFFFFFFF  }
0x171: {  	s6 =	smov.u32 @p0 s8  }
.LBB3_16:
0x172: {  	p0 =	sne.s32 s6, $0xFFFFFFFF  }
.Ltmp19:
0x173: {  	_ = 	snop;
	(pc) =	sbr.rel @!p0 .LBB3_17-.Ltmp19, $1  }
0x174: {  	_ =	sdelay $0x3  }
0x175: {  	v0 =	vld.msk [tilespmem:s4+$0xE0], $0x1;
	v1 =	vmov s6  }
.Ltmp20:
0x176: {  	_ = 	snop;
	(pc) =	sbr.rel .LBB3_19-.Ltmp20, $2  }
0x177: {  	_ =	sdelay $0x2  }
0x178: {  	[tilespmem:v1+s3+$0x0], v0 =	vst.idx.ret.add.f32.msk $0x1, v0  }
.LBB3_20:
0x179: {  	p0 =	slt.s32 s2, $0x1  }
.Ltmp21:
0x17a: {  	_ = 	snop;
	(pc) =	sbr.rel @p0 .LBB3_24-.Ltmp21, $3  }
0x17b: {  	_ =	sdelay $0x1  }
0x17c: {  	s0 =	simm.s32 $0x6  }
0x17d: {  	s3 =	simm.s32 $0x0;
	[sflag:s0] =	ssyncpa.u1 $0x1  }
0x17e: {  	s0 =	simm.s32 $0xC0  }
0x17f: {  	v0 =	vld.msk [tilespmem:s0+$0x0], $0x1;
	_ =	sdelay $0x4  }
0x180: {  	(v2sf) =	vpush v0, $0x0;
	_ =	sdelay $0xe  }
0x181: {  	s2 =	sadd.s32 $0xFFFFFFFF, s2;
	s4 =	spop (v2sf)  }
0x182: {  	p1 =	sne.s32 s2, $0x0;
	p0 =	sgt.u32 s4, $0x187FF  }
.Ltmp22:
0x183: {  	s5 =	sshrl.u32 @!p0 s4, $0x3;
	(pc) =	sbr.rel @!p1 .LBB3_23-.Ltmp22, $4  }
0x184: {  	s0 =	simm.s32 $0xE0;
	s4 =	sand.u32 @!p0 $0x7, s4;
	s5 =	sadd.s32 @!p0 s1, s5  }
0x185: {  	[hbm4b:s5+s4] =	stream.linear.scatter @!p0 [tilespmem:s0], [sflag:$0x5], $0x1, $0x38;
	[tilespmem:$0xD410] =	vst v63  }
0x186: {  	s5 =	simm.s32 $0x0  }
0x187: {  	s4 =	simm.s32 $0xC1;
	s5 =	simm.s32 @!p0 $0x4  }
.LBB3_22:
0x188: {  	v0 =	vld.msk [tilespmem:s4+$0x0], $0x1;
	s2 =	sadd.s32 $0xFFFFFFFF, s2;
	s3 =	sadd.s32 s3, s5  }
0x189: {  	p0 =	sne.s32 s2, $0x0;
	_ =	sdelay $0x3  }
0x18a: {  	(v2sf) =	vpush v0, $0x0;
	_ =	sdelay $0xe  }
.Ltmp23:
0x18b: {  	s6 =	spop (v2sf);
	(pc) =	sbr.rel @p0 .LBB3_22-.Ltmp23, $4  }
0x18c: {  	s5 =	simm.s32 $0x0;
	p1 =	sgt.u32 s6, $0x187FF  }
0x18d: {  	s0 =	sadd.s32 $0x1, s0;
	s5 =	simm.s32 @!p1 $0x4;
	s7 =	sshrl.u32 @!p1 s6, $0x3  }
0x18e: {  	s4 =	sadd.s32 $0x1, s4;
	s6 =	sand.u32 @!p1 $0x7, s6;
	s7 =	sadd.s32 @!p1 s1, s7  }
0x18f: {  	[hbm4b:s7+s6] =	stream.linear.scatter @!p1 [tilespmem:s0], [sflag:$0x5], $0x1, $0x38;
	[tilespmem:$0xD410] =	vst v63  }
.LBB3_23:
0x190: {  	s0 =	sadd.s32 s3, s5  }
0x191: {  	s3 =	sshrl.u32 s0, $0x2  }
.LBB3_24:
0x192: {  	s0 =	simm.s32 $0x5  }
0x193: {  	_ =	swait.ge [sflag:s0], s3  }
0x194: {  	s1 =	ssub.s32 $0x0, s3;
	[sflag:s0] =	ssyncset.done $0x0  }
0x195: {  	[sflag:s0] =	ssyncadd.s32 s1  }
0x196: {  	[sflag:s0] =	ssyncpa.u1 $0x1  }
0x197: {  	s29 =	simm.s32 $0x1;
	_ =	sfence  }
0x198: {  	s30 =	simm.s32 $0x2;
	[sflag:s29] =	ssyncpa.u1 $0x1  }
0x199: {  	[sflag:s30] =	ssyncpa.u1 $0x1  }
0x19a: {  	_ =	strace $0x9000004D  }
0x19b: {  	[bflag:$0x2] =	sbarrier.arrive $0xFFFF  }
0x19c: {  	s31 =	rddreg [dreg:$0x1]  }
0x19d: {  	s0 =	sadd.s32 $0x100000, s31  }
0x19e: {  	[sflag:s0] =	ssyncadd.tile.s32 $0x1;
	_ =	shalt  }
.Lfunc_end3:
_tile_overlayer_lowered:
.L_overlay_start_3:
0x19f: {  	(tag) =	ssettag $0x3  }
0x1a0: {  	s0 =	rddreg [dreg:$0x0];
	s2 =	stileid.u32  }
0x1a1: {  	s1 =	rddreg [dreg:$0x1];
	p0 =	sne.s32 s2, $0x0  }
0x1a2: {  	s3 =	rddreg [dreg:$0x2];
	[bflag:$0x3] =	sbarrier.arrive $0xFFFF;
	s2 =	simm.s32 @!p0 $0x1C01  }
0x1a3: {  	[timem:s3], [sflag:s2] =	dma.local @!p0 [hbm:s0], s1  }
0x1a4: {  	s0 =	simm.s32 @!p0 $0x1  }
0x1a5: {  	_ =	swait.ge @!p0 [sflag:s0], s1  }
0x1a6: {  	s1 =	ssub.s32 @!p0 $0x0, s1;
	[sflag:s0] =	ssyncset.done @!p0 $0x0  }
0x1a7: {  	[sflag:s0] =	ssyncadd.s32 @!p0 s1  }
0x1a8: {  	[bflag:$0x3] =	sbarrier.arrive $0xFFFF  }
0x1a9: {  	_ =	shalt  }

// kernel: scatter_offload_async_start.2
scs
__scs_entry_jumppad:
0x0: {  	(pc) =	sbr.rel $0x88, $3  }
0x1: {  	(tag) =	ssettag $0x0;
	lr =	simm.s32 $0x1  }
0x2: {  	[smem:$0x3F90] =	sst lr;
	_ =	strace $0xD0000000  }
0x3: {  	_ = 	snop  }
0x4: {  	_ = 	snop  }
0x5: {  	_ = 	snop  }
0x6: {  	_ = 	snop  }
0x7: {  	_ = 	snop  }
__scs_overlays_trampoline_lowered:
0x8: {  	[smem:$0x3F9F] =	sst s0  }
0x9: {  	[smem:$0x3FA0] =	sst s1  }
0xa: {  	[smem:$0x3FA1] =	sst s2  }
0xb: {  	[smem:$0x3FA2] =	sst s3  }
0xc: {  	[smem:$0x3FA3] =	sst s4  }
0xd: {  	[smem:$0x3FA4] =	sst s5  }
0xe: {  	[smem:$0x3FA5] =	sst s6  }
0xf: {  	[smem:$0x3FA6] =	sst s7  }
0x10: {  	[smem:$0x3FA7] =	sst s8  }
0x11: {  	[smem:$0x3FA8] =	sst s9;
	s0 =	simm.s32 @!p0 $0x0  }
0x12: {  	s1 =	sld [smem:$0x3F8E];
	s0 =	simm.s32 @p0 $0x1  }
0x13: {  	[smem:$0x3FA9] =	sst s0;
	s0 =	simm.s32 @!p1 $0x0  }
0x14: {  	s2 =	sld [smem:$0x3F8D];
	s0 =	simm.s32 @p1 $0x1  }
0x15: {  	[smem:$0x3FAA] =	sst s0;
	s0 =	simm.s32 @!p2 $0x0  }
0x16: {  	s3 =	sld [smem:$0x3FDB];
	s0 =	simm.s32 @p2 $0x1  }
0x17: {  	s4 =	simm.s32 $0x1BF5;
	[smem:$0x3FAC] =	sst s0  }
0x18: {  	s0 =	sld [smem:$0x3F8F];
	_ =	swait.ge [sflag:s4], $0x0  }
0x19: {  	s7 =	sld [smem:$0x3F90]  }
0x1a: {  	s8 =	sadd.s32 $0xFFFFE003, lr  }
0x1b: {  	s9 =	sadd.s32 $0xFFFFFEF7, lr;
	s5 =	simm.s32 $0xFFFFFFFF;
	p2 =	slt.u32 s8, $0xFFFFF086  }
0x1c: {  	p1 =	slt.u32 s9, $0xF7A;
	s5 =	simm.s32 @!p2 $0x0  }
0x1d: {  	s5 =	simm.s32 @p1 $0x1;
	p0 =	seq.s32 s7, s2  }
0x1e: {  	s7 =	smul.u32 @!p0 $0xF7A, s2;
	p2 =	seq.s32 @!p0 s5, $0x0  }
0x1f: {  	s9 =	smul.u32 $0xF7A, s1;
	s8 =	simm.s32 @!p0 $0x1BF5;
	p2 =	por !p2, p0  }
0x20: {  	[sflag:s8] =	ssyncset.s32 @!p0 $0xFFFFF086;
	s6 =	sadd.s32 @!p0 s3, s7;
	s7 =	simm.s32 @!p0 $0x108  }
0x21: {  	s3 =	sadd.s32 s3, s9;
	s6 =	sadd.s32 @!p0 $0x88, s6;
	s7 =	simm.s32 @p2 $0x1082  }
0x22: {  	[simem:s7], [sflag:s8] =	dma.local @!p0 [hbm:s6], $0xF7A  }
0x23: {  	s9 =	sor.u32 $0xD0000000, s2;
	s6 =	simm.s32 $0x108;
	_ =	swait.ge @!p0 [sflag:s8], $0x0  }
0x24: {  	s3 =	sadd.s32 $0x88, s3;
	s6 =	simm.s32 @!p1 $0x1082;
	[sflag:s4] =	ssyncset.s32 $0xFFFFF086  }
0x25: {  	[simem:s6], [sflag:s4] =	dma.local [hbm:s3], $0xF7A  }
0x26: {  	[smem:$0x3F90] =	sst s1;
	(tag) =	ssettag s2;
	_ =	strace s9  }
0x27: {  	s1 =	sld [smem:$0x3FA0]  }
0x28: {  	s2 =	sld [smem:$0x3FA1]  }
0x29: {  	s4 =	sld [smem:$0x3FA3]  }
0x2a: {  	p0 =	seq.s32 s5, $0x0;
	s5 =	sld [smem:$0x3FA4]  }
0x2b: {  	s6 =	sld [smem:$0x3FA5]  }
0x2c: {  	s7 =	sld [smem:$0x3FA6]  }
0x2d: {  	s3 =	simm.s32 $0x108;
	s8 =	sld [smem:$0x3FA7]  }
0x2e: {  	s3 =	simm.s32 @!p0 $0x1082;
	s9 =	sld [smem:$0x3FA8]  }
0x2f: {  	lr =	sadd.s32 s0, s3;
	s0 =	sld [smem:$0x3F9F]  }
0x30: {  	s3 =	sld [smem:$0x3FA2]  }
0x31: {  	[smem:$0x3FAB] =	sst s10  }
0x32: {  	s10 =	sld [smem:$0x3FA9];
	_ =	sdelay $0x3  }
0x33: {  	p0 =	seq.s32 s10, $0x1;
	s10 =	sld [smem:$0x3FAB];
	_ =	sdelay $0x3  }
0x34: {  	[smem:$0x3FAB] =	sst s10  }
0x35: {  	s10 =	sld [smem:$0x3FAA];
	_ =	sdelay $0x3  }
0x36: {  	p1 =	seq.s32 s10, $0x1;
	s10 =	sld [smem:$0x3FAB];
	_ =	sdelay $0x3  }
0x37: {  	[smem:$0x3FAB] =	sst s10  }
0x38: {  	s10 =	sld [smem:$0x3FAC]  }
0x39: {  	_ = 	snop;
	(pc) =	sbr.ind lr, $3  }
0x3a: {  	_ = 	snop  }
0x3b: {  	_ = 	snop  }
0x3c: {  	p2 =	seq.s32 s10, $0x1;
	s10 =	sld [smem:$0x3FAB]  }
0x3d: {  	_ =	shalt  }
0x3e: {  	_ =	shalt  }
0x3f: {  	_ =	shalt  }
0x40: {  	_ =	shalt  }
0x41: {  	_ =	shalt  }
0x42: {  	_ =	shalt  }
0x43: {  	_ =	shalt  }
0x44: {  	_ =	shalt  }
0x45: {  	_ =	shalt  }
0x46: {  	_ =	shalt  }
0x47: {  	_ =	shalt  }
0x48: {  	_ =	shalt  }
0x49: {  	_ =	shalt  }
0x4a: {  	_ =	shalt  }
0x4b: {  	_ =	shalt  }
0x4c: {  	_ =	shalt  }
0x4d: {  	_ =	shalt  }
0x4e: {  	_ =	shalt  }
0x4f: {  	_ =	shalt  }
0x50: {  	_ =	shalt  }
0x51: {  	_ =	shalt  }
0x52: {  	_ =	shalt  }
0x53: {  	_ =	shalt  }
0x54: {  	_ =	shalt  }
0x55: {  	_ =	shalt  }
0x56: {  	_ =	shalt  }
0x57: {  	_ =	shalt  }
0x58: {  	_ =	shalt  }
0x59: {  	_ =	shalt  }
0x5a: {  	_ =	shalt  }
0x5b: {  	_ =	shalt  }
0x5c: {  	_ =	shalt  }
0x5d: {  	_ =	shalt  }
0x5e: {  	_ =	shalt  }
0x5f: {  	_ =	shalt  }
0x60: {  	_ =	shalt  }
0x61: {  	_ =	shalt  }
0x62: {  	_ =	shalt  }
0x63: {  	_ =	shalt  }
0x64: {  	_ =	shalt  }
0x65: {  	_ =	shalt  }
0x66: {  	_ =	shalt  }
0x67: {  	_ =	shalt  }
0x68: {  	_ =	shalt  }
0x69: {  	_ =	shalt  }
0x6a: {  	_ =	shalt  }
0x6b: {  	_ =	shalt  }
0x6c: {  	_ =	shalt  }
0x6d: {  	_ =	shalt  }
0x6e: {  	_ =	shalt  }
0x6f: {  	_ =	shalt  }
0x70: {  	_ =	shalt  }
0x71: {  	_ =	shalt  }
0x72: {  	_ =	shalt  }
0x73: {  	_ =	shalt  }
0x74: {  	_ =	shalt  }
0x75: {  	_ =	shalt  }
0x76: {  	_ =	shalt  }
0x77: {  	_ =	shalt  }
0x78: {  	_ =	shalt  }
0x79: {  	_ =	shalt  }
0x7a: {  	_ =	shalt  }
0x7b: {  	_ =	shalt  }
0x7c: {  	_ =	shalt  }
0x7d: {  	_ =	shalt  }
0x7e: {  	_ =	shalt  }
0x7f: {  	_ =	shalt  }
0x80: {  	_ =	shalt  }
0x81: {  	_ =	shalt  }
0x82: {  	_ =	shalt  }
0x83: {  	_ =	shalt  }
0x84: {  	_ =	shalt  }
0x85: {  	_ =	shalt  }
0x86: {  	_ =	shalt  }
0x87: {  	_ =	shalt  }
.Lfunc_end0:
.L_simem_size_0:
called_computation.2_lowered:
.L_overlay_start_0:
0x88: {  	s2 =	sld [smem:$0x3FD9]  }
0x89: {  	s3 =	sld [smem:$0x3FFE];
	_ =	sdelay $0x1  }
0x8a: {  	s1 =	srdreg.scid  }
0x8b: {  	s0 =	sand.u32 $0x1, s1  }
0x8c: {  	s15 =	sshll.u32 s0, $0xA;
	s2 =	sadd.s32 s3, s2  }
0x8d: {  	s2 =	sadd.s32 s2, s15  }
0x8e: {  	[smem:$0x3FB7] =	sst s2  }
0x8f: {  	_ = 	snop  }
0x90: {  	(tm) =	ssettm $0x1  }
0x91: {  	s16 =	sld [smem:$0x3FFB];
	_ =	sdelay $0x3  }
0x92: {  	_ =	strace s16  }
0x93: {  	s2 =	sld [smem:$0x3FFC];
	_ =	sdelay $0x3  }
0x94: {  	_ =	strace s2  }
0x95: {  	s2 =	sld [smem:$0x3FFD];
	_ =	sdelay $0x3  }
0x96: {  	_ =	strace s2  }
0x97: {  	_ =	strace $0x8FFFFFFF  }
0x98: {  	s17 =	sld [smem:$0x3FDB];
	_ =	sdelay $0x1  }
0x99: {  	s18 =	simm.s32 $_scs_section_size  }
0x9a: {  	s4 =	simm.s32 $_size__tile_overlayer_lowered;
	s5 =	simm.s32 $_tile_overlayer_lowered  }
0x9b: {  	s6 =	simm.s32 $0x1BFF;
	s19 =	sshll.u32 s5, $0x1;
	s3 =	sadd.s32 s18, s17  }
0x9c: {  	s20 =	simm.s32 $0x0;
	s4 =	sshll.u32 s4, $0x1;
	s5 =	sadd.s32 s19, s3  }
0x9d: {  	[timem:s20], [sflag:s6] =	dma.local [hbm:s5], s4  }
0x9e: {  	_ =	swait.ge [sflag:s6], s4  }
0x9f: {  	s4 =	ssub.s32 $0x0, s4;
	[sflag:s6] =	ssyncset.done $0x0  }
0xa0: {  	[sflag:s6] =	ssyncadd.s32 s4;
	_ =	sdelay $0x1  }
0xa1: {  	s21 =	simm.s32 $0x1B8B  }
0xa2: {  	_ =	swait.ge [sflag:s21], $0x1  }
0xa3: {  	[sflag:s21] =	ssyncset.done $0x0  }
0xa4: {  	s22 =	sld [smem:$0x3FFE];
	[sflag:s21] =	ssyncadd.s32 $0xFFFFFFFF  }
0xa5: {  	s24 =	simm.s32 $0x1B8E;
	s23 =	sld [smem:$0x0]  }
0xa6: {  	s25 =	simm.s32 $execute0_lowered;
	[smem:$0x3FD2] =	sst s24  }
0xa7: {  	s6 =	sshll.u32 s25, $0x1;
	_ =	strace $0x80000061;
	[dreg:$0x1] =	wrdreg $0xFFFFFFFF  }
0xa8: {  	s7 =	simm.s32 $_size_execute0_lowered;
	s6 =	sadd.s32 s3, s6;
	[dreg:$0x0] =	wrdreg $0x0  }
0xa9: {  	s7 =	sshll.u32 s7, $0x1;
	[dreg:$0x2] =	wrdreg s6  }
0xaa: {  	[dreg:$0x3] =	wrdreg s7  }
0xab: {  	[dreg:$0x4] =	wrdreg $0xC0  }
0xac: {  	s26 =	simm.s32 $execute1_lowered;
	_ =	task [dreg:s20], $0x5FFFF  }
0xad: {  	s6 =	sshll.u32 s26, $0x1;
	[dreg:$0x1] =	wrdreg $0xFFFFFFFF  }
0xae: {  	s3 =	sadd.s32 s3, s6;
	[dreg:$0x0] =	wrdreg $0x60  }
0xaf: {  	[dreg:$0x2] =	wrdreg s3  }
0xb0: {  	[dreg:$0x3] =	wrdreg s22  }
0xb1: {  	[dreg:$0x4] =	wrdreg $0x9  }
0xb2: {  	_ =	task.clear_ibuf [dreg:s20], $0x5FFFF;
	_ =	strace $0x90000061  }
0xb3: {  	s28 =	simm.s32 $0x9;
	_ =	strace $0x80000063  }
0xb4: {  	_ =	swait.ge [sflag:s28], $0x1  }
0xb5: {  	[sflag:s28] =	ssyncadd.s32 $0xFFFFFFFF  }
0xb6: {  	_ =	strace $0x90000063  }
0xb7: {  	s3 =	sld [smem:$0x0]  }
0xb8: {  	s6 =	sand.u32 $0xFFFFFFFE, s1  }
0xb9: {  	p0 =	sne.s32 s1, s6  }
0xba: {  	s6 =	sshll.u32 @p0 s6, $0xE  }
0xbb: {  	s6 =	sadd.s32 @p0 $0x11BF3, s6;
	s7 =	sshll.u32 @p0 s3, $0x11  }
0xbc: {  	s6 =	sor.u32 @p0 s7, s6  }
0xbd: {  	[sflag:s6] =	ssyncadd.remote.s32 @p0 $0x1;
	_ =	sdelay $0x1  }
0xbe: {  	s6 =	simm.s32 @p0 $0x1BF3  }
0xbf: {  	_ =	swait.eq @p0 [sflag:s6], $0x1  }
0xc0: {  	[sflag:s6] =	ssyncadd.s32 @p0 $0xFFFFFFFF  }
0xc1: {  	s7 =	sshll.u32 @!p0 s1, $0xE  }
0xc2: {  	s7 =	sor.u32 @!p0 $0x4000, s7;
	s6 =	simm.s32 @!p0 $0x1BF3  }
0xc3: {  	s3 =	sshll.u32 @!p0 s3, $0x11;
	s7 =	sadd.s32 @!p0 $0x11BF3, s7;
	_ =	swait.eq @!p0 [sflag:s6], $0x1  }
0xc4: {  	s3 =	sor.u32 @!p0 s3, s7;
	[sflag:s6] =	ssyncadd.s32 @!p0 $0xFFFFFFFF  }
0xc5: {  	[sflag:s3] =	ssyncadd.remote.s32 @!p0 $0x1  }
0xc6: {  	_ =	strace $0x80000064;
	[dreg:$0x1] =	wrdreg $0xFFFFFFFF  }
0xc7: {  	[dreg:$0x0] =	wrdreg $0x2030  }
0xc8: {  	[dreg:$0x2] =	wrdreg s22  }
0xc9: {  	[dreg:$0x3] =	wrdreg s1  }
0xca: {  	[dreg:$0x4] =	wrdreg s23  }
0xcb: {  	[dreg:$0x5] =	wrdreg $0xA  }
0xcc: {  	_ =	task.clear_ibuf [dreg:s20], $0x6FFFF;
	_ =	strace $0x90000064  }
0xcd: {  	s29 =	simm.s32 $0xA;
	_ =	strace $0x80000066  }
0xce: {  	_ =	swait.ge [sflag:s29], $0x1  }
0xcf: {  	[sflag:s29] =	ssyncadd.s32 $0xFFFFFFFF  }
0xd0: {  	_ =	strace $0x90000066  }
0xd1: {  	_ =	sfence  }
0xd2: {  	s30 =	sld [smem:$0x0];
	_ =	sdelay $0x2  }
0xd3: {  	s31 =	sshll.u32 s1, $0xD;
	s1 =	sshrl.u32 s1, $0x2  }
0xd4: {  	s4 =	sand.u32 $0x4000, s31;
	s1 =	sadd.s32 s1, s30  }
0xd5: {  	s0 =	sor.u32 s4, s0;
	s1 =	sshll.u32 s1, $0x11  }
0xd6: {  	s0 =	sor.u32 s1, s0  }
0xd7: {  	s0 =	sadd.s32 $0x8F2B, s0  }
0xd8: {  	[sflag:s0] =	ssyncadd.remote.s32 $0x1  }
0xd9: {  	_ =	sfence.sel $0xFFFF  }
0xda: {  	[dreg:$0x0] =	wrdreg $0xFFFFFFFF;
	(pc) =	sbr.abs _section_cstart, $3  }
0xdb: {  	[dreg:$0x1] =	wrdreg $0xFFFFFFFF  }
0xdc: {  	_ =	task.clear_ibuf [dreg:s20], $0x2FFFF;
	_ =	strace $0x9FFFFFFF  }
0xdd: {  	(tm) =	ssettm $0x7FFFFFFF  }
tec
execute0_lowered:
.L_overlay_start_1:
0x0: {  	(tag) =	ssettag $0x1  }
0x1: {  	s2 =	rddreg [dreg:$0x0]  }
0x2: {  	s4 =	rddreg [dreg:$0x1]  }
0x3: {  	s0 =	rddreg [dreg:$0x2];
	s3 =	stileid.u32  }
0x4: {  	[bflag:$0x3] =	sbarrier.arrive $0xFFFF;
	s1 =	simm.s32 $_size_execute1_lowered;
	s29 =	srdreg.scid  }
0x5: {  	s7 =	simm.s32 $0x2;
	s8 =	simm.s32 $0x0;
	p0 =	sne.s32 s3, $0x0  }
0x6: {  	s1 =	sshll.u32 s1, $0x1;
	s5 =	simm.s32 @!p0 $0x1C3F;
	s6 =	simm.s32 @!p0 $0x4060  }
0x7: {  	[timem:s6], [sflag:s5] =	dma.local @!p0 [hbm:s2], s1  }
0x8: {  	s12 =	simm.s32 $0x0;
	s10 =	simm.s32 $0x0;
	s2 =	sshll.u32 s29, $0x7  }
.Ltmp0:
0x9: {  	s3 =	sshll.u32 s3, $0x8;
	s30 =	sand.u32 $0x80, s2;
	(pc) =	sbr.rel .LBB2_1-.Ltmp0, $4  }
0xa: {  	s11 =	simm.s32 $0x0;
	s5 =	simm.s32 $0x1;
	s3 =	sor.u32 s3, s30  }
0xb: {  	_ =	strace $0x80000062;
	s2 =	sadd.s32 $0x200, s4;
	s31 =	ssub.s32 $0x18680, s3  }
0xc: {  	s4 =	sadd.s32 $0x975000, s4;
	[sflag:s5] =	ssyncpa.u1 $0x0;
	s6 =	sshrl.u32 s31, $0xC  }
0xd: {  	[sflag:s7] =	ssyncpa.u1 $0x0;
	s9 =	smov.u32 s3;
	s7 =	sadd.s32 $0x2, s6  }
.LBB2_4:
0xe: {  	_ = 	snop  }
.LBB2_7:
0xf: {  	_ =	sdelay $0x3  }
0x10: {  	[tilespmem:v0+s16+$0x0 ss:$0x1] =	vst.idx.msk @p1 $0xffff, v2  }
0x11: {  	v56 =	vld.idx.msk [tilespmem:v1+s15+$0x0 ss:$0x1], $0xffff;
	s24 =	sor.u32 $0x70, s15;
	[tilespmem:v0+s17+$0x0 ss:$0x1] =	vst.idx.msk @p1 $0xffff, v4  }
0x12: {  	s25 =	sor.u32 $0x10, s15;
	[tilespmem:v0+s18+$0x0 ss:$0x1] =	vst.idx.msk @p1 $0xffff, v3;
	v57 =	vld.idx.msk [tilespmem:v1+s24+$0x0 ss:$0x1], $0xffff  }
0x13: {  	s26 =	sor.u32 $0x20, s15;
	[tilespmem:v0+s19+$0x0 ss:$0x1] =	vst.idx.msk @p1 $0xffff, v5;
	v58 =	vld.idx.msk [tilespmem:v1+s25+$0x0 ss:$0x1], $0xffff  }
0x14: {  	s28 =	sor.u32 $0x30, s15;
	[tilespmem:v0+s20+$0x0 ss:$0x1] =	vst.idx.msk @p1 $0xffff, v6;
	v59 =	vld.idx.msk [tilespmem:v1+s26+$0x0 ss:$0x1], $0xffff  }
0x15: {  	s29 =	sor.u32 $0x40, s15;
	[tilespmem:v0+s21+$0x0 ss:$0x1] =	vst.idx.msk @p1 $0xffff, v7;
	v60 =	vld.idx.msk [tilespmem:v1+s28+$0x0 ss:$0x1], $0xffff  }
0x16: {  	s30 =	sor.u32 $0x50, s15;
	v61 =	vld.idx.msk [tilespmem:v1+s29+$0x0 ss:$0x1], $0xffff;
	[tilespmem:v0+s15+$0x0 ss:$0x1] =	vst.idx.msk $0xffff, v56  }
0x17: {  	s31 =	sor.u32 $0x60, s15;
	v62 =	vld.idx.msk [tilespmem:v1+s30+$0x0 ss:$0x1], $0xffff;
	[tilespmem:v0+s24+$0x0 ss:$0x1] =	vst.idx.msk $0xffff, v57  }
0x18: {  	v63 =	vld.idx.msk [tilespmem:v1+s31+$0x0 ss:$0x1], $0xffff;
	[tilespmem:v0+s25+$0x0 ss:$0x1] =	vst.idx.msk $0xffff, v58  }
0x19: {  	[tilespmem:v0+s26+$0x0 ss:$0x1] =	vst.idx.msk $0xffff, v59  }
0x1a: {  	[tilespmem:v0+s28+$0x0 ss:$0x1] =	vst.idx.msk $0xffff, v60  }
0x1b: {  	[tilespmem:v0+s29+$0x0 ss:$0x1] =	vst.idx.msk $0xffff, v61  }
0x1c: {  	[tilespmem:v0+s30+$0x0 ss:$0x1] =	vst.idx.msk $0xffff, v62  }
0x1d: {  	[tilespmem:v0+s31+$0x0 ss:$0x1] =	vst.idx.msk $0xffff, v63  }
.LBB2_8:
0x1e: {  	s15 =	sand.u32 $0x1FFFFFF, s10  }
0x1f: {  	s16 =	smulhi.u32 $0x14F8B59, s15;
	_ =	sdelay $0x1  }
0x20: {  	s16 =	sshrl.u32 s16, $0x9  }
0x21: {  	s16 =	smul.u32 $0x186A0, s16;
	_ =	sdelay $0x1  }
0x22: {  	s15 =	ssub.s32 s15, s16  }
0x23: {  	s15 =	sshll.u32 s15, $0x4  }
0x24: {  	s15 =	sadd.s32 s4, s15  }
0x25: {  	[hbm4b:s15+s8] =	stream.linear.scatter [tilespmem:s14], [sflag:$0x2], s13, $0x38;
	[tilespmem:$0x10000] =	vst v63  }
.LBB2_9:
0x26: {  	p1 =	slt.u32 s11, $0x2  }
0x27: {  	p2 =	sgt.s32 @!p1 s12, $0x18620  }
0x28: {  	s13 =	smov.u32 s12;
	s14 =	sshra.s32 @!p1 s12, $0x1F;
	p2 =	por !p2, p1  }
0x29: {  	s12 =	sand.u32 @!p1 s14, s12;
	s13 =	simm.s32 @p2 $0x18620  }
0x2a: {  	s12 =	ssub.s32 @!p1 s13, s12  }
0x2b: {  	s12 =	sadd.s32 @!p1 $0xFFFE79E0, s12  }
0x2c: {  	s13 =	sshll.u32 @!p1 s12, $0x9  }
0x2d: {  	p2 =	sgt.s32 @!p1 s12, $0x7F;
	s12 =	ssub.s32 @!p1 $0x10000, s13  }
0x2e: {  	s14 =	sadd.s32 $0x1000, s9;
	p2 =	por !p2, p1;
	s12 =	sshrl.u32 @!p1 s12, $0x2  }
0x2f: {  	s12 =	simm.s32 @!p2 $0x0;
	p2 =	sgt.s32 s14, $0x1869F  }
0x30: {  	s14 =	smov.u32 @p2 s3;
	p2 =	sne.s32 s11, s7  }
.Ltmp1:
0x31: {  	_ = 	snop;
	(pc) =	sbr.rel @!p2 .LBB2_10-.Ltmp1, $4  }
0x32: {  	s13 =	simm.s32 @!p1 $0x2  }
0x33: {  	_ =	swait.ge @!p1 [sflag:s13], s12;
	s15 =	ssub.s32 @!p1 $0x0, s12  }
0x34: {  	s12 =	smov.u32 s10;
	s11 =	sadd.s32 $0x1, s11;
	[sflag:s13] =	ssyncset.done @!p1 $0x0  }
0x35: {  	s10 =	smov.u32 s9;
	s9 =	smov.u32 s14;
	[sflag:s13] =	ssyncadd.s32 @!p1 s15  }
.LBB2_1:
0x36: {  	p1 =	sgt.u32 s11, s6  }
0x37: {  	s13 =	sand.u32 @!p1 $0x1FFFFFF, s9  }
0x38: {  	p2 =	sgt.s32 @!p1 s9, $0x18620;
	s14 =	smulhi.u32 @!p1 $0x14F8B59, s13  }
0x39: {  	s15 =	smov.u32 s9;
	s16 =	sshra.s32 @!p1 s9, $0x1F;
	p2 =	por !p2, p1  }
0x3a: {  	s16 =	sand.u32 @!p1 s16, s9;
	s15 =	simm.s32 @p2 $0x18620;
	s14 =	sshrl.u32 @!p1 s14, $0x9  }
0x3b: {  	s15 =	ssub.s32 @!p1 s15, s16;
	s14 =	smul.u32 @!p1 $0x186A0, s14  }
0x3c: {  	s16 =	sxor.u32 @!p1 $0xFFFFFFFF, s11;
	s15 =	sadd.s32 @!p1 $0xFFFE79E0, s15  }
0x3d: {  	s16 =	sshll.u32 @!p1 s16, $0xE;
	s13 =	ssub.s32 @!p1 s13, s14;
	s14 =	sshll.u32 @!p1 s15, $0x9  }
0x3e: {  	s16 =	sand.u32 @!p1 $0x4000, s16;
	p2 =	sgt.s32 @!p1 s15, $0x7F;
	s14 =	ssub.s32 @!p1 $0x10000, s14  }
0x3f: {  	p2 =	por !p2, p1;
	s13 =	sshll.u32 @!p1 s13, $0x4;
	s14 =	sshrl.u32 @!p1 s14, $0x2  }
0x40: {  	s15 =	simm.s32 @!p1 $0x0;
	s13 =	sadd.s32 @!p1 s2, s13;
	s14 =	simm.s32 @!p2 $0x0  }
0x41: {  	[tilespmem:s16], [sflag:$0x1] =	stream.linear.gather @!p1 [hbm4b:s13+s15], s14, $0x38;
	[tilespmem:$0x10000] =	vst v63  }
0x42: {  	p1 =	seq.s32 s11, $0x0  }
0x43: {  	p2 =	sge.u32 @!p1 s11, s7  }
0x44: {  	p1 =	por p1, p2  }
.Ltmp2:
0x45: {  	_ = 	snop;
	(pc) =	sbr.rel @p1 .LBB2_9-.Ltmp2, $1  }
0x46: {  	_ =	sdelay $0x3  }
0x47: {  	p1 =	sgt.s32 s10, $0x18620;
	s13 =	smov.u32 s10;
	s14 =	sshra.s32 s10, $0x1F  }
0x48: {  	s13 =	simm.s32 @!p1 $0x18620;
	s14 =	sand.u32 s14, s10  }
0x49: {  	s13 =	ssub.s32 s13, s14  }
0x4a: {  	s13 =	sadd.s32 $0xFFFE79E0, s13  }
0x4b: {  	s31 =	sshll.u32 s13, $0x9  }
0x4c: {  	s14 =	ssub.s32 $0x10000, s31  }
0x4d: {  	p1 =	sgt.s32 s13, $0x7F;
	s13 =	sshrl.u32 s14, $0x2;
	s14 =	sadd.s32 $0x80, s10  }
0x4e: {  	s13 =	simm.s32 @p1 $0x0;
	p1 =	slt.s32 s14, $0x186A0  }
0x4f: {  	s14 =	simm.s32 @!p1 $0x186A0  }
0x50: {  	s16 =	ssub.s32 s14, s10  }
0x51: {  	p1 =	slt.s32 s16, $0x1  }
.Ltmp3:
0x52: {  	_ = 	snop;
	(pc) =	sbr.rel @p1 .LBB2_8-.Ltmp3, $4  }
0x53: {  	_ = 	snop  }
0x54: {  	s15 =	sshll.u32 s11, $0xE;
	_ =	swait.ge [sflag:s5], s13  }
0x55: {  	s15 =	sand.u32 $0x4000, s15;
	s17 =	ssub.s32 $0x0, s13;
	[sflag:s5] =	ssyncset.done $0x0  }
0x56: {  	s14 =	sor.u32 $0x8000, s15;
	[sflag:s5] =	ssyncadd.s32 s17  }
0x57: {  	p2 =	sne.s32 s16, $0x1  }
.Ltmp4:
0x58: {  	v1 =	vmov s15;
	v0 =	vmov s14;
	(pc) =	sbr.rel @!p2 .LBB2_4-.Ltmp4, $3  }
0x59: {  	_ =	sdelay $0x1  }
0x5a: {  	s17 =	simm.s32 $0x0  }
0x5b: {  	s23 =	sadd.s32 $0xFFFFFFFF, s16;
	p1 =	por $0x0, $0x0;
	s15 =	sand.u32 $0x3F80, s17  }
0x5c: {  	_ =	sdelay $0x3  }
0x5d: {  	v6 =	vld.idx.msk [tilespmem:v1+s15+$0x0 ss:$0x1], $0xffff;
	s24 =	sor.u32 $0x70, s15  }
0x5e: {  	s16 =	sor.u32 $0x10, s15;
	v8 =	vld.idx.msk [tilespmem:v1+s24+$0x0 ss:$0x1], $0xffff  }
0x5f: {  	s17 =	sor.u32 $0x20, s15;
	p2 =	sne.s32 s23, $0x1;
	v2 =	vld.idx.msk [tilespmem:v1+s16+$0x0 ss:$0x1], $0xffff  }
.Ltmp5:
0x60: {  	s18 =	sor.u32 $0x30, s15;
	v4 =	vld.idx.msk [tilespmem:v1+s17+$0x0 ss:$0x1], $0xffff;
	(pc) =	sbr.rel @!p2 .LBB2_7-.Ltmp5, $4  }
0x61: {  	s19 =	sor.u32 $0x40, s15;
	v3 =	vld.idx.msk [tilespmem:v1+s18+$0x0 ss:$0x1], $0xffff  }
0x62: {  	s21 =	sor.u32 $0x60, s15;
	v5 =	vld.idx.msk [tilespmem:v1+s19+$0x0 ss:$0x1], $0xffff  }
0x63: {  	s20 =	sor.u32 $0x50, s15;
	s22 =	simm.s32 $0x80;
	v7 =	vld.idx.msk [tilespmem:v1+s21+$0x0 ss:$0x1], $0xffff;
	[tilespmem:v0+s15+$0x0 ss:$0x1] =	vst.idx.msk $0xffff, v6  }
0x64: {  	s23 =	sadd.s32 $0xFFFFFFFF, s23;
	p1 =	por $0x1, $0x1;
	v6 =	vld.idx.msk [tilespmem:v1+s20+$0x0 ss:$0x1], $0xffff;
	s15 =	sand.u32 $0x3F80, s22;
	[tilespmem:v0+s24+$0x0 ss:$0x1] =	vst.idx.msk $0xffff, v8  }
.LBB2_6:
0x65: {  	p2 =	sne.s32 s23, $0x1;
	v8 =	vld.idx.msk [tilespmem:v1+s15+$0x0 ss:$0x1], $0xffff;
	s24 =	sor.u32 $0x70, s15;
	[tilespmem:v0+s16+$0x0 ss:$0x1] =	vst.idx.msk $0xffff, v2;
	s16 =	sor.u32 $0x10, s15  }
0x66: {  	s25 =	sor.u32 $0x30, s15;
	s26 =	sor.u32 $0x40, s15;
	v9 =	vld.idx.msk [tilespmem:v1+s24+$0x0 ss:$0x1], $0xffff;
	[tilespmem:v0+s17+$0x0 ss:$0x1] =	vst.idx.msk $0xffff, v4;
	s17 =	sor.u32 $0x20, s15  }
0x67: {  	s28 =	sor.u32 $0x50, s15;
	s29 =	sor.u32 $0x60, s15;
	v2 =	vld.idx.msk [tilespmem:v1+s16+$0x0 ss:$0x1], $0xffff;
	[tilespmem:v0+s18+$0x0 ss:$0x1] =	vst.idx.msk $0xffff, v3;
	s18 =	smov.u32 s25  }
.Ltmp6:
0x68: {  	v4 =	vld.idx.msk [tilespmem:v1+s17+$0x0 ss:$0x1], $0xffff;
	[tilespmem:v0+s19+$0x0 ss:$0x1] =	vst.idx.msk $0xffff, v5;
	s19 =	smov.u32 s26;
	(pc) =	sbr.rel @p2 .LBB2_6-.Ltmp6, $4  }
0x69: {  	v3 =	vld.idx.msk [tilespmem:v1+s18+$0x0 ss:$0x1], $0xffff;
	[tilespmem:v0+s20+$0x0 ss:$0x1] =	vst.idx.msk $0xffff, v6;
	s20 =	smov.u32 s28  }
0x6a: {  	v5 =	vld.idx.msk [tilespmem:v1+s19+$0x0 ss:$0x1], $0xffff;
	[tilespmem:v0+s21+$0x0 ss:$0x1] =	vst.idx.msk $0xffff, v7;
	s21 =	smov.u32 s29  }
0x6b: {  	s22 =	sadd.s32 $0x80, s22;
	[tilespmem:v0+s15+$0x0 ss:$0x1] =	vst.idx.msk $0xffff, v8;
	v6 =	vld.idx.msk [tilespmem:v1+s20+$0x0 ss:$0x1], $0xffff  }
0x6c: {  	s23 =	sadd.s32 $0xFFFFFFFF, s23;
	s15 =	sand.u32 $0x3F80, s22;
	v7 =	vld.idx.msk [tilespmem:v1+s21+$0x0 ss:$0x1], $0xffff;
	[tilespmem:v0+s24+$0x0 ss:$0x1] =	vst.idx.msk $0xffff, v9  }
.Ltmp7:
0x6d: {  	_ = 	snop;
	(pc) =	sbr.rel .LBB2_7-.Ltmp7, $1  }
0x6e: {  	_ =	sdelay $0x3  }
.LBB2_10:
0x6f: {  	_ =	sfence.sel $0x180000  }
0x70: {  	s2 =	simm.s32 $0x1;
	[bflag:$0x0] =	sbarrier.arrive $0xFFFF  }
0x71: {  	s31 =	simm.s32 $0x2;
	[sflag:s2] =	ssyncpa.u1 $0x1  }
0x72: {  	[sflag:s31] =	ssyncpa.u1 $0x1  }
0x73: {  	_ =	strace $0x90000062  }
0x74: {  	s0 =	sadd.s32 @!p0 $0x100000, s0;
	[bflag:$0x2] =	sbarrier.arrive $0xFFFF  }
0x75: {  	[sflag:s0] =	ssyncadd.tile.s32 @!p0 $0x1;
	s0 =	simm.s32 @!p0 $0x3F  }
0x76: {  	_ =	swait.ge @!p0 [sflag:s0], s1  }
0x77: {  	s1 =	ssub.s32 @!p0 $0x0, s1;
	[sflag:s0] =	ssyncset.done @!p0 $0x0  }
0x78: {  	[sflag:s0] =	ssyncadd.s32 @!p0 s1  }
0x79: {  	[bflag:$0x3] =	sbarrier.arrive $0xFFFF  }
0x7a: {  	_ =	shalt  }
.Lfunc_end2:
execute1_lowered:
.L_overlay_start_2:
0x7b: {  	(tag) =	ssettag $0x2  }
0x7c: {  	s0 =	rddreg [dreg:$0x0]  }
0x7d: {  	s2 =	rddreg [dreg:$0x1];
	_ =	strace $0x80000065;
	s1 =	simm.s32 $0x1  }
0x7e: {  	s9 =	simm.s32 $0x108;
	v0 =	vimm.s32 $0x0;
	[sflag:s1] =	ssyncpa.u1 $0x0  }
0x7f: {  	[tilespmem:s9+$0x70] =	vst v0  }
0x80: {  	[tilespmem:s9+$0x60] =	vst v0  }
0x81: {  	[tilespmem:s9+$0x50] =	vst v0  }
0x82: {  	[tilespmem:s9+$0x40] =	vst v0  }
0x83: {  	[tilespmem:s9+$0x30] =	vst v0  }
0x84: {  	s1 =	sadd.s32 $0x975000, s0;
	s15 =	sadd.s32 $0x962800, s0;
	s6 =	sadd.s32 $0xE0C000, s0;
	[tilespmem:s9+$0x20] =	vst v0  }
0x85: {  	s14 =	sadd.s32 $0x96BC00, s0;
	s5 =	sand.u32 $0x1, s2;
	s0 =	simm.s32 $0x40;
	[tilespmem:s9+$0x10] =	vst v0  }
.LBB3_1:
0x86: {  	s0 =	sadd.s32 $0x40, s0;
	[tilespmem:s9+$0x0] =	vst v0;
	s9 =	sadd.s32 $0x80, s9  }
0x87: {  	p0 =	slt.u32 s0, $0x3C40;
	[tilespmem:s9+$0x70] =	vst v0  }
0x88: {  	[tilespmem:s9+$0x60] =	vst v0  }
.Ltmp8:
0x89: {  	[tilespmem:s9+$0x50] =	vst v0;
	(pc) =	sbr.rel @p0 .LBB3_1-.Ltmp8, $4  }
0x8a: {  	[tilespmem:s9+$0x40] =	vst v0  }
0x8b: {  	[tilespmem:s9+$0x30] =	vst v0  }
0x8c: {  	[tilespmem:s9+$0x20] =	vst v0  }
0x8d: {  	[tilespmem:s9+$0x10] =	vst v0  }
0x8e: {  	s16 =	stileid.u32  }
0x8f: {  	s0 =	simm.s32 $0x1;
	p0 =	sne.s32 s16, $0x0;
	s2 =	smul.u32 $0x27, s16  }
0x90: {  	s0 =	simm.s32 @!p0 $0x0  }
0x91: {  	s0 =	sadd.s32 s0, s2  }
0x92: {  	p1 =	seq.s32 s16, $0x0;
	s7 =	smul.u32 $0xF0, s0;
	s0 =	simm.s32 $0x2580  }
0x93: {  	s0 =	simm.s32 @!p1 $0x2490  }
0x94: {  	s0 =	sadd.s32 s0, s7  }
0x95: {  	s8 =	smin.u32 s0, $0x249F0  }
0x96: {  	s0 =	ssub.s32 s8, s7  }
0x97: {  	p1 =	sgt.s32 s0, $0x0  }
0x98: {  	s3 =	simm.s32 $0x2;
	s10 =	simm.s32 $0x9;
	s0 =	simm.s32 @!p1 $0x0  }
0x99: {  	s4 =	simm.s32 $0xA;
	s11 =	simm.s32 $0xB;
	s29 =	smulhi.u32 $0x88888889, s0  }
0x9a: {  	[dreg:$0x4] =	wrdreg s5;
	s31 =	smul.u32 $0x493E, s5;
	s12 =	simm.s32 $0x1  }
0x9b: {  	s22 =	simm.s32 $0x0;
	s18 =	simm.s32 $0xC;
	s2 =	sshrl.u32 s29, $0x7  }
0x9c: {  	s20 =	simm.s32 $0x0;
	s21 =	simm.s32 $0x0;
	s30 =	smul.u32 $0xF0, s2  }
.Ltmp9:
0x9d: {  	[tilespmem:s9+$0x0] =	vst v0;
	v0 =	vimm.s32 $0xFFFFFFFF;
	[sflag:s3] =	ssyncpa.u1 $0x0;
	s16 =	sshll.u32 s16, $0x8;
	(pc) =	sbr.rel .LBB3_3-.Ltmp9, $4  }
0x9e: {  	[tilespmem:$0xF208] =	vst v0;
	[sflag:s10] =	ssyncpa.u1 $0x0;
	p1 =	sne.s32 s0, s30;
	s0 =	simm.s32 $0x1  }
0x9f: {  	s14 =	sadd.s32 s31, s14;
	[sflag:s4] =	ssyncpa.u1 $0x0;
	s0 =	simm.s32 @!p1 $0x0  }
0xa0: {  	s15 =	sadd.s32 s31, s15;
	[sflag:s11] =	ssyncpa.u1 $0x0;
	s13 =	sadd.s32 s0, s2  }
0xa1: {  	v0 =	vlaneseq.u32;
	s19 =	smov.u32 s7;
	p1 =	por $0x0, $0x0;
	s17 =	sadd.s32 $0x1, s13  }
.LBB3_18:
0xa2: {  	s0 =	sshrl.u32 s31, $0x2  }
.LBB3_20:
0xa3: {  	_ =	swait.ge [sflag:s18], s0  }
0xa4: {  	s31 =	ssub.s32 $0x0, s0;
	v1 =	vmov s24;
	vm0 =	veq.s32 v0, $0x0;
	[sflag:s18] =	ssyncset.done $0x0  }
0xa5: {  	vm15 =	veq.s32 v0, $0x2;
	v1 =	vsel vm0, s30, v1;
	[sflag:s18] =	ssyncadd.s32 s31  }
0xa6: {  	v1 =	vsel vm15, s22, v1;
	[sflag:s18] =	ssyncpa.u1 $0x1  }
0xa7: {  	[tilespmem:$0xF208] =	vst v1  }
.LBB3_21:
0xa8: {  	s0 =	sadd.s32 $0xF0, s19  }
0xa9: {  	s2 =	smov.u32 s7;
	p2 =	slt.s32 s0, s8  }
0xaa: {  	s2 =	smov.u32 @p2 s0;
	p2 =	sne.s32 s21, s17  }
.Ltmp10:
0xab: {  	_ = 	snop;
	(pc) =	sbr.rel @!p2 .LBB3_22-.Ltmp10, $3  }
0xac: {  	_ =	sdelay $0x1  }
0xad: {  	s22 =	smov.u32 s20;
	s31 =	sadd.s32 $0x1, s21;
	s20 =	smov.u32 s19  }
0xae: {  	p1 =	por !p1, !p1;
	s21 =	smov.u32 s31;
	s19 =	smov.u32 s2  }
.LBB3_3:
0xaf: {  	p2 =	sge.u32 s21, s13  }
0xb0: {  	s0 =	smulhi.u32 @!p2 $0xAAAAAAAB, s21  }
0xb1: {  	s2 =	smov.u32 s19;
	p3 =	sgt.s32 @!p2 s19, $0x24900  }
0xb2: {  	s3 =	sshra.s32 @!p2 s19, $0x1F;
	p3 =	por !p3, p2;
	s0 =	sshrl.u32 @!p2 s0, $0x1  }
0xb3: {  	s3 =	sand.u32 @!p2 s3, s19;
	s2 =	simm.s32 @p3 $0x24900;
	s0 =	smul.u32 @!p2 $0x3, s0  }
0xb4: {  	s2 =	ssub.s32 @!p2 s2, s3  }
0xb5: {  	s2 =	sadd.s32 @!p2 $0xFFFDB700, s2;
	s0 =	ssub.s32 @!p2 s21, s0  }
0xb6: {  	s3 =	sshll.u32 @!p2 s2, $0x2;
	p3 =	sgt.s32 @!p2 s2, $0xEF;
	s0 =	smul.u32 @!p2 $0x3C0, s0  }
0xb7: {  	s4 =	sand.u32 @!p2 $0x7, s19;
	s2 =	ssub.s32 @!p2 $0x3C0, s3;
	p3 =	por !p3, p2  }
0xb8: {  	s3 =	sshrl.u32 @!p2 s19, $0x3;
	s2 =	sshrl.u32 @!p2 s2, $0x2;
	s0 =	sshrl.u32 @!p2 s0, $0x2  }
0xb9: {  	s3 =	sadd.s32 @!p2 s3, s14;
	s2 =	simm.s32 @!p3 $0x0;
	s0 =	sadd.s32 @!p2 $0x10248, s0  }
0xba: {  	[tilespmem:s0], [sflag:$0xA] =	stream.linear.gather @!p2 [hbm4b:s3+s4], s2, $0x38;
	[tilespmem:$0x1F6F8] =	vst v63  }
0xbb: {  	s0 =	sadd.s32 $0xFFFFFFFF, s21  }
0xbc: {  	p2 =	sge.u32 s0, s13  }
0xbd: {  	p3 =	sgt.s32 @!p2 s20, $0x24900  }
0xbe: {  	s2 =	smov.u32 s20;
	s3 =	sshra.s32 @!p2 s20, $0x1F;
	p3 =	por !p3, p2  }
0xbf: {  	s3 =	sand.u32 @!p2 s3, s20;
	s2 =	simm.s32 @p3 $0x24900  }
0xc0: {  	s2 =	ssub.s32 @!p2 s2, s3  }
0xc1: {  	s2 =	sadd.s32 @!p2 $0xFFFDB700, s2  }
0xc2: {  	s4 =	smulhi.u32 @!p2 $0xAAAAAAAB, s0;
	s5 =	sand.u32 @!p2 $0x1, s0;
	s3 =	sshll.u32 @!p2 s2, $0x2  }
0xc3: {  	s24 =	smul.u32 @!p2 $0x3C0, s5;
	p3 =	sgt.s32 @!p2 s2, $0xEF;
	s2 =	ssub.s32 @!p2 $0x3C0, s3  }
0xc4: {  	p3 =	por !p3, p2;
	s3 =	sshrl.u32 @!p2 s4, $0x1;
	s2 =	sshrl.u32 @!p2 s2, $0x2  }
0xc5: {  	s4 =	simm.s32 @!p2 $0xA;
	s3 =	smul.u32 @!p2 $0x3, s3;
	s2 =	simm.s32 @!p3 $0x0  }
0xc6: {  	s5 =	smul.u32 @!p2 $0x1E000, s5;
	_ =	swait.ge @!p2 [sflag:s4], s2;
	s23 =	ssub.s32 @!p2 $0x0, s2  }
0xc7: {  	s0 =	ssub.s32 @!p2 s0, s3;
	s3 =	sshrl.u32 @!p2 s20, $0x3;
	[sflag:s4] =	ssyncset.done @!p2 $0x0  }
0xc8: {  	s3 =	sadd.s32 @!p2 s3, s15;
	[sflag:s4] =	ssyncadd.s32 @!p2 s23;
	s4 =	sshrl.u32 @!p2 s24, $0x2  }
0xc9: {  	s0 =	smul.u32 @!p2 $0x3C0, s0;
	s23 =	sand.u32 @!p2 $0x7, s20;
	s4 =	sadd.s32 @!p2 $0x10518, s4  }
0xca: {  	[tilespmem:s4], [sflag:$0xB] =	stream.linear.gather @!p2 [hbm4b:s3+s23], s2, $0x38;
	[tilespmem:$0x1F6F8] =	vst v63  }
0xcb: {  	s0 =	sshrl.u32 @!p2 s0, $0x2;
	s2 =	sshrl.u32 @!p2 s5, $0x2  }
0xcc: {  	s0 =	sadd.s32 @!p2 $0x10248, s0;
	s3 =	simm.s32 @!p2 $0xF0;
	s2 =	sor.u32 @!p2 $0x106F8, s2  }
0xcd: {  	[tilespmem:s2], [sflag:$0x9] =	stream.indirect.gather @!p2 [hbm4b:s6+s3], $0x80, s0, s3, $0xb8;
	[tilespmem:$0x1F6F8] =	vst v63  }
0xce: {  	p2 =	slt.u32 s21, $0x2  }
.Ltmp11:
0xcf: {  	_ = 	snop;
	(pc) =	sbr.rel @p2 .LBB3_21-.Ltmp11, $1  }
0xd0: {  	_ =	sdelay $0x3  }
0xd1: {  	p2 =	sgt.s32 s22, $0x24900;
	s0 =	smov.u32 s22;
	s2 =	sshra.s32 s22, $0x1F  }
0xd2: {  	s0 =	simm.s32 @!p2 $0x24900;
	s2 =	sand.u32 s2, s22  }
0xd3: {  	s0 =	ssub.s32 s0, s2  }
0xd4: {  	s0 =	sadd.s32 $0xFFFDB700, s0  }
0xd5: {  	s29 =	sshll.u32 s0, $0x2  }
0xd6: {  	_ =	swait.ge [sflag:s10], $0x7800;
	s2 =	ssub.s32 $0x3C0, s29  }
0xd7: {  	[sflag:s10] =	ssyncset.done $0x0;
	p2 =	sgt.s32 s0, $0xEF;
	s0 =	sshrl.u32 s2, $0x2  }
0xd8: {  	[sflag:s10] =	ssyncadd.s32 $0xFFFF8800;
	s0 =	simm.s32 @p2 $0x0  }
0xd9: {  	_ =	swait.ge [sflag:s11], s0  }
0xda: {  	s0 =	ssub.s32 $0x0, s0;
	[sflag:s11] =	ssyncset.done $0x0  }
0xdb: {  	[sflag:s11] =	ssyncadd.s32 s0  }
0xdc: {  	v1 =	vld [tilespmem:$0xF208];
	_ =	sdelay $0x4  }
0xdd: {  	(v2sf) =	vpush v1, $0x0  }
0xde: {  	(v2sf) =	vpush v1, $0x1  }
0xdf: {  	(v2sf) =	vpush v1, $0x2;
	_ =	sdelay $0x3  }
0xe0: {  	s0 =	sadd.s32 $0xF0, s22  }
0xe1: {  	s2 =	ssub.s32 $0x493E0, s22;
	p2 =	slt.s32 s8, s0  }
0xe2: {  	s0 =	smov.u32 @p2 s8;
	p2 =	sgt.s32 s2, $0x0  }
0xe3: {  	s26 =	ssub.s32 s0, s22;
	s2 =	simm.s32 @!p2 $0x0  }
0xe4: {  	p2 =	slt.s32 s2, s26  }
0xe5: {  	s26 =	smov.u32 @p2 s2  }
0xe6: {  	s25 =	simm.s32 $0x1;
	p2 =	slt.s32 s26, $0x1  }
.Ltmp12:
0xe7: {  	s25 =	simm.s32 @!p1 $0x0;
	(pc) =	sbr.rel @p2 .LBB3_8-.Ltmp12, $4  }
0xe8: {  	s31 =	smul.u32 $0x3C0, s25  }
0xe9: {  	s28 =	spop (v2sf)  }
0xea: {  	s0 =	sshrl.u32 s31, $0x2;
	s30 =	spop (v2sf)  }
0xeb: {  	s23 =	sadd.s32 $0x10518, s0;
	s22 =	spop (v2sf)  }
0xec: {  	s0 =	smin.u32 s26, $0x10  }
0xed: {  	v1 =	vmov s0  }
0xee: {  	p3 =	sgt.s32 s26, $0x10;
	vm1 =	vgt.u32 v1, v0  }
.Ltmp13:
0xef: {  	_ = 	snop;
	(pc) =	sbr.rel @!p3 .LBB3_7-.Ltmp13, $2  }
0xf0: {  	_ =	sdelay $0x2  }
0xf1: {  	s4 =	simm.s32 $0x10;
	s24 =	sadd.s32 $0xFFFFFFF0, s26;
	s0 =	smov.u32 s23;
	vm0 =	vmmov vm1  }
.LBB3_6:
0xf2: {  	s2 =	smin.u32 s24, $0x10;
	s4 =	sadd.s32 $0x10, s4;
	v1 =	vld.msk [tilespmem:s0+$0x0 ss:$0x1], vm1  }
0xf3: {  	v2 =	vmov s2;
	p3 =	slt.s32 s4, s26  }
0xf4: {  	vm1 =	vgt.u32 v2, v0  }
.Ltmp14:
0xf5: {  	(pc) =	sbr.rel @p3 .LBB3_6-.Ltmp14, $3  }
0xf6: {  	_ =	sdelay $0x1  }
0xf7: {  	v1 =	vshll.u32 v1, $0x4  }
0xf8: {  	s24 =	sadd.s32 $0xFFFFFFF0, s24;
	[tilespmem:s0+$0x0] =	vst.msk vm0, v1;
	s0 =	sadd.s32 $0x10, s0;
	vm0 =	vmmov vm1  }
.LBB3_7:
0xf9: {  	_ =	sdelay $0x4  }
0xfa: {  	v1 =	vld.msk [tilespmem:s0+$0x0 ss:$0x1], vm1;
	_ =	sdelay $0x4  }
0xfb: {  	v1 =	vshll.u32 v1, $0x4  }
0xfc: {  	[tilespmem:s0+$0x0] =	vst.msk vm0, v1  }
.LBB3_8:
0xfd: {  	s0 =	sand.u32 $0x1, s21  }
0xfe: {  	s0 =	smul.u32 $0xF0, s0  }
0xff: {  	p3 =	sne.s32 s30, $0xFFFFFFFF  }
0x100: {  	v1 =	vld.msk @!p3 [tilespmem:s0+$0x10518], $0x1;
	_ =	sdelay $0x4  }
0x101: {  	(v2sf) =	vpush @!p3 v1, $0x0;
	_ =	sdelay $0xc  }
.Ltmp15:
0x102: {  	_ = 	snop;
	(pc) =	sbr.rel @p2 .LBB3_19-.Ltmp15, $4  }
0x103: {  	_ = 	snop  }
0x104: {  	s29 =	spop @!p3 (v2sf)  }
0x105: {  	s22 =	simm.s32 @!p3 $0x0;
	s24 =	smov.u32 s29  }
0x106: {  	[sflag:s18] =	ssyncpa.u1 $0x0;
	s29 =	smov.u32 @p3 s28;
	s24 =	smov.u32 @p3 s30  }
0x107: {  	v1 =	vld.msk [tilespmem:s23+$0x0], $0x1;
	_ =	sdelay $0x4  }
0x108: {  	(v2sf) =	vpush v1, $0x0;
	_ =	sdelay $0xe  }
0x109: {  	s2 =	smul.u32 $0x1E000, s25;
	s0 =	spop (v2sf)  }
0x10a: {  	s26 =	ssub.s32 $0x0, s26;
	p2 =	seq.s32 s29, s0  }
0x10b: {  	s30 =	sadd.s32 $0x1, s26;
	s2 =	sshrl.u32 s2, $0x2;
	p3 =	sgt.s32 @!p2 s29, $0x0  }
0x10c: {  	s25 =	sor.u32 $0x10738, s2;
	s2 =	smov.u32 s29;
	p3 =	por !p3, p2  }
0x10d: {  	s2 =	simm.s32 @p3 $0x0;
	p3 =	seq.s32 s30, $0x0  }
.Ltmp16:
0x10e: {  	_ = 	snop;
	(pc) =	sbr.rel @p3 .LBB3_11-.Ltmp16, $4  }
0x10f: {  	_ = 	snop  }
0x110: {  	s28 =	simm.s32 $0x0;
	s31 =	sadd.s32 $0x1, s23;
	s2 =	smin.u32 @!p2 s2, $0x1869F0  }
0x111: {  	s4 =	simm.s32 @!p2 $0x1;
	s5 =	simm.s32 @!p2 $0x7988;
	s3 =	sand.u32 @!p2 $0x1FFFF8, s2  }
0x112: {  	s4 =	smov.u32 @p2 s28;
	s2 =	sand.u32 @!p2 $0x7, s2;
	s3 =	sadd.s32 @!p2 s1, s3  }
.LBB3_10:
0x113: {  	s9 =	smov.u32 s4  }
0x114: {  	[tilespmem:s5], [sflag:$0x2] =	stream.linear.gather @!p2 [hbm4b:s3+s2], $0x80, $0x38;
	[tilespmem:$0x1F6F8] =	vst v63  }
0x115: {  	s30 =	sadd.s32 $0x1, s30;
	s2 =	smov.u32 s0;
	v1 =	vld.msk [tilespmem:s31+$0x0], $0x1  }
0x116: {  	p3 =	seq.s32 s30, $0x0;
	_ =	sdelay $0x3  }
0x117: {  	(v2sf) =	vpush v1, $0x0;
	_ =	sdelay $0xe  }
0x118: {  	s0 =	spop (v2sf)  }
0x119: {  	p2 =	seq.s32 s2, s0  }
0x11a: {  	p4 =	sgt.s32 @!p2 s2, $0x0;
	s3 =	sshll.u32 @!p2 s4, $0x9;
	s4 =	sadd.s32 @!p2 $0x1, s4  }
.Ltmp17:
0x11b: {  	p4 =	por !p4, p2;
	s3 =	sshra.s32 @!p2 s3, $0x2;
	(pc) =	sbr.rel @!p3 .LBB3_10-.Ltmp17, $4  }
0x11c: {  	s4 =	smov.u32 @p2 s9;
	s2 =	simm.s32 @p4 $0x0;
	s5 =	sadd.s32 @!p2 $0x7988, s3  }
0x11d: {  	s2 =	smin.u32 @!p2 s2, $0x1869F0  }
0x11e: {  	s3 =	sand.u32 @!p2 $0x1FFFF8, s2;
	s2 =	sand.u32 @!p2 $0x7, s2  }
0x11f: {  	s31 =	sadd.s32 $0x1, s31;
	s3 =	sadd.s32 @!p2 s1, s3  }
.LBB3_11:
0x120: {  	[tilespmem:s5], [sflag:$0x2] =	stream.linear.gather @!p2 [hbm4b:s3+s2], $0x80, $0x38;
	[tilespmem:$0x1F6F8] =	vst v63  }
.Ltmp18:
0x121: {  	s0 =	sshll.u32 s4, $0x7;
	(pc) =	sbr.rel .LBB3_12-.Ltmp18, $4  }
0x122: {  	s30 =	simm.s32 $0x2;
	s0 =	sand.u32 $0x3FFFFF80, s0  }
0x123: {  	_ =	swait.ge [sflag:s30], s0  }
0x124: {  	s0 =	ssub.s32 $0x0, s0;
	[sflag:s30] =	ssyncset.done $0x0  }
0x125: {  	s31 =	simm.s32 $0x0;
	[sflag:s30] =	ssyncadd.s32 s0  }
.LBB3_13:
0x126: {  	v1 =	vld [tilespmem:s25+$0xFFFFFFC0];
	_ =	sdelay $0x3  }
0x127: {  	s0 =	sshra.s32 s0, $0x2  }
0x128: {  	[tilespmem:s0+$0x108] =	vst.add.f32.msk $0xffff, v1  }
0x129: {  	v1 =	vld [tilespmem:s25+$0xFFFFFFD0];
	_ =	sdelay $0x4  }
0x12a: {  	[tilespmem:s0+$0x118] =	vst.add.f32.msk $0xffff, v1  }
0x12b: {  	v1 =	vld [tilespmem:s25+$0xFFFFFFE0];
	_ =	sdelay $0x4  }
0x12c: {  	[tilespmem:s0+$0x128] =	vst.add.f32.msk $0xffff, v1  }
0x12d: {  	v1 =	vld [tilespmem:s25+$0xFFFFFFF0];
	_ =	sdelay $0x4  }
0x12e: {  	[tilespmem:s0+$0x138] =	vst.add.f32.msk $0xffff, v1  }
0x12f: {  	v1 =	vld [tilespmem:s25+$0x0];
	_ =	sdelay $0x4  }
0x130: {  	[tilespmem:s0+$0x148] =	vst.add.f32.msk $0xffff, v1  }
0x131: {  	v1 =	vld [tilespmem:s25+$0x10];
	_ =	sdelay $0x4  }
0x132: {  	[tilespmem:s0+$0x158] =	vst.add.f32.msk $0xffff, v1  }
0x133: {  	v1 =	vld [tilespmem:s25+$0x20];
	_ =	sdelay $0x4  }
0x134: {  	[tilespmem:s0+$0x168] =	vst.add.f32.msk $0xffff, v1  }
0x135: {  	v1 =	vld [tilespmem:s25+$0x30];
	_ =	sdelay $0x4  }
0x136: {  	[tilespmem:s0+$0x178] =	vst.add.f32.msk $0xffff, v1  }
.LBB3_17:
0x137: {  	s26 =	sadd.s32 $0x1, s26  }
0x138: {  	p2 =	seq.s32 s26, $0x0  }
.Ltmp19:
0x139: {  	_ = 	snop;
	(pc) =	sbr.rel @p2 .LBB3_18-.Ltmp19, $2  }
0x13a: {  	_ =	sdelay $0x2  }
0x13b: {  	s23 =	sadd.s32 $0x1, s23;
	s25 =	sadd.s32 $0x80, s25;
	s29 =	smov.u32 s30  }
.LBB3_12:
0x13c: {  	v1 =	vld.msk [tilespmem:s23+$0x0], $0x1;
	_ =	sdelay $0x4  }
0x13d: {  	(v2sf) =	vpush v1, $0x0;
	_ =	sdelay $0xe  }
0x13e: {  	s30 =	spop (v2sf)  }
0x13f: {  	p2 =	sne.s32 s29, s30  }
.Ltmp20:
0x140: {  	_ = 	snop;
	(pc) =	sbr.rel @!p2 .LBB3_13-.Ltmp20, $2  }
0x141: {  	_ =	sdelay $0x2  }
0x142: {  	s0 =	sshll.u32 s22, $0x9  }
0x143: {  	p2 =	seq.s32 s29, s24  }
.Ltmp21:
0x144: {  	_ = 	snop;
	(pc) =	sbr.rel @!p2 .LBB3_15-.Ltmp21, $1  }
0x145: {  	_ =	sdelay $0x3  }
0x146: {  	s0 =	sshra.s32 s0, $0x2  }
.Ltmp22:
0x147: {  	s0 =	sadd.s32 $0x108, s0;
	(pc) =	sbr.rel .LBB3_16-.Ltmp22, $4  }
0x148: {  	[spmem:s16] =	stream.linear.scatter [tilespmem:s0], [sflag:$0x1], $0x80, $0x38;
	[tilespmem:$0x1F6F8] =	vst v63  }
0x149: {  	_ =	swait.ge [sflag:s12], $0x80  }
0x14a: {  	[sflag:s12] =	ssyncset.done $0x0  }
0x14b: {  	[sflag:s12] =	ssyncadd.s32 $0xFFFFFF80  }
.LBB3_15:
0x14c: {  	s2 =	sshll.u32 s28, $0x9  }
0x14d: {  	s2 =	sshra.s32 s2, $0x2  }
0x14e: {  	v1 =	vld [tilespmem:s2+$0x7988];
	_ =	sdelay $0x3  }
0x14f: {  	s0 =	sshra.s32 s0, $0x2  }
0x150: {  	[tilespmem:s0+$0x108] =	vst.add.f32.msk $0xffff, v1  }
0x151: {  	v1 =	vld [tilespmem:s2+$0x7998];
	_ =	sdelay $0x4  }
0x152: {  	[tilespmem:s0+$0x118] =	vst.add.f32.msk $0xffff, v1  }
0x153: {  	v1 =	vld [tilespmem:s2+$0x79A8];
	_ =	sdelay $0x4  }
0x154: {  	[tilespmem:s0+$0x128] =	vst.add.f32.msk $0xffff, v1  }
0x155: {  	v1 =	vld [tilespmem:s2+$0x79B8];
	_ =	sdelay $0x4  }
0x156: {  	[tilespmem:s0+$0x138] =	vst.add.f32.msk $0xffff, v1  }
0x157: {  	v1 =	vld [tilespmem:s2+$0x79C8];
	_ =	sdelay $0x4  }
0x158: {  	[tilespmem:s0+$0x148] =	vst.add.f32.msk $0xffff, v1  }
0x159: {  	v1 =	vld [tilespmem:s2+$0x79D8];
	_ =	sdelay $0x4  }
0x15a: {  	[tilespmem:s0+$0x158] =	vst.add.f32.msk $0xffff, v1  }
0x15b: {  	v1 =	vld [tilespmem:s2+$0x79E8];
	_ =	sdelay $0x4  }
0x15c: {  	[tilespmem:s0+$0x168] =	vst.add.f32.msk $0xffff, v1  }
0x15d: {  	v1 =	vld [tilespmem:s2+$0x79F8];
	_ =	sdelay $0x2  }
0x15e: {  	p2 =	sgt.u32 s29, $0x1869F0  }
0x15f: {  	s2 =	sand.u32 @!p2 $0x1FFFF8, s29  }
0x160: {  	s3 =	sadd.s32 $0x108, s0;
	[tilespmem:s0+$0x178] =	vst.add.f32.msk $0xffff, v1;
	s0 =	sadd.s32 @!p2 s1, s2;
	s2 =	sand.u32 @!p2 $0x7, s29  }
0x161: {  	[hbm4b:s0+s2] =	stream.linear.scatter @!p2 [tilespmem:s3], [sflag:$0xC], $0x80, $0x38;
	[tilespmem:$0x1F6F8] =	vst v63  }
0x162: {  	s0 =	simm.s32 $0x0  }
0x163: {  	s0 =	simm.s32 @!p2 $0x200  }
0x164: {  	s31 =	sadd.s32 s0, s31  }
.LBB3_16:
0x165: {  	s0 =	sadd.s32 $0x1, s22  }
0x166: {  	s2 =	smulhi.u32 $0x88888889, s0;
	_ =	sdelay $0x1  }
0x167: {  	v1 =	vld [tilespmem:s25+$0xFFFFFFC0];
	s2 =	sshrl.u32 s2, $0x7  }
0x168: {  	s2 =	smul.u32 $0xF0, s2;
	_ =	sdelay $0x1  }
0x169: {  	s22 =	ssub.s32 s0, s2  }
0x16a: {  	s0 =	sshll.u32 s22, $0x7  }
0x16b: {  	[tilespmem:s0+$0x108] =	vst v1  }
0x16c: {  	v1 =	vld [tilespmem:s25+$0xFFFFFFD0];
	_ =	sdelay $0x4  }
0x16d: {  	[tilespmem:s0+$0x118] =	vst v1  }
0x16e: {  	v1 =	vld [tilespmem:s25+$0xFFFFFFE0];
	_ =	sdelay $0x4  }
0x16f: {  	[tilespmem:s0+$0x128] =	vst v1  }
0x170: {  	v1 =	vld [tilespmem:s25+$0xFFFFFFF0];
	_ =	sdelay $0x4  }
0x171: {  	[tilespmem:s0+$0x138] =	vst v1  }
0x172: {  	v1 =	vld [tilespmem:s25+$0x0];
	_ =	sdelay $0x4  }
0x173: {  	[tilespmem:s0+$0x148] =	vst v1  }
0x174: {  	v1 =	vld [tilespmem:s25+$0x10];
	_ =	sdelay $0x4  }
0x175: {  	[tilespmem:s0+$0x158] =	vst v1  }
0x176: {  	v1 =	vld [tilespmem:s25+$0x20];
	_ =	sdelay $0x4  }
0x177: {  	[tilespmem:s0+$0x168] =	vst v1  }
0x178: {  	v1 =	vld [tilespmem:s25+$0x30]  }
.Ltmp23:
0x179: {  	_ = 	snop;
	(pc) =	sbr.rel .LBB3_17-.Ltmp23, $2  }
0x17a: {  	_ =	sdelay $0x2  }
0x17b: {  	s28 =	sadd.s32 $0x1, s28;
	[tilespmem:s0+$0x178] =	vst v1  }
.LBB3_19:
.Ltmp24:
0x17c: {  	(pc) =	sbr.rel .LBB3_20-.Ltmp24, $4  }
0x17d: {  	_ = 	snop  }
0x17e: {  	s0 =	simm.s32 $0x2  }
0x17f: {  	_ =	swait.ge [sflag:s0], $0x0  }
0x180: {  	s30 =	smov.u32 s29;
	[sflag:s0] =	ssyncset.done $0x0;
	s0 =	simm.s32 $0x0  }
.LBB3_22:
0x181: {  	_ =	sfence.sel $0x180000  }
0x182: {  	s0 =	simm.s32 $0x9;
	[bflag:$0x0] =	sbarrier.arrive $0xFFFF  }
0x183: {  	s24 =	simm.s32 $0xA;
	[sflag:s0] =	ssyncpa.u1 $0x1  }
0x184: {  	s25 =	simm.s32 $0xB;
	[sflag:s24] =	ssyncpa.u1 $0x1  }
0x185: {  	s26 =	simm.s32 $0x2;
	[sflag:s25] =	ssyncpa.u1 $0x1  }
0x186: {  	[sflag:s26] =	ssyncpa.u1 $0x1  }
0x187: {  	v0 =	vld [tilespmem:$0xF208];
	_ =	sdelay $0x4  }
0x188: {  	(v2sf) =	vpush v0, $0x0  }
0x189: {  	(v2sf) =	vpush v0, $0x1;
	_ =	sdelay $0x1  }
0x18a: {  	(v2sf) =	vpush v0, $0x2;
	_ =	sdelay $0xb  }
0x18b: {  	s0 =	spop (v2sf)  }
0x18c: {  	s2 =	spop (v2sf)  }
0x18d: {  	s3 =	smov.u32 s0;
	p1 =	sne.s32 s0, s2  }
0x18e: {  	s4 =	spop (v2sf);
	s3 =	simm.s32 @!p1 $0xFFFFFFFF  }
0x18f: {  	v2 =	vimm.s32 $0x1;
	v3 =	vlaneseq.u32;
	p1 =	seq.s32 s4, $0xFFFFFFFF;
	v1 =	vmov s3  }
0x190: {  	s16 =	stileid.u32;
	v0 =	vperm.xlane v0, v2;
	p2 =	sne.s32 @!p1 s0, s2;
	v1 =	vperm.xlane v1, v3  }
0x191: {  	vm0 =	vcmask $0x3F04;
	s6 =	simm.s32 $0xF208;
	s0 =	simm.s32 @!p1 $0x1;
	p2 =	por !p2, p1  }
0x192: {  	s3 =	sshll.u32 s16, $0x1;
	s2 =	sshll.u32 @!p1 s4, $0x9;
	s0 =	simm.s32 @p2 $0x0;
	v0 =	vsel vm0, v1, v0  }
0x193: {  	s5 =	sor.u32 $0x1000, s3;
	s2 =	sshra.s32 @!p1 s2, $0x2;
	s0 =	sor.u32 @!p1 s0, s3;
	[tilespmem:$0xF208] =	vst v0  }
0x194: {  	[spmem:s5] =	stream.linear.scatter [tilespmem:s6], [sflag:$0x1], $0x2, $0x38;
	[tilespmem:$0x1F6F8] =	vst v63  }
0x195: {  	s2 =	sadd.s32 @!p1 $0x108, s2;
	s0 =	sshll.u32 @!p1 s0, $0x7  }
0x196: {  	[spmem:s0] =	stream.linear.scatter @!p1 [tilespmem:s2], [sflag:$0x1], $0x80, $0x38;
	[tilespmem:$0x1F6F8] =	vst v63  }
0x197: {  	s0 =	simm.s32 @!p1 $0x82  }
0x198: {  	s28 =	simm.s32 $0x1;
	s0 =	simm.s32 @p1 $0x2  }
0x199: {  	_ =	swait.ge [sflag:s28], s0  }
0x19a: {  	s0 =	ssub.s32 $0x0, s0;
	[sflag:s28] =	ssyncset.done $0x0  }
0x19b: {  	[sflag:s28] =	ssyncadd.s32 s0  }
.Ltmp25:
0x19c: {  	_ =	sfence.stream.spmem;
	(pc) =	sbr.rel @p0 .LBB3_39-.Ltmp25, $4  }
0x19d: {  	s29 =	simm.s32 $0x3;
	[bflag:$0x0] =	sbarrier.arrive $0xFFFF  }
0x19e: {  	s30 =	simm.s32 $0x4;
	[sflag:s29] =	ssyncpa.u1 $0x1  }
0x19f: {  	s31 =	simm.s32 $0x3C;
	[sflag:s30] =	ssyncpa.u1 $0x1  }
0x1a0: {  	s15 =	rddreg [dreg:$0x4];
	[sflag:s31] =	ssyncpa.u1 $0x1  }
0x1a1: {  	_ =	sfence.stream.spmem;
	s0 =	simm.s32 $0x5  }
0x1a2: {  	s2 =	simm.s32 $0x1000;
	s3 =	simm.s32 $0xF218;
	[sflag:s0] =	ssyncpa.u1 $0x0  }
0x1a3: {  	[tilespmem:s3], [sflag:$0x5] =	stream.linear.gather [spmem:s2], $0x20, $0x38;
	[tilespmem:$0x1F6F8] =	vst v63  }
0x1a4: {  	s26 =	simm.s32 $0x0;
	s28 =	simm.s32 $0xF238  }
0x1a5: {  	[tilespmem:s28], [sflag:$0x5] =	stream.linear.gather [spmem:s26], $0x1000, $0x38;
	[tilespmem:$0x1F6F8] =	vst v63  }
0x1a6: {  	_ =	swait.ge [sflag:s0], $0x1020  }
0x1a7: {  	[sflag:s0] =	ssyncset.done $0x0  }
0x1a8: {  	s29 =	simm.s32 $0x0;
	[sflag:s0] =	ssyncadd.s32 $0xFFFFEFE0  }
0x1a9: {  	v0 =	vld.msk [tilespmem:s29+$0xF218], $0x1;
	_ =	sdelay $0x1  }
0x1aa: {  	s30 =	simm.s32 $0x1  }
0x1ab: {  	v1 =	vld.msk [tilespmem:s30+$0xF218], $0x1;
	_ =	sdelay $0x1  }
0x1ac: {  	(v2sf) =	vpush v0, $0x0;
	_ =	sdelay $0x2  }
0x1ad: {  	(v2sf) =	vpush v1, $0x0;
	_ =	sdelay $0x2  }
0x1ae: {  	s31 =	simm.s32 $0x2  }
0x1af: {  	v0 =	vld.msk [tilespmem:s31+$0xF218], $0x1;
	_ =	sdelay $0x2  }
0x1b0: {  	s4 =	simm.s32 $0xFFFFFFFF;
	s5 =	simm.s32 $0xFFFFFFFF;
	s0 =	simm.s32 $0xC  }
.LBB3_24:
0x1b1: {  	s2 =	smov.u32 s5;
	s3 =	smov.u32 s4  }
0x1b2: {  	s4 =	sshra.s32 s0, $0x2;
	p1 =	sne.s32 s0, $0x7C;
	s0 =	sadd.s32 $0x4, s0;
	(v2sf) =	vpush v0, $0x0  }
0x1b3: {  	v0 =	vld.msk [tilespmem:s4+$0xF218], $0x1  }
.Ltmp26:
0x1b4: {  	(pc) =	sbr.rel @p1 .LBB3_24-.Ltmp26, $4  }
0x1b5: {  	s5 =	spop (v2sf)  }
0x1b6: {  	p2 =	sne.s32 s3, $0xFFFFFFFF;
	s4 =	smov.u32 s5  }
0x1b7: {  	p3 =	seq.s32 s5, $0xFFFFFFFF;
	s4 =	smov.u32 @p2 s3  }
0x1b8: {  	s5 =	smov.u32 @p3 s2;
	s4 =	smov.u32 @p3 s3  }
0x1b9: {  	(v2sf) =	vpush v0, $0x0;
	_ =	sdelay $0x8  }
0x1ba: {  	s0 =	spop (v2sf)  }
0x1bb: {  	p1 =	sne.s32 s4, $0xFFFFFFFF;
	s2 =	smov.u32 s0  }
0x1bc: {  	s9 =	simm.s32 $0x6;
	p2 =	seq.s32 s0, $0xFFFFFFFF;
	s2 =	smov.u32 @p1 s4  }
0x1bd: {  	s6 =	simm.s32 $0x0;
	s2 =	smov.u32 @p2 s4;
	s3 =	spop (v2sf)  }
0x1be: {  	s0 =	smov.u32 @p2 s5;
	p1 =	sne.s32 s2, $0xFFFFFFFF;
	s4 =	smov.u32 s3  }
.Ltmp27:
0x1bf: {  	p2 =	seq.s32 s3, $0xFFFFFFFF;
	s4 =	smov.u32 @p1 s2;
	(pc) =	sbr.rel .LBB3_26-.Ltmp27, $4  }
0x1c0: {  	s10 =	simm.s32 $0xF188;
	s4 =	smov.u32 @p2 s2;
	s7 =	spop (v2sf)  }
0x1c1: {  	s11 =	simm.s32 $0x0;
	p1 =	sne.s32 s4, $0xFFFFFFFF;
	s8 =	smov.u32 s7  }
0x1c2: {  	s3 =	smov.u32 @p2 s0;
	p2 =	seq.s32 s7, $0xFFFFFFFF;
	s8 =	smov.u32 @p1 s4  }
0x1c3: {  	[sflag:s9] =	ssyncpa.u1 $0x0;
	s7 =	smov.u32 @p2 s3;
	s8 =	smov.u32 @p2 s4  }
.LBB3_32:
0x1c4: {  	p1 =	sgt.u32 s12, $0x1869F0  }
0x1c5: {  	p2 =	seq.s32 @!p1 s12, s8  }
0x1c6: {  	p1 =	por p1, p2  }
0x1c7: {  	p2 =	sne.s32 @!p1 s12, s7  }
0x1c8: {  	p1 =	por p1, !p2  }
0x1c9: {  	s0 =	sshll.u32 @p1 s11, $0x9  }
0x1ca: {  	s0 =	sand.u32 @!p1 $0x1FFFF8, s12  }
0x1cb: {  	s2 =	sand.u32 @!p1 $0x7, s12;
	s0 =	sadd.s32 @!p1 s1, s0  }
0x1cc: {  	[tilespmem:s10], [sflag:$0x6] =	stream.linear.gather @!p1 [hbm4b:s0+s2], $0x80, $0x38;
	[tilespmem:$0x1F6F8] =	vst v63  }
0x1cd: {  	_ =	swait.ge @!p1 [sflag:s9], $0x80  }
0x1ce: {  	[sflag:s9] =	ssyncset.done @!p1 $0x0  }
0x1cf: {  	[sflag:s9] =	ssyncadd.s32 @!p1 $0xFFFFFF80  }
0x1d0: {  	v1 =	vld @!p1 [tilespmem:$0xF188];
	_ =	sdelay $0x2  }
0x1d1: {  	s0 =	sshll.u32 @!p1 s11, $0x9  }
0x1d2: {  	s2 =	sshrl.u32 @!p1 s0, $0x2  }
0x1d3: {  	[tilespmem:s2+$0xF238] =	vst.add.f32.msk @!p1 $0xffff, v1  }
0x1d4: {  	v1 =	vld @!p1 [tilespmem:$0xF198];
	_ =	sdelay $0x4  }
0x1d5: {  	[tilespmem:s2+$0xF248] =	vst.add.f32.msk @!p1 $0xffff, v1  }
0x1d6: {  	v1 =	vld @!p1 [tilespmem:$0xF1A8];
	_ =	sdelay $0x4  }
0x1d7: {  	[tilespmem:s2+$0xF258] =	vst.add.f32.msk @!p1 $0xffff, v1  }
0x1d8: {  	v1 =	vld @!p1 [tilespmem:$0xF1B8];
	_ =	sdelay $0x4  }
0x1d9: {  	[tilespmem:s2+$0xF268] =	vst.add.f32.msk @!p1 $0xffff, v1  }
0x1da: {  	v1 =	vld @!p1 [tilespmem:$0xF1C8];
	_ =	sdelay $0x4  }
0x1db: {  	[tilespmem:s2+$0xF278] =	vst.add.f32.msk @!p1 $0xffff, v1  }
0x1dc: {  	v1 =	vld @!p1 [tilespmem:$0xF1D8];
	_ =	sdelay $0x4  }
0x1dd: {  	[tilespmem:s2+$0xF288] =	vst.add.f32.msk @!p1 $0xffff, v1  }
0x1de: {  	v1 =	vld @!p1 [tilespmem:$0xF1E8];
	_ =	sdelay $0x4  }
0x1df: {  	[tilespmem:s2+$0xF298] =	vst.add.f32.msk @!p1 $0xffff, v1  }
0x1e0: {  	v1 =	vld @!p1 [tilespmem:$0xF1F8];
	_ =	sdelay $0x4  }
0x1e1: {  	[tilespmem:s2+$0xF2A8] =	vst.add.f32.msk @!p1 $0xffff, v1  }
0x1e2: {  	s0 =	sshrl.u32 s0, $0x2;
	[tilespmem:s6+$0xF218] =	vst.msk $0x1, v0  }
0x1e3: {  	v0 =	vld [tilespmem:s0+$0xF238];
	_ =	sdelay $0x2  }
0x1e4: {  	s31 =	sshll.u32 s6, $0x9  }
0x1e5: {  	s2 =	sshra.s32 s31, $0x2  }
0x1e6: {  	[tilespmem:s2+$0xF238] =	vst v0  }
0x1e7: {  	v0 =	vld [tilespmem:s0+$0xF248];
	_ =	sdelay $0x4  }
0x1e8: {  	[tilespmem:s2+$0xF248] =	vst v0  }
0x1e9: {  	v0 =	vld [tilespmem:s0+$0xF258];
	_ =	sdelay $0x4  }
0x1ea: {  	[tilespmem:s2+$0xF258] =	vst v0  }
0x1eb: {  	v0 =	vld [tilespmem:s0+$0xF268];
	_ =	sdelay $0x4  }
0x1ec: {  	[tilespmem:s2+$0xF268] =	vst v0  }
0x1ed: {  	v0 =	vld [tilespmem:s0+$0xF278];
	_ =	sdelay $0x4  }
0x1ee: {  	[tilespmem:s2+$0xF278] =	vst v0  }
0x1ef: {  	v0 =	vld [tilespmem:s0+$0xF288];
	_ =	sdelay $0x4  }
0x1f0: {  	[tilespmem:s2+$0xF288] =	vst v0  }
0x1f1: {  	v0 =	vld [tilespmem:s0+$0xF298];
	_ =	sdelay $0x4  }
0x1f2: {  	[tilespmem:s2+$0xF298] =	vst v0  }
0x1f3: {  	v0 =	vld [tilespmem:s0+$0xF2A8];
	_ =	sdelay $0x4  }
0x1f4: {  	s6 =	sadd.s32 $0x1, s6;
	[tilespmem:s2+$0xF2A8] =	vst v0  }
.LBB3_33:
0x1f5: {  	s11 =	sadd.s32 $0x1, s11  }
0x1f6: {  	p1 =	sne.s32 s11, $0x20  }
.Ltmp28:
0x1f7: {  	_ = 	snop;
	(pc) =	sbr.rel @!p1 .LBB3_34-.Ltmp28, $1  }
0x1f8: {  	_ =	sdelay $0x3  }
.LBB3_26:
0x1f9: {  	v0 =	vld.msk [tilespmem:s11+$0xF218], $0x1;
	_ =	sdelay $0x4  }
0x1fa: {  	(v2sf) =	vpush v0, $0x0;
	_ =	sdelay $0xe  }
0x1fb: {  	s12 =	spop (v2sf)  }
0x1fc: {  	p1 =	seq.s32 s12, $0xFFFFFFFF  }
.Ltmp29:
0x1fd: {  	_ = 	snop;
	(pc) =	sbr.rel @p1 .LBB3_33-.Ltmp29, $1  }
0x1fe: {  	_ =	sdelay $0x3  }
0x1ff: {  	p1 =	slt.s32 s6, $0x1  }
.Ltmp30:
0x200: {  	_ = 	snop;
	(pc) =	sbr.rel @p1 .LBB3_32-.Ltmp30, $1  }
0x201: {  	_ =	sdelay $0x3  }
0x202: {  	s13 =	simm.s32 $0xF218;
	p1 =	por $0x0, $0x0  }
0x203: {  	v1 =	vld.msk @!p1 [tilespmem:s13+$0x0], $0x1;
	_ =	sdelay $0x4  }
0x204: {  	(v2sf) =	vpush @!p1 v1, $0x0;
	_ =	sdelay $0xd  }
0x205: {  	p3 =	sne.s32 s6, $0x1  }
.Ltmp31:
0x206: {  	s0 =	spop @!p1 (v2sf);
	(pc) =	sbr.rel @!p3 .LBB3_30-.Ltmp31, $4  }
0x207: {  	p2 =	seq.s32 @!p1 s12, s0  }
0x208: {  	s14 =	simm.s32 $0x0;
	p2 =	por !p2, p1  }
0x209: {  	s2 =	simm.s32 $0xFFFFFFFF;
	s14 =	simm.s32 @p2 $0xFFFFFFFF  }
0x20a: {  	s0 =	simm.s32 $0x1;
	s14 =	smov.u32 @p1 s2  }
.LBB3_29:
0x20b: {  	s2 =	smov.u32 s14;
	p1 =	sne.s32 s14, $0xFFFFFFFF  }
0x20c: {  	s13 =	sadd.s32 $0x1, s13;
	s14 =	smov.u32 s0;
	s0 =	sadd.s32 $0x1, s0  }
0x20d: {  	p2 =	sne.s32 s6, s0;
	v1 =	vld.msk @!p1 [tilespmem:s13+$0x0], $0x1;
	_ =	sdelay $0x4  }
0x20e: {  	(v2sf) =	vpush @!p1 v1, $0x0;
	_ =	sdelay $0xe  }
.Ltmp32:
0x20f: {  	s3 =	spop @!p1 (v2sf);
	(pc) =	sbr.rel @p2 .LBB3_29-.Ltmp32, $4  }
0x210: {  	p3 =	seq.s32 @!p1 s12, s3  }
0x211: {  	p3 =	por !p3, p1  }
0x212: {  	s14 =	simm.s32 @p3 $0xFFFFFFFF  }
0x213: {  	s14 =	smov.u32 @p1 s2  }
.LBB3_30:
0x214: {  	p1 =	seq.s32 s14, $0xFFFFFFFF  }
.Ltmp33:
0x215: {  	_ = 	snop;
	(pc) =	sbr.rel @p1 .LBB3_32-.Ltmp33, $1  }
0x216: {  	_ =	sdelay $0x3  }
0x217: {  	s0 =	sshll.u32 s11, $0x7  }
0x218: {  	s0 =	sand.u32 $0x3FFFFF80, s0  }
0x219: {  	v0 =	vld [tilespmem:s0+$0xF238];
	_ =	sdelay $0x2  }
0x21a: {  	s2 =	sshll.u32 s14, $0x9  }
0x21b: {  	s2 =	sshra.s32 s2, $0x2  }
0x21c: {  	[tilespmem:s2+$0xF238] =	vst.add.f32.msk $0xffff, v0  }
0x21d: {  	v0 =	vld [tilespmem:s0+$0xF248];
	_ =	sdelay $0x4  }
0x21e: {  	[tilespmem:s2+$0xF248] =	vst.add.f32.msk $0xffff, v0  }
0x21f: {  	v0 =	vld [tilespmem:s0+$0xF258];
	_ =	sdelay $0x4  }
0x220: {  	[tilespmem:s2+$0xF258] =	vst.add.f32.msk $0xffff, v0  }
0x221: {  	v0 =	vld [tilespmem:s0+$0xF268];
	_ =	sdelay $0x4  }
0x222: {  	[tilespmem:s2+$0xF268] =	vst.add.f32.msk $0xffff, v0  }
0x223: {  	v0 =	vld [tilespmem:s0+$0xF278];
	_ =	sdelay $0x4  }
0x224: {  	[tilespmem:s2+$0xF278] =	vst.add.f32.msk $0xffff, v0  }
0x225: {  	v0 =	vld [tilespmem:s0+$0xF288];
	_ =	sdelay $0x4  }
0x226: {  	[tilespmem:s2+$0xF288] =	vst.add.f32.msk $0xffff, v0  }
0x227: {  	v0 =	vld [tilespmem:s0+$0xF298];
	_ =	sdelay $0x4  }
0x228: {  	[tilespmem:s2+$0xF298] =	vst.add.f32.msk $0xffff, v0  }
0x229: {  	v0 =	vld [tilespmem:s0+$0xF2A8]  }
.Ltmp34:
0x22a: {  	_ = 	snop;
	(pc) =	sbr.rel .LBB3_33-.Ltmp34, $2  }
0x22b: {  	_ =	sdelay $0x2  }
0x22c: {  	[tilespmem:s2+$0xF2A8] =	vst.add.f32.msk $0xffff, v0  }
.LBB3_34:
0x22d: {  	s0 =	simm.s32 $0x6;
	p1 =	seq.s32 s6, $0x0  }
0x22e: {  	[sflag:s0] =	ssyncpa.u1 $0x1;
	v0 =	vimm.s32 @p1 $0xFFFFFFFF  }
0x22f: {  	s9 =	sadd.s32 $0xFFFFFFFF, s6;
	[tilespmem:$0x10238] =	vst @p1 v0  }
0x230: {  	v0 =	vld.msk @!p1 [tilespmem:s9+$0xF218], $0x1;
	_ =	sdelay $0x1  }
0x231: {  	v1 =	vld.msk @!p1 [tilespmem:$0xF218], $0x1;
	_ =	sdelay $0x2  }
0x232: {  	p2 =	seq.s32 @!p1 s9, $0x0;
	v0 =	vbroadcast @!p1 v0, $0x0  }
0x233: {  	vm0 =	vmmov @!p1 $0x1;
	p2 =	por !p2, p1  }
0x234: {  	v1 =	vnsel @!p1 vm0, $0xFFFFFFFF, v1;
	vm0 =	vcmask @!p1 $0x308;
	v0 =	vpsel !p2, $0xFFFFFFFF, v0  }
0x235: {  	p2 =	sne.s32 @!p1 s8, s7;
	v0 =	vsel @!p1 vm0, v1, v0  }
0x236: {  	s0 =	simm.s32 @!p1 $0xF238;
	s2 =	simm.s32 @!p1 $0x0;
	p3 =	por !p2, p1;
	[tilespmem:$0x10238] =	vst @!p1 v0  }
0x237: {  	[spmem:s2] =	stream.linear.scatter @!p1 [tilespmem:s0], [sflag:$0x1], $0x80, $0x38;
	[tilespmem:$0x1F6F8] =	vst v63  }
0x238: {  	s0 =	sshll.u32 @!p3 s9, $0x9  }
0x239: {  	s0 =	sshra.s32 @!p3 s0, $0x2  }
0x23a: {  	s2 =	simm.s32 @!p3 $0x80;
	s0 =	sadd.s32 @!p3 $0xF238, s0  }
0x23b: {  	[spmem:s2] =	stream.linear.scatter @!p3 [tilespmem:s0], [sflag:$0x1], $0x80, $0x38;
	[tilespmem:$0x1F6F8] =	vst v63  }
0x23c: {  	s0 =	simm.s32 @!p3 $0x1  }
0x23d: {  	_ =	swait.ge @!p3 [sflag:s0], $0x100  }
0x23e: {  	p1 =	por p2, p1;
	[sflag:s0] =	ssyncset.done @!p3 $0x0  }
0x23f: {  	[sflag:s0] =	ssyncadd.s32 @!p3 $0xFFFFFF00;
	s0 =	simm.s32 @!p1 $0x1  }
0x240: {  	_ =	swait.ge @!p1 [sflag:s0], $0x80  }
0x241: {  	s29 =	simm.s32 $0x10238;
	[sflag:s0] =	ssyncset.done @!p1 $0x0  }
0x242: {  	s30 =	simm.s32 $0x1000;
	s31 =	simm.s32 $0x1;
	[sflag:s0] =	ssyncadd.s32 @!p1 $0xFFFFFF80  }
0x243: {  	[spmem:s30] =	stream.linear.scatter [tilespmem:s29], [sflag:$0x1], $0x10, $0x38;
	[tilespmem:$0x1F6F8] =	vst v63  }
0x244: {  	_ =	swait.ge [sflag:s31], $0x10  }
0x245: {  	[sflag:s31] =	ssyncset.done $0x0  }
0x246: {  	p1 =	seq.s32 s15, $0x0;
	s8 =	rddreg [dreg:$0x1];
	[sflag:s31] =	ssyncadd.s32 $0xFFFFFFF0  }
0x247: {  	s2 =	sshll.u32 @p1 s8, $0xE;
	s7 =	rddreg [dreg:$0x2]  }
0x248: {  	s0 =	sadd.s32 @p1 $0x15C3C, s2;
	s2 =	sshll.u32 @p1 s7, $0x11  }
0x249: {  	_ =	sfence.stream.spmem;
	s0 =	sor.u32 @p1 s2, s0  }
0x24a: {  	[sflag:s0] =	ssyncadd.remote.s32 @p1 $0x1;
	s0 =	simm.s32 @p1 $0x4  }
0x24b: {  	s3 =	simm.s32 @!p1 $0x3C;
	s2 =	sand.u32 $0xFFFFFFFE, s8;
	_ =	swait.ge @p1 [sflag:s0], $0x22  }
0x24c: {  	s4 =	simm.s32 @!p1 $0x0;
	s2 =	sadd.s32 @!p1 $0x4, s2;
	[sflag:s0] =	ssyncset.done @p1 $0x0  }
0x24d: {  	s5 =	simm.s32 @!p1 $0x100;
	[sflag:s0] =	ssyncadd.s32 @p1 $0xFFFFFFDE;
	s0 =	sshll.u32 @!p1 s2, $0x1A  }
0x24e: {  	s2 =	sshll.u32 @!p1 s2, $0xD;
	s0 =	sor.u32 @!p1 s0, s7;
	_ =	swait.eq @!p1 [sflag:s3], $0x1  }
0x24f: {  	s2 =	sor.u32 @!p1 $0x1C04, s2;
	s3 =	simm.s32 @!p1 $0x1C03;
	s0 =	sor.u32 @!p1 $0x80004000, s0  }
0x250: {  	[spmem:s5], [sflag:s2] =	dma.general @!p1 [spmem:s4], [sflag:s3], length:$0x20, [dreg:$0x0], stride_count:$0x0, ici_dest:s0, dma_misc:DstOpCode:WRITE  }
0x251: {  	p2 =	slt.s32 s9, $0x2;
	s4 =	simm.s32 @!p1 $0x200;
	s5 =	simm.s32 @!p1 $0x202  }
0x252: {  	[spmem:s5], [sflag:s2] =	dma.general @!p1 [spmem:s4], [sflag:s3], length:$0x2, [dreg:$0x0], stride_count:$0x0, ici_dest:s0, dma_misc:DstOpCode:WRITE  }
.Ltmp35:
0x253: {  	s0 =	simm.s32 @!p1 $0x3;
	(pc) =	sbr.rel @p2 .LBB3_38-.Ltmp35, $4  }
0x254: {  	s2 =	sshll.u32 @!p1 s8, $0xE;
	_ =	swait.ge @!p1 [sflag:s0], $0x22  }
0x255: {  	s3 =	sshll.u32 @!p1 s7, $0x11;
	s2 =	sadd.s32 @!p1 $0x11C3C, s2;
	[sflag:s0] =	ssyncset.done @!p1 $0x0  }
0x256: {  	[sflag:s0] =	ssyncadd.s32 @!p1 $0xFFFFFFDE;
	s0 =	sor.u32 @!p1 s3, s2  }
0x257: {  	[sflag:s0] =	ssyncadd.remote.s32 @!p1 $0xFFFFFFFF;
	s0 =	simm.s32 $0x0  }
0x258: {  	s0 =	simm.s32 $0xF219  }
0x259: {  	v0 =	vld.msk [tilespmem:s0+$0x0], $0x1;
	_ =	sdelay $0x4  }
0x25a: {  	(v2sf) =	vpush v0, $0x0;
	_ =	sdelay $0xb  }
0x25b: {  	s31 =	sadd.s32 $0xFFFFFFFE, s6  }
0x25c: {  	s0 =	sadd.s32 $0xFFFFFFFF, s31  }
0x25d: {  	p2 =	sne.s32 s0, $0x0  }
.Ltmp36:
0x25e: {  	s2 =	spop (v2sf);
	(pc) =	sbr.rel @!p2 .LBB3_37-.Ltmp36, $4  }
0x25f: {  	s4 =	simm.s32 $0xF2B8;
	s7 =	simm.s32 $0x0;
	p1 =	sgt.u32 s2, $0x1869F0  }
0x260: {  	s5 =	simm.s32 $0x0;
	s6 =	simm.s32 $0xF21A;
	s3 =	sand.u32 @!p1 $0x1FFFF8, s2  }
0x261: {  	s2 =	sand.u32 @!p1 $0x7, s2;
	s7 =	simm.s32 @!p1 $0x200;
	s3 =	sadd.s32 @!p1 s1, s3  }
0x262: {  	[hbm4b:s3+s2] =	stream.linear.scatter @!p1 [tilespmem:s4], [sflag:$0x5], $0x80, $0x38;
	[tilespmem:$0x1F6F8] =	vst v63  }
.LBB3_36:
0x263: {  	v0 =	vld.msk [tilespmem:s6+$0x0], $0x1;
	s0 =	sadd.s32 $0xFFFFFFFF, s0;
	s5 =	sadd.s32 s5, s7  }
0x264: {  	p1 =	sne.s32 s0, $0x0;
	_ =	sdelay $0x3  }
0x265: {  	(v2sf) =	vpush v0, $0x0;
	_ =	sdelay $0xe  }
.Ltmp37:
0x266: {  	s2 =	spop (v2sf);
	(pc) =	sbr.rel @p1 .LBB3_36-.Ltmp37, $4  }
0x267: {  	s7 =	simm.s32 $0x0;
	p2 =	sgt.u32 s2, $0x1869F0  }
0x268: {  	s4 =	sadd.s32 $0x80, s4;
	s7 =	simm.s32 @!p2 $0x200;
	s3 =	sand.u32 @!p2 $0x1FFFF8, s2  }
0x269: {  	s6 =	sadd.s32 $0x1, s6;
	s2 =	sand.u32 @!p2 $0x7, s2;
	s3 =	sadd.s32 @!p2 s1, s3  }
0x26a: {  	[hbm4b:s3+s2] =	stream.linear.scatter @!p2 [tilespmem:s4], [sflag:$0x5], $0x80, $0x38;
	[tilespmem:$0x1F6F8] =	vst v63  }
.LBB3_37:
0x26b: {  	s0 =	sadd.s32 s5, s7  }
0x26c: {  	s0 =	sshrl.u32 s0, $0x2  }
.LBB3_38:
0x26d: {  	s2 =	simm.s32 $0x5  }
0x26e: {  	_ =	swait.ge [sflag:s2], s0  }
0x26f: {  	s31 =	ssub.s32 $0x0, s0;
	[sflag:s2] =	ssyncset.done $0x0  }
0x270: {  	[sflag:s2] =	ssyncadd.s32 s31  }
0x271: {  	[sflag:s2] =	ssyncpa.u1 $0x1  }
.LBB3_39:
0x272: {  	s0 =	sor.u32 s15, s16  }
0x273: {  	p1 =	sne.s32 s0, $0x0  }
.Ltmp38:
0x274: {  	_ = 	snop;
	(pc) =	sbr.rel @p1 .LBB3_54-.Ltmp38, $3  }
0x275: {  	_ =	sdelay $0x1  }
0x276: {  	[bflag:$0x0] =	sbarrier.arrive $0xFFFF  }
0x277: {  	_ =	sfence  }
0x278: {  	s0 =	simm.s32 $0x7  }
0x279: {  	s2 =	simm.s32 $0x1000;
	s3 =	simm.s32 $0xF218;
	[sflag:s0] =	ssyncpa.u1 $0x0  }
0x27a: {  	[tilespmem:s3], [sflag:$0x7] =	stream.linear.gather [spmem:s2], $0x20, $0x38;
	[tilespmem:$0x1F6F8] =	vst v63  }
0x27b: {  	s30 =	simm.s32 $0xF238;
	s2 =	simm.s32 $0x0  }
0x27c: {  	[tilespmem:s30], [sflag:$0x7] =	stream.linear.gather [spmem:s2], $0x1000, $0x38;
	[tilespmem:$0x1F6F8] =	vst v63  }
.Ltmp39:
0x27d: {  	_ = 	snop;
	(pc) =	sbr.rel .LBB3_41-.Ltmp39, $4  }
0x27e: {  	_ =	swait.ge [sflag:s0], $0x1020  }
0x27f: {  	[sflag:s0] =	ssyncset.done $0x0  }
0x280: {  	s31 =	simm.s32 $0x8;
	[sflag:s0] =	ssyncadd.s32 $0xFFFFEFE0  }
0x281: {  	s3 =	simm.s32 $0x0;
	[sflag:s31] =	ssyncpa.u1 $0x0  }
.LBB3_47:
0x282: {  	p1 =	slt.u32 s4, $0x1869F1  }
0x283: {  	s0 =	sand.u32 @p1 $0x1FFFF8, s4  }
0x284: {  	s4 =	sand.u32 @p1 $0x7, s4;
	s5 =	simm.s32 @p1 $0xF188;
	s0 =	sadd.s32 @p1 s1, s0  }
0x285: {  	[tilespmem:s5], [sflag:$0x8] =	stream.linear.gather @p1 [hbm4b:s0+s4], $0x80, $0x38;
	[tilespmem:$0x1F6F8] =	vst v63  }
0x286: {  	s0 =	simm.s32 @p1 $0x8  }
0x287: {  	_ =	swait.ge @p1 [sflag:s0], $0x80  }
0x288: {  	[sflag:s0] =	ssyncset.done @p1 $0x0  }
0x289: {  	[sflag:s0] =	ssyncadd.s32 @p1 $0xFFFFFF80  }
0x28a: {  	v1 =	vld @p1 [tilespmem:$0xF188];
	_ =	sdelay $0x2  }
0x28b: {  	s0 =	sshll.u32 @p1 s3, $0x9  }
0x28c: {  	s4 =	sshrl.u32 @p1 s0, $0x2  }
0x28d: {  	[tilespmem:s4+$0xF238] =	vst.add.f32.msk @p1 $0xffff, v1  }
0x28e: {  	v1 =	vld @p1 [tilespmem:$0xF198];
	_ =	sdelay $0x4  }
0x28f: {  	[tilespmem:s4+$0xF248] =	vst.add.f32.msk @p1 $0xffff, v1  }
0x290: {  	v1 =	vld @p1 [tilespmem:$0xF1A8];
	_ =	sdelay $0x4  }
0x291: {  	[tilespmem:s4+$0xF258] =	vst.add.f32.msk @p1 $0xffff, v1  }
0x292: {  	v1 =	vld @p1 [tilespmem:$0xF1B8];
	_ =	sdelay $0x4  }
0x293: {  	[tilespmem:s4+$0xF268] =	vst.add.f32.msk @p1 $0xffff, v1  }
0x294: {  	v1 =	vld @p1 [tilespmem:$0xF1C8];
	_ =	sdelay $0x4  }
0x295: {  	[tilespmem:s4+$0xF278] =	vst.add.f32.msk @p1 $0xffff, v1  }
0x296: {  	v1 =	vld @p1 [tilespmem:$0xF1D8];
	_ =	sdelay $0x4  }
0x297: {  	[tilespmem:s4+$0xF288] =	vst.add.f32.msk @p1 $0xffff, v1  }
0x298: {  	v1 =	vld @p1 [tilespmem:$0xF1E8];
	_ =	sdelay $0x4  }
0x299: {  	[tilespmem:s4+$0xF298] =	vst.add.f32.msk @p1 $0xffff, v1  }
0x29a: {  	v1 =	vld @p1 [tilespmem:$0xF1F8];
	_ =	sdelay $0x3  }
0x29b: {  	s5 =	sshll.u32 @!p1 s3, $0x9  }
0x29c: {  	s5 =	smov.u32 @p1 s0;
	[tilespmem:s4+$0xF2A8] =	vst.add.f32.msk @p1 $0xffff, v1  }
0x29d: {  	s0 =	sshrl.u32 s5, $0x2;
	[tilespmem:s2+$0xF218] =	vst.msk $0x1, v0  }
0x29e: {  	v0 =	vld [tilespmem:s0+$0xF238];
	_ =	sdelay $0x2  }
0x29f: {  	s31 =	sshll.u32 s2, $0x9  }
0x2a0: {  	s4 =	sshra.s32 s31, $0x2  }
0x2a1: {  	[tilespmem:s4+$0xF238] =	vst v0  }
0x2a2: {  	v0 =	vld [tilespmem:s0+$0xF248];
	_ =	sdelay $0x4  }
0x2a3: {  	[tilespmem:s4+$0xF248] =	vst v0  }
0x2a4: {  	v0 =	vld [tilespmem:s0+$0xF258];
	_ =	sdelay $0x4  }
0x2a5: {  	[tilespmem:s4+$0xF258] =	vst v0  }
0x2a6: {  	v0 =	vld [tilespmem:s0+$0xF268];
	_ =	sdelay $0x4  }
0x2a7: {  	[tilespmem:s4+$0xF268] =	vst v0  }
0x2a8: {  	v0 =	vld [tilespmem:s0+$0xF278];
	_ =	sdelay $0x4  }
0x2a9: {  	[tilespmem:s4+$0xF278] =	vst v0  }
0x2aa: {  	v0 =	vld [tilespmem:s0+$0xF288];
	_ =	sdelay $0x4  }
0x2ab: {  	[tilespmem:s4+$0xF288] =	vst v0  }
0x2ac: {  	v0 =	vld [tilespmem:s0+$0xF298];
	_ =	sdelay $0x4  }
0x2ad: {  	[tilespmem:s4+$0xF298] =	vst v0  }
0x2ae: {  	v0 =	vld [tilespmem:s0+$0xF2A8];
	_ =	sdelay $0x4  }
0x2af: {  	s2 =	sadd.s32 $0x1, s2;
	[tilespmem:s4+$0xF2A8] =	vst v0  }
.LBB3_48:
0x2b0: {  	s3 =	sadd.s32 $0x1, s3  }
0x2b1: {  	p1 =	sne.s32 s3, $0x20  }
.Ltmp40:
0x2b2: {  	_ = 	snop;
	(pc) =	sbr.rel @!p1 .LBB3_49-.Ltmp40, $1  }
0x2b3: {  	_ =	sdelay $0x3  }
.LBB3_41:
0x2b4: {  	v0 =	vld.msk [tilespmem:s3+$0xF218], $0x1;
	_ =	sdelay $0x4  }
0x2b5: {  	(v2sf) =	vpush v0, $0x0;
	_ =	sdelay $0xe  }
0x2b6: {  	s4 =	spop (v2sf)  }
0x2b7: {  	p1 =	seq.s32 s4, $0xFFFFFFFF  }
.Ltmp41:
0x2b8: {  	_ = 	snop;
	(pc) =	sbr.rel @p1 .LBB3_48-.Ltmp41, $1  }
0x2b9: {  	_ =	sdelay $0x3  }
0x2ba: {  	p1 =	slt.s32 s2, $0x1  }
.Ltmp42:
0x2bb: {  	_ = 	snop;
	(pc) =	sbr.rel @p1 .LBB3_47-.Ltmp42, $1  }
0x2bc: {  	_ =	sdelay $0x3  }
0x2bd: {  	s5 =	simm.s32 $0xF218;
	p1 =	por $0x0, $0x0  }
0x2be: {  	v1 =	vld.msk @!p1 [tilespmem:s5+$0x0], $0x1;
	_ =	sdelay $0x4  }
0x2bf: {  	(v2sf) =	vpush @!p1 v1, $0x0;
	_ =	sdelay $0xd  }
0x2c0: {  	p3 =	sne.s32 s2, $0x1  }
.Ltmp43:
0x2c1: {  	s0 =	spop @!p1 (v2sf);
	(pc) =	sbr.rel @!p3 .LBB3_45-.Ltmp43, $4  }
0x2c2: {  	p2 =	seq.s32 @!p1 s4, s0  }
0x2c3: {  	s6 =	simm.s32 $0x0;
	p2 =	por !p2, p1  }
0x2c4: {  	s7 =	simm.s32 $0xFFFFFFFF;
	s6 =	simm.s32 @p2 $0xFFFFFFFF  }
0x2c5: {  	s0 =	simm.s32 $0x1;
	s6 =	smov.u32 @p1 s7  }
.LBB3_44:
0x2c6: {  	s7 =	smov.u32 s6;
	p1 =	sne.s32 s6, $0xFFFFFFFF  }
0x2c7: {  	s5 =	sadd.s32 $0x1, s5;
	s6 =	smov.u32 s0;
	s0 =	sadd.s32 $0x1, s0  }
0x2c8: {  	p2 =	sne.s32 s2, s0;
	v1 =	vld.msk @!p1 [tilespmem:s5+$0x0], $0x1;
	_ =	sdelay $0x4  }
0x2c9: {  	(v2sf) =	vpush @!p1 v1, $0x0;
	_ =	sdelay $0xe  }
.Ltmp44:
0x2ca: {  	s8 =	spop @!p1 (v2sf);
	(pc) =	sbr.rel @p2 .LBB3_44-.Ltmp44, $4  }
0x2cb: {  	p3 =	seq.s32 @!p1 s4, s8  }
0x2cc: {  	p3 =	por !p3, p1  }
0x2cd: {  	s6 =	simm.s32 @p3 $0xFFFFFFFF  }
0x2ce: {  	s6 =	smov.u32 @p1 s7  }
.LBB3_45:
0x2cf: {  	p1 =	seq.s32 s6, $0xFFFFFFFF  }
.Ltmp45:
0x2d0: {  	_ = 	snop;
	(pc) =	sbr.rel @p1 .LBB3_47-.Ltmp45, $1  }
0x2d1: {  	_ =	sdelay $0x3  }
0x2d2: {  	s0 =	sshll.u32 s3, $0x7  }
0x2d3: {  	s0 =	sand.u32 $0x3FFFFF80, s0  }
0x2d4: {  	v0 =	vld [tilespmem:s0+$0xF238];
	_ =	sdelay $0x2  }
0x2d5: {  	s4 =	sshll.u32 s6, $0x9  }
0x2d6: {  	s4 =	sshra.s32 s4, $0x2  }
0x2d7: {  	[tilespmem:s4+$0xF238] =	vst.add.f32.msk $0xffff, v0  }
0x2d8: {  	v0 =	vld [tilespmem:s0+$0xF248];
	_ =	sdelay $0x4  }
0x2d9: {  	[tilespmem:s4+$0xF248] =	vst.add.f32.msk $0xffff, v0  }
0x2da: {  	v0 =	vld [tilespmem:s0+$0xF258];
	_ =	sdelay $0x4  }
0x2db: {  	[tilespmem:s4+$0xF258] =	vst.add.f32.msk $0xffff, v0  }
0x2dc: {  	v0 =	vld [tilespmem:s0+$0xF268];
	_ =	sdelay $0x4  }
0x2dd: {  	[tilespmem:s4+$0xF268] =	vst.add.f32.msk $0xffff, v0  }
0x2de: {  	v0 =	vld [tilespmem:s0+$0xF278];
	_ =	sdelay $0x4  }
0x2df: {  	[tilespmem:s4+$0xF278] =	vst.add.f32.msk $0xffff, v0  }
0x2e0: {  	v0 =	vld [tilespmem:s0+$0xF288];
	_ =	sdelay $0x4  }
0x2e1: {  	[tilespmem:s4+$0xF288] =	vst.add.f32.msk $0xffff, v0  }
0x2e2: {  	v0 =	vld [tilespmem:s0+$0xF298];
	_ =	sdelay $0x4  }
0x2e3: {  	[tilespmem:s4+$0xF298] =	vst.add.f32.msk $0xffff, v0  }
0x2e4: {  	v0 =	vld [tilespmem:s0+$0xF2A8]  }
.Ltmp46:
0x2e5: {  	_ = 	snop;
	(pc) =	sbr.rel .LBB3_48-.Ltmp46, $2  }
0x2e6: {  	_ =	sdelay $0x2  }
0x2e7: {  	[tilespmem:s4+$0xF2A8] =	vst.add.f32.msk $0xffff, v0  }
.LBB3_49:
0x2e8: {  	p1 =	slt.s32 s2, $0x1  }
.Ltmp47:
0x2e9: {  	_ = 	snop;
	(pc) =	sbr.rel @p1 .LBB3_53-.Ltmp47, $3  }
0x2ea: {  	_ =	sdelay $0x1  }
0x2eb: {  	s0 =	simm.s32 $0x8  }
0x2ec: {  	s3 =	simm.s32 $0x0;
	[sflag:s0] =	ssyncpa.u1 $0x1  }
0x2ed: {  	s0 =	simm.s32 $0xF218  }
0x2ee: {  	v0 =	vld.msk [tilespmem:s0+$0x0], $0x1;
	_ =	sdelay $0x4  }
0x2ef: {  	(v2sf) =	vpush v0, $0x0;
	_ =	sdelay $0xe  }
0x2f0: {  	s0 =	sadd.s32 $0xFFFFFFFF, s2;
	s5 =	spop (v2sf)  }
0x2f1: {  	p2 =	sne.s32 s0, $0x0;
	p1 =	sgt.u32 s5, $0x1869F0  }
.Ltmp48:
0x2f2: {  	s6 =	sand.u32 @!p1 $0x1FFFF8, s5;
	(pc) =	sbr.rel @!p2 .LBB3_52-.Ltmp48, $4  }
0x2f3: {  	s4 =	simm.s32 $0xF238;
	s5 =	sand.u32 @!p1 $0x7, s5;
	s2 =	sadd.s32 @!p1 s1, s6  }
0x2f4: {  	[hbm4b:s2+s5] =	stream.linear.scatter @!p1 [tilespmem:s4], [sflag:$0x7], $0x80, $0x38;
	[tilespmem:$0x1F6F8] =	vst v63  }
0x2f5: {  	s5 =	simm.s32 $0x0  }
0x2f6: {  	s2 =	simm.s32 $0xF219;
	s5 =	simm.s32 @!p1 $0x200  }
.LBB3_51:
0x2f7: {  	v0 =	vld.msk [tilespmem:s2+$0x0], $0x1;
	s0 =	sadd.s32 $0xFFFFFFFF, s0;
	s3 =	sadd.s32 s3, s5  }
0x2f8: {  	p1 =	sne.s32 s0, $0x0;
	_ =	sdelay $0x3  }
0x2f9: {  	(v2sf) =	vpush v0, $0x0;
	_ =	sdelay $0xe  }
.Ltmp49:
0x2fa: {  	s6 =	spop (v2sf);
	(pc) =	sbr.rel @p1 .LBB3_51-.Ltmp49, $4  }
0x2fb: {  	s5 =	simm.s32 $0x0;
	p2 =	sgt.u32 s6, $0x1869F0  }
0x2fc: {  	s4 =	sadd.s32 $0x80, s4;
	s5 =	simm.s32 @!p2 $0x200;
	s7 =	sand.u32 @!p2 $0x1FFFF8, s6  }
0x2fd: {  	s2 =	sadd.s32 $0x1, s2;
	s6 =	sand.u32 @!p2 $0x7, s6;
	s7 =	sadd.s32 @!p2 s1, s7  }
0x2fe: {  	[hbm4b:s7+s6] =	stream.linear.scatter @!p2 [tilespmem:s4], [sflag:$0x7], $0x80, $0x38;
	[tilespmem:$0x1F6F8] =	vst v63  }
.LBB3_52:
0x2ff: {  	s0 =	sadd.s32 s3, s5  }
0x300: {  	s3 =	sshrl.u32 s0, $0x2  }
.LBB3_53:
0x301: {  	s0 =	simm.s32 $0x7  }
0x302: {  	_ =	swait.ge [sflag:s0], s3  }
0x303: {  	s1 =	ssub.s32 $0x0, s3;
	[sflag:s0] =	ssyncset.done $0x0  }
0x304: {  	[sflag:s0] =	ssyncadd.s32 s1  }
0x305: {  	[sflag:s0] =	ssyncpa.u1 $0x1  }
.LBB3_54:
0x306: {  	_ =	sfence;
	s0 =	simm.s32 $0x1  }
0x307: {  	[sflag:s0] =	ssyncpa.u1 $0x1  }
0x308: {  	_ =	strace $0x90000065  }
0x309: {  	[bflag:$0x2] =	sbarrier.arrive $0xFFFF  }
0x30a: {  	s0 =	rddreg [dreg:$0x3]  }
0x30b: {  	s0 =	sadd.s32 @!p0 $0x100000, s0  }
0x30c: {  	[sflag:s0] =	ssyncadd.tile.s32 @!p0 $0x1;
	_ =	shalt  }
.Lfunc_end3:
_tile_overlayer_lowered:
.L_overlay_start_3:
0x30d: {  	(tag) =	ssettag $0x3  }
0x30e: {  	s0 =	rddreg [dreg:$0x0];
	s2 =	stileid.u32  }
0x30f: {  	s1 =	rddreg [dreg:$0x1];
	p0 =	sne.s32 s2, $0x0  }
0x310: {  	s3 =	rddreg [dreg:$0x2];
	[bflag:$0x3] =	sbarrier.arrive $0xFFFF;
	s2 =	simm.s32 @!p0 $0x1C01  }
0x311: {  	[timem:s3], [sflag:s2] =	dma.local @!p0 [hbm:s0], s1  }
0x312: {  	s0 =	simm.s32 @!p0 $0x1  }
0x313: {  	_ =	swait.ge @!p0 [sflag:s0], s1  }
0x314: {  	s1 =	ssub.s32 @!p0 $0x0, s1;
	[sflag:s0] =	ssyncset.done @!p0 $0x0  }
0x315: {  	[sflag:s0] =	ssyncadd.s32 @!p0 s1  }
0x316: {  	[bflag:$0x3] =	sbarrier.arrive $0xFFFF  }
0x317: {  	_ =	shalt  }

// kernel: scatter_offload_async_start.3
scs
__scs_entry_jumppad:
0x0: {  	(pc) =	sbr.rel $0x88, $3  }
0x1: {  	(tag) =	ssettag $0x0;
	lr =	simm.s32 $0x1  }
0x2: {  	[smem:$0x3F90] =	sst lr;
	_ =	strace $0xD0000000  }
0x3: {  	_ = 	snop  }
0x4: {  	_ = 	snop  }
0x5: {  	_ = 	snop  }
0x6: {  	_ = 	snop  }
0x7: {  	_ = 	snop  }
__scs_overlays_trampoline_lowered:
0x8: {  	[smem:$0x3F9F] =	sst s0  }
0x9: {  	[smem:$0x3FA0] =	sst s1  }
0xa: {  	[smem:$0x3FA1] =	sst s2  }
0xb: {  	[smem:$0x3FA2] =	sst s3  }
0xc: {  	[smem:$0x3FA3] =	sst s4  }
0xd: {  	[smem:$0x3FA4] =	sst s5  }
0xe: {  	[smem:$0x3FA5] =	sst s6  }
0xf: {  	[smem:$0x3FA6] =	sst s7  }
0x10: {  	[smem:$0x3FA7] =	sst s8  }
0x11: {  	[smem:$0x3FA8] =	sst s9;
	s0 =	simm.s32 @!p0 $0x0  }
0x12: {  	s1 =	sld [smem:$0x3F8E];
	s0 =	simm.s32 @p0 $0x1  }
0x13: {  	[smem:$0x3FA9] =	sst s0;
	s0 =	simm.s32 @!p1 $0x0  }
0x14: {  	s2 =	sld [smem:$0x3F8D];
	s0 =	simm.s32 @p1 $0x1  }
0x15: {  	[smem:$0x3FAA] =	sst s0;
	s0 =	simm.s32 @!p2 $0x0  }
0x16: {  	s3 =	sld [smem:$0x3FDB];
	s0 =	simm.s32 @p2 $0x1  }
0x17: {  	s4 =	simm.s32 $0x1BF5;
	[smem:$0x3FAC] =	sst s0  }
0x18: {  	s0 =	sld [smem:$0x3F8F];
	_ =	swait.ge [sflag:s4], $0x0  }
0x19: {  	s7 =	sld [smem:$0x3F90]  }
0x1a: {  	s8 =	sadd.s32 $0xFFFFE003, lr  }
0x1b: {  	s9 =	sadd.s32 $0xFFFFFEF7, lr;
	s5 =	simm.s32 $0xFFFFFFFF;
	p2 =	slt.u32 s8, $0xFFFFF086  }
0x1c: {  	p1 =	slt.u32 s9, $0xF7A;
	s5 =	simm.s32 @!p2 $0x0  }
0x1d: {  	s5 =	simm.s32 @p1 $0x1;
	p0 =	seq.s32 s7, s2  }
0x1e: {  	s7 =	smul.u32 @!p0 $0xF7A, s2;
	p2 =	seq.s32 @!p0 s5, $0x0  }
0x1f: {  	s9 =	smul.u32 $0xF7A, s1;
	s8 =	simm.s32 @!p0 $0x1BF5;
	p2 =	por !p2, p0  }
0x20: {  	[sflag:s8] =	ssyncset.s32 @!p0 $0xFFFFF086;
	s6 =	sadd.s32 @!p0 s3, s7;
	s7 =	simm.s32 @!p0 $0x108  }
0x21: {  	s3 =	sadd.s32 s3, s9;
	s6 =	sadd.s32 @!p0 $0x88, s6;
	s7 =	simm.s32 @p2 $0x1082  }
0x22: {  	[simem:s7], [sflag:s8] =	dma.local @!p0 [hbm:s6], $0xF7A  }
0x23: {  	s9 =	sor.u32 $0xD0000000, s2;
	s6 =	simm.s32 $0x108;
	_ =	swait.ge @!p0 [sflag:s8], $0x0  }
0x24: {  	s3 =	sadd.s32 $0x88, s3;
	s6 =	simm.s32 @!p1 $0x1082;
	[sflag:s4] =	ssyncset.s32 $0xFFFFF086  }
0x25: {  	[simem:s6], [sflag:s4] =	dma.local [hbm:s3], $0xF7A  }
0x26: {  	[smem:$0x3F90] =	sst s1;
	(tag) =	ssettag s2;
	_ =	strace s9  }
0x27: {  	s1 =	sld [smem:$0x3FA0]  }
0x28: {  	s2 =	sld [smem:$0x3FA1]  }
0x29: {  	s4 =	sld [smem:$0x3FA3]  }
0x2a: {  	p0 =	seq.s32 s5, $0x0;
	s5 =	sld [smem:$0x3FA4]  }
0x2b: {  	s6 =	sld [smem:$0x3FA5]  }
0x2c: {  	s7 =	sld [smem:$0x3FA6]  }
0x2d: {  	s3 =	simm.s32 $0x108;
	s8 =	sld [smem:$0x3FA7]  }
0x2e: {  	s3 =	simm.s32 @!p0 $0x1082;
	s9 =	sld [smem:$0x3FA8]  }
0x2f: {  	lr =	sadd.s32 s0, s3;
	s0 =	sld [smem:$0x3F9F]  }
0x30: {  	s3 =	sld [smem:$0x3FA2]  }
0x31: {  	[smem:$0x3FAB] =	sst s10  }
0x32: {  	s10 =	sld [smem:$0x3FA9];
	_ =	sdelay $0x3  }
0x33: {  	p0 =	seq.s32 s10, $0x1;
	s10 =	sld [smem:$0x3FAB];
	_ =	sdelay $0x3  }
0x34: {  	[smem:$0x3FAB] =	sst s10  }
0x35: {  	s10 =	sld [smem:$0x3FAA];
	_ =	sdelay $0x3  }
0x36: {  	p1 =	seq.s32 s10, $0x1;
	s10 =	sld [smem:$0x3FAB];
	_ =	sdelay $0x3  }
0x37: {  	[smem:$0x3FAB] =	sst s10  }
0x38: {  	s10 =	sld [smem:$0x3FAC]  }
0x39: {  	_ = 	snop;
	(pc) =	sbr.ind lr, $3  }
0x3a: {  	_ = 	snop  }
0x3b: {  	_ = 	snop  }
0x3c: {  	p2 =	seq.s32 s10, $0x1;
	s10 =	sld [smem:$0x3FAB]  }
0x3d: {  	_ =	shalt  }
0x3e: {  	_ =	shalt  }
0x3f: {  	_ =	shalt  }
0x40: {  	_ =	shalt  }
0x41: {  	_ =	shalt  }
0x42: {  	_ =	shalt  }
0x43: {  	_ =	shalt  }
0x44: {  	_ =	shalt  }
0x45: {  	_ =	shalt  }
0x46: {  	_ =	shalt  }
0x47: {  	_ =	shalt  }
0x48: {  	_ =	shalt  }
0x49: {  	_ =	shalt  }
0x4a: {  	_ =	shalt  }
0x4b: {  	_ =	shalt  }
0x4c: {  	_ =	shalt  }
0x4d: {  	_ =	shalt  }
0x4e: {  	_ =	shalt  }
0x4f: {  	_ =	shalt  }
0x50: {  	_ =	shalt  }
0x51: {  	_ =	shalt  }
0x52: {  	_ =	shalt  }
0x53: {  	_ =	shalt  }
0x54: {  	_ =	shalt  }
0x55: {  	_ =	shalt  }
0x56: {  	_ =	shalt  }
0x57: {  	_ =	shalt  }
0x58: {  	_ =	shalt  }
0x59: {  	_ =	shalt  }
0x5a: {  	_ =	shalt  }
0x5b: {  	_ =	shalt  }
0x5c: {  	_ =	shalt  }
0x5d: {  	_ =	shalt  }
0x5e: {  	_ =	shalt  }
0x5f: {  	_ =	shalt  }
0x60: {  	_ =	shalt  }
0x61: {  	_ =	shalt  }
0x62: {  	_ =	shalt  }
0x63: {  	_ =	shalt  }
0x64: {  	_ =	shalt  }
0x65: {  	_ =	shalt  }
0x66: {  	_ =	shalt  }
0x67: {  	_ =	shalt  }
0x68: {  	_ =	shalt  }
0x69: {  	_ =	shalt  }
0x6a: {  	_ =	shalt  }
0x6b: {  	_ =	shalt  }
0x6c: {  	_ =	shalt  }
0x6d: {  	_ =	shalt  }
0x6e: {  	_ =	shalt  }
0x6f: {  	_ =	shalt  }
0x70: {  	_ =	shalt  }
0x71: {  	_ =	shalt  }
0x72: {  	_ =	shalt  }
0x73: {  	_ =	shalt  }
0x74: {  	_ =	shalt  }
0x75: {  	_ =	shalt  }
0x76: {  	_ =	shalt  }
0x77: {  	_ =	shalt  }
0x78: {  	_ =	shalt  }
0x79: {  	_ =	shalt  }
0x7a: {  	_ =	shalt  }
0x7b: {  	_ =	shalt  }
0x7c: {  	_ =	shalt  }
0x7d: {  	_ =	shalt  }
0x7e: {  	_ =	shalt  }
0x7f: {  	_ =	shalt  }
0x80: {  	_ =	shalt  }
0x81: {  	_ =	shalt  }
0x82: {  	_ =	shalt  }
0x83: {  	_ =	shalt  }
0x84: {  	_ =	shalt  }
0x85: {  	_ =	shalt  }
0x86: {  	_ =	shalt  }
0x87: {  	_ =	shalt  }
.Lfunc_end0:
.L_simem_size_0:
called_computation.3_lowered:
.L_overlay_start_0:
0x88: {  	s2 =	sld [smem:$0x3FD9]  }
0x89: {  	s3 =	sld [smem:$0x3FFE];
	_ =	sdelay $0x1  }
0x8a: {  	s1 =	srdreg.scid  }
0x8b: {  	s0 =	sand.u32 $0x1, s1  }
0x8c: {  	s12 =	sshll.u32 s0, $0xA;
	s2 =	sadd.s32 s3, s2  }
0x8d: {  	s2 =	sadd.s32 s2, s12  }
0x8e: {  	[smem:$0x3FB7] =	sst s2  }
0x8f: {  	_ = 	snop  }
0x90: {  	(tm) =	ssettm $0x1  }
0x91: {  	s13 =	sld [smem:$0x3FFB];
	_ =	sdelay $0x3  }
0x92: {  	_ =	strace s13  }
0x93: {  	s2 =	sld [smem:$0x3FFC];
	_ =	sdelay $0x3  }
0x94: {  	_ =	strace s2  }
0x95: {  	s2 =	sld [smem:$0x3FFD];
	_ =	sdelay $0x3  }
0x96: {  	_ =	strace s2  }
0x97: {  	_ =	strace $0x8FFFFFFF  }
0x98: {  	s14 =	sld [smem:$0x3FDB];
	_ =	sdelay $0x1  }
0x99: {  	s15 =	simm.s32 $_scs_section_size  }
0x9a: {  	s4 =	simm.s32 $_size__tile_overlayer_lowered;
	s5 =	simm.s32 $_tile_overlayer_lowered  }
0x9b: {  	s19 =	simm.s32 $0x1BFF;
	s17 =	sshll.u32 s5, $0x1;
	s6 =	sadd.s32 s15, s14  }
0x9c: {  	s20 =	simm.s32 $0x0;
	s16 =	sshll.u32 s4, $0x1;
	s18 =	sadd.s32 s17, s6  }
0x9d: {  	[timem:s20], [sflag:s19] =	dma.local [hbm:s18], s16  }
0x9e: {  	_ =	swait.ge [sflag:s19], s16  }
0x9f: {  	s3 =	ssub.s32 $0x0, s16;
	[sflag:s19] =	ssyncset.done $0x0  }
0xa0: {  	[sflag:s19] =	ssyncadd.s32 s3;
	_ =	sdelay $0x1  }
0xa1: {  	s21 =	simm.s32 $0x1B8B  }
0xa2: {  	_ =	swait.ge [sflag:s21], $0x1  }
0xa3: {  	[sflag:s21] =	ssyncset.done $0x0  }
0xa4: {  	[sflag:s21] =	ssyncadd.s32 $0xFFFFFFFF  }
0xa5: {  	s3 =	sld [smem:$0x0]  }
0xa6: {  	s4 =	sand.u32 $0xFFFFFFFE, s1  }
0xa7: {  	p0 =	sne.s32 s1, s4  }
0xa8: {  	s4 =	sshll.u32 @p0 s4, $0xE  }
0xa9: {  	s5 =	sadd.s32 @p0 $0x11B8D, s4;
	s7 =	sshll.u32 @p0 s3, $0x11  }
0xaa: {  	s5 =	sor.u32 @p0 s7, s5  }
0xab: {  	[sflag:s5] =	ssyncadd.remote.s32 @p0 $0x1;
	_ =	sdelay $0x1  }
0xac: {  	s5 =	simm.s32 @p0 $0x1B8D  }
0xad: {  	_ =	swait.eq @p0 [sflag:s5], $0x1  }
0xae: {  	[sflag:s5] =	ssyncadd.s32 @p0 $0xFFFFFFFF  }
0xaf: {  	s7 =	sshll.u32 @!p0 s1, $0xE  }
0xb0: {  	s7 =	sor.u32 @!p0 $0x4000, s7;
	s5 =	simm.s32 @!p0 $0x1B8D  }
0xb1: {  	s9 =	sshll.u32 @!p0 s3, $0x11;
	s8 =	sadd.s32 @!p0 $0x11B8D, s7;
	_ =	swait.eq @!p0 [sflag:s5], $0x1  }
0xb2: {  	[sflag:s5] =	ssyncadd.s32 @!p0 $0xFFFFFFFF;
	s5 =	sor.u32 @!p0 s9, s8  }
0xb3: {  	s23 =	simm.s32 $0x1B8E;
	s22 =	sld [smem:$0x3FFE];
	[sflag:s5] =	ssyncadd.remote.s32 @!p0 $0x1  }
0xb4: {  	s24 =	simm.s32 $execute0_lowered;
	[smem:$0x3FD2] =	sst s23  }
0xb5: {  	s8 =	sshll.u32 s24, $0x1;
	_ =	strace $0x80000067;
	[dreg:$0x1] =	wrdreg $0xFFFFFFFF  }
0xb6: {  	s25 =	simm.s32 $_size_execute0_lowered;
	s8 =	sadd.s32 s6, s8;
	[dreg:$0x0] =	wrdreg $0x0  }
0xb7: {  	s9 =	sshll.u32 s25, $0x1;
	[dreg:$0x2] =	wrdreg s8  }
0xb8: {  	[dreg:$0x3] =	wrdreg s9  }
0xb9: {  	[dreg:$0x4] =	wrdreg $0xC0  }
0xba: {  	s26 =	simm.s32 $execute1_lowered;
	_ =	task [dreg:s20], $0x5FFFF  }
0xbb: {  	s8 =	sshll.u32 s26, $0x1;
	[dreg:$0x1] =	wrdreg $0xFFFFFFFF  }
0xbc: {  	s6 =	sadd.s32 s6, s8;
	[dreg:$0x0] =	wrdreg $0x60  }
0xbd: {  	[dreg:$0x2] =	wrdreg s6  }
0xbe: {  	[dreg:$0x3] =	wrdreg s22  }
0xbf: {  	[dreg:$0x4] =	wrdreg $0xB  }
0xc0: {  	_ =	task.clear_ibuf [dreg:s20], $0x5FFFF;
	_ =	strace $0x90000067  }
0xc1: {  	s28 =	simm.s32 $0xB;
	_ =	strace $0x80000069  }
0xc2: {  	_ =	swait.ge [sflag:s28], $0x1  }
0xc3: {  	[sflag:s28] =	ssyncadd.s32 $0xFFFFFFFF  }
0xc4: {  	_ =	strace $0x90000069  }
0xc5: {  	s6 =	sld [smem:$0x0];
	_ =	sdelay $0x3  }
0xc6: {  	s4 =	sadd.s32 @p0 $0x11BF3, s4;
	s8 =	sshll.u32 @p0 s6, $0x11  }
0xc7: {  	s4 =	sor.u32 @p0 s8, s4  }
0xc8: {  	[sflag:s4] =	ssyncadd.remote.s32 @p0 $0x1;
	_ =	sdelay $0x1  }
0xc9: {  	s4 =	simm.s32 @p0 $0x1BF3  }
0xca: {  	_ =	swait.eq @p0 [sflag:s4], $0x1  }
0xcb: {  	[sflag:s4] =	ssyncadd.s32 @p0 $0xFFFFFFFF;
	_ =	sdelay $0x1  }
0xcc: {  	s4 =	simm.s32 @!p0 $0x1BF3  }
0xcd: {  	s7 =	sadd.s32 @!p0 $0x11BF3, s7;
	s6 =	sshll.u32 @!p0 s6, $0x11;
	_ =	swait.eq @!p0 [sflag:s4], $0x1  }
0xce: {  	[sflag:s4] =	ssyncadd.s32 @!p0 $0xFFFFFFFF;
	s4 =	sor.u32 @!p0 s6, s7  }
0xcf: {  	[sflag:s4] =	ssyncadd.remote.s32 @!p0 $0x1  }
0xd0: {  	_ =	strace $0x8000006A;
	[dreg:$0x1] =	wrdreg $0xFFFFFFFF  }
0xd1: {  	[dreg:$0x0] =	wrdreg $0x2030  }
0xd2: {  	[dreg:$0x2] =	wrdreg s22  }
0xd3: {  	[dreg:$0x3] =	wrdreg s1  }
0xd4: {  	[dreg:$0x4] =	wrdreg s3  }
0xd5: {  	[dreg:$0x5] =	wrdreg $0xC  }
0xd6: {  	_ =	task.clear_ibuf [dreg:s20], $0x6FFFF;
	_ =	strace $0x9000006A  }
0xd7: {  	s29 =	simm.s32 $0xC;
	_ =	strace $0x8000006C  }
0xd8: {  	_ =	swait.ge [sflag:s29], $0x1  }
0xd9: {  	[sflag:s29] =	ssyncadd.s32 $0xFFFFFFFF  }
0xda: {  	_ =	strace $0x9000006C  }
0xdb: {  	_ =	sfence  }
0xdc: {  	s30 =	sld [smem:$0x0];
	_ =	sdelay $0x2  }
0xdd: {  	s31 =	sshll.u32 s1, $0xD;
	s1 =	sshrl.u32 s1, $0x2  }
0xde: {  	s4 =	sand.u32 $0x4000, s31;
	s1 =	sadd.s32 s1, s30  }
0xdf: {  	s0 =	sor.u32 s4, s0;
	s1 =	sshll.u32 s1, $0x11  }
0xe0: {  	s0 =	sor.u32 s1, s0  }
0xe1: {  	s0 =	sadd.s32 $0x8F2B, s0  }
0xe2: {  	[sflag:s0] =	ssyncadd.remote.s32 $0x1  }
0xe3: {  	_ =	sfence.sel $0xFFFF  }
0xe4: {  	[dreg:$0x0] =	wrdreg $0xFFFFFFFF;
	(pc) =	sbr.abs _section_cstart, $3  }
0xe5: {  	[dreg:$0x1] =	wrdreg $0xFFFFFFFF  }
0xe6: {  	_ =	task.clear_ibuf [dreg:s20], $0x2FFFF;
	_ =	strace $0x9FFFFFFF  }
0xe7: {  	(tm) =	ssettm $0x7FFFFFFF  }
tec
execute0_lowered:
.L_overlay_start_1:
0x0: {  	(tag) =	ssettag $0x1  }
0x1: {  	s2 =	rddreg [dreg:$0x0]  }
0x2: {  	s4 =	rddreg [dreg:$0x1]  }
0x3: {  	s0 =	rddreg [dreg:$0x2];
	s3 =	stileid.u32  }
0x4: {  	[bflag:$0x3] =	sbarrier.arrive $0xFFFF;
	s1 =	simm.s32 $_size_execute1_lowered;
	s29 =	srdreg.scid  }
0x5: {  	s7 =	simm.s32 $0x2;
	s8 =	simm.s32 $0x0;
	p0 =	sne.s32 s3, $0x0  }
0x6: {  	s1 =	sshll.u32 s1, $0x1;
	s5 =	simm.s32 @!p0 $0x1C3F;
	s6 =	simm.s32 @!p0 $0x4060  }
0x7: {  	[timem:s6], [sflag:s5] =	dma.local @!p0 [hbm:s2], s1  }
0x8: {  	s12 =	simm.s32 $0x0;
	s10 =	simm.s32 $0x0;
	s2 =	sshll.u32 s29, $0x7  }
.Ltmp0:
0x9: {  	s3 =	sshll.u32 s3, $0x8;
	s30 =	sand.u32 $0x80, s2;
	(pc) =	sbr.rel .LBB2_1-.Ltmp0, $4  }
0xa: {  	s11 =	simm.s32 $0x0;
	s5 =	simm.s32 $0x1;
	s3 =	sor.u32 s3, s30  }
0xb: {  	_ =	strace $0x80000068;
	s2 =	sadd.s32 $0x200, s4;
	s31 =	ssub.s32 $0x18680, s3  }
0xc: {  	s4 =	sadd.s32 $0xAFBA00, s4;
	[sflag:s5] =	ssyncpa.u1 $0x0;
	s6 =	sshrl.u32 s31, $0xC  }
0xd: {  	[sflag:s7] =	ssyncpa.u1 $0x0;
	s9 =	smov.u32 s3;
	s7 =	sadd.s32 $0x2, s6  }
.LBB2_4:
0xe: {  	_ = 	snop  }
.LBB2_7:
0xf: {  	_ =	sdelay $0x3  }
0x10: {  	[tilespmem:v0+s16+$0x0 ss:$0x1] =	vst.idx.msk @p1 $0xffff, v2  }
0x11: {  	v56 =	vld.idx.msk [tilespmem:v1+s15+$0x0 ss:$0x1], $0xffff;
	s24 =	sor.u32 $0x70, s15;
	[tilespmem:v0+s17+$0x0 ss:$0x1] =	vst.idx.msk @p1 $0xffff, v4  }
0x12: {  	s25 =	sor.u32 $0x10, s15;
	[tilespmem:v0+s18+$0x0 ss:$0x1] =	vst.idx.msk @p1 $0xffff, v3;
	v57 =	vld.idx.msk [tilespmem:v1+s24+$0x0 ss:$0x1], $0xffff  }
0x13: {  	s26 =	sor.u32 $0x20, s15;
	[tilespmem:v0+s19+$0x0 ss:$0x1] =	vst.idx.msk @p1 $0xffff, v5;
	v58 =	vld.idx.msk [tilespmem:v1+s25+$0x0 ss:$0x1], $0xffff  }
0x14: {  	s28 =	sor.u32 $0x30, s15;
	[tilespmem:v0+s20+$0x0 ss:$0x1] =	vst.idx.msk @p1 $0xffff, v6;
	v59 =	vld.idx.msk [tilespmem:v1+s26+$0x0 ss:$0x1], $0xffff  }
0x15: {  	s29 =	sor.u32 $0x40, s15;
	[tilespmem:v0+s21+$0x0 ss:$0x1] =	vst.idx.msk @p1 $0xffff, v7;
	v60 =	vld.idx.msk [tilespmem:v1+s28+$0x0 ss:$0x1], $0xffff  }
0x16: {  	s30 =	sor.u32 $0x50, s15;
	v61 =	vld.idx.msk [tilespmem:v1+s29+$0x0 ss:$0x1], $0xffff;
	[tilespmem:v0+s15+$0x0 ss:$0x1] =	vst.idx.msk $0xffff, v56  }
0x17: {  	s31 =	sor.u32 $0x60, s15;
	v62 =	vld.idx.msk [tilespmem:v1+s30+$0x0 ss:$0x1], $0xffff;
	[tilespmem:v0+s24+$0x0 ss:$0x1] =	vst.idx.msk $0xffff, v57  }
0x18: {  	v63 =	vld.idx.msk [tilespmem:v1+s31+$0x0 ss:$0x1], $0xffff;
	[tilespmem:v0+s25+$0x0 ss:$0x1] =	vst.idx.msk $0xffff, v58  }
0x19: {  	[tilespmem:v0+s26+$0x0 ss:$0x1] =	vst.idx.msk $0xffff, v59  }
0x1a: {  	[tilespmem:v0+s28+$0x0 ss:$0x1] =	vst.idx.msk $0xffff, v60  }
0x1b: {  	[tilespmem:v0+s29+$0x0 ss:$0x1] =	vst.idx.msk $0xffff, v61  }
0x1c: {  	[tilespmem:v0+s30+$0x0 ss:$0x1] =	vst.idx.msk $0xffff, v62  }
0x1d: {  	[tilespmem:v0+s31+$0x0 ss:$0x1] =	vst.idx.msk $0xffff, v63  }
.LBB2_8:
0x1e: {  	s15 =	sand.u32 $0x1FFFFFF, s10  }
0x1f: {  	s16 =	smulhi.u32 $0x14F8B59, s15;
	_ =	sdelay $0x1  }
0x20: {  	s16 =	sshrl.u32 s16, $0x9  }
0x21: {  	s16 =	smul.u32 $0x186A0, s16;
	_ =	sdelay $0x1  }
0x22: {  	s15 =	ssub.s32 s15, s16  }
0x23: {  	s15 =	sshll.u32 s15, $0x4  }
0x24: {  	s15 =	sadd.s32 s4, s15  }
0x25: {  	[hbm4b:s15+s8] =	stream.linear.scatter [tilespmem:s14], [sflag:$0x2], s13, $0x38;
	[tilespmem:$0x10000] =	vst v63  }
.LBB2_9:
0x26: {  	p1 =	slt.u32 s11, $0x2  }
0x27: {  	p2 =	sgt.s32 @!p1 s12, $0x18620  }
0x28: {  	s13 =	smov.u32 s12;
	s14 =	sshra.s32 @!p1 s12, $0x1F;
	p2 =	por !p2, p1  }
0x29: {  	s12 =	sand.u32 @!p1 s14, s12;
	s13 =	simm.s32 @p2 $0x18620  }
0x2a: {  	s12 =	ssub.s32 @!p1 s13, s12  }
0x2b: {  	s12 =	sadd.s32 @!p1 $0xFFFE79E0, s12  }
0x2c: {  	s13 =	sshll.u32 @!p1 s12, $0x9  }
0x2d: {  	p2 =	sgt.s32 @!p1 s12, $0x7F;
	s12 =	ssub.s32 @!p1 $0x10000, s13  }
0x2e: {  	s14 =	sadd.s32 $0x1000, s9;
	p2 =	por !p2, p1;
	s12 =	sshrl.u32 @!p1 s12, $0x2  }
0x2f: {  	s12 =	simm.s32 @!p2 $0x0;
	p2 =	sgt.s32 s14, $0x1869F  }
0x30: {  	s14 =	smov.u32 @p2 s3;
	p2 =	sne.s32 s11, s7  }
.Ltmp1:
0x31: {  	_ = 	snop;
	(pc) =	sbr.rel @!p2 .LBB2_10-.Ltmp1, $4  }
0x32: {  	s13 =	simm.s32 @!p1 $0x2  }
0x33: {  	_ =	swait.ge @!p1 [sflag:s13], s12;
	s15 =	ssub.s32 @!p1 $0x0, s12  }
0x34: {  	s12 =	smov.u32 s10;
	s11 =	sadd.s32 $0x1, s11;
	[sflag:s13] =	ssyncset.done @!p1 $0x0  }
0x35: {  	s10 =	smov.u32 s9;
	s9 =	smov.u32 s14;
	[sflag:s13] =	ssyncadd.s32 @!p1 s15  }
.LBB2_1:
0x36: {  	p1 =	sgt.u32 s11, s6  }
0x37: {  	s13 =	sand.u32 @!p1 $0x1FFFFFF, s9  }
0x38: {  	p2 =	sgt.s32 @!p1 s9, $0x18620;
	s14 =	smulhi.u32 @!p1 $0x14F8B59, s13  }
0x39: {  	s15 =	smov.u32 s9;
	s16 =	sshra.s32 @!p1 s9, $0x1F;
	p2 =	por !p2, p1  }
0x3a: {  	s16 =	sand.u32 @!p1 s16, s9;
	s15 =	simm.s32 @p2 $0x18620;
	s14 =	sshrl.u32 @!p1 s14, $0x9  }
0x3b: {  	s15 =	ssub.s32 @!p1 s15, s16;
	s14 =	smul.u32 @!p1 $0x186A0, s14  }
0x3c: {  	s16 =	sxor.u32 @!p1 $0xFFFFFFFF, s11;
	s15 =	sadd.s32 @!p1 $0xFFFE79E0, s15  }
0x3d: {  	s16 =	sshll.u32 @!p1 s16, $0xE;
	s13 =	ssub.s32 @!p1 s13, s14;
	s14 =	sshll.u32 @!p1 s15, $0x9  }
0x3e: {  	s16 =	sand.u32 @!p1 $0x4000, s16;
	p2 =	sgt.s32 @!p1 s15, $0x7F;
	s14 =	ssub.s32 @!p1 $0x10000, s14  }
0x3f: {  	p2 =	por !p2, p1;
	s13 =	sshll.u32 @!p1 s13, $0x4;
	s14 =	sshrl.u32 @!p1 s14, $0x2  }
0x40: {  	s15 =	simm.s32 @!p1 $0x0;
	s13 =	sadd.s32 @!p1 s2, s13;
	s14 =	simm.s32 @!p2 $0x0  }
0x41: {  	[tilespmem:s16], [sflag:$0x1] =	stream.linear.gather @!p1 [hbm4b:s13+s15], s14, $0x38;
	[tilespmem:$0x10000] =	vst v63  }
0x42: {  	p1 =	seq.s32 s11, $0x0  }
0x43: {  	p2 =	sge.u32 @!p1 s11, s7  }
0x44: {  	p1 =	por p1, p2  }
.Ltmp2:
0x45: {  	_ = 	snop;
	(pc) =	sbr.rel @p1 .LBB2_9-.Ltmp2, $1  }
0x46: {  	_ =	sdelay $0x3  }
0x47: {  	p1 =	sgt.s32 s10, $0x18620;
	s13 =	smov.u32 s10;
	s14 =	sshra.s32 s10, $0x1F  }
0x48: {  	s13 =	simm.s32 @!p1 $0x18620;
	s14 =	sand.u32 s14, s10  }
0x49: {  	s13 =	ssub.s32 s13, s14  }
0x4a: {  	s13 =	sadd.s32 $0xFFFE79E0, s13  }
0x4b: {  	s31 =	sshll.u32 s13, $0x9  }
0x4c: {  	s14 =	ssub.s32 $0x10000, s31  }
0x4d: {  	p1 =	sgt.s32 s13, $0x7F;
	s13 =	sshrl.u32 s14, $0x2;
	s14 =	sadd.s32 $0x80, s10  }
0x4e: {  	s13 =	simm.s32 @p1 $0x0;
	p1 =	slt.s32 s14, $0x186A0  }
0x4f: {  	s14 =	simm.s32 @!p1 $0x186A0  }
0x50: {  	s16 =	ssub.s32 s14, s10  }
0x51: {  	p1 =	slt.s32 s16, $0x1  }
.Ltmp3:
0x52: {  	_ = 	snop;
	(pc) =	sbr.rel @p1 .LBB2_8-.Ltmp3, $4  }
0x53: {  	_ = 	snop  }
0x54: {  	s15 =	sshll.u32 s11, $0xE;
	_ =	swait.ge [sflag:s5], s13  }
0x55: {  	s15 =	sand.u32 $0x4000, s15;
	s17 =	ssub.s32 $0x0, s13;
	[sflag:s5] =	ssyncset.done $0x0  }
0x56: {  	s14 =	sor.u32 $0x8000, s15;
	[sflag:s5] =	ssyncadd.s32 s17  }
0x57: {  	p2 =	sne.s32 s16, $0x1  }
.Ltmp4:
0x58: {  	v1 =	vmov s15;
	v0 =	vmov s14;
	(pc) =	sbr.rel @!p2 .LBB2_4-.Ltmp4, $3  }
0x59: {  	_ =	sdelay $0x1  }
0x5a: {  	s17 =	simm.s32 $0x0  }
0x5b: {  	s23 =	sadd.s32 $0xFFFFFFFF, s16;
	p1 =	por $0x0, $0x0;
	s15 =	sand.u32 $0x3F80, s17  }
0x5c: {  	_ =	sdelay $0x3  }
0x5d: {  	v6 =	vld.idx.msk [tilespmem:v1+s15+$0x0 ss:$0x1], $0xffff;
	s24 =	sor.u32 $0x70, s15  }
0x5e: {  	s16 =	sor.u32 $0x10, s15;
	v8 =	vld.idx.msk [tilespmem:v1+s24+$0x0 ss:$0x1], $0xffff  }
0x5f: {  	s17 =	sor.u32 $0x20, s15;
	p2 =	sne.s32 s23, $0x1;
	v2 =	vld.idx.msk [tilespmem:v1+s16+$0x0 ss:$0x1], $0xffff  }
.Ltmp5:
0x60: {  	s18 =	sor.u32 $0x30, s15;
	v4 =	vld.idx.msk [tilespmem:v1+s17+$0x0 ss:$0x1], $0xffff;
	(pc) =	sbr.rel @!p2 .LBB2_7-.Ltmp5, $4  }
0x61: {  	s19 =	sor.u32 $0x40, s15;
	v3 =	vld.idx.msk [tilespmem:v1+s18+$0x0 ss:$0x1], $0xffff  }
0x62: {  	s21 =	sor.u32 $0x60, s15;
	v5 =	vld.idx.msk [tilespmem:v1+s19+$0x0 ss:$0x1], $0xffff  }
0x63: {  	s20 =	sor.u32 $0x50, s15;
	s22 =	simm.s32 $0x80;
	v7 =	vld.idx.msk [tilespmem:v1+s21+$0x0 ss:$0x1], $0xffff;
	[tilespmem:v0+s15+$0x0 ss:$0x1] =	vst.idx.msk $0xffff, v6  }
0x64: {  	s23 =	sadd.s32 $0xFFFFFFFF, s23;
	p1 =	por $0x1, $0x1;
	v6 =	vld.idx.msk [tilespmem:v1+s20+$0x0 ss:$0x1], $0xffff;
	s15 =	sand.u32 $0x3F80, s22;
	[tilespmem:v0+s24+$0x0 ss:$0x1] =	vst.idx.msk $0xffff, v8  }
.LBB2_6:
0x65: {  	p2 =	sne.s32 s23, $0x1;
	v8 =	vld.idx.msk [tilespmem:v1+s15+$0x0 ss:$0x1], $0xffff;
	s24 =	sor.u32 $0x70, s15;
	[tilespmem:v0+s16+$0x0 ss:$0x1] =	vst.idx.msk $0xffff, v2;
	s16 =	sor.u32 $0x10, s15  }
0x66: {  	s25 =	sor.u32 $0x30, s15;
	s26 =	sor.u32 $0x40, s15;
	v9 =	vld.idx.msk [tilespmem:v1+s24+$0x0 ss:$0x1], $0xffff;
	[tilespmem:v0+s17+$0x0 ss:$0x1] =	vst.idx.msk $0xffff, v4;
	s17 =	sor.u32 $0x20, s15  }
0x67: {  	s28 =	sor.u32 $0x50, s15;
	s29 =	sor.u32 $0x60, s15;
	v2 =	vld.idx.msk [tilespmem:v1+s16+$0x0 ss:$0x1], $0xffff;
	[tilespmem:v0+s18+$0x0 ss:$0x1] =	vst.idx.msk $0xffff, v3;
	s18 =	smov.u32 s25  }
.Ltmp6:
0x68: {  	v4 =	vld.idx.msk [tilespmem:v1+s17+$0x0 ss:$0x1], $0xffff;
	[tilespmem:v0+s19+$0x0 ss:$0x1] =	vst.idx.msk $0xffff, v5;
	s19 =	smov.u32 s26;
	(pc) =	sbr.rel @p2 .LBB2_6-.Ltmp6, $4  }
0x69: {  	v3 =	vld.idx.msk [tilespmem:v1+s18+$0x0 ss:$0x1], $0xffff;
	[tilespmem:v0+s20+$0x0 ss:$0x1] =	vst.idx.msk $0xffff, v6;
	s20 =	smov.u32 s28  }
0x6a: {  	v5 =	vld.idx.msk [tilespmem:v1+s19+$0x0 ss:$0x1], $0xffff;
	[tilespmem:v0+s21+$0x0 ss:$0x1] =	vst.idx.msk $0xffff, v7;
	s21 =	smov.u32 s29  }
0x6b: {  	s22 =	sadd.s32 $0x80, s22;
	[tilespmem:v0+s15+$0x0 ss:$0x1] =	vst.idx.msk $0xffff, v8;
	v6 =	vld.idx.msk [tilespmem:v1+s20+$0x0 ss:$0x1], $0xffff  }
0x6c: {  	s23 =	sadd.s32 $0xFFFFFFFF, s23;
	s15 =	sand.u32 $0x3F80, s22;
	v7 =	vld.idx.msk [tilespmem:v1+s21+$0x0 ss:$0x1], $0xffff;
	[tilespmem:v0+s24+$0x0 ss:$0x1] =	vst.idx.msk $0xffff, v9  }
.Ltmp7:
0x6d: {  	_ = 	snop;
	(pc) =	sbr.rel .LBB2_7-.Ltmp7, $1  }
0x6e: {  	_ =	sdelay $0x3  }
.LBB2_10:
0x6f: {  	_ =	sfence.sel $0x180000  }
0x70: {  	s2 =	simm.s32 $0x1;
	[bflag:$0x0] =	sbarrier.arrive $0xFFFF  }
0x71: {  	s31 =	simm.s32 $0x2;
	[sflag:s2] =	ssyncpa.u1 $0x1  }
0x72: {  	[sflag:s31] =	ssyncpa.u1 $0x1  }
0x73: {  	_ =	strace $0x90000068  }
0x74: {  	s0 =	sadd.s32 @!p0 $0x100000, s0;
	[bflag:$0x2] =	sbarrier.arrive $0xFFFF  }
0x75: {  	[sflag:s0] =	ssyncadd.tile.s32 @!p0 $0x1;
	s0 =	simm.s32 @!p0 $0x3F  }
0x76: {  	_ =	swait.ge @!p0 [sflag:s0], s1  }
0x77: {  	s1 =	ssub.s32 @!p0 $0x0, s1;
	[sflag:s0] =	ssyncset.done @!p0 $0x0  }
0x78: {  	[sflag:s0] =	ssyncadd.s32 @!p0 s1  }
0x79: {  	[bflag:$0x3] =	sbarrier.arrive $0xFFFF  }
0x7a: {  	_ =	shalt  }
.Lfunc_end2:
execute1_lowered:
.L_overlay_start_2:
0x7b: {  	(tag) =	ssettag $0x2  }
0x7c: {  	s0 =	rddreg [dreg:$0x0]  }
0x7d: {  	s2 =	rddreg [dreg:$0x1];
	_ =	strace $0x8000006B;
	s1 =	simm.s32 $0x1  }
0x7e: {  	s9 =	simm.s32 $0x108;
	v0 =	vimm.s32 $0x0;
	[sflag:s1] =	ssyncpa.u1 $0x0  }
0x7f: {  	[tilespmem:s9+$0x70] =	vst v0  }
0x80: {  	[tilespmem:s9+$0x60] =	vst v0  }
0x81: {  	[tilespmem:s9+$0x50] =	vst v0  }
0x82: {  	[tilespmem:s9+$0x40] =	vst v0  }
0x83: {  	s1 =	sadd.s32 $0xAFBA00, s0;
	[tilespmem:s9+$0x30] =	vst v0  }
0x84: {  	s15 =	sadd.s32 $0x962800, s0;
	s6 =	sadd.s32 $0x129FE00, s0;
	[tilespmem:s9+$0x20] =	vst v0  }
0x85: {  	s14 =	sadd.s32 $0x96BC00, s0;
	s5 =	sand.u32 $0x1, s2;
	s0 =	simm.s32 $0x40;
	[tilespmem:s9+$0x10] =	vst v0  }
.LBB3_1:
0x86: {  	s0 =	sadd.s32 $0x40, s0;
	[tilespmem:s9+$0x0] =	vst v0;
	s9 =	sadd.s32 $0x80, s9  }
0x87: {  	p0 =	slt.u32 s0, $0x3C40;
	[tilespmem:s9+$0x70] =	vst v0  }
0x88: {  	[tilespmem:s9+$0x60] =	vst v0  }
.Ltmp8:
0x89: {  	[tilespmem:s9+$0x50] =	vst v0;
	(pc) =	sbr.rel @p0 .LBB3_1-.Ltmp8, $4  }
0x8a: {  	[tilespmem:s9+$0x40] =	vst v0  }
0x8b: {  	[tilespmem:s9+$0x30] =	vst v0  }
0x8c: {  	[tilespmem:s9+$0x20] =	vst v0  }
0x8d: {  	[tilespmem:s9+$0x10] =	vst v0  }
0x8e: {  	s16 =	stileid.u32  }
0x8f: {  	s0 =	simm.s32 $0x1;
	p0 =	sne.s32 s16, $0x0;
	s2 =	smul.u32 $0x27, s16  }
0x90: {  	s0 =	simm.s32 @!p0 $0x0  }
0x91: {  	s0 =	sadd.s32 s0, s2  }
0x92: {  	p1 =	seq.s32 s16, $0x0;
	s7 =	smul.u32 $0xF0, s0;
	s0 =	simm.s32 $0x2580  }
0x93: {  	s0 =	simm.s32 @!p1 $0x2490  }
0x94: {  	s0 =	sadd.s32 s0, s7  }
0x95: {  	s8 =	smin.u32 s0, $0x249F0  }
0x96: {  	s0 =	ssub.s32 s8, s7  }
0x97: {  	p1 =	sgt.s32 s0, $0x0  }
0x98: {  	s3 =	simm.s32 $0x2;
	s10 =	simm.s32 $0x9;
	s0 =	simm.s32 @!p1 $0x0  }
0x99: {  	s4 =	simm.s32 $0xA;
	s11 =	simm.s32 $0xB;
	s29 =	smulhi.u32 $0x88888889, s0  }
0x9a: {  	[dreg:$0x4] =	wrdreg s5;
	s31 =	smul.u32 $0x493E, s5;
	s12 =	simm.s32 $0x1  }
0x9b: {  	s22 =	simm.s32 $0x0;
	s18 =	simm.s32 $0xC;
	s2 =	sshrl.u32 s29, $0x7  }
0x9c: {  	s20 =	simm.s32 $0x0;
	s21 =	simm.s32 $0x0;
	s30 =	smul.u32 $0xF0, s2  }
.Ltmp9:
0x9d: {  	[tilespmem:s9+$0x0] =	vst v0;
	v0 =	vimm.s32 $0xFFFFFFFF;
	[sflag:s3] =	ssyncpa.u1 $0x0;
	s16 =	sshll.u32 s16, $0x8;
	(pc) =	sbr.rel .LBB3_3-.Ltmp9, $4  }
0x9e: {  	[tilespmem:$0xF208] =	vst v0;
	[sflag:s10] =	ssyncpa.u1 $0x0;
	p1 =	sne.s32 s0, s30;
	s0 =	simm.s32 $0x1  }
0x9f: {  	s14 =	sadd.s32 s31, s14;
	[sflag:s4] =	ssyncpa.u1 $0x0;
	s0 =	simm.s32 @!p1 $0x0  }
0xa0: {  	s15 =	sadd.s32 s31, s15;
	[sflag:s11] =	ssyncpa.u1 $0x0;
	s13 =	sadd.s32 s0, s2  }
0xa1: {  	v0 =	vlaneseq.u32;
	s19 =	smov.u32 s7;
	p1 =	por $0x0, $0x0;
	s17 =	sadd.s32 $0x1, s13  }
.LBB3_18:
0xa2: {  	s0 =	sshrl.u32 s31, $0x2  }
.LBB3_20:
0xa3: {  	_ =	swait.ge [sflag:s18], s0  }
0xa4: {  	s31 =	ssub.s32 $0x0, s0;
	v1 =	vmov s24;
	vm0 =	veq.s32 v0, $0x0;
	[sflag:s18] =	ssyncset.done $0x0  }
0xa5: {  	vm15 =	veq.s32 v0, $0x2;
	v1 =	vsel vm0, s30, v1;
	[sflag:s18] =	ssyncadd.s32 s31  }
0xa6: {  	v1 =	vsel vm15, s22, v1;
	[sflag:s18] =	ssyncpa.u1 $0x1  }
0xa7: {  	[tilespmem:$0xF208] =	vst v1  }
.LBB3_21:
0xa8: {  	s0 =	sadd.s32 $0xF0, s19  }
0xa9: {  	s2 =	smov.u32 s7;
	p2 =	slt.s32 s0, s8  }
0xaa: {  	s2 =	smov.u32 @p2 s0;
	p2 =	sne.s32 s21, s17  }
.Ltmp10:
0xab: {  	_ = 	snop;
	(pc) =	sbr.rel @!p2 .LBB3_22-.Ltmp10, $3  }
0xac: {  	_ =	sdelay $0x1  }
0xad: {  	s22 =	smov.u32 s20;
	s31 =	sadd.s32 $0x1, s21;
	s20 =	smov.u32 s19  }
0xae: {  	p1 =	por !p1, !p1;
	s21 =	smov.u32 s31;
	s19 =	smov.u32 s2  }
.LBB3_3:
0xaf: {  	p2 =	sge.u32 s21, s13  }
0xb0: {  	s0 =	smulhi.u32 @!p2 $0xAAAAAAAB, s21  }
0xb1: {  	s2 =	smov.u32 s19;
	p3 =	sgt.s32 @!p2 s19, $0x24900  }
0xb2: {  	s3 =	sshra.s32 @!p2 s19, $0x1F;
	p3 =	por !p3, p2;
	s0 =	sshrl.u32 @!p2 s0, $0x1  }
0xb3: {  	s3 =	sand.u32 @!p2 s3, s19;
	s2 =	simm.s32 @p3 $0x24900;
	s0 =	smul.u32 @!p2 $0x3, s0  }
0xb4: {  	s2 =	ssub.s32 @!p2 s2, s3  }
0xb5: {  	s2 =	sadd.s32 @!p2 $0xFFFDB700, s2;
	s0 =	ssub.s32 @!p2 s21, s0  }
0xb6: {  	s3 =	sshll.u32 @!p2 s2, $0x2;
	p3 =	sgt.s32 @!p2 s2, $0xEF;
	s0 =	smul.u32 @!p2 $0x3C0, s0  }
0xb7: {  	s4 =	sand.u32 @!p2 $0x7, s19;
	s2 =	ssub.s32 @!p2 $0x3C0, s3;
	p3 =	por !p3, p2  }
0xb8: {  	s3 =	sshrl.u32 @!p2 s19, $0x3;
	s2 =	sshrl.u32 @!p2 s2, $0x2;
	s0 =	sshrl.u32 @!p2 s0, $0x2  }
0xb9: {  	s3 =	sadd.s32 @!p2 s3, s14;
	s2 =	simm.s32 @!p3 $0x0;
	s0 =	sadd.s32 @!p2 $0x10248, s0  }
0xba: {  	[tilespmem:s0], [sflag:$0xA] =	stream.linear.gather @!p2 [hbm4b:s3+s4], s2, $0x38;
	[tilespmem:$0x1F6F8] =	vst v63  }
0xbb: {  	s0 =	sadd.s32 $0xFFFFFFFF, s21  }
0xbc: {  	p2 =	sge.u32 s0, s13  }
0xbd: {  	p3 =	sgt.s32 @!p2 s20, $0x24900  }
0xbe: {  	s2 =	smov.u32 s20;
	s3 =	sshra.s32 @!p2 s20, $0x1F;
	p3 =	por !p3, p2  }
0xbf: {  	s3 =	sand.u32 @!p2 s3, s20;
	s2 =	simm.s32 @p3 $0x24900  }
0xc0: {  	s2 =	ssub.s32 @!p2 s2, s3  }
0xc1: {  	s2 =	sadd.s32 @!p2 $0xFFFDB700, s2  }
0xc2: {  	s4 =	smulhi.u32 @!p2 $0xAAAAAAAB, s0;
	s5 =	sand.u32 @!p2 $0x1, s0;
	s3 =	sshll.u32 @!p2 s2, $0x2  }
0xc3: {  	s24 =	smul.u32 @!p2 $0x3C0, s5;
	p3 =	sgt.s32 @!p2 s2, $0xEF;
	s2 =	ssub.s32 @!p2 $0x3C0, s3  }
0xc4: {  	p3 =	por !p3, p2;
	s3 =	sshrl.u32 @!p2 s4, $0x1;
	s2 =	sshrl.u32 @!p2 s2, $0x2  }
0xc5: {  	s4 =	simm.s32 @!p2 $0xA;
	s3 =	smul.u32 @!p2 $0x3, s3;
	s2 =	simm.s32 @!p3 $0x0  }
0xc6: {  	s5 =	smul.u32 @!p2 $0x1E000, s5;
	_ =	swait.ge @!p2 [sflag:s4], s2;
	s23 =	ssub.s32 @!p2 $0x0, s2  }
0xc7: {  	s0 =	ssub.s32 @!p2 s0, s3;
	s3 =	sshrl.u32 @!p2 s20, $0x3;
	[sflag:s4] =	ssyncset.done @!p2 $0x0  }
0xc8: {  	s3 =	sadd.s32 @!p2 s3, s15;
	[sflag:s4] =	ssyncadd.s32 @!p2 s23;
	s4 =	sshrl.u32 @!p2 s24, $0x2  }
0xc9: {  	s0 =	smul.u32 @!p2 $0x3C0, s0;
	s23 =	sand.u32 @!p2 $0x7, s20;
	s4 =	sadd.s32 @!p2 $0x10518, s4  }
0xca: {  	[tilespmem:s4], [sflag:$0xB] =	stream.linear.gather @!p2 [hbm4b:s3+s23], s2, $0x38;
	[tilespmem:$0x1F6F8] =	vst v63  }
0xcb: {  	s0 =	sshrl.u32 @!p2 s0, $0x2;
	s2 =	sshrl.u32 @!p2 s5, $0x2  }
0xcc: {  	s0 =	sadd.s32 @!p2 $0x10248, s0;
	s3 =	simm.s32 @!p2 $0xF0;
	s2 =	sor.u32 @!p2 $0x106F8, s2  }
0xcd: {  	[tilespmem:s2], [sflag:$0x9] =	stream.indirect.gather @!p2 [hbm4b:s6+s3], $0x80, s0, s3, $0xb8;
	[tilespmem:$0x1F6F8] =	vst v63  }
0xce: {  	p2 =	slt.u32 s21, $0x2  }
.Ltmp11:
0xcf: {  	_ = 	snop;
	(pc) =	sbr.rel @p2 .LBB3_21-.Ltmp11, $1  }
0xd0: {  	_ =	sdelay $0x3  }
0xd1: {  	p2 =	sgt.s32 s22, $0x24900;
	s0 =	smov.u32 s22;
	s2 =	sshra.s32 s22, $0x1F  }
0xd2: {  	s0 =	simm.s32 @!p2 $0x24900;
	s2 =	sand.u32 s2, s22  }
0xd3: {  	s0 =	ssub.s32 s0, s2  }
0xd4: {  	s0 =	sadd.s32 $0xFFFDB700, s0  }
0xd5: {  	s29 =	sshll.u32 s0, $0x2  }
0xd6: {  	_ =	swait.ge [sflag:s10], $0x7800;
	s2 =	ssub.s32 $0x3C0, s29  }
0xd7: {  	[sflag:s10] =	ssyncset.done $0x0;
	p2 =	sgt.s32 s0, $0xEF;
	s0 =	sshrl.u32 s2, $0x2  }
0xd8: {  	[sflag:s10] =	ssyncadd.s32 $0xFFFF8800;
	s0 =	simm.s32 @p2 $0x0  }
0xd9: {  	_ =	swait.ge [sflag:s11], s0  }
0xda: {  	s0 =	ssub.s32 $0x0, s0;
	[sflag:s11] =	ssyncset.done $0x0  }
0xdb: {  	[sflag:s11] =	ssyncadd.s32 s0  }
0xdc: {  	v1 =	vld [tilespmem:$0xF208];
	_ =	sdelay $0x4  }
0xdd: {  	(v2sf) =	vpush v1, $0x0  }
0xde: {  	(v2sf) =	vpush v1, $0x1  }
0xdf: {  	(v2sf) =	vpush v1, $0x2;
	_ =	sdelay $0x3  }
0xe0: {  	s0 =	sadd.s32 $0xF0, s22  }
0xe1: {  	s2 =	ssub.s32 $0x493E0, s22;
	p2 =	slt.s32 s8, s0  }
0xe2: {  	s0 =	smov.u32 @p2 s8;
	p2 =	sgt.s32 s2, $0x0  }
0xe3: {  	s26 =	ssub.s32 s0, s22;
	s2 =	simm.s32 @!p2 $0x0  }
0xe4: {  	p2 =	slt.s32 s2, s26  }
0xe5: {  	s26 =	smov.u32 @p2 s2  }
0xe6: {  	s25 =	simm.s32 $0x1;
	p2 =	slt.s32 s26, $0x1  }
.Ltmp12:
0xe7: {  	s25 =	simm.s32 @!p1 $0x0;
	(pc) =	sbr.rel @p2 .LBB3_8-.Ltmp12, $4  }
0xe8: {  	s31 =	smul.u32 $0x3C0, s25  }
0xe9: {  	s28 =	spop (v2sf)  }
0xea: {  	s0 =	sshrl.u32 s31, $0x2;
	s30 =	spop (v2sf)  }
0xeb: {  	s23 =	sadd.s32 $0x10518, s0;
	s22 =	spop (v2sf)  }
0xec: {  	s0 =	smin.u32 s26, $0x10  }
0xed: {  	v1 =	vmov s0  }
0xee: {  	p3 =	sgt.s32 s26, $0x10;
	vm1 =	vgt.u32 v1, v0  }
.Ltmp13:
0xef: {  	_ = 	snop;
	(pc) =	sbr.rel @!p3 .LBB3_7-.Ltmp13, $2  }
0xf0: {  	_ =	sdelay $0x2  }
0xf1: {  	s4 =	simm.s32 $0x10;
	s24 =	sadd.s32 $0xFFFFFFF0, s26;
	s0 =	smov.u32 s23;
	vm0 =	vmmov vm1  }
.LBB3_6:
0xf2: {  	s2 =	smin.u32 s24, $0x10;
	s4 =	sadd.s32 $0x10, s4;
	v1 =	vld.msk [tilespmem:s0+$0x0 ss:$0x1], vm1  }
0xf3: {  	v2 =	vmov s2;
	p3 =	slt.s32 s4, s26  }
0xf4: {  	vm1 =	vgt.u32 v2, v0  }
.Ltmp14:
0xf5: {  	(pc) =	sbr.rel @p3 .LBB3_6-.Ltmp14, $3  }
0xf6: {  	_ =	sdelay $0x1  }
0xf7: {  	v1 =	vshll.u32 v1, $0x4  }
0xf8: {  	s24 =	sadd.s32 $0xFFFFFFF0, s24;
	[tilespmem:s0+$0x0] =	vst.msk vm0, v1;
	s0 =	sadd.s32 $0x10, s0;
	vm0 =	vmmov vm1  }
.LBB3_7:
0xf9: {  	_ =	sdelay $0x4  }
0xfa: {  	v1 =	vld.msk [tilespmem:s0+$0x0 ss:$0x1], vm1;
	_ =	sdelay $0x4  }
0xfb: {  	v1 =	vshll.u32 v1, $0x4  }
0xfc: {  	[tilespmem:s0+$0x0] =	vst.msk vm0, v1  }
.LBB3_8:
0xfd: {  	s0 =	sand.u32 $0x1, s21  }
0xfe: {  	s0 =	smul.u32 $0xF0, s0  }
0xff: {  	p3 =	sne.s32 s30, $0xFFFFFFFF  }
0x100: {  	v1 =	vld.msk @!p3 [tilespmem:s0+$0x10518], $0x1;
	_ =	sdelay $0x4  }
0x101: {  	(v2sf) =	vpush @!p3 v1, $0x0;
	_ =	sdelay $0xc  }
.Ltmp15:
0x102: {  	_ = 	snop;
	(pc) =	sbr.rel @p2 .LBB3_19-.Ltmp15, $4  }
0x103: {  	_ = 	snop  }
0x104: {  	s29 =	spop @!p3 (v2sf)  }
0x105: {  	s22 =	simm.s32 @!p3 $0x0;
	s24 =	smov.u32 s29  }
0x106: {  	[sflag:s18] =	ssyncpa.u1 $0x0;
	s29 =	smov.u32 @p3 s28;
	s24 =	smov.u32 @p3 s30  }
0x107: {  	v1 =	vld.msk [tilespmem:s23+$0x0], $0x1;
	_ =	sdelay $0x4  }
0x108: {  	(v2sf) =	vpush v1, $0x0;
	_ =	sdelay $0xe  }
0x109: {  	s2 =	smul.u32 $0x1E000, s25;
	s0 =	spop (v2sf)  }
0x10a: {  	s26 =	ssub.s32 $0x0, s26;
	p2 =	seq.s32 s29, s0  }
0x10b: {  	s30 =	sadd.s32 $0x1, s26;
	s2 =	sshrl.u32 s2, $0x2;
	p3 =	sgt.s32 @!p2 s29, $0x0  }
0x10c: {  	s25 =	sor.u32 $0x10738, s2;
	s2 =	smov.u32 s29;
	p3 =	por !p3, p2  }
0x10d: {  	s2 =	simm.s32 @p3 $0x0;
	p3 =	seq.s32 s30, $0x0  }
.Ltmp16:
0x10e: {  	_ = 	snop;
	(pc) =	sbr.rel @p3 .LBB3_11-.Ltmp16, $4  }
0x10f: {  	_ = 	snop  }
0x110: {  	s28 =	simm.s32 $0x0;
	s31 =	sadd.s32 $0x1, s23;
	s2 =	smin.u32 @!p2 s2, $0x1869F0  }
0x111: {  	s4 =	simm.s32 @!p2 $0x1;
	s5 =	simm.s32 @!p2 $0x7988;
	s3 =	sand.u32 @!p2 $0x1FFFF8, s2  }
0x112: {  	s4 =	smov.u32 @p2 s28;
	s2 =	sand.u32 @!p2 $0x7, s2;
	s3 =	sadd.s32 @!p2 s1, s3  }
.LBB3_10:
0x113: {  	s9 =	smov.u32 s4  }
0x114: {  	[tilespmem:s5], [sflag:$0x2] =	stream.linear.gather @!p2 [hbm4b:s3+s2], $0x80, $0x38;
	[tilespmem:$0x1F6F8] =	vst v63  }
0x115: {  	s30 =	sadd.s32 $0x1, s30;
	s2 =	smov.u32 s0;
	v1 =	vld.msk [tilespmem:s31+$0x0], $0x1  }
0x116: {  	p3 =	seq.s32 s30, $0x0;
	_ =	sdelay $0x3  }
0x117: {  	(v2sf) =	vpush v1, $0x0;
	_ =	sdelay $0xe  }
0x118: {  	s0 =	spop (v2sf)  }
0x119: {  	p2 =	seq.s32 s2, s0  }
0x11a: {  	p4 =	sgt.s32 @!p2 s2, $0x0;
	s3 =	sshll.u32 @!p2 s4, $0x9;
	s4 =	sadd.s32 @!p2 $0x1, s4  }
.Ltmp17:
0x11b: {  	p4 =	por !p4, p2;
	s3 =	sshra.s32 @!p2 s3, $0x2;
	(pc) =	sbr.rel @!p3 .LBB3_10-.Ltmp17, $4  }
0x11c: {  	s4 =	smov.u32 @p2 s9;
	s2 =	simm.s32 @p4 $0x0;
	s5 =	sadd.s32 @!p2 $0x7988, s3  }
0x11d: {  	s2 =	smin.u32 @!p2 s2, $0x1869F0  }
0x11e: {  	s3 =	sand.u32 @!p2 $0x1FFFF8, s2;
	s2 =	sand.u32 @!p2 $0x7, s2  }
0x11f: {  	s31 =	sadd.s32 $0x1, s31;
	s3 =	sadd.s32 @!p2 s1, s3  }
.LBB3_11:
0x120: {  	[tilespmem:s5], [sflag:$0x2] =	stream.linear.gather @!p2 [hbm4b:s3+s2], $0x80, $0x38;
	[tilespmem:$0x1F6F8] =	vst v63  }
.Ltmp18:
0x121: {  	s0 =	sshll.u32 s4, $0x7;
	(pc) =	sbr.rel .LBB3_12-.Ltmp18, $4  }
0x122: {  	s30 =	simm.s32 $0x2;
	s0 =	sand.u32 $0x3FFFFF80, s0  }
0x123: {  	_ =	swait.ge [sflag:s30], s0  }
0x124: {  	s0 =	ssub.s32 $0x0, s0;
	[sflag:s30] =	ssyncset.done $0x0  }
0x125: {  	s31 =	simm.s32 $0x0;
	[sflag:s30] =	ssyncadd.s32 s0  }
.LBB3_13:
0x126: {  	v1 =	vld [tilespmem:s25+$0xFFFFFFC0];
	_ =	sdelay $0x3  }
0x127: {  	s0 =	sshra.s32 s0, $0x2  }
0x128: {  	[tilespmem:s0+$0x108] =	vst.add.f32.msk $0xffff, v1  }
0x129: {  	v1 =	vld [tilespmem:s25+$0xFFFFFFD0];
	_ =	sdelay $0x4  }
0x12a: {  	[tilespmem:s0+$0x118] =	vst.add.f32.msk $0xffff, v1  }
0x12b: {  	v1 =	vld [tilespmem:s25+$0xFFFFFFE0];
	_ =	sdelay $0x4  }
0x12c: {  	[tilespmem:s0+$0x128] =	vst.add.f32.msk $0xffff, v1  }
0x12d: {  	v1 =	vld [tilespmem:s25+$0xFFFFFFF0];
	_ =	sdelay $0x4  }
0x12e: {  	[tilespmem:s0+$0x138] =	vst.add.f32.msk $0xffff, v1  }
0x12f: {  	v1 =	vld [tilespmem:s25+$0x0];
	_ =	sdelay $0x4  }
0x130: {  	[tilespmem:s0+$0x148] =	vst.add.f32.msk $0xffff, v1  }
0x131: {  	v1 =	vld [tilespmem:s25+$0x10];
	_ =	sdelay $0x4  }
0x132: {  	[tilespmem:s0+$0x158] =	vst.add.f32.msk $0xffff, v1  }
0x133: {  	v1 =	vld [tilespmem:s25+$0x20];
	_ =	sdelay $0x4  }
0x134: {  	[tilespmem:s0+$0x168] =	vst.add.f32.msk $0xffff, v1  }
0x135: {  	v1 =	vld [tilespmem:s25+$0x30];
	_ =	sdelay $0x4  }
0x136: {  	[tilespmem:s0+$0x178] =	vst.add.f32.msk $0xffff, v1  }
.LBB3_17:
0x137: {  	s26 =	sadd.s32 $0x1, s26  }
0x138: {  	p2 =	seq.s32 s26, $0x0  }
.Ltmp19:
0x139: {  	_ = 	snop;
	(pc) =	sbr.rel @p2 .LBB3_18-.Ltmp19, $2  }
0x13a: {  	_ =	sdelay $0x2  }
0x13b: {  	s23 =	sadd.s32 $0x1, s23;
	s25 =	sadd.s32 $0x80, s25;
	s29 =	smov.u32 s30  }
.LBB3_12:
0x13c: {  	v1 =	vld.msk [tilespmem:s23+$0x0], $0x1;
	_ =	sdelay $0x4  }
0x13d: {  	(v2sf) =	vpush v1, $0x0;
	_ =	sdelay $0xe  }
0x13e: {  	s30 =	spop (v2sf)  }
0x13f: {  	p2 =	sne.s32 s29, s30  }
.Ltmp20:
0x140: {  	_ = 	snop;
	(pc) =	sbr.rel @!p2 .LBB3_13-.Ltmp20, $2  }
0x141: {  	_ =	sdelay $0x2  }
0x142: {  	s0 =	sshll.u32 s22, $0x9  }
0x143: {  	p2 =	seq.s32 s29, s24  }
.Ltmp21:
0x144: {  	_ = 	snop;
	(pc) =	sbr.rel @!p2 .LBB3_15-.Ltmp21, $1  }
0x145: {  	_ =	sdelay $0x3  }
0x146: {  	s0 =	sshra.s32 s0, $0x2  }
.Ltmp22:
0x147: {  	s0 =	sadd.s32 $0x108, s0;
	(pc) =	sbr.rel .LBB3_16-.Ltmp22, $4  }
0x148: {  	[spmem:s16] =	stream.linear.scatter [tilespmem:s0], [sflag:$0x1], $0x80, $0x38;
	[tilespmem:$0x1F6F8] =	vst v63  }
0x149: {  	_ =	swait.ge [sflag:s12], $0x80  }
0x14a: {  	[sflag:s12] =	ssyncset.done $0x0  }
0x14b: {  	[sflag:s12] =	ssyncadd.s32 $0xFFFFFF80  }
.LBB3_15:
0x14c: {  	s2 =	sshll.u32 s28, $0x9  }
0x14d: {  	s2 =	sshra.s32 s2, $0x2  }
0x14e: {  	v1 =	vld [tilespmem:s2+$0x7988];
	_ =	sdelay $0x3  }
0x14f: {  	s0 =	sshra.s32 s0, $0x2  }
0x150: {  	[tilespmem:s0+$0x108] =	vst.add.f32.msk $0xffff, v1  }
0x151: {  	v1 =	vld [tilespmem:s2+$0x7998];
	_ =	sdelay $0x4  }
0x152: {  	[tilespmem:s0+$0x118] =	vst.add.f32.msk $0xffff, v1  }
0x153: {  	v1 =	vld [tilespmem:s2+$0x79A8];
	_ =	sdelay $0x4  }
0x154: {  	[tilespmem:s0+$0x128] =	vst.add.f32.msk $0xffff, v1  }
0x155: {  	v1 =	vld [tilespmem:s2+$0x79B8];
	_ =	sdelay $0x4  }
0x156: {  	[tilespmem:s0+$0x138] =	vst.add.f32.msk $0xffff, v1  }
0x157: {  	v1 =	vld [tilespmem:s2+$0x79C8];
	_ =	sdelay $0x4  }
0x158: {  	[tilespmem:s0+$0x148] =	vst.add.f32.msk $0xffff, v1  }
0x159: {  	v1 =	vld [tilespmem:s2+$0x79D8];
	_ =	sdelay $0x4  }
0x15a: {  	[tilespmem:s0+$0x158] =	vst.add.f32.msk $0xffff, v1  }
0x15b: {  	v1 =	vld [tilespmem:s2+$0x79E8];
	_ =	sdelay $0x4  }
0x15c: {  	[tilespmem:s0+$0x168] =	vst.add.f32.msk $0xffff, v1  }
0x15d: {  	v1 =	vld [tilespmem:s2+$0x79F8];
	_ =	sdelay $0x2  }
0x15e: {  	p2 =	sgt.u32 s29, $0x1869F0  }
0x15f: {  	s2 =	sand.u32 @!p2 $0x1FFFF8, s29  }
0x160: {  	s3 =	sadd.s32 $0x108, s0;
	[tilespmem:s0+$0x178] =	vst.add.f32.msk $0xffff, v1;
	s0 =	sadd.s32 @!p2 s1, s2;
	s2 =	sand.u32 @!p2 $0x7, s29  }
0x161: {  	[hbm4b:s0+s2] =	stream.linear.scatter @!p2 [tilespmem:s3], [sflag:$0xC], $0x80, $0x38;
	[tilespmem:$0x1F6F8] =	vst v63  }
0x162: {  	s0 =	simm.s32 $0x0  }
0x163: {  	s0 =	simm.s32 @!p2 $0x200  }
0x164: {  	s31 =	sadd.s32 s0, s31  }
.LBB3_16:
0x165: {  	s0 =	sadd.s32 $0x1, s22  }
0x166: {  	s2 =	smulhi.u32 $0x88888889, s0;
	_ =	sdelay $0x1  }
0x167: {  	v1 =	vld [tilespmem:s25+$0xFFFFFFC0];
	s2 =	sshrl.u32 s2, $0x7  }
0x168: {  	s2 =	smul.u32 $0xF0, s2;
	_ =	sdelay $0x1  }
0x169: {  	s22 =	ssub.s32 s0, s2  }
0x16a: {  	s0 =	sshll.u32 s22, $0x7  }
0x16b: {  	[tilespmem:s0+$0x108] =	vst v1  }
0x16c: {  	v1 =	vld [tilespmem:s25+$0xFFFFFFD0];
	_ =	sdelay $0x4  }
0x16d: {  	[tilespmem:s0+$0x118] =	vst v1  }
0x16e: {  	v1 =	vld [tilespmem:s25+$0xFFFFFFE0];
	_ =	sdelay $0x4  }
0x16f: {  	[tilespmem:s0+$0x128] =	vst v1  }
0x170: {  	v1 =	vld [tilespmem:s25+$0xFFFFFFF0];
	_ =	sdelay $0x4  }
0x171: {  	[tilespmem:s0+$0x138] =	vst v1  }
0x172: {  	v1 =	vld [tilespmem:s25+$0x0];
	_ =	sdelay $0x4  }
0x173: {  	[tilespmem:s0+$0x148] =	vst v1  }
0x174: {  	v1 =	vld [tilespmem:s25+$0x10];
	_ =	sdelay $0x4  }
0x175: {  	[tilespmem:s0+$0x158] =	vst v1  }
0x176: {  	v1 =	vld [tilespmem:s25+$0x20];
	_ =	sdelay $0x4  }
0x177: {  	[tilespmem:s0+$0x168] =	vst v1  }
0x178: {  	v1 =	vld [tilespmem:s25+$0x30]  }
.Ltmp23:
0x179: {  	_ = 	snop;
	(pc) =	sbr.rel .LBB3_17-.Ltmp23, $2  }
0x17a: {  	_ =	sdelay $0x2  }
0x17b: {  	s28 =	sadd.s32 $0x1, s28;
	[tilespmem:s0+$0x178] =	vst v1  }
.LBB3_19:
.Ltmp24:
0x17c: {  	(pc) =	sbr.rel .LBB3_20-.Ltmp24, $4  }
0x17d: {  	_ = 	snop  }
0x17e: {  	s0 =	simm.s32 $0x2  }
0x17f: {  	_ =	swait.ge [sflag:s0], $0x0  }
0x180: {  	s30 =	smov.u32 s29;
	[sflag:s0] =	ssyncset.done $0x0;
	s0 =	simm.s32 $0x0  }
.LBB3_22:
0x181: {  	_ =	sfence.sel $0x180000  }
0x182: {  	s0 =	simm.s32 $0x9;
	[bflag:$0x0] =	sbarrier.arrive $0xFFFF  }
0x183: {  	s24 =	simm.s32 $0xA;
	[sflag:s0] =	ssyncpa.u1 $0x1  }
0x184: {  	s25 =	simm.s32 $0xB;
	[sflag:s24] =	ssyncpa.u1 $0x1  }
0x185: {  	s26 =	simm.s32 $0x2;
	[sflag:s25] =	ssyncpa.u1 $0x1  }
0x186: {  	[sflag:s26] =	ssyncpa.u1 $0x1  }
0x187: {  	v0 =	vld [tilespmem:$0xF208];
	_ =	sdelay $0x4  }
0x188: {  	(v2sf) =	vpush v0, $0x0  }
0x189: {  	(v2sf) =	vpush v0, $0x1;
	_ =	sdelay $0x1  }
0x18a: {  	(v2sf) =	vpush v0, $0x2;
	_ =	sdelay $0xb  }
0x18b: {  	s0 =	spop (v2sf)  }
0x18c: {  	s2 =	spop (v2sf)  }
0x18d: {  	s3 =	smov.u32 s0;
	p1 =	sne.s32 s0, s2  }
0x18e: {  	s4 =	spop (v2sf);
	s3 =	simm.s32 @!p1 $0xFFFFFFFF  }
0x18f: {  	v2 =	vimm.s32 $0x1;
	v3 =	vlaneseq.u32;
	p1 =	seq.s32 s4, $0xFFFFFFFF;
	v1 =	vmov s3  }
0x190: {  	s16 =	stileid.u32;
	v0 =	vperm.xlane v0, v2;
	p2 =	sne.s32 @!p1 s0, s2;
	v1 =	vperm.xlane v1, v3  }
0x191: {  	vm0 =	vcmask $0x3F04;
	s6 =	simm.s32 $0xF208;
	s0 =	simm.s32 @!p1 $0x1;
	p2 =	por !p2, p1  }
0x192: {  	s3 =	sshll.u32 s16, $0x1;
	s2 =	sshll.u32 @!p1 s4, $0x9;
	s0 =	simm.s32 @p2 $0x0;
	v0 =	vsel vm0, v1, v0  }
0x193: {  	s5 =	sor.u32 $0x1000, s3;
	s2 =	sshra.s32 @!p1 s2, $0x2;
	s0 =	sor.u32 @!p1 s0, s3;
	[tilespmem:$0xF208] =	vst v0  }
0x194: {  	[spmem:s5] =	stream.linear.scatter [tilespmem:s6], [sflag:$0x1], $0x2, $0x38;
	[tilespmem:$0x1F6F8] =	vst v63  }
0x195: {  	s2 =	sadd.s32 @!p1 $0x108, s2;
	s0 =	sshll.u32 @!p1 s0, $0x7  }
0x196: {  	[spmem:s0] =	stream.linear.scatter @!p1 [tilespmem:s2], [sflag:$0x1], $0x80, $0x38;
	[tilespmem:$0x1F6F8] =	vst v63  }
0x197: {  	s0 =	simm.s32 @!p1 $0x82  }
0x198: {  	s28 =	simm.s32 $0x1;
	s0 =	simm.s32 @p1 $0x2  }
0x199: {  	_ =	swait.ge [sflag:s28], s0  }
0x19a: {  	s0 =	ssub.s32 $0x0, s0;
	[sflag:s28] =	ssyncset.done $0x0  }
0x19b: {  	[sflag:s28] =	ssyncadd.s32 s0  }
.Ltmp25:
0x19c: {  	_ =	sfence.stream.spmem;
	(pc) =	sbr.rel @p0 .LBB3_39-.Ltmp25, $4  }
0x19d: {  	s29 =	simm.s32 $0x3;
	[bflag:$0x0] =	sbarrier.arrive $0xFFFF  }
0x19e: {  	s30 =	simm.s32 $0x4;
	[sflag:s29] =	ssyncpa.u1 $0x1  }
0x19f: {  	s31 =	simm.s32 $0x3C;
	[sflag:s30] =	ssyncpa.u1 $0x1  }
0x1a0: {  	s15 =	rddreg [dreg:$0x4];
	[sflag:s31] =	ssyncpa.u1 $0x1  }
0x1a1: {  	_ =	sfence.stream.spmem;
	s0 =	simm.s32 $0x5  }
0x1a2: {  	s2 =	simm.s32 $0x1000;
	s3 =	simm.s32 $0xF218;
	[sflag:s0] =	ssyncpa.u1 $0x0  }
0x1a3: {  	[tilespmem:s3], [sflag:$0x5] =	stream.linear.gather [spmem:s2], $0x20, $0x38;
	[tilespmem:$0x1F6F8] =	vst v63  }
0x1a4: {  	s26 =	simm.s32 $0x0;
	s28 =	simm.s32 $0xF238  }
0x1a5: {  	[tilespmem:s28], [sflag:$0x5] =	stream.linear.gather [spmem:s26], $0x1000, $0x38;
	[tilespmem:$0x1F6F8] =	vst v63  }
0x1a6: {  	_ =	swait.ge [sflag:s0], $0x1020  }
0x1a7: {  	[sflag:s0] =	ssyncset.done $0x0  }
0x1a8: {  	s29 =	simm.s32 $0x0;
	[sflag:s0] =	ssyncadd.s32 $0xFFFFEFE0  }
0x1a9: {  	v0 =	vld.msk [tilespmem:s29+$0xF218], $0x1;
	_ =	sdelay $0x1  }
0x1aa: {  	s30 =	simm.s32 $0x1  }
0x1ab: {  	v1 =	vld.msk [tilespmem:s30+$0xF218], $0x1;
	_ =	sdelay $0x1  }
0x1ac: {  	(v2sf) =	vpush v0, $0x0;
	_ =	sdelay $0x2  }
0x1ad: {  	(v2sf) =	vpush v1, $0x0;
	_ =	sdelay $0x2  }
0x1ae: {  	s31 =	simm.s32 $0x2  }
0x1af: {  	v0 =	vld.msk [tilespmem:s31+$0xF218], $0x1;
	_ =	sdelay $0x2  }
0x1b0: {  	s4 =	simm.s32 $0xFFFFFFFF;
	s5 =	simm.s32 $0xFFFFFFFF;
	s0 =	simm.s32 $0xC  }
.LBB3_24:
0x1b1: {  	s2 =	smov.u32 s5;
	s3 =	smov.u32 s4  }
0x1b2: {  	s4 =	sshra.s32 s0, $0x2;
	p1 =	sne.s32 s0, $0x7C;
	s0 =	sadd.s32 $0x4, s0;
	(v2sf) =	vpush v0, $0x0  }
0x1b3: {  	v0 =	vld.msk [tilespmem:s4+$0xF218], $0x1  }
.Ltmp26:
0x1b4: {  	(pc) =	sbr.rel @p1 .LBB3_24-.Ltmp26, $4  }
0x1b5: {  	s5 =	spop (v2sf)  }
0x1b6: {  	p2 =	sne.s32 s3, $0xFFFFFFFF;
	s4 =	smov.u32 s5  }
0x1b7: {  	p3 =	seq.s32 s5, $0xFFFFFFFF;
	s4 =	smov.u32 @p2 s3  }
0x1b8: {  	s5 =	smov.u32 @p3 s2;
	s4 =	smov.u32 @p3 s3  }
0x1b9: {  	(v2sf) =	vpush v0, $0x0;
	_ =	sdelay $0x8  }
0x1ba: {  	s0 =	spop (v2sf)  }
0x1bb: {  	p1 =	sne.s32 s4, $0xFFFFFFFF;
	s2 =	smov.u32 s0  }
0x1bc: {  	s9 =	simm.s32 $0x6;
	p2 =	seq.s32 s0, $0xFFFFFFFF;
	s2 =	smov.u32 @p1 s4  }
0x1bd: {  	s6 =	simm.s32 $0x0;
	s2 =	smov.u32 @p2 s4;
	s3 =	spop (v2sf)  }
0x1be: {  	s0 =	smov.u32 @p2 s5;
	p1 =	sne.s32 s2, $0xFFFFFFFF;
	s4 =	smov.u32 s3  }
.Ltmp27:
0x1bf: {  	p2 =	seq.s32 s3, $0xFFFFFFFF;
	s4 =	smov.u32 @p1 s2;
	(pc) =	sbr.rel .LBB3_26-.Ltmp27, $4  }
0x1c0: {  	s10 =	simm.s32 $0xF188;
	s4 =	smov.u32 @p2 s2;
	s7 =	spop (v2sf)  }
0x1c1: {  	s11 =	simm.s32 $0x0;
	p1 =	sne.s32 s4, $0xFFFFFFFF;
	s8 =	smov.u32 s7  }
0x1c2: {  	s3 =	smov.u32 @p2 s0;
	p2 =	seq.s32 s7, $0xFFFFFFFF;
	s8 =	smov.u32 @p1 s4  }
0x1c3: {  	[sflag:s9] =	ssyncpa.u1 $0x0;
	s7 =	smov.u32 @p2 s3;
	s8 =	smov.u32 @p2 s4  }
.LBB3_32:
0x1c4: {  	p1 =	sgt.u32 s12, $0x1869F0  }
0x1c5: {  	p2 =	seq.s32 @!p1 s12, s8  }
0x1c6: {  	p1 =	por p1, p2  }
0x1c7: {  	p2 =	sne.s32 @!p1 s12, s7  }
0x1c8: {  	p1 =	por p1, !p2  }
0x1c9: {  	s0 =	sshll.u32 @p1 s11, $0x9  }
0x1ca: {  	s0 =	sand.u32 @!p1 $0x1FFFF8, s12  }
0x1cb: {  	s2 =	sand.u32 @!p1 $0x7, s12;
	s0 =	sadd.s32 @!p1 s1, s0  }
0x1cc: {  	[tilespmem:s10], [sflag:$0x6] =	stream.linear.gather @!p1 [hbm4b:s0+s2], $0x80, $0x38;
	[tilespmem:$0x1F6F8] =	vst v63  }
0x1cd: {  	_ =	swait.ge @!p1 [sflag:s9], $0x80  }
0x1ce: {  	[sflag:s9] =	ssyncset.done @!p1 $0x0  }
0x1cf: {  	[sflag:s9] =	ssyncadd.s32 @!p1 $0xFFFFFF80  }
0x1d0: {  	v1 =	vld @!p1 [tilespmem:$0xF188];
	_ =	sdelay $0x2  }
0x1d1: {  	s0 =	sshll.u32 @!p1 s11, $0x9  }
0x1d2: {  	s2 =	sshrl.u32 @!p1 s0, $0x2  }
0x1d3: {  	[tilespmem:s2+$0xF238] =	vst.add.f32.msk @!p1 $0xffff, v1  }
0x1d4: {  	v1 =	vld @!p1 [tilespmem:$0xF198];
	_ =	sdelay $0x4  }
0x1d5: {  	[tilespmem:s2+$0xF248] =	vst.add.f32.msk @!p1 $0xffff, v1  }
0x1d6: {  	v1 =	vld @!p1 [tilespmem:$0xF1A8];
	_ =	sdelay $0x4  }
0x1d7: {  	[tilespmem:s2+$0xF258] =	vst.add.f32.msk @!p1 $0xffff, v1  }
0x1d8: {  	v1 =	vld @!p1 [tilespmem:$0xF1B8];
	_ =	sdelay $0x4  }
0x1d9: {  	[tilespmem:s2+$0xF268] =	vst.add.f32.msk @!p1 $0xffff, v1  }
0x1da: {  	v1 =	vld @!p1 [tilespmem:$0xF1C8];
	_ =	sdelay $0x4  }
0x1db: {  	[tilespmem:s2+$0xF278] =	vst.add.f32.msk @!p1 $0xffff, v1  }
0x1dc: {  	v1 =	vld @!p1 [tilespmem:$0xF1D8];
	_ =	sdelay $0x4  }
0x1dd: {  	[tilespmem:s2+$0xF288] =	vst.add.f32.msk @!p1 $0xffff, v1  }
0x1de: {  	v1 =	vld @!p1 [tilespmem:$0xF1E8];
	_ =	sdelay $0x4  }
0x1df: {  	[tilespmem:s2+$0xF298] =	vst.add.f32.msk @!p1 $0xffff, v1  }
0x1e0: {  	v1 =	vld @!p1 [tilespmem:$0xF1F8];
	_ =	sdelay $0x4  }
0x1e1: {  	[tilespmem:s2+$0xF2A8] =	vst.add.f32.msk @!p1 $0xffff, v1  }
0x1e2: {  	s0 =	sshrl.u32 s0, $0x2;
	[tilespmem:s6+$0xF218] =	vst.msk $0x1, v0  }
0x1e3: {  	v0 =	vld [tilespmem:s0+$0xF238];
	_ =	sdelay $0x2  }
0x1e4: {  	s31 =	sshll.u32 s6, $0x9  }
0x1e5: {  	s2 =	sshra.s32 s31, $0x2  }
0x1e6: {  	[tilespmem:s2+$0xF238] =	vst v0  }
0x1e7: {  	v0 =	vld [tilespmem:s0+$0xF248];
	_ =	sdelay $0x4  }
0x1e8: {  	[tilespmem:s2+$0xF248] =	vst v0  }
0x1e9: {  	v0 =	vld [tilespmem:s0+$0xF258];
	_ =	sdelay $0x4  }
0x1ea: {  	[tilespmem:s2+$0xF258] =	vst v0  }
0x1eb: {  	v0 =	vld [tilespmem:s0+$0xF268];
	_ =	sdelay $0x4  }
0x1ec: {  	[tilespmem:s2+$0xF268] =	vst v0  }
0x1ed: {  	v0 =	vld [tilespmem:s0+$0xF278];
	_ =	sdelay $0x4  }
0x1ee: {  	[tilespmem:s2+$0xF278] =	vst v0  }
0x1ef: {  	v0 =	vld [tilespmem:s0+$0xF288];
	_ =	sdelay $0x4  }
0x1f0: {  	[tilespmem:s2+$0xF288] =	vst v0  }
0x1f1: {  	v0 =	vld [tilespmem:s0+$0xF298];
	_ =	sdelay $0x4  }
0x1f2: {  	[tilespmem:s2+$0xF298] =	vst v0  }
0x1f3: {  	v0 =	vld [tilespmem:s0+$0xF2A8];
	_ =	sdelay $0x4  }
0x1f4: {  	s6 =	sadd.s32 $0x1, s6;
	[tilespmem:s2+$0xF2A8] =	vst v0  }
.LBB3_33:
0x1f5: {  	s11 =	sadd.s32 $0x1, s11  }
0x1f6: {  	p1 =	sne.s32 s11, $0x20  }
.Ltmp28:
0x1f7: {  	_ = 	snop;
	(pc) =	sbr.rel @!p1 .LBB3_34-.Ltmp28, $1  }
0x1f8: {  	_ =	sdelay $0x3  }
.LBB3_26:
0x1f9: {  	v0 =	vld.msk [tilespmem:s11+$0xF218], $0x1;
	_ =	sdelay $0x4  }
0x1fa: {  	(v2sf) =	vpush v0, $0x0;
	_ =	sdelay $0xe  }
0x1fb: {  	s12 =	spop (v2sf)  }
0x1fc: {  	p1 =	seq.s32 s12, $0xFFFFFFFF  }
.Ltmp29:
0x1fd: {  	_ = 	snop;
	(pc) =	sbr.rel @p1 .LBB3_33-.Ltmp29, $1  }
0x1fe: {  	_ =	sdelay $0x3  }
0x1ff: {  	p1 =	slt.s32 s6, $0x1  }
.Ltmp30:
0x200: {  	_ = 	snop;
	(pc) =	sbr.rel @p1 .LBB3_32-.Ltmp30, $1  }
0x201: {  	_ =	sdelay $0x3  }
0x202: {  	s13 =	simm.s32 $0xF218;
	p1 =	por $0x0, $0x0  }
0x203: {  	v1 =	vld.msk @!p1 [tilespmem:s13+$0x0], $0x1;
	_ =	sdelay $0x4  }
0x204: {  	(v2sf) =	vpush @!p1 v1, $0x0;
	_ =	sdelay $0xd  }
0x205: {  	p3 =	sne.s32 s6, $0x1  }
.Ltmp31:
0x206: {  	s0 =	spop @!p1 (v2sf);
	(pc) =	sbr.rel @!p3 .LBB3_30-.Ltmp31, $4  }
0x207: {  	p2 =	seq.s32 @!p1 s12, s0  }
0x208: {  	s14 =	simm.s32 $0x0;
	p2 =	por !p2, p1  }
0x209: {  	s2 =	simm.s32 $0xFFFFFFFF;
	s14 =	simm.s32 @p2 $0xFFFFFFFF  }
0x20a: {  	s0 =	simm.s32 $0x1;
	s14 =	smov.u32 @p1 s2  }
.LBB3_29:
0x20b: {  	s2 =	smov.u32 s14;
	p1 =	sne.s32 s14, $0xFFFFFFFF  }
0x20c: {  	s13 =	sadd.s32 $0x1, s13;
	s14 =	smov.u32 s0;
	s0 =	sadd.s32 $0x1, s0  }
0x20d: {  	p2 =	sne.s32 s6, s0;
	v1 =	vld.msk @!p1 [tilespmem:s13+$0x0], $0x1;
	_ =	sdelay $0x4  }
0x20e: {  	(v2sf) =	vpush @!p1 v1, $0x0;
	_ =	sdelay $0xe  }
.Ltmp32:
0x20f: {  	s3 =	spop @!p1 (v2sf);
	(pc) =	sbr.rel @p2 .LBB3_29-.Ltmp32, $4  }
0x210: {  	p3 =	seq.s32 @!p1 s12, s3  }
0x211: {  	p3 =	por !p3, p1  }
0x212: {  	s14 =	simm.s32 @p3 $0xFFFFFFFF  }
0x213: {  	s14 =	smov.u32 @p1 s2  }
.LBB3_30:
0x214: {  	p1 =	seq.s32 s14, $0xFFFFFFFF  }
.Ltmp33:
0x215: {  	_ = 	snop;
	(pc) =	sbr.rel @p1 .LBB3_32-.Ltmp33, $1  }
0x216: {  	_ =	sdelay $0x3  }
0x217: {  	s0 =	sshll.u32 s11, $0x7  }
0x218: {  	s0 =	sand.u32 $0x3FFFFF80, s0  }
0x219: {  	v0 =	vld [tilespmem:s0+$0xF238];
	_ =	sdelay $0x2  }
0x21a: {  	s2 =	sshll.u32 s14, $0x9  }
0x21b: {  	s2 =	sshra.s32 s2, $0x2  }
0x21c: {  	[tilespmem:s2+$0xF238] =	vst.add.f32.msk $0xffff, v0  }
0x21d: {  	v0 =	vld [tilespmem:s0+$0xF248];
	_ =	sdelay $0x4  }
0x21e: {  	[tilespmem:s2+$0xF248] =	vst.add.f32.msk $0xffff, v0  }
0x21f: {  	v0 =	vld [tilespmem:s0+$0xF258];
	_ =	sdelay $0x4  }
0x220: {  	[tilespmem:s2+$0xF258] =	vst.add.f32.msk $0xffff, v0  }
0x221: {  	v0 =	vld [tilespmem:s0+$0xF268];
	_ =	sdelay $0x4  }
0x222: {  	[tilespmem:s2+$0xF268] =	vst.add.f32.msk $0xffff, v0  }
0x223: {  	v0 =	vld [tilespmem:s0+$0xF278];
	_ =	sdelay $0x4  }
0x224: {  	[tilespmem:s2+$0xF278] =	vst.add.f32.msk $0xffff, v0  }
0x225: {  	v0 =	vld [tilespmem:s0+$0xF288];
	_ =	sdelay $0x4  }
0x226: {  	[tilespmem:s2+$0xF288] =	vst.add.f32.msk $0xffff, v0  }
0x227: {  	v0 =	vld [tilespmem:s0+$0xF298];
	_ =	sdelay $0x4  }
0x228: {  	[tilespmem:s2+$0xF298] =	vst.add.f32.msk $0xffff, v0  }
0x229: {  	v0 =	vld [tilespmem:s0+$0xF2A8]  }
.Ltmp34:
0x22a: {  	_ = 	snop;
	(pc) =	sbr.rel .LBB3_33-.Ltmp34, $2  }
0x22b: {  	_ =	sdelay $0x2  }
0x22c: {  	[tilespmem:s2+$0xF2A8] =	vst.add.f32.msk $0xffff, v0  }
.LBB3_34:
0x22d: {  	s0 =	simm.s32 $0x6;
	p1 =	seq.s32 s6, $0x0  }
0x22e: {  	[sflag:s0] =	ssyncpa.u1 $0x1;
	v0 =	vimm.s32 @p1 $0xFFFFFFFF  }
0x22f: {  	s9 =	sadd.s32 $0xFFFFFFFF, s6;
	[tilespmem:$0x10238] =	vst @p1 v0  }
0x230: {  	v0 =	vld.msk @!p1 [tilespmem:s9+$0xF218], $0x1;
	_ =	sdelay $0x1  }
0x231: {  	v1 =	vld.msk @!p1 [tilespmem:$0xF218], $0x1;
	_ =	sdelay $0x2  }
0x232: {  	p2 =	seq.s32 @!p1 s9, $0x0;
	v0 =	vbroadcast @!p1 v0, $0x0  }
0x233: {  	vm0 =	vmmov @!p1 $0x1;
	p2 =	por !p2, p1  }
0x234: {  	v1 =	vnsel @!p1 vm0, $0xFFFFFFFF, v1;
	vm0 =	vcmask @!p1 $0x308;
	v0 =	vpsel !p2, $0xFFFFFFFF, v0  }
0x235: {  	p2 =	sne.s32 @!p1 s8, s7;
	v0 =	vsel @!p1 vm0, v1, v0  }
0x236: {  	s0 =	simm.s32 @!p1 $0xF238;
	s2 =	simm.s32 @!p1 $0x0;
	p3 =	por !p2, p1;
	[tilespmem:$0x10238] =	vst @!p1 v0  }
0x237: {  	[spmem:s2] =	stream.linear.scatter @!p1 [tilespmem:s0], [sflag:$0x1], $0x80, $0x38;
	[tilespmem:$0x1F6F8] =	vst v63  }
0x238: {  	s0 =	sshll.u32 @!p3 s9, $0x9  }
0x239: {  	s0 =	sshra.s32 @!p3 s0, $0x2  }
0x23a: {  	s2 =	simm.s32 @!p3 $0x80;
	s0 =	sadd.s32 @!p3 $0xF238, s0  }
0x23b: {  	[spmem:s2] =	stream.linear.scatter @!p3 [tilespmem:s0], [sflag:$0x1], $0x80, $0x38;
	[tilespmem:$0x1F6F8] =	vst v63  }
0x23c: {  	s0 =	simm.s32 @!p3 $0x1  }
0x23d: {  	_ =	swait.ge @!p3 [sflag:s0], $0x100  }
0x23e: {  	p1 =	por p2, p1;
	[sflag:s0] =	ssyncset.done @!p3 $0x0  }
0x23f: {  	[sflag:s0] =	ssyncadd.s32 @!p3 $0xFFFFFF00;
	s0 =	simm.s32 @!p1 $0x1  }
0x240: {  	_ =	swait.ge @!p1 [sflag:s0], $0x80  }
0x241: {  	s29 =	simm.s32 $0x10238;
	[sflag:s0] =	ssyncset.done @!p1 $0x0  }
0x242: {  	s30 =	simm.s32 $0x1000;
	s31 =	simm.s32 $0x1;
	[sflag:s0] =	ssyncadd.s32 @!p1 $0xFFFFFF80  }
0x243: {  	[spmem:s30] =	stream.linear.scatter [tilespmem:s29], [sflag:$0x1], $0x10, $0x38;
	[tilespmem:$0x1F6F8] =	vst v63  }
0x244: {  	_ =	swait.ge [sflag:s31], $0x10  }
0x245: {  	[sflag:s31] =	ssyncset.done $0x0  }
0x246: {  	p1 =	seq.s32 s15, $0x0;
	s8 =	rddreg [dreg:$0x1];
	[sflag:s31] =	ssyncadd.s32 $0xFFFFFFF0  }
0x247: {  	s2 =	sshll.u32 @p1 s8, $0xE;
	s7 =	rddreg [dreg:$0x2]  }
0x248: {  	s0 =	sadd.s32 @p1 $0x15C3C, s2;
	s2 =	sshll.u32 @p1 s7, $0x11  }
0x249: {  	_ =	sfence.stream.spmem;
	s0 =	sor.u32 @p1 s2, s0  }
0x24a: {  	[sflag:s0] =	ssyncadd.remote.s32 @p1 $0x1;
	s0 =	simm.s32 @p1 $0x4  }
0x24b: {  	s3 =	simm.s32 @!p1 $0x3C;
	s2 =	sand.u32 $0xFFFFFFFE, s8;
	_ =	swait.ge @p1 [sflag:s0], $0x22  }
0x24c: {  	s4 =	simm.s32 @!p1 $0x0;
	s2 =	sadd.s32 @!p1 $0x4, s2;
	[sflag:s0] =	ssyncset.done @p1 $0x0  }
0x24d: {  	s5 =	simm.s32 @!p1 $0x100;
	[sflag:s0] =	ssyncadd.s32 @p1 $0xFFFFFFDE;
	s0 =	sshll.u32 @!p1 s2, $0x1A  }
0x24e: {  	s2 =	sshll.u32 @!p1 s2, $0xD;
	s0 =	sor.u32 @!p1 s0, s7;
	_ =	swait.eq @!p1 [sflag:s3], $0x1  }
0x24f: {  	s2 =	sor.u32 @!p1 $0x1C04, s2;
	s3 =	simm.s32 @!p1 $0x1C03;
	s0 =	sor.u32 @!p1 $0x80004000, s0  }
0x250: {  	[spmem:s5], [sflag:s2] =	dma.general @!p1 [spmem:s4], [sflag:s3], length:$0x20, [dreg:$0x0], stride_count:$0x0, ici_dest:s0, dma_misc:DstOpCode:WRITE  }
0x251: {  	p2 =	slt.s32 s9, $0x2;
	s4 =	simm.s32 @!p1 $0x200;
	s5 =	simm.s32 @!p1 $0x202  }
0x252: {  	[spmem:s5], [sflag:s2] =	dma.general @!p1 [spmem:s4], [sflag:s3], length:$0x2, [dreg:$0x0], stride_count:$0x0, ici_dest:s0, dma_misc:DstOpCode:WRITE  }
.Ltmp35:
0x253: {  	s0 =	simm.s32 @!p1 $0x3;
	(pc) =	sbr.rel @p2 .LBB3_38-.Ltmp35, $4  }
0x254: {  	s2 =	sshll.u32 @!p1 s8, $0xE;
	_ =	swait.ge @!p1 [sflag:s0], $0x22  }
0x255: {  	s3 =	sshll.u32 @!p1 s7, $0x11;
	s2 =	sadd.s32 @!p1 $0x11C3C, s2;
	[sflag:s0] =	ssyncset.done @!p1 $0x0  }
0x256: {  	[sflag:s0] =	ssyncadd.s32 @!p1 $0xFFFFFFDE;
	s0 =	sor.u32 @!p1 s3, s2  }
0x257: {  	[sflag:s0] =	ssyncadd.remote.s32 @!p1 $0xFFFFFFFF;
	s0 =	simm.s32 $0x0  }
0x258: {  	s0 =	simm.s32 $0xF219  }
0x259: {  	v0 =	vld.msk [tilespmem:s0+$0x0], $0x1;
	_ =	sdelay $0x4  }
0x25a: {  	(v2sf) =	vpush v0, $0x0;
	_ =	sdelay $0xb  }
0x25b: {  	s31 =	sadd.s32 $0xFFFFFFFE, s6  }
0x25c: {  	s0 =	sadd.s32 $0xFFFFFFFF, s31  }
0x25d: {  	p2 =	sne.s32 s0, $0x0  }
.Ltmp36:
0x25e: {  	s2 =	spop (v2sf);
	(pc) =	sbr.rel @!p2 .LBB3_37-.Ltmp36, $4  }
0x25f: {  	s4 =	simm.s32 $0xF2B8;
	s7 =	simm.s32 $0x0;
	p1 =	sgt.u32 s2, $0x1869F0  }
0x260: {  	s5 =	simm.s32 $0x0;
	s6 =	simm.s32 $0xF21A;
	s3 =	sand.u32 @!p1 $0x1FFFF8, s2  }
0x261: {  	s2 =	sand.u32 @!p1 $0x7, s2;
	s7 =	simm.s32 @!p1 $0x200;
	s3 =	sadd.s32 @!p1 s1, s3  }
0x262: {  	[hbm4b:s3+s2] =	stream.linear.scatter @!p1 [tilespmem:s4], [sflag:$0x5], $0x80, $0x38;
	[tilespmem:$0x1F6F8] =	vst v63  }
.LBB3_36:
0x263: {  	v0 =	vld.msk [tilespmem:s6+$0x0], $0x1;
	s0 =	sadd.s32 $0xFFFFFFFF, s0;
	s5 =	sadd.s32 s5, s7  }
0x264: {  	p1 =	sne.s32 s0, $0x0;
	_ =	sdelay $0x3  }
0x265: {  	(v2sf) =	vpush v0, $0x0;
	_ =	sdelay $0xe  }
.Ltmp37:
0x266: {  	s2 =	spop (v2sf);
	(pc) =	sbr.rel @p1 .LBB3_36-.Ltmp37, $4  }
0x267: {  	s7 =	simm.s32 $0x0;
	p2 =	sgt.u32 s2, $0x1869F0  }
0x268: {  	s4 =	sadd.s32 $0x80, s4;
	s7 =	simm.s32 @!p2 $0x200;
	s3 =	sand.u32 @!p2 $0x1FFFF8, s2  }
0x269: {  	s6 =	sadd.s32 $0x1, s6;
	s2 =	sand.u32 @!p2 $0x7, s2;
	s3 =	sadd.s32 @!p2 s1, s3  }
0x26a: {  	[hbm4b:s3+s2] =	stream.linear.scatter @!p2 [tilespmem:s4], [sflag:$0x5], $0x80, $0x38;
	[tilespmem:$0x1F6F8] =	vst v63  }
.LBB3_37:
0x26b: {  	s0 =	sadd.s32 s5, s7  }
0x26c: {  	s0 =	sshrl.u32 s0, $0x2  }
.LBB3_38:
0x26d: {  	s2 =	simm.s32 $0x5  }
0x26e: {  	_ =	swait.ge [sflag:s2], s0  }
0x26f: {  	s31 =	ssub.s32 $0x0, s0;
	[sflag:s2] =	ssyncset.done $0x0  }
0x270: {  	[sflag:s2] =	ssyncadd.s32 s31  }
0x271: {  	[sflag:s2] =	ssyncpa.u1 $0x1  }
.LBB3_39:
0x272: {  	s0 =	sor.u32 s15, s16  }
0x273: {  	p1 =	sne.s32 s0, $0x0  }
.Ltmp38:
0x274: {  	_ = 	snop;
	(pc) =	sbr.rel @p1 .LBB3_54-.Ltmp38, $3  }
0x275: {  	_ =	sdelay $0x1  }
0x276: {  	[bflag:$0x0] =	sbarrier.arrive $0xFFFF  }
0x277: {  	_ =	sfence  }
0x278: {  	s0 =	simm.s32 $0x7  }
0x279: {  	s2 =	simm.s32 $0x1000;
	s3 =	simm.s32 $0xF218;
	[sflag:s0] =	ssyncpa.u1 $0x0  }
0x27a: {  	[tilespmem:s3], [sflag:$0x7] =	stream.linear.gather [spmem:s2], $0x20, $0x38;
	[tilespmem:$0x1F6F8] =	vst v63  }
0x27b: {  	s30 =	simm.s32 $0xF238;
	s2 =	simm.s32 $0x0  }
0x27c: {  	[tilespmem:s30], [sflag:$0x7] =	stream.linear.gather [spmem:s2], $0x1000, $0x38;
	[tilespmem:$0x1F6F8] =	vst v63  }
.Ltmp39:
0x27d: {  	_ = 	snop;
	(pc) =	sbr.rel .LBB3_41-.Ltmp39, $4  }
0x27e: {  	_ =	swait.ge [sflag:s0], $0x1020  }
0x27f: {  	[sflag:s0] =	ssyncset.done $0x0  }
0x280: {  	s31 =	simm.s32 $0x8;
	[sflag:s0] =	ssyncadd.s32 $0xFFFFEFE0  }
0x281: {  	s3 =	simm.s32 $0x0;
	[sflag:s31] =	ssyncpa.u1 $0x0  }
.LBB3_47:
0x282: {  	p1 =	slt.u32 s4, $0x1869F1  }
0x283: {  	s0 =	sand.u32 @p1 $0x1FFFF8, s4  }
0x284: {  	s4 =	sand.u32 @p1 $0x7, s4;
	s5 =	simm.s32 @p1 $0xF188;
	s0 =	sadd.s32 @p1 s1, s0  }
0x285: {  	[tilespmem:s5], [sflag:$0x8] =	stream.linear.gather @p1 [hbm4b:s0+s4], $0x80, $0x38;
	[tilespmem:$0x1F6F8] =	vst v63  }
0x286: {  	s0 =	simm.s32 @p1 $0x8  }
0x287: {  	_ =	swait.ge @p1 [sflag:s0], $0x80  }
0x288: {  	[sflag:s0] =	ssyncset.done @p1 $0x0  }
0x289: {  	[sflag:s0] =	ssyncadd.s32 @p1 $0xFFFFFF80  }
0x28a: {  	v1 =	vld @p1 [tilespmem:$0xF188];
	_ =	sdelay $0x2  }
0x28b: {  	s0 =	sshll.u32 @p1 s3, $0x9  }
0x28c: {  	s4 =	sshrl.u32 @p1 s0, $0x2  }
0x28d: {  	[tilespmem:s4+$0xF238] =	vst.add.f32.msk @p1 $0xffff, v1  }
0x28e: {  	v1 =	vld @p1 [tilespmem:$0xF198];
	_ =	sdelay $0x4  }
0x28f: {  	[tilespmem:s4+$0xF248] =	vst.add.f32.msk @p1 $0xffff, v1  }
0x290: {  	v1 =	vld @p1 [tilespmem:$0xF1A8];
	_ =	sdelay $0x4  }
0x291: {  	[tilespmem:s4+$0xF258] =	vst.add.f32.msk @p1 $0xffff, v1  }
0x292: {  	v1 =	vld @p1 [tilespmem:$0xF1B8];
	_ =	sdelay $0x4  }
0x293: {  	[tilespmem:s4+$0xF268] =	vst.add.f32.msk @p1 $0xffff, v1  }
0x294: {  	v1 =	vld @p1 [tilespmem:$0xF1C8];
	_ =	sdelay $0x4  }
0x295: {  	[tilespmem:s4+$0xF278] =	vst.add.f32.msk @p1 $0xffff, v1  }
0x296: {  	v1 =	vld @p1 [tilespmem:$0xF1D8];
	_ =	sdelay $0x4  }
0x297: {  	[tilespmem:s4+$0xF288] =	vst.add.f32.msk @p1 $0xffff, v1  }
0x298: {  	v1 =	vld @p1 [tilespmem:$0xF1E8];
	_ =	sdelay $0x4  }
0x299: {  	[tilespmem:s4+$0xF298] =	vst.add.f32.msk @p1 $0xffff, v1  }
0x29a: {  	v1 =	vld @p1 [tilespmem:$0xF1F8];
	_ =	sdelay $0x3  }
0x29b: {  	s5 =	sshll.u32 @!p1 s3, $0x9  }
0x29c: {  	s5 =	smov.u32 @p1 s0;
	[tilespmem:s4+$0xF2A8] =	vst.add.f32.msk @p1 $0xffff, v1  }
0x29d: {  	s0 =	sshrl.u32 s5, $0x2;
	[tilespmem:s2+$0xF218] =	vst.msk $0x1, v0  }
0x29e: {  	v0 =	vld [tilespmem:s0+$0xF238];
	_ =	sdelay $0x2  }
0x29f: {  	s31 =	sshll.u32 s2, $0x9  }
0x2a0: {  	s4 =	sshra.s32 s31, $0x2  }
0x2a1: {  	[tilespmem:s4+$0xF238] =	vst v0  }
0x2a2: {  	v0 =	vld [tilespmem:s0+$0xF248];
	_ =	sdelay $0x4  }
0x2a3: {  	[tilespmem:s4+$0xF248] =	vst v0  }
0x2a4: {  	v0 =	vld [tilespmem:s0+$0xF258];
	_ =	sdelay $0x4  }
0x2a5: {  	[tilespmem:s4+$0xF258] =	vst v0  }
0x2a6: {  	v0 =	vld [tilespmem:s0+$0xF268];
	_ =	sdelay $0x4  }
0x2a7: {  	[tilespmem:s4+$0xF268] =	vst v0  }
0x2a8: {  	v0 =	vld [tilespmem:s0+$0xF278];
	_ =	sdelay $0x4  }
0x2a9: {  	[tilespmem:s4+$0xF278] =	vst v0  }
0x2aa: {  	v0 =	vld [tilespmem:s0+$0xF288];
	_ =	sdelay $0x4  }
0x2ab: {  	[tilespmem:s4+$0xF288] =	vst v0  }
0x2ac: {  	v0 =	vld [tilespmem:s0+$0xF298];
	_ =	sdelay $0x4  }
0x2ad: {  	[tilespmem:s4+$0xF298] =	vst v0  }
0x2ae: {  	v0 =	vld [tilespmem:s0+$0xF2A8];
	_ =	sdelay $0x4  }
0x2af: {  	s2 =	sadd.s32 $0x1, s2;
	[tilespmem:s4+$0xF2A8] =	vst v0  }
.LBB3_48:
0x2b0: {  	s3 =	sadd.s32 $0x1, s3  }
0x2b1: {  	p1 =	sne.s32 s3, $0x20  }
.Ltmp40:
0x2b2: {  	_ = 	snop;
	(pc) =	sbr.rel @!p1 .LBB3_49-.Ltmp40, $1  }
0x2b3: {  	_ =	sdelay $0x3  }
.LBB3_41:
0x2b4: {  	v0 =	vld.msk [tilespmem:s3+$0xF218], $0x1;
	_ =	sdelay $0x4  }
0x2b5: {  	(v2sf) =	vpush v0, $0x0;
	_ =	sdelay $0xe  }
0x2b6: {  	s4 =	spop (v2sf)  }
0x2b7: {  	p1 =	seq.s32 s4, $0xFFFFFFFF  }
.Ltmp41:
0x2b8: {  	_ = 	snop;
	(pc) =	sbr.rel @p1 .LBB3_48-.Ltmp41, $1  }
0x2b9: {  	_ =	sdelay $0x3  }
0x2ba: {  	p1 =	slt.s32 s2, $0x1  }
.Ltmp42:
0x2bb: {  	_ = 	snop;
	(pc) =	sbr.rel @p1 .LBB3_47-.Ltmp42, $1  }
0x2bc: {  	_ =	sdelay $0x3  }
0x2bd: {  	s5 =	simm.s32 $0xF218;
	p1 =	por $0x0, $0x0  }
0x2be: {  	v1 =	vld.msk @!p1 [tilespmem:s5+$0x0], $0x1;
	_ =	sdelay $0x4  }
0x2bf: {  	(v2sf) =	vpush @!p1 v1, $0x0;
	_ =	sdelay $0xd  }
0x2c0: {  	p3 =	sne.s32 s2, $0x1  }
.Ltmp43:
0x2c1: {  	s0 =	spop @!p1 (v2sf);
	(pc) =	sbr.rel @!p3 .LBB3_45-.Ltmp43, $4  }
0x2c2: {  	p2 =	seq.s32 @!p1 s4, s0  }
0x2c3: {  	s6 =	simm.s32 $0x0;
	p2 =	por !p2, p1  }
0x2c4: {  	s7 =	simm.s32 $0xFFFFFFFF;
	s6 =	simm.s32 @p2 $0xFFFFFFFF  }
0x2c5: {  	s0 =	simm.s32 $0x1;
	s6 =	smov.u32 @p1 s7  }
.LBB3_44:
0x2c6: {  	s7 =	smov.u32 s6;
	p1 =	sne.s32 s6, $0xFFFFFFFF  }
0x2c7: {  	s5 =	sadd.s32 $0x1, s5;
	s6 =	smov.u32 s0;
	s0 =	sadd.s32 $0x1, s0  }
0x2c8: {  	p2 =	sne.s32 s2, s0;
	v1 =	vld.msk @!p1 [tilespmem:s5+$0x0], $0x1;
	_ =	sdelay $0x4  }
0x2c9: {  	(v2sf) =	vpush @!p1 v1, $0x0;
	_ =	sdelay $0xe  }
.Ltmp44:
0x2ca: {  	s8 =	spop @!p1 (v2sf);
	(pc) =	sbr.rel @p2 .LBB3_44-.Ltmp44, $4  }
0x2cb: {  	p3 =	seq.s32 @!p1 s4, s8  }
0x2cc: {  	p3 =	por !p3, p1  }
0x2cd: {  	s6 =	simm.s32 @p3 $0xFFFFFFFF  }
0x2ce: {  	s6 =	smov.u32 @p1 s7  }
.LBB3_45:
0x2cf: {  	p1 =	seq.s32 s6, $0xFFFFFFFF  }
.Ltmp45:
0x2d0: {  	_ = 	snop;
	(pc) =	sbr.rel @p1 .LBB3_47-.Ltmp45, $1  }
0x2d1: {  	_ =	sdelay $0x3  }
0x2d2: {  	s0 =	sshll.u32 s3, $0x7  }
0x2d3: {  	s0 =	sand.u32 $0x3FFFFF80, s0  }
0x2d4: {  	v0 =	vld [tilespmem:s0+$0xF238];
	_ =	sdelay $0x2  }
0x2d5: {  	s4 =	sshll.u32 s6, $0x9  }
0x2d6: {  	s4 =	sshra.s32 s4, $0x2  }
0x2d7: {  	[tilespmem:s4+$0xF238] =	vst.add.f32.msk $0xffff, v0  }
0x2d8: {  	v0 =	vld [tilespmem:s0+$0xF248];
	_ =	sdelay $0x4  }
0x2d9: {  	[tilespmem:s4+$0xF248] =	vst.add.f32.msk $0xffff, v0  }
0x2da: {  	v0 =	vld [tilespmem:s0+$0xF258];
	_ =	sdelay $0x4  }
0x2db: {  	[tilespmem:s4+$0xF258] =	vst.add.f32.msk $0xffff, v0  }
0x2dc: {  	v0 =	vld [tilespmem:s0+$0xF268];
	_ =	sdelay $0x4  }
0x2dd: {  	[tilespmem:s4+$0xF268] =	vst.add.f32.msk $0xffff, v0  }
0x2de: {  	v0 =	vld [tilespmem:s0+$0xF278];
	_ =	sdelay $0x4  }
0x2df: {  	[tilespmem:s4+$0xF278] =	vst.add.f32.msk $0xffff, v0  }
0x2e0: {  	v0 =	vld [tilespmem:s0+$0xF288];
	_ =	sdelay $0x4  }
0x2e1: {  	[tilespmem:s4+$0xF288] =	vst.add.f32.msk $0xffff, v0  }
0x2e2: {  	v0 =	vld [tilespmem:s0+$0xF298];
	_ =	sdelay $0x4  }
0x2e3: {  	[tilespmem:s4+$0xF298] =	vst.add.f32.msk $0xffff, v0  }
0x2e4: {  	v0 =	vld [tilespmem:s0+$0xF2A8]  }
.Ltmp46:
0x2e5: {  	_ = 	snop;
	(pc) =	sbr.rel .LBB3_48-.Ltmp46, $2  }
0x2e6: {  	_ =	sdelay $0x2  }
0x2e7: {  	[tilespmem:s4+$0xF2A8] =	vst.add.f32.msk $0xffff, v0  }
.LBB3_49:
0x2e8: {  	p1 =	slt.s32 s2, $0x1  }
.Ltmp47:
0x2e9: {  	_ = 	snop;
	(pc) =	sbr.rel @p1 .LBB3_53-.Ltmp47, $3  }
0x2ea: {  	_ =	sdelay $0x1  }
0x2eb: {  	s0 =	simm.s32 $0x8  }
0x2ec: {  	s3 =	simm.s32 $0x0;
	[sflag:s0] =	ssyncpa.u1 $0x1  }
0x2ed: {  	s0 =	simm.s32 $0xF218  }
0x2ee: {  	v0 =	vld.msk [tilespmem:s0+$0x0], $0x1;
	_ =	sdelay $0x4  }
0x2ef: {  	(v2sf) =	vpush v0, $0x0;
	_ =	sdelay $0xe  }
0x2f0: {  	s0 =	sadd.s32 $0xFFFFFFFF, s2;
	s5 =	spop (v2sf)  }
0x2f1: {  	p2 =	sne.s32 s0, $0x0;
	p1 =	sgt.u32 s5, $0x1869F0  }
.Ltmp48:
0x2f2: {  	s6 =	sand.u32 @!p1 $0x1FFFF8, s5;
	(pc) =	sbr.rel @!p2 .LBB3_52-.Ltmp48, $4  }
0x2f3: {  	s4 =	simm.s32 $0xF238;
	s5 =	sand.u32 @!p1 $0x7, s5;
	s2 =	sadd.s32 @!p1 s1, s6  }
0x2f4: {  	[hbm4b:s2+s5] =	stream.linear.scatter @!p1 [tilespmem:s4], [sflag:$0x7], $0x80, $0x38;
	[tilespmem:$0x1F6F8] =	vst v63  }
0x2f5: {  	s5 =	simm.s32 $0x0  }
0x2f6: {  	s2 =	simm.s32 $0xF219;
	s5 =	simm.s32 @!p1 $0x200  }
.LBB3_51:
0x2f7: {  	v0 =	vld.msk [tilespmem:s2+$0x0], $0x1;
	s0 =	sadd.s32 $0xFFFFFFFF, s0;
	s3 =	sadd.s32 s3, s5  }
0x2f8: {  	p1 =	sne.s32 s0, $0x0;
	_ =	sdelay $0x3  }
0x2f9: {  	(v2sf) =	vpush v0, $0x0;
	_ =	sdelay $0xe  }
.Ltmp49:
0x2fa: {  	s6 =	spop (v2sf);
	(pc) =	sbr.rel @p1 .LBB3_51-.Ltmp49, $4  }
0x2fb: {  	s5 =	simm.s32 $0x0;
	p2 =	sgt.u32 s6, $0x1869F0  }
0x2fc: {  	s4 =	sadd.s32 $0x80, s4;
	s5 =	simm.s32 @!p2 $0x200;
	s7 =	sand.u32 @!p2 $0x1FFFF8, s6  }
0x2fd: {  	s2 =	sadd.s32 $0x1, s2;
	s6 =	sand.u32 @!p2 $0x7, s6;
	s7 =	sadd.s32 @!p2 s1, s7  }
0x2fe: {  	[hbm4b:s7+s6] =	stream.linear.scatter @!p2 [tilespmem:s4], [sflag:$0x7], $0x80, $0x38;
	[tilespmem:$0x1F6F8] =	vst v63  }
.LBB3_52:
0x2ff: {  	s0 =	sadd.s32 s3, s5  }
0x300: {  	s3 =	sshrl.u32 s0, $0x2  }
.LBB3_53:
0x301: {  	s0 =	simm.s32 $0x7  }
0x302: {  	_ =	swait.ge [sflag:s0], s3  }
0x303: {  	s1 =	ssub.s32 $0x0, s3;
	[sflag:s0] =	ssyncset.done $0x0  }
0x304: {  	[sflag:s0] =	ssyncadd.s32 s1  }
0x305: {  	[sflag:s0] =	ssyncpa.u1 $0x1  }
.LBB3_54:
0x306: {  	_ =	sfence;
	s0 =	simm.s32 $0x1  }
0x307: {  	[sflag:s0] =	ssyncpa.u1 $0x1  }
0x308: {  	_ =	strace $0x9000006B  }
0x309: {  	[bflag:$0x2] =	sbarrier.arrive $0xFFFF  }
0x30a: {  	s0 =	rddreg [dreg:$0x3]  }
0x30b: {  	s0 =	sadd.s32 @!p0 $0x100000, s0  }
0x30c: {  	[sflag:s0] =	ssyncadd.tile.s32 @!p0 $0x1;
	_ =	shalt  }
.Lfunc_end3:
_tile_overlayer_lowered:
.L_overlay_start_3:
0x30d: {  	(tag) =	ssettag $0x3  }
0x30e: {  	s0 =	rddreg [dreg:$0x0];
	s2 =	stileid.u32  }
0x30f: {  	s1 =	rddreg [dreg:$0x1];
	p0 =	sne.s32 s2, $0x0  }
0x310: {  	s3 =	rddreg [dreg:$0x2];
	[bflag:$0x3] =	sbarrier.arrive $0xFFFF;
	s2 =	simm.s32 @!p0 $0x1C01  }
0x311: {  	[timem:s3], [sflag:s2] =	dma.local @!p0 [hbm:s0], s1  }
0x312: {  	s0 =	simm.s32 @!p0 $0x1  }
0x313: {  	_ =	swait.ge @!p0 [sflag:s0], s1  }
0x314: {  	s1 =	ssub.s32 @!p0 $0x0, s1;
	[sflag:s0] =	ssyncset.done @!p0 $0x0  }
0x315: {  	[sflag:s0] =	ssyncadd.s32 @!p0 s1  }
0x316: {  	[bflag:$0x3] =	sbarrier.arrive $0xFFFF  }
0x317: {  	_ =	shalt  }

// kernel: scatter_offload_async_start.4
scs
__scs_entry_jumppad:
0x0: {  	(pc) =	sbr.rel $0x88, $3  }
0x1: {  	(tag) =	ssettag $0x0;
	lr =	simm.s32 $0x1  }
0x2: {  	[smem:$0x3F90] =	sst lr;
	_ =	strace $0xD0000000  }
0x3: {  	_ = 	snop  }
0x4: {  	_ = 	snop  }
0x5: {  	_ = 	snop  }
0x6: {  	_ = 	snop  }
0x7: {  	_ = 	snop  }
__scs_overlays_trampoline_lowered:
0x8: {  	[smem:$0x3F9F] =	sst s0  }
0x9: {  	[smem:$0x3FA0] =	sst s1  }
0xa: {  	[smem:$0x3FA1] =	sst s2  }
0xb: {  	[smem:$0x3FA2] =	sst s3  }
0xc: {  	[smem:$0x3FA3] =	sst s4  }
0xd: {  	[smem:$0x3FA4] =	sst s5  }
0xe: {  	[smem:$0x3FA5] =	sst s6  }
0xf: {  	[smem:$0x3FA6] =	sst s7  }
0x10: {  	[smem:$0x3FA7] =	sst s8  }
0x11: {  	[smem:$0x3FA8] =	sst s9;
	s0 =	simm.s32 @!p0 $0x0  }
0x12: {  	s1 =	sld [smem:$0x3F8E];
	s0 =	simm.s32 @p0 $0x1  }
0x13: {  	[smem:$0x3FA9] =	sst s0;
	s0 =	simm.s32 @!p1 $0x0  }
0x14: {  	s2 =	sld [smem:$0x3F8D];
	s0 =	simm.s32 @p1 $0x1  }
0x15: {  	[smem:$0x3FAA] =	sst s0;
	s0 =	simm.s32 @!p2 $0x0  }
0x16: {  	s3 =	sld [smem:$0x3FDB];
	s0 =	simm.s32 @p2 $0x1  }
0x17: {  	s4 =	simm.s32 $0x1BF5;
	[smem:$0x3FAC] =	sst s0  }
0x18: {  	s0 =	sld [smem:$0x3F8F];
	_ =	swait.ge [sflag:s4], $0x0  }
0x19: {  	s7 =	sld [smem:$0x3F90]  }
0x1a: {  	s8 =	sadd.s32 $0xFFFFE003, lr  }
0x1b: {  	s9 =	sadd.s32 $0xFFFFFEF7, lr;
	s5 =	simm.s32 $0xFFFFFFFF;
	p2 =	slt.u32 s8, $0xFFFFF086  }
0x1c: {  	p1 =	slt.u32 s9, $0xF7A;
	s5 =	simm.s32 @!p2 $0x0  }
0x1d: {  	s5 =	simm.s32 @p1 $0x1;
	p0 =	seq.s32 s7, s2  }
0x1e: {  	s7 =	smul.u32 @!p0 $0xF7A, s2;
	p2 =	seq.s32 @!p0 s5, $0x0  }
0x1f: {  	s9 =	smul.u32 $0xF7A, s1;
	s8 =	simm.s32 @!p0 $0x1BF5;
	p2 =	por !p2, p0  }
0x20: {  	[sflag:s8] =	ssyncset.s32 @!p0 $0xFFFFF086;
	s6 =	sadd.s32 @!p0 s3, s7;
	s7 =	simm.s32 @!p0 $0x108  }
0x21: {  	s3 =	sadd.s32 s3, s9;
	s6 =	sadd.s32 @!p0 $0x88, s6;
	s7 =	simm.s32 @p2 $0x1082  }
0x22: {  	[simem:s7], [sflag:s8] =	dma.local @!p0 [hbm:s6], $0xF7A  }
0x23: {  	s9 =	sor.u32 $0xD0000000, s2;
	s6 =	simm.s32 $0x108;
	_ =	swait.ge @!p0 [sflag:s8], $0x0  }
0x24: {  	s3 =	sadd.s32 $0x88, s3;
	s6 =	simm.s32 @!p1 $0x1082;
	[sflag:s4] =	ssyncset.s32 $0xFFFFF086  }
0x25: {  	[simem:s6], [sflag:s4] =	dma.local [hbm:s3], $0xF7A  }
0x26: {  	[smem:$0x3F90] =	sst s1;
	(tag) =	ssettag s2;
	_ =	strace s9  }
0x27: {  	s1 =	sld [smem:$0x3FA0]  }
0x28: {  	s2 =	sld [smem:$0x3FA1]  }
0x29: {  	s4 =	sld [smem:$0x3FA3]  }
0x2a: {  	p0 =	seq.s32 s5, $0x0;
	s5 =	sld [smem:$0x3FA4]  }
0x2b: {  	s6 =	sld [smem:$0x3FA5]  }
0x2c: {  	s7 =	sld [smem:$0x3FA6]  }
0x2d: {  	s3 =	simm.s32 $0x108;
	s8 =	sld [smem:$0x3FA7]  }
0x2e: {  	s3 =	simm.s32 @!p0 $0x1082;
	s9 =	sld [smem:$0x3FA8]  }
0x2f: {  	lr =	sadd.s32 s0, s3;
	s0 =	sld [smem:$0x3F9F]  }
0x30: {  	s3 =	sld [smem:$0x3FA2]  }
0x31: {  	[smem:$0x3FAB] =	sst s10  }
0x32: {  	s10 =	sld [smem:$0x3FA9];
	_ =	sdelay $0x3  }
0x33: {  	p0 =	seq.s32 s10, $0x1;
	s10 =	sld [smem:$0x3FAB];
	_ =	sdelay $0x3  }
0x34: {  	[smem:$0x3FAB] =	sst s10  }
0x35: {  	s10 =	sld [smem:$0x3FAA];
	_ =	sdelay $0x3  }
0x36: {  	p1 =	seq.s32 s10, $0x1;
	s10 =	sld [smem:$0x3FAB];
	_ =	sdelay $0x3  }
0x37: {  	[smem:$0x3FAB] =	sst s10  }
0x38: {  	s10 =	sld [smem:$0x3FAC]  }
0x39: {  	_ = 	snop;
	(pc) =	sbr.ind lr, $3  }
0x3a: {  	_ = 	snop  }
0x3b: {  	_ = 	snop  }
0x3c: {  	p2 =	seq.s32 s10, $0x1;
	s10 =	sld [smem:$0x3FAB]  }
0x3d: {  	_ =	shalt  }
0x3e: {  	_ =	shalt  }
0x3f: {  	_ =	shalt  }
0x40: {  	_ =	shalt  }
0x41: {  	_ =	shalt  }
0x42: {  	_ =	shalt  }
0x43: {  	_ =	shalt  }
0x44: {  	_ =	shalt  }
0x45: {  	_ =	shalt  }
0x46: {  	_ =	shalt  }
0x47: {  	_ =	shalt  }
0x48: {  	_ =	shalt  }
0x49: {  	_ =	shalt  }
0x4a: {  	_ =	shalt  }
0x4b: {  	_ =	shalt  }
0x4c: {  	_ =	shalt  }
0x4d: {  	_ =	shalt  }
0x4e: {  	_ =	shalt  }
0x4f: {  	_ =	shalt  }
0x50: {  	_ =	shalt  }
0x51: {  	_ =	shalt  }
0x52: {  	_ =	shalt  }
0x53: {  	_ =	shalt  }
0x54: {  	_ =	shalt  }
0x55: {  	_ =	shalt  }
0x56: {  	_ =	shalt  }
0x57: {  	_ =	shalt  }
0x58: {  	_ =	shalt  }
0x59: {  	_ =	shalt  }
0x5a: {  	_ =	shalt  }
0x5b: {  	_ =	shalt  }
0x5c: {  	_ =	shalt  }
0x5d: {  	_ =	shalt  }
0x5e: {  	_ =	shalt  }
0x5f: {  	_ =	shalt  }
0x60: {  	_ =	shalt  }
0x61: {  	_ =	shalt  }
0x62: {  	_ =	shalt  }
0x63: {  	_ =	shalt  }
0x64: {  	_ =	shalt  }
0x65: {  	_ =	shalt  }
0x66: {  	_ =	shalt  }
0x67: {  	_ =	shalt  }
0x68: {  	_ =	shalt  }
0x69: {  	_ =	shalt  }
0x6a: {  	_ =	shalt  }
0x6b: {  	_ =	shalt  }
0x6c: {  	_ =	shalt  }
0x6d: {  	_ =	shalt  }
0x6e: {  	_ =	shalt  }
0x6f: {  	_ =	shalt  }
0x70: {  	_ =	shalt  }
0x71: {  	_ =	shalt  }
0x72: {  	_ =	shalt  }
0x73: {  	_ =	shalt  }
0x74: {  	_ =	shalt  }
0x75: {  	_ =	shalt  }
0x76: {  	_ =	shalt  }
0x77: {  	_ =	shalt  }
0x78: {  	_ =	shalt  }
0x79: {  	_ =	shalt  }
0x7a: {  	_ =	shalt  }
0x7b: {  	_ =	shalt  }
0x7c: {  	_ =	shalt  }
0x7d: {  	_ =	shalt  }
0x7e: {  	_ =	shalt  }
0x7f: {  	_ =	shalt  }
0x80: {  	_ =	shalt  }
0x81: {  	_ =	shalt  }
0x82: {  	_ =	shalt  }
0x83: {  	_ =	shalt  }
0x84: {  	_ =	shalt  }
0x85: {  	_ =	shalt  }
0x86: {  	_ =	shalt  }
0x87: {  	_ =	shalt  }
.Lfunc_end0:
.L_simem_size_0:
called_computation.4_lowered:
.L_overlay_start_0:
0x88: {  	s0 =	sld [smem:$0x3FD9]  }
0x89: {  	s1 =	sld [smem:$0x3FFE];
	_ =	sdelay $0x3  }
0x8a: {  	s0 =	sadd.s32 s1, s0  }
0x8b: {  	[smem:$0x3FB7] =	sst s0  }
0x8c: {  	_ = 	snop  }
0x8d: {  	s14 =	sld [smem:$0x3FD0];
	(tm) =	ssettm $0x1  }
0x8e: {  	s15 =	sld [smem:$0x3FFB];
	_ =	sdelay $0x3  }
0x8f: {  	_ =	strace s15  }
0x90: {  	s0 =	sld [smem:$0x3FFC];
	_ =	sdelay $0x3  }
0x91: {  	_ =	strace s0  }
0x92: {  	s0 =	sld [smem:$0x3FFD];
	_ =	sdelay $0x3  }
0x93: {  	_ =	strace s0  }
0x94: {  	_ =	strace $0x8FFFFFFF  }
0x95: {  	s16 =	sld [smem:$0x3FDB];
	_ =	sdelay $0x1  }
0x96: {  	s2 =	simm.s32 $_scs_section_size  }
0x97: {  	s3 =	simm.s32 $_size__tile_overlayer_lowered;
	s4 =	simm.s32 $_tile_overlayer_lowered  }
0x98: {  	s5 =	simm.s32 $0x1BFF;
	s17 =	sshll.u32 s4, $0x1;
	s2 =	sadd.s32 s2, s16  }
0x99: {  	s18 =	simm.s32 $0x0;
	s3 =	sshll.u32 s3, $0x1;
	s4 =	sadd.s32 s17, s2  }
0x9a: {  	[timem:s18], [sflag:s5] =	dma.local [hbm:s4], s3  }
0x9b: {  	_ =	swait.ge [sflag:s5], s3  }
0x9c: {  	s3 =	ssub.s32 $0x0, s3;
	[sflag:s5] =	ssyncset.done $0x0  }
0x9d: {  	[sflag:s5] =	ssyncadd.s32 s3;
	_ =	sdelay $0x1  }
0x9e: {  	s19 =	simm.s32 $0x1B8B  }
0x9f: {  	_ =	swait.ge [sflag:s19], $0x1  }
0xa0: {  	[sflag:s19] =	ssyncset.done $0x0  }
0xa1: {  	s21 =	simm.s32 $0x1B8E;
	s20 =	sld [smem:$0x3FFE];
	[sflag:s19] =	ssyncadd.s32 $0xFFFFFFFF  }
0xa2: {  	s22 =	simm.s32 $execute0_lowered;
	[smem:$0x3FD2] =	sst s21  }
0xa3: {  	s4 =	sshll.u32 s22, $0x1;
	_ =	strace $0x8000004F;
	[dreg:$0x1] =	wrdreg $0xFFFFFFFF  }
0xa4: {  	s23 =	simm.s32 $_size_execute0_lowered;
	s4 =	sadd.s32 s2, s4;
	[dreg:$0x0] =	wrdreg $0x0  }
0xa5: {  	s5 =	sshll.u32 s23, $0x1;
	[dreg:$0x2] =	wrdreg s4  }
0xa6: {  	[dreg:$0x3] =	wrdreg s5  }
0xa7: {  	[dreg:$0x4] =	wrdreg $0xC0  }
0xa8: {  	s24 =	simm.s32 $execute1_lowered;
	_ =	task [dreg:s18], $0x5FFFF  }
0xa9: {  	s4 =	sshll.u32 s24, $0x1;
	[dreg:$0x1] =	wrdreg $0xFFFFFFFF  }
0xaa: {  	s2 =	sadd.s32 s2, s4;
	[dreg:$0x0] =	wrdreg $0x60  }
0xab: {  	[dreg:$0x2] =	wrdreg s2  }
0xac: {  	[dreg:$0x3] =	wrdreg s14  }
0xad: {  	[dreg:$0x4] =	wrdreg s20  }
0xae: {  	[dreg:$0x5] =	wrdreg $0xB  }
0xaf: {  	_ =	task.clear_ibuf [dreg:s18], $0x6FFFF;
	_ =	strace $0x9000004F  }
0xb0: {  	s25 =	simm.s32 $0xB;
	_ =	strace $0x80000051  }
0xb1: {  	_ =	swait.ge [sflag:s25], $0x1  }
0xb2: {  	[sflag:s25] =	ssyncadd.s32 $0xFFFFFFFF  }
0xb3: {  	_ =	strace $0x90000051  }
0xb4: {  	_ =	strace $0x80000052;
	[dreg:$0x1] =	wrdreg $0xFFFFFFFF  }
0xb5: {  	[dreg:$0x0] =	wrdreg $0x2030  }
0xb6: {  	[dreg:$0x2] =	wrdreg s20  }
0xb7: {  	[dreg:$0x3] =	wrdreg $0xC  }
0xb8: {  	_ =	task.clear_ibuf [dreg:s18], $0x4FFFF;
	_ =	strace $0x90000052  }
0xb9: {  	s26 =	simm.s32 $0xC;
	_ =	strace $0x80000054  }
0xba: {  	_ =	swait.ge [sflag:s26], $0x1  }
0xbb: {  	[sflag:s26] =	ssyncadd.s32 $0xFFFFFFFF  }
0xbc: {  	_ =	strace $0x90000054  }
0xbd: {  	_ =	sfence  }
0xbe: {  	s28 =	sld [smem:$0x0];
	_ =	sdelay $0x1  }
0xbf: {  	s29 =	srdreg.scid  }
0xc0: {  	s30 =	sshll.u32 s29, $0xD;
	s31 =	sshrl.u32 s29, $0x2  }
0xc1: {  	s3 =	sand.u32 $0x4000, s30;
	s2 =	sand.u32 $0x1, s29;
	s1 =	sadd.s32 s31, s28  }
0xc2: {  	s2 =	sor.u32 s3, s2;
	s1 =	sshll.u32 s1, $0x11  }
0xc3: {  	s1 =	sor.u32 s1, s2  }
0xc4: {  	s1 =	sadd.s32 $0x8F2B, s1  }
0xc5: {  	[sflag:s1] =	ssyncadd.remote.s32 $0x1  }
0xc6: {  	_ =	sfence.sel $0xFFFF  }
0xc7: {  	[dreg:$0x0] =	wrdreg $0xFFFFFFFF;
	(pc) =	sbr.abs _section_cstart, $3  }
0xc8: {  	[dreg:$0x1] =	wrdreg $0xFFFFFFFF  }
0xc9: {  	_ =	task.clear_ibuf [dreg:s18], $0x2FFFF;
	_ =	strace $0x9FFFFFFF  }
0xca: {  	(tm) =	ssettm $0x7FFFFFFF  }
0xcb: {  	_ =	shalt  }
tec
execute0_lowered:
.L_overlay_start_1:
0x0: {  	(tag) =	ssettag $0x1  }
0x1: {  	s3 =	rddreg [dreg:$0x0]  }
0x2: {  	s2 =	rddreg [dreg:$0x1]  }
0x3: {  	s5 =	rddreg [dreg:$0x2]  }
0x4: {  	s0 =	rddreg [dreg:$0x3]  }
0x5: {  	s4 =	stileid.u32;
	[bflag:$0x3] =	sbarrier.arrive $0xFFFF;
	s1 =	simm.s32 $_size_execute1_lowered  }
0x6: {  	s31 =	simm.s32 $0x2;
	p0 =	sne.s32 s4, $0x0;
	s1 =	sshll.u32 s1, $0x1  }
.Ltmp0:
0x7: {  	s6 =	simm.s32 @!p0 $0x1C3F;
	s7 =	simm.s32 @!p0 $0x4060;
	(pc) =	sbr.rel .LBB2_1-.Ltmp0, $4  }
0x8: {  	[timem:s7], [sflag:s6] =	dma.local @!p0 [hbm:s3], s1  }
0x9: {  	s3 =	smul.u32 $0xC40, s4;
	s4 =	simm.s32 $0x1;
	_ =	strace $0x80000050  }
0xa: {  	s8 =	simm.s32 $0x0;
	s5 =	sadd.s32 $0x4E1200, s5;
	[sflag:s4] =	ssyncpa.u1 $0x0  }
0xb: {  	s6 =	simm.s32 $0x0;
	s7 =	smov.u32 s3;
	[sflag:s31] =	ssyncpa.u1 $0x0  }
.LBB2_7:
0xc: {  	s10 =	sadd.s32 $0xC400, s7  }
0xd: {  	p1 =	slt.u32 s6, $0x2;
	s6 =	sadd.s32 $0x1, s6;
	p2 =	sgt.s32 s10, $0x1869F  }
0xe: {  	s10 =	smov.u32 @p2 s3;
	p2 =	sne.s32 s6, $0x4  }
.Ltmp1:
0xf: {  	_ = 	snop;
	(pc) =	sbr.rel @!p2 .LBB2_8-.Ltmp1, $4  }
0x10: {  	s9 =	simm.s32 @!p1 $0x2  }
0x11: {  	_ =	swait.ge @!p1 [sflag:s9], $0xC40  }
0x12: {  	[sflag:s9] =	ssyncset.done @!p1 $0x0  }
0x13: {  	s8 =	smov.u32 s7;
	s7 =	smov.u32 s10;
	[sflag:s9] =	ssyncadd.s32 @!p1 $0xFFFFF3C0  }
.LBB2_1:
0x14: {  	p1 =	sgt.u32 s6, $0x1  }
0x15: {  	s9 =	sxor.u32 @!p1 $0x1, s6  }
0x16: {  	s9 =	smul.u32 @!p1 $0x3100, s9  }
0x17: {  	s10 =	sshrl.u32 @!p1 s7, $0x3  }
0x18: {  	s11 =	sand.u32 @!p1 $0x7, s7;
	s10 =	sadd.s32 @!p1 s2, s10;
	s9 =	sshra.s32 @!p1 s9, $0x2  }
0x19: {  	[tilespmem:s9], [sflag:$0x1] =	stream.linear.gather @!p1 [hbm4b:s10+s11], $0xC40, $0x38;
	[tilespmem:$0x3100] =	vst v63  }
0x1a: {  	p1 =	seq.s32 s6, $0x0  }
0x1b: {  	p2 =	seq.s32 @!p1 s6, $0x3  }
0x1c: {  	p1 =	por p1, p2  }
.Ltmp2:
0x1d: {  	_ = 	snop;
	(pc) =	sbr.rel @p1 .LBB2_7-.Ltmp2, $1  }
0x1e: {  	_ =	sdelay $0x3  }
0x1f: {  	s9 =	sand.u32 $0x1, s6  }
0x20: {  	_ =	swait.ge [sflag:s4], $0xC40;
	s11 =	simm.s32 $0xC40;
	p1 =	seq.s32 s9, $0x1  }
0x21: {  	[sflag:s4] =	ssyncset.done $0x0;
	s11 =	simm.s32 @!p1 $0x0  }
0x22: {  	[sflag:s4] =	ssyncadd.s32 $0xFFFFF3C0;
	s13 =	sor.u32 $0x80, s11  }
0x23: {  	v0 =	vld [tilespmem:s13+$0x70]  }
0x24: {  	v1 =	vld [tilespmem:s13+$0xFFFFFF90]  }
0x25: {  	v2 =	vld [tilespmem:s13+$0xFFFFFFA0]  }
0x26: {  	v3 =	vld [tilespmem:s13+$0xFFFFFFB0]  }
0x27: {  	s9 =	sadd.s32 $0x1900, s11;
	v4 =	vld [tilespmem:s13+$0xFFFFFFC0]  }
0x28: {  	v5 =	vld [tilespmem:s13+$0xFFFFFFD0];
	[tilespmem:s9+$0x70] =	vst v0  }
0x29: {  	[tilespmem:s9+$0xFFFFFF90] =	vst v1;
	v0 =	vld [tilespmem:s13+$0xFFFFFFE0]  }
0x2a: {  	[tilespmem:s9+$0xFFFFFFA0] =	vst v2;
	v1 =	vld [tilespmem:s13+$0xFFFFFFF0]  }
0x2b: {  	[tilespmem:s9+$0xFFFFFFB0] =	vst v3;
	v2 =	vld [tilespmem:s13+$0x0]  }
0x2c: {  	[tilespmem:s9+$0xFFFFFFC0] =	vst v4;
	v3 =	vld [tilespmem:s13+$0x10]  }
0x2d: {  	[tilespmem:s9+$0xFFFFFFD0] =	vst v5;
	v5 =	vld [tilespmem:s13+$0x20]  }
0x2e: {  	[tilespmem:s9+$0xFFFFFFE0] =	vst v0;
	v0 =	vld [tilespmem:s13+$0x30]  }
0x2f: {  	[tilespmem:s9+$0xFFFFFFF0] =	vst v1;
	v1 =	vld [tilespmem:s13+$0x40]  }
0x30: {  	[tilespmem:s9+$0x0] =	vst v2;
	v2 =	vld [tilespmem:s13+$0x50]  }
0x31: {  	s12 =	simm.s32 $0x0;
	[tilespmem:s9+$0x10] =	vst v3;
	v3 =	vld [tilespmem:s13+$0x60]  }
0x32: {  	s10 =	sadd.s32 $0x1880, s11;
	s11 =	sshll.u32 s11, $0x2;
	v4 =	vld [tilespmem:s13+$0xFFFFFF80];
	[tilespmem:s9+$0x20] =	vst v5;
	s13 =	sadd.s32 $0x100, s13  }
.LBB2_3:
0x33: {  	v5 =	vld [tilespmem:s13+$0x70];
	s12 =	sadd.s32 $0x100, s12;
	[tilespmem:s9+$0x30] =	vst v0  }
0x34: {  	v0 =	vld [tilespmem:s13+$0xFFFFFF90];
	p1 =	slt.u32 s12, $0xB00;
	[tilespmem:s9+$0x40] =	vst v1  }
0x35: {  	v1 =	vld [tilespmem:s13+$0xFFFFFFA0];
	[tilespmem:s9+$0x50] =	vst v2  }
0x36: {  	v2 =	vld [tilespmem:s13+$0xFFFFFFB0];
	[tilespmem:s9+$0x60] =	vst v3  }
0x37: {  	v3 =	vld [tilespmem:s13+$0xFFFFFFC0];
	[tilespmem:s9+$0xFFFFFF80] =	vst v4;
	s9 =	sadd.s32 $0x100, s9  }
0x38: {  	v4 =	vld [tilespmem:s13+$0xFFFFFFD0];
	[tilespmem:s9+$0x70] =	vst v5  }
0x39: {  	[tilespmem:s9+$0xFFFFFF90] =	vst v0;
	v0 =	vld [tilespmem:s13+$0xFFFFFFE0]  }
0x3a: {  	[tilespmem:s9+$0xFFFFFFA0] =	vst v1;
	v1 =	vld [tilespmem:s13+$0xFFFFFFF0]  }
0x3b: {  	[tilespmem:s9+$0xFFFFFFB0] =	vst v2;
	v2 =	vld [tilespmem:s13+$0x0]  }
0x3c: {  	[tilespmem:s9+$0xFFFFFFC0] =	vst v3;
	v3 =	vld [tilespmem:s13+$0x10]  }
0x3d: {  	[tilespmem:s9+$0xFFFFFFD0] =	vst v4;
	v5 =	vld [tilespmem:s13+$0x20]  }
.Ltmp3:
0x3e: {  	[tilespmem:s9+$0xFFFFFFE0] =	vst v0;
	v0 =	vld [tilespmem:s13+$0x30];
	(pc) =	sbr.rel @p1 .LBB2_3-.Ltmp3, $4  }
0x3f: {  	[tilespmem:s9+$0xFFFFFFF0] =	vst v1;
	v1 =	vld [tilespmem:s13+$0x40]  }
0x40: {  	[tilespmem:s9+$0x0] =	vst v2;
	v2 =	vld [tilespmem:s13+$0x50]  }
0x41: {  	[tilespmem:s9+$0x10] =	vst v3;
	v3 =	vld [tilespmem:s13+$0x60]  }
0x42: {  	v4 =	vld [tilespmem:s13+$0xFFFFFF80];
	[tilespmem:s9+$0x20] =	vst v5;
	s13 =	sadd.s32 $0x100, s13  }
0x43: {  	[tilespmem:s9+$0x30] =	vst v0  }
0x44: {  	[tilespmem:s9+$0x40] =	vst v1  }
0x45: {  	[tilespmem:s9+$0x50] =	vst v2  }
0x46: {  	s11 =	sshrl.u32 s11, $0x2;
	[tilespmem:s9+$0x60] =	vst v3  }
0x47: {  	s12 =	simm.s32 $0xBF0;
	[tilespmem:s9+$0xFFFFFF80] =	vst v4;
	s9 =	sadd.s32 $0x2480, s11;
	s11 =	sadd.s32 $0xC00, s11  }
.LBB2_5:
0x48: {  	s12 =	sadd.s32 $0x10, s12  }
0x49: {  	v0 =	vld [tilespmem:s11+$0x0];
	p1 =	slt.u32 s12, $0xC30  }
.Ltmp4:
0x4a: {  	_ = 	snop;
	(pc) =	sbr.rel @p1 .LBB2_5-.Ltmp4, $2  }
0x4b: {  	_ =	sdelay $0x2  }
0x4c: {  	s11 =	sadd.s32 $0x10, s11;
	[tilespmem:s9+$0x0] =	vst v0;
	s9 =	sadd.s32 $0x10, s9  }
.Ltmp5:
0x4d: {  	(pc) =	sbr.rel .LBB2_7-.Ltmp5, $4  }
0x4e: {  	_ = 	snop  }
0x4f: {  	s9 =	sshrl.u32 s8, $0x3  }
0x50: {  	s31 =	sand.u32 $0x7, s8;
	s9 =	sadd.s32 s5, s9  }
0x51: {  	[hbm4b:s9+s31] =	stream.linear.scatter [tilespmem:s10], [sflag:$0x2], $0xC40, $0x38;
	[tilespmem:$0x3100] =	vst v63  }
.LBB2_8:
0x52: {  	_ =	sfence.sel $0x180000  }
0x53: {  	s2 =	simm.s32 $0x1;
	[bflag:$0x0] =	sbarrier.arrive $0xFFFF  }
0x54: {  	s31 =	simm.s32 $0x2;
	[sflag:s2] =	ssyncpa.u1 $0x1  }
0x55: {  	[sflag:s31] =	ssyncpa.u1 $0x1  }
0x56: {  	_ =	strace $0x90000050  }
0x57: {  	s0 =	sadd.s32 @!p0 $0x100000, s0;
	[bflag:$0x2] =	sbarrier.arrive $0xFFFF  }
0x58: {  	[sflag:s0] =	ssyncadd.tile.s32 @!p0 $0x1;
	s0 =	simm.s32 @!p0 $0x3F  }
0x59: {  	_ =	swait.ge @!p0 [sflag:s0], s1  }
0x5a: {  	s1 =	ssub.s32 @!p0 $0x0, s1;
	[sflag:s0] =	ssyncset.done @!p0 $0x0  }
0x5b: {  	[sflag:s0] =	ssyncadd.s32 @!p0 s1  }
0x5c: {  	[bflag:$0x3] =	sbarrier.arrive $0xFFFF  }
0x5d: {  	_ =	shalt  }
.Lfunc_end2:
execute1_lowered:
.L_overlay_start_2:
0x5e: {  	(tag) =	ssettag $0x2  }
0x5f: {  	s0 =	rddreg [dreg:$0x0]  }
0x60: {  	s6 =	stileid.u32;
	_ =	strace $0x80000053;
	s2 =	simm.s32 $0x1  }
0x61: {  	v1 =	vimm.s32 $0xFFFFFFFF;
	s1 =	smul.u32 $0x3, s6;
	[sflag:s2] =	ssyncpa.u1 $0x0  }
0x62: {  	s3 =	smin.u32 s6, $0x2;
	[tilespmem:$0x10] =	vst v1  }
0x63: {  	v0 =	vimm.f32 $0.0e+00;
	[tilespmem:$0x20] =	vst v1;
	s1 =	sadd.s32 s3, s1  }
0x64: {  	p0 =	slt.u32 s6, $0x2;
	[tilespmem:$0x30] =	vst v0;
	s3 =	smul.u32 $0x1770, s1;
	s1 =	simm.s32 $0x5DC0  }
0x65: {  	[tilespmem:$0x40] =	vst v0;
	s1 =	simm.s32 @!p0 $0x4650  }
0x66: {  	[tilespmem:$0x50] =	vst v0;
	s1 =	sadd.s32 s1, s3  }
0x67: {  	[tilespmem:$0x60] =	vst v1;
	s4 =	smin.u32 s1, $0x493E0  }
0x68: {  	s7 =	simm.s32 $0x2;
	[tilespmem:$0x70] =	vst v1;
	s9 =	ssub.s32 s4, s3  }
0x69: {  	s8 =	simm.s32 $0x8;
	s31 =	simm.s32 $0x9;
	[tilespmem:$0x80] =	vst v1;
	p0 =	sgt.s32 s9, $0x0  }
0x6a: {  	s16 =	simm.s32 $0x0;
	s17 =	simm.s32 $0xF0;
	v1 =	vimm.s32 $0x0;
	[tilespmem:$0xB0] =	vst v0;
	s9 =	simm.s32 @!p0 $0x0  }
0x6b: {  	s18 =	simm.s32 $0xFFFFFFFF;
	s19 =	simm.s32 $0xFFFFD220;
	[tilespmem:$0x90] =	vst v1;
	s5 =	smulhi.u32 $0x57619F1, s9  }
0x6c: {  	s20 =	simm.s32 $0xFFFFFFFE;
	[tilespmem:$0xA0] =	vst v1;
	[sflag:s7] =	ssyncpa.u1 $0x0;
	s7 =	simm.s32 $0x7  }
0x6d: {  	s21 =	simm.s32 $0xF;
	[sflag:s7] =	ssyncpa.u1 $0x0;
	s10 =	sshrl.u32 s5, $0x7  }
0x6e: {  	s25 =	simm.s32 $0x0;
	[sflag:s8] =	ssyncpa.u1 $0x0;
	s11 =	smul.u32 $0x1770, s10  }
0x6f: {  	s24 =	simm.s32 $0x0;
	s14 =	sshllo.u32 s6, $0x1;
	[sflag:s31] =	ssyncpa.u1 $0x0  }
.Ltmp6:
0x70: {  	s1 =	sadd.s32 $0x4E1200, s0;
	p0 =	sne.s32 s9, s11;
	(pc) =	sbr.rel .LBB3_1-.Ltmp6, $4  }
0x71: {  	s5 =	sadd.s32 $0x4A6800, s0;
	s0 =	sadd.s32 $0x4CEA00, s0;
	s2 =	simm.s32 @!p0 $0x0  }
0x72: {  	s23 =	smov.u32 s3;
	[dreg:$0x2] =	wrdreg s0;
	s9 =	sadd.s32 s2, s10  }
0x73: {  	vm0 =	vmmov $0xffff;
	v2 =	vlaneseq.u32;
	p0 =	por $0x0, $0x0;
	s10 =	sshll.u32 s6, $0x1;
	s11 =	sadd.s32 $0x1, s9  }
0x74: {  	vm1 =	vmxor vm1, vm1;
	vm2 =	vmmov $0x1;
	vm3 =	vcmask $0x3F3C;
	s12 =	sadd.s32 $0x2, s9;
	s13 =	sor.u32 $0x81, s10;
	s15 =	sor.u32 $0x80, s10  }
.LBB3_9:
0x75: {  	p1 =	slt.u32 s24, $0x3  }
0x76: {  	s0 =	simm.s32 @!p1 $0x2  }
0x77: {  	_ =	swait.ge @!p1 [sflag:s0], $0x1770  }
0x78: {  	[sflag:s0] =	ssyncset.done @!p1 $0x0  }
0x79: {  	[sflag:s0] =	ssyncadd.s32 @!p1 $0xFFFFE890;
	s0 =	simm.s32 @!p1 $0x9  }
0x7a: {  	_ =	swait.ge @!p1 [sflag:s0], $0x10  }
0x7b: {  	[sflag:s0] =	ssyncset.done @!p1 $0x0  }
0x7c: {  	[sflag:s0] =	ssyncadd.s32 @!p1 $0xFFFFFFF0;
	p1 =	sne.s32 s24, s12  }
.Ltmp7:
0x7d: {  	s2 =	sadd.s32 $0x1770, s23;
	(pc) =	sbr.rel @!p1 .LBB3_10-.Ltmp7, $4  }
0x7e: {  	s6 =	smov.u32 s3;
	s31 =	sadd.s32 $0x1, s24;
	s17 =	sadd.s32 $0x1770, s17  }
0x7f: {  	s18 =	sadd.s32 $0x1, s18;
	s25 =	smov.u32 s23;
	p2 =	slt.s32 s2, s4  }
0x80: {  	p0 =	por !p0, !p0;
	s19 =	sadd.s32 $0x1770, s19;
	s6 =	smov.u32 @p2 s2  }
0x81: {  	s20 =	sadd.s32 $0x1, s20;
	s23 =	smov.u32 s6;
	s24 =	smov.u32 s31  }
.LBB3_1:
0x82: {  	p1 =	sge.u32 s24, s9  }
0x83: {  	s0 =	smulhi.u32 @!p1 $0xAAAAAAAB, s24;
	_ =	sdelay $0x1  }
0x84: {  	s0 =	sshrl.u32 @!p1 s0, $0x1  }
0x85: {  	s0 =	smul.u32 @!p1 $0x3, s0;
	_ =	sdelay $0x1  }
0x86: {  	s0 =	ssub.s32 @!p1 s24, s0  }
0x87: {  	s0 =	smul.u32 @!p1 $0x5DC0, s0;
	_ =	sdelay $0x1  }
0x88: {  	s2 =	sshrl.u32 @!p1 s23, $0x3;
	s0 =	sshrl.u32 @!p1 s0, $0x2  }
0x89: {  	s22 =	sand.u32 @!p1 $0x7, s23;
	s2 =	sadd.s32 @!p1 s5, s2;
	s0 =	sadd.s32 @!p1 $0x100, s0  }
0x8a: {  	[tilespmem:s0], [sflag:$0x7] =	stream.linear.gather @!p1 [hbm4b:s2+s22], $0x1770, $0x38;
	[tilespmem:$0xD410] =	vst v63  }
0x8b: {  	s0 =	sadd.s32 $0xFFFFFFFF, s24  }
0x8c: {  	p1 =	sge.u32 s0, s9  }
.Ltmp8:
0x8d: {  	_ = 	snop;
	(pc) =	sbr.rel @p1 .LBB3_5-.Ltmp8, $1  }
0x8e: {  	_ =	sdelay $0x3  }
0x8f: {  	s2 =	smulhi.u32 $0xAAAAAAAB, s0;
	_ =	sdelay $0x1  }
0x90: {  	s2 =	sshrl.u32 s2, $0x1  }
0x91: {  	s2 =	smul.u32 $0x3, s2;
	_ =	sdelay $0x1  }
0x92: {  	s2 =	ssub.s32 s0, s2  }
0x93: {  	s2 =	smul.u32 $0x5DC0, s2  }
0x94: {  	_ =	swait.ge [sflag:s7], $0x1770  }
0x95: {  	[sflag:s7] =	ssyncset.done $0x0;
	s2 =	sshrl.u32 s2, $0x2  }
0x96: {  	[sflag:s7] =	ssyncadd.s32 $0xFFFFE890;
	(ifvalue) =	ssetifvalue $0xFFFFFFFF;
	v3 =	vld.msk [tilespmem:s2+$0x100 ss:$0x1], $0xffff;
	_ =	sdelay $0x2  }
0x97: {  	s30 =	smulhi.u32 $0xAAAAAAAB, s18;
	p1 =	sne.s32 s24, $0x1  }
0x98: {  	v4 =	vimm.s32 @!p1 $0x0  }
0x99: {  	s2 =	sshrl.u32 s30, $0x1;
	v4 =	vperm.xlane @!p1 v3, v4  }
0x9a: {  	s22 =	sshll.u32 s24, $0x4;
	s2 =	smul.u32 $0xFFFEE6C0, s2;
	vm4 =	vlt.u32 v3, $0x18800  }
0x9b: {  	s22 =	sand.u32 $0x10, s22;
	v3 =	vnsel vm4, $0xFFFFFFFE, v3;
	vm4 =	vlt.u32 @!p1 v4, $0x18800  }
0x9c: {  	s2 =	sshra.s32 s2, $0x2;
	[tilespmem:s22+$0x60] =	vst v3;
	v3 =	vnsel @!p1 vm4, $0xFFFFFFFE, v4  }
0x9d: {  	s28 =	sadd.s32 s2, s17;
	[tilespmem:$0x80] =	vst @!p1 v3  }
0x9e: {  	v3 =	vld.msk [tilespmem:s28+$0x0 ss:$0x1], $0xffff;
	_ =	sdelay $0x4  }
0x9f: {  	(xrf1) =	vunique.msk.u32 $0xffff, v3;
	_ =	sdelay $0xd  }
0xa0: {  	v4 =	vimm.s32 $0xFFFFFFFF;
	v5, _, _ =	vpop (xrf1)  }
0xa1: {  	vm5 =	vne.s32 v3, v4;
	vm4 =	veq.s32 v5, v2  }
0xa2: {  	vm6 =	vlt.u32 v3, $0x18800;
	vm4 =	vmand vm5, vm4  }
0xa3: {  	vm4 =	vmand vm6, vm4  }
0xa4: {  	v4 =	vnsel vm4, $0xFFFFFFFF, v3  }
0xa5: {  	s31 =	sand.u32 $0x1, s0  }
0xa6: {  	s0 =	simm.s32 $0x1770;
	p1 =	seq.s32 s31, $0x1  }
0xa7: {  	s0 =	simm.s32 @!p1 $0x0  }
0xa8: {  	s26 =	sadd.s32 $0x5EB0, s0;
	(ifvalue) =	ssetifvalue $0xFFFFFFFF  }
0xa9: {  	v3 =	vperm.xlane v3, v1;
	[tilespmem:s26], [sflag:$0x8] =	stream.indirect_vreg.gather [hbm4b:s1+s16], $0x1, v4, vm0, $0x4038;
	v4 =	vnsel vm6, $0xFFFFFFFE, v4;
	[tilespmem:$0xD410] =	vst v63  }
0xaa: {  	s2 =	simm.s32 $0x0;
	s22 =	sadd.s32 $0xFFFFFFF0, s28;
	[tilespmem:s28+$0x0] =	vst v4  }
.LBB3_3:
0xab: {  	v4 =	vld.msk [tilespmem:s22+$0x0 ss:$0x1], $0xffff;
	s2 =	sadd.s32 $0x10, s2;
	v5 =	vmov v3;
	s28 =	smov.u32 s22  }
0xac: {  	p1 =	slt.u32 s2, $0x1760;
	_ =	sdelay $0x4  }
0xad: {  	v3 =	vperm.xlane v4, v1;
	(xrf1) =	vunique.msk.u32 $0xffff, v4;
	_ =	sdelay $0xd  }
0xae: {  	v6, _, _ =	vpop (xrf1)  }
0xaf: {  	vm5 =	vne.s32 v4, v5;
	vm4 =	veq.s32 v6, v2  }
0xb0: {  	vm6 =	vlt.u32 v4, $0x18800;
	vm4 =	vmand vm5, vm4  }
0xb1: {  	vm4 =	vmand vm6, vm4  }
0xb2: {  	v4 =	vnsel vm4, $0xFFFFFFFF, v4  }
.Ltmp9:
0xb3: {  	v5 =	vnsel vm6, $0xFFFFFFFE, v4;
	(pc) =	sbr.rel @p1 .LBB3_3-.Ltmp9, $3  }
0xb4: {  	_ =	sdelay $0x1  }
0xb5: {  	s22 =	sadd.s32 $0xFFFFFFF0, s22;
	s26 =	sadd.s32 $0xFFFFFFF0, s26;
	(ifvalue) =	ssetifvalue $0xFFFFFFFF  }
0xb6: {  	[tilespmem:s26], [sflag:$0x8] =	stream.indirect_vreg.gather [hbm4b:s1+s16], $0x1, v4, vm0, $0x4038;
	[tilespmem:s28+$0x0] =	vst v5  }
0xb7: {  	s2 =	sshrl.u32 s25, $0x3;
	s6 =	rddreg [dreg:$0x2]  }
0xb8: {  	s0 =	sadd.s32 $0x7630, s0;
	s2 =	sadd.s32 s6, s2  }
0xb9: {  	[tilespmem:s0], [sflag:$0x8] =	stream.linear.gather [hbm:s2], $0x1770, $0x38;
	[tilespmem:$0xD410] =	vst v63  }
.LBB3_5:
0xba: {  	p1 =	slt.u32 s24, $0x2  }
0xbb: {  	p2 =	sge.u32 @!p1 s24, s12  }
0xbc: {  	p1 =	por p1, p2  }
.Ltmp10:
0xbd: {  	_ = 	snop;
	(pc) =	sbr.rel @p1 .LBB3_9-.Ltmp10, $1  }
0xbe: {  	_ =	sdelay $0x3  }
0xbf: {  	s0 =	sadd.s32 $0xFFFFFFFE, s24  }
0xc0: {  	s2 =	smulhi.u32 $0xAAAAAAAB, s0;
	_ =	sdelay $0x1  }
0xc1: {  	s2 =	sshrl.u32 s2, $0x1  }
0xc2: {  	s2 =	smul.u32 $0x3, s2;
	_ =	sdelay $0x1  }
0xc3: {  	s0 =	ssub.s32 s0, s2  }
0xc4: {  	_ =	swait.ge [sflag:s8], $0x2EE0;
	s0 =	smul.u32 $0x1770, s0  }
0xc5: {  	p1 =	sne.s32 s24, s11;
	[sflag:s8] =	ssyncset.done $0x0  }
0xc6: {  	[sflag:s8] =	ssyncadd.s32 $0xFFFFD120;
	s2 =	sadd.s32 @!p1 $0x186F, s0  }
0xc7: {  	[spmem:s13] =	stream.linear.scatter @!p1 [tilespmem:s2], [sflag:$0x1], $0x1, $0x38;
	[tilespmem:$0xD410] =	vst v63  }
0xc8: {  	s2 =	simm.s32 @!p1 $0x1  }
0xc9: {  	_ =	swait.ge @!p1 [sflag:s2], $0x1  }
0xca: {  	s22 =	sshll.u32 s24, $0x4;
	[sflag:s2] =	ssyncset.done @!p1 $0x0  }
0xcb: {  	s25 =	sand.u32 $0x10, s22;
	[sflag:s2] =	ssyncadd.s32 @!p1 $0xFFFFFFFF  }
0xcc: {  	s2 =	sxor.u32 $0x10, s25;
	v4 =	vld [tilespmem:s25+$0x10]  }
0xcd: {  	v5 =	vld [tilespmem:s2+$0x60]  }
0xce: {  	v3 =	vld [tilespmem:$0x80];
	_ =	sdelay $0x2  }
0xcf: {  	(v2sf) =	vpush v4, $0x0  }
0xd0: {  	(v2sf) =	vpush v5, $0x0  }
0xd1: {  	(v2sf) =	vpush v3, $0x0;
	_ =	sdelay $0xc  }
0xd2: {  	s6 =	spop (v2sf)  }
0xd3: {  	s28 =	spop (v2sf)  }
0xd4: {  	s26 =	spop (v2sf)  }
0xd5: {  	p2 =	seq.s32 s6, s28;
	p3 =	seq.s32 s26, s6  }
0xd6: {  	p3 =	por p2, p3  }
0xd7: {  	s6 =	sand.u32 $0x1, s24;
	v4 =	vpsel p3, $0xFFFFFFFF, v4  }
0xd8: {  	s28 =	smul.u32 $0x1770, s6;
	[tilespmem:s25+$0x10] =	vst.msk $0x1, v4  }
0xd9: {  	v4 =	vld [tilespmem:$0x30]  }
0xda: {  	v5 =	vld [tilespmem:s28+$0x7630]  }
0xdb: {  	v6 =	vld [tilespmem:s25+$0x40];
	_ =	sdelay $0x3  }
0xdc: {  	vm4 =	vmmov vm1;
	v5 =	vadd.f32 v5, v4  }
0xdd: {  	vm5 =	vmmov vm2;
	vm4 =	vmmov @p2 vm2;
	v4 =	vadd.f32 v6, v4  }
0xde: {  	s22 =	sshll.u32 s6, $0x4;
	vm5 =	vmmov @p3 vm1;
	[tilespmem:s28+$0x7630] =	vst.msk vm4, v5  }
0xdf: {  	[tilespmem:s22+$0xD3F0] =	vst.msk vm5, v4  }
0xe0: {  	v4 =	vld [tilespmem:s28+$0x5EB0];
	_ =	sdelay $0x3  }
0xe1: {  	v5 =	vimm.f32 $0.0e+00  }
0xe2: {  	v4 =	vshift.insert v4, v5, s21  }
0xe3: {  	s29 =	sor.u32 $0x40, s2  }
0xe4: {  	[tilespmem:s29+$0x0] =	vst.msk $0x1, v4  }
0xe5: {  	[tilespmem:s28+$0x5EBF] =	vst.msk $0x1, v5  }
0xe6: {  	v4 =	vld [tilespmem:s0+$0x1860];
	_ =	sdelay $0x1  }
0xe7: {  	s29 =	smulhi.u32 $0xAAAAAAAB, s20;
	s0 =	simm.s32 $0x1  }
0xe8: {  	s0 =	simm.s32 @!p0 $0x0  }
0xe9: {  	s29 =	sshrl.u32 s29, $0x1;
	s0 =	smul.u32 $0x5DC0, s0  }
0xea: {  	s29 =	smul.u32 $0xFFFEE6C0, s29;
	v4 =	vshift.insert v4, v1, s21  }
0xeb: {  	s0 =	sshrl.u32 s0, $0x2  }
0xec: {  	s29 =	sshra.s32 s29, $0x2;
	s30 =	sadd.s32 $0x7630, s0;
	[tilespmem:s2+$0x10] =	vst.msk $0x1, v4  }
0xed: {  	s6 =	sadd.s32 s29, s19;
	v6 =	vld [tilespmem:s30+$0x0]  }
0xee: {  	v7 =	vld [tilespmem:s6+$0x0];
	_ =	sdelay $0x3  }
0xef: {  	v5 =	vadd.f32 v6, v5  }
0xf0: {  	vm4 =	vne.s32 v7, $0xFFFFFFFF  }
0xf1: {  	(xrf2) =	vadd.seg.scan.f32 vm4, v5;
	_ =	sdelay $0x3  }
0xf2: {  	s31 =	sadd.s32 $0x4750, s0;
	v5 =	vperm.xlane v4, v1  }
0xf3: {  	v6 =	vld [tilespmem:s31+$0x0]  }
0xf4: {  	vm5 =	veq.s32 v7, v3;
	vm6 =	veq.s32 v7, v5  }
0xf5: {  	vm7 =	vgt.u32 v7, $0xFFFFFFFD;
	vm6 =	vmor vm6, vm5  }
0xf6: {  	vm6 =	vmor vm6, vm7  }
0xf7: {  	v9 =	vld [tilespmem:$0xA0];
	v7 =	vsel vm6, $0xFFFFFFFF, v7  }
0xf8: {  	v10 =	vld [tilespmem:$0x90];
	v6 =	vsel vm5, $0x0, v6;
	v8, _, _ =	vpop (xrf2)  }
0xf9: {  	v6 =	vadd.f32 v8, v6  }
0xfa: {  	s0 =	sadd.s32 $0xA510, s0  }
0xfb: {  	vm4 =	vmand vm4, vm3;
	[tilespmem:s0+$0x0] =	vst v6;
	(ifvalue) =	ssetifvalue $0xFFFFFFFF  }
0xfc: {  	vm6 =	veq.s32 v9, $0x1;
	[hbm4b:s1+s16] =	stream.indirect_vreg.scatter [tilespmem:s0], [sflag:$0x2], $0x1, v7, vm0, $0x4038;
	v7 =	vsel vm4, $0x0, v8;
	[tilespmem:$0xD410] =	vst v63  }
0xfd: {  	s29 =	sadd.s32 $0xD3F0, s22;
	s22 =	sadd.s32 $0x10, s6;
	s2 =	simm.s32 $0x0;
	vm4 =	vmor vm6, vm5;
	v6 =	vsel vm5, v8, v10;
	v7 =	vshift.insert v7, v0, s21  }
.LBB3_7:
0xfe: {  	v8 =	vld [tilespmem:s22+$0x0];
	s30 =	sadd.s32 $0x10, s30  }
0xff: {  	s31 =	sadd.s32 $0x10, s31;
	v9 =	vld [tilespmem:s30+$0x0]  }
0x100: {  	s2 =	sadd.s32 $0x10, s2;
	v10 =	vld [tilespmem:s31+$0x0]  }
0x101: {  	p2 =	slt.u32 s2, $0x1760;
	_ =	sdelay $0x2  }
0x102: {  	v7 =	vadd.f32 v9, v7  }
0x103: {  	vm5 =	vne.s32 v8, $0xFFFFFFFF  }
0x104: {  	vm6 =	vmand vm5, vm3;
	(xrf2) =	vadd.seg.scan.f32 vm5, v7;
	_ =	sdelay $0x5  }
0x105: {  	vm7 =	veq.s32 v8, v5;
	vm5 =	veq.s32 v8, v3  }
0x106: {  	vm8 =	vgt.u32 v8, $0xFFFFFFFD;
	vm4 =	vmor vm4, vm5;
	vm7 =	vmor vm7, vm5  }
0x107: {  	vm7 =	vmor vm7, vm8  }
0x108: {  	v8 =	vsel vm7, $0xFFFFFFFF, v8  }
.Ltmp11:
0x109: {  	v7 =	vsel vm5, $0x0, v10;
	v9, _, _ =	vpop (xrf2);
	(pc) =	sbr.rel @p2 .LBB3_7-.Ltmp11, $4  }
0x10a: {  	v6 =	vsel vm5, v9, v6;
	v10 =	vadd.f32 v9, v7;
	v7 =	vsel vm6, $0x0, v9  }
0x10b: {  	s0 =	sadd.s32 $0x10, s0;
	v7 =	vshift.insert v7, v0, s21  }
0x10c: {  	s22 =	sadd.s32 $0x10, s22;
	[tilespmem:s0+$0x0] =	vst v10;
	(ifvalue) =	ssetifvalue $0xFFFFFFFF  }
0x10d: {  	[hbm4b:s1+s16] =	stream.indirect_vreg.scatter [tilespmem:s0], [sflag:$0x2], $0x1, v8, vm0, $0x4038;
	[tilespmem:$0xD410] =	vst v63  }
0x10e: {  	v3 =	vld [tilespmem:s28+$0xBC70];
	_ =	sdelay $0x4  }
0x10f: {  	v3 =	vshift.insert v3, v0, s21  }
0x110: {  	s0 =	simm.s32 $0x30  }
0x111: {  	[tilespmem:s0+$0x0] =	vst.msk $0x1, v3  }
0x112: {  	v3 =	vsel vm4, $0x1, v1;
	[tilespmem:$0x90] =	vst v6  }
0x113: {  	s0 =	sadd.s32 @!p1 $0xBC7F, s28;
	[tilespmem:$0xA0] =	vst v3  }
0x114: {  	[spmem:s14] =	stream.linear.scatter @!p1 [tilespmem:s0], [sflag:$0x1], $0x1, $0x38;
	[tilespmem:$0xD410] =	vst v63  }
0x115: {  	s0 =	simm.s32 @!p1 $0x1  }
0x116: {  	v3 =	vmctz.xlane @!p1 vm4;
	_ =	swait.ge @!p1 [sflag:s0], $0x1  }
0x117: {  	(v2sf) =	vpush @!p1 v4, $0x0  }
0x118: {  	(v2sf) =	vpush @!p1 v3, $0x0;
	_ =	sdelay $0xd  }
0x119: {  	s2 =	spop @!p1 (v2sf)  }
0x11a: {  	s6 =	spop @!p1 (v2sf)  }
0x11b: {  	p2 =	sne.s32 @!p1 s26, s2;
	p3 =	slt.s32 @!p1 s6, $0xF  }
0x11c: {  	[sflag:s0] =	ssyncset.done @!p1 $0x0;
	p2 =	por p2, p1;
	p3 =	por !p3, p1  }
0x11d: {  	[sflag:s0] =	ssyncadd.s32 @!p1 $0xFFFFFFFF;
	v3 =	vimm.s32 @!p2 $0xFFFFFFFF;
	s6 =	simm.s32 @p3 $0xF  }
0x11e: {  	[tilespmem:$0x80] =	vst @!p2 v3;
	s2 =	sadd.s32 @!p1 $0x90, s6  }
0x11f: {  	[spmem:s10] =	stream.linear.scatter @!p1 [tilespmem:s2], [sflag:$0x1], $0x1, $0x38;
	[tilespmem:$0xD410] =	vst v63  }
0x120: {  	_ =	swait.ge @!p1 [sflag:s0], $0x1  }
0x121: {  	[sflag:s0] =	ssyncset.done @!p1 $0x0  }
0x122: {  	s2 =	simm.s32 @!p1 $0x80;
	[sflag:s0] =	ssyncadd.s32 @!p1 $0xFFFFFFFF  }
0x123: {  	[spmem:s15] =	stream.linear.scatter @!p1 [tilespmem:s2], [sflag:$0x1], $0x1, $0x38;
	[tilespmem:$0xD410] =	vst v63  }
0x124: {  	_ =	swait.ge @!p1 [sflag:s0], $0x1  }
0x125: {  	[sflag:s0] =	ssyncset.done @!p1 $0x0  }
0x126: {  	[sflag:s0] =	ssyncadd.s32 @!p1 $0xFFFFFFFF;
	(ifvalue) =	ssetifvalue $0xFFFFFFFF;
	v3 =	vld [tilespmem:s25+$0x10];
	_ =	sdelay $0x3  }
.Ltmp12:
0x127: {  	_ = 	snop;
	(pc) =	sbr.rel .LBB3_9-.Ltmp12, $3  }
0x128: {  	_ =	sdelay $0x1  }
0x129: {  	(ifvalue) =	ssetifvalue $0xFFFFFFFF  }
0x12a: {  	[hbm4b:s1+s16] =	stream.indirect_vreg.scatter [tilespmem:s29], [sflag:$0x9], $0x1, v3, vm0, $0x4038;
	[tilespmem:$0xD410] =	vst v63  }
.LBB3_10:
0x12b: {  	_ =	sfence.sel $0x180000  }
0x12c: {  	s0 =	simm.s32 $0x7;
	[bflag:$0x0] =	sbarrier.arrive $0xFFFF  }
0x12d: {  	s26 =	simm.s32 $0x8;
	[sflag:s0] =	ssyncpa.u1 $0x1  }
0x12e: {  	s28 =	simm.s32 $0x9;
	[sflag:s26] =	ssyncpa.u1 $0x1  }
0x12f: {  	[sflag:s28] =	ssyncpa.u1 $0x1  }
0x130: {  	_ =	sfence.stream.spmem  }
0x131: {  	s29 =	simm.s32 $0x3;
	[bflag:$0x0] =	sbarrier.arrive $0xFFFF  }
0x132: {  	s30 =	simm.s32 $0x4;
	[sflag:s29] =	ssyncpa.u1 $0x1  }
0x133: {  	s31 =	simm.s32 $0x3C;
	s2 =	stileid.u32;
	[sflag:s30] =	ssyncpa.u1 $0x1  }
0x134: {  	p0 =	sne.s32 s2, $0x0;
	[sflag:s31] =	ssyncpa.u1 $0x1  }
0x135: {  	s0 =	simm.s32 @p0 $0x1;
	_ =	sfence @p0  }
0x136: {  	[sflag:s0] =	ssyncpa.u1 @p0 $0x1;
	s0 =	simm.s32 @p0 $0x2  }
0x137: {  	[sflag:s0] =	ssyncpa.u1 @p0 $0x1  }
0x138: {  	_ =	strace @p0 $0x90000053  }
0x139: {  	[bflag:$0x2] =	sbarrier.arrive @p0 $0xFFFF  }
0x13a: {  	_ =	shalt @p0  }
.LBB3_11:
0x13b: {  	_ =	sfence.stream.spmem;
	s0 =	simm.s32 $0x5  }
0x13c: {  	s2 =	simm.s32 $0x80;
	s3 =	simm.s32 $0xC0;
	[sflag:s0] =	ssyncpa.u1 $0x0  }
0x13d: {  	[tilespmem:s3], [sflag:$0x5] =	stream.linear.gather [spmem:s2], $0x20, $0x38;
	[tilespmem:$0xD410] =	vst v63  }
0x13e: {  	s2 =	simm.s32 $0x0;
	s3 =	simm.s32 $0xE0  }
0x13f: {  	[tilespmem:s3], [sflag:$0x5] =	stream.linear.gather [spmem:s2], $0x20, $0x38;
	[tilespmem:$0xD410] =	vst v63  }
.Ltmp13:
0x140: {  	_ = 	snop;
	(pc) =	sbr.rel .LBB3_12-.Ltmp13, $4  }
0x141: {  	_ =	swait.ge [sflag:s0], $0x40  }
0x142: {  	[sflag:s0] =	ssyncset.done $0x0  }
0x143: {  	s31 =	simm.s32 $0x6;
	[sflag:s0] =	ssyncadd.s32 $0xFFFFFFC0  }
0x144: {  	s4 =	simm.s32 $0x0;
	[sflag:s31] =	ssyncpa.u1 $0x0  }
.LBB3_17:
0x145: {  	p0 =	sgt.u32 s5, $0x187FF  }
0x146: {  	s0 =	sshrl.u32 @!p0 s5, $0x3  }
0x147: {  	s5 =	sand.u32 @!p0 $0x7, s5;
	s6 =	simm.s32 @!p0 $0xB0;
	s0 =	sadd.s32 @!p0 s1, s0  }
0x148: {  	[tilespmem:s6], [sflag:$0x6] =	stream.linear.gather @!p0 [hbm4b:s0+s5], $0x1, $0x38;
	[tilespmem:$0xD410] =	vst v63  }
0x149: {  	s0 =	simm.s32 @!p0 $0x6  }
0x14a: {  	_ =	swait.ge @!p0 [sflag:s0], $0x1  }
0x14b: {  	[sflag:s0] =	ssyncset.done @!p0 $0x0  }
0x14c: {  	[sflag:s0] =	ssyncadd.s32 @!p0 $0xFFFFFFFF  }
0x14d: {  	v2 =	vmov @!p0 s4;
	v1 =	vld.msk @!p0 [tilespmem:$0xB0], $0x1;
	_ =	sdelay $0x3  }
0x14e: {  	s0 =	simm.s32 @!p0 $0xE0  }
0x14f: {  	[tilespmem:v2+s0+$0x0], v1 =	vst.idx.ret.add.f32.msk @!p0 $0x1, v1  }
0x150: {  	[tilespmem:s2+$0xC0] =	vst.msk $0x1, v0  }
0x151: {  	v0 =	vld.msk [tilespmem:s4+$0xE0], $0x1;
	_ =	sdelay $0x4  }
0x152: {  	[tilespmem:s2+$0xE0] =	vst.msk $0x1, v0;
	s2 =	sadd.s32 $0x1, s2  }
.LBB3_19:
0x153: {  	s4 =	sadd.s32 $0x1, s4  }
0x154: {  	p0 =	sne.s32 s4, $0x20  }
.Ltmp14:
0x155: {  	_ = 	snop;
	(pc) =	sbr.rel @!p0 .LBB3_20-.Ltmp14, $1  }
0x156: {  	_ =	sdelay $0x3  }
.LBB3_12:
0x157: {  	v0 =	vld.msk [tilespmem:s4+$0xC0], $0x1;
	_ =	sdelay $0x4  }
0x158: {  	(v2sf) =	vpush v0, $0x0;
	_ =	sdelay $0xe  }
0x159: {  	s5 =	spop (v2sf)  }
0x15a: {  	p0 =	seq.s32 s5, $0xFFFFFFFF  }
.Ltmp15:
0x15b: {  	_ = 	snop;
	(pc) =	sbr.rel @p0 .LBB3_19-.Ltmp15, $1  }
0x15c: {  	_ =	sdelay $0x3  }
0x15d: {  	p0 =	slt.s32 s2, $0x1  }
.Ltmp16:
0x15e: {  	_ = 	snop;
	(pc) =	sbr.rel @p0 .LBB3_17-.Ltmp16, $1  }
0x15f: {  	_ =	sdelay $0x3  }
0x160: {  	s0 =	simm.s32 $0xC0;
	p0 =	por $0x0, $0x0  }
0x161: {  	v1 =	vld.msk @!p0 [tilespmem:s0+$0x0], $0x1;
	_ =	sdelay $0x4  }
0x162: {  	(v2sf) =	vpush @!p0 v1, $0x0;
	_ =	sdelay $0xd  }
0x163: {  	p2 =	sne.s32 s2, $0x1  }
.Ltmp17:
0x164: {  	s6 =	spop @!p0 (v2sf);
	(pc) =	sbr.rel @!p2 .LBB3_16-.Ltmp17, $4  }
0x165: {  	p1 =	seq.s32 @!p0 s5, s6  }
0x166: {  	s6 =	simm.s32 $0x0;
	p1 =	por !p1, p0  }
0x167: {  	s8 =	simm.s32 $0xFFFFFFFF;
	s6 =	simm.s32 @p1 $0xFFFFFFFF  }
0x168: {  	s7 =	simm.s32 $0x1;
	s6 =	smov.u32 @p0 s8  }
.LBB3_15:
0x169: {  	s8 =	smov.u32 s6;
	p0 =	sne.s32 s6, $0xFFFFFFFF  }
0x16a: {  	s0 =	sadd.s32 $0x1, s0;
	s6 =	smov.u32 s7;
	s7 =	sadd.s32 $0x1, s7  }
0x16b: {  	p1 =	sne.s32 s2, s7;
	v1 =	vld.msk @!p0 [tilespmem:s0+$0x0], $0x1;
	_ =	sdelay $0x4  }
0x16c: {  	(v2sf) =	vpush @!p0 v1, $0x0;
	_ =	sdelay $0xe  }
.Ltmp18:
0x16d: {  	s9 =	spop @!p0 (v2sf);
	(pc) =	sbr.rel @p1 .LBB3_15-.Ltmp18, $4  }
0x16e: {  	p2 =	seq.s32 @!p0 s5, s9  }
0x16f: {  	p2 =	por !p2, p0  }
0x170: {  	s6 =	simm.s32 @p2 $0xFFFFFFFF  }
0x171: {  	s6 =	smov.u32 @p0 s8  }
.LBB3_16:
0x172: {  	p0 =	sne.s32 s6, $0xFFFFFFFF  }
.Ltmp19:
0x173: {  	_ = 	snop;
	(pc) =	sbr.rel @!p0 .LBB3_17-.Ltmp19, $1  }
0x174: {  	_ =	sdelay $0x3  }
0x175: {  	v0 =	vld.msk [tilespmem:s4+$0xE0], $0x1;
	v1 =	vmov s6  }
.Ltmp20:
0x176: {  	_ = 	snop;
	(pc) =	sbr.rel .LBB3_19-.Ltmp20, $2  }
0x177: {  	_ =	sdelay $0x2  }
0x178: {  	[tilespmem:v1+s3+$0x0], v0 =	vst.idx.ret.add.f32.msk $0x1, v0  }
.LBB3_20:
0x179: {  	p0 =	slt.s32 s2, $0x1  }
.Ltmp21:
0x17a: {  	_ = 	snop;
	(pc) =	sbr.rel @p0 .LBB3_24-.Ltmp21, $3  }
0x17b: {  	_ =	sdelay $0x1  }
0x17c: {  	s0 =	simm.s32 $0x6  }
0x17d: {  	s3 =	simm.s32 $0x0;
	[sflag:s0] =	ssyncpa.u1 $0x1  }
0x17e: {  	s0 =	simm.s32 $0xC0  }
0x17f: {  	v0 =	vld.msk [tilespmem:s0+$0x0], $0x1;
	_ =	sdelay $0x4  }
0x180: {  	(v2sf) =	vpush v0, $0x0;
	_ =	sdelay $0xe  }
0x181: {  	s2 =	sadd.s32 $0xFFFFFFFF, s2;
	s4 =	spop (v2sf)  }
0x182: {  	p1 =	sne.s32 s2, $0x0;
	p0 =	sgt.u32 s4, $0x187FF  }
.Ltmp22:
0x183: {  	s5 =	sshrl.u32 @!p0 s4, $0x3;
	(pc) =	sbr.rel @!p1 .LBB3_23-.Ltmp22, $4  }
0x184: {  	s0 =	simm.s32 $0xE0;
	s4 =	sand.u32 @!p0 $0x7, s4;
	s5 =	sadd.s32 @!p0 s1, s5  }
0x185: {  	[hbm4b:s5+s4] =	stream.linear.scatter @!p0 [tilespmem:s0], [sflag:$0x5], $0x1, $0x38;
	[tilespmem:$0xD410] =	vst v63  }
0x186: {  	s5 =	simm.s32 $0x0  }
0x187: {  	s4 =	simm.s32 $0xC1;
	s5 =	simm.s32 @!p0 $0x4  }
.LBB3_22:
0x188: {  	v0 =	vld.msk [tilespmem:s4+$0x0], $0x1;
	s2 =	sadd.s32 $0xFFFFFFFF, s2;
	s3 =	sadd.s32 s3, s5  }
0x189: {  	p0 =	sne.s32 s2, $0x0;
	_ =	sdelay $0x3  }
0x18a: {  	(v2sf) =	vpush v0, $0x0;
	_ =	sdelay $0xe  }
.Ltmp23:
0x18b: {  	s6 =	spop (v2sf);
	(pc) =	sbr.rel @p0 .LBB3_22-.Ltmp23, $4  }
0x18c: {  	s5 =	simm.s32 $0x0;
	p1 =	sgt.u32 s6, $0x187FF  }
0x18d: {  	s0 =	sadd.s32 $0x1, s0;
	s5 =	simm.s32 @!p1 $0x4;
	s7 =	sshrl.u32 @!p1 s6, $0x3  }
0x18e: {  	s4 =	sadd.s32 $0x1, s4;
	s6 =	sand.u32 @!p1 $0x7, s6;
	s7 =	sadd.s32 @!p1 s1, s7  }
0x18f: {  	[hbm4b:s7+s6] =	stream.linear.scatter @!p1 [tilespmem:s0], [sflag:$0x5], $0x1, $0x38;
	[tilespmem:$0xD410] =	vst v63  }
.LBB3_23:
0x190: {  	s0 =	sadd.s32 s3, s5  }
0x191: {  	s3 =	sshrl.u32 s0, $0x2  }
.LBB3_24:
0x192: {  	s0 =	simm.s32 $0x5  }
0x193: {  	_ =	swait.ge [sflag:s0], s3  }
0x194: {  	s1 =	ssub.s32 $0x0, s3;
	[sflag:s0] =	ssyncset.done $0x0  }
0x195: {  	[sflag:s0] =	ssyncadd.s32 s1  }
0x196: {  	[sflag:s0] =	ssyncpa.u1 $0x1  }
0x197: {  	s29 =	simm.s32 $0x1;
	_ =	sfence  }
0x198: {  	s30 =	simm.s32 $0x2;
	[sflag:s29] =	ssyncpa.u1 $0x1  }
0x199: {  	[sflag:s30] =	ssyncpa.u1 $0x1  }
0x19a: {  	_ =	strace $0x90000053  }
0x19b: {  	[bflag:$0x2] =	sbarrier.arrive $0xFFFF  }
0x19c: {  	s31 =	rddreg [dreg:$0x1]  }
0x19d: {  	s0 =	sadd.s32 $0x100000, s31  }
0x19e: {  	[sflag:s0] =	ssyncadd.tile.s32 $0x1;
	_ =	shalt  }
.Lfunc_end3:
_tile_overlayer_lowered:
.L_overlay_start_3:
0x19f: {  	(tag) =	ssettag $0x3  }
0x1a0: {  	s0 =	rddreg [dreg:$0x0];
	s2 =	stileid.u32  }
0x1a1: {  	s1 =	rddreg [dreg:$0x1];
	p0 =	sne.s32 s2, $0x0  }
0x1a2: {  	s3 =	rddreg [dreg:$0x2];
	[bflag:$0x3] =	sbarrier.arrive $0xFFFF;
	s2 =	simm.s32 @!p0 $0x1C01  }
0x1a3: {  	[timem:s3], [sflag:s2] =	dma.local @!p0 [hbm:s0], s1  }
0x1a4: {  	s0 =	simm.s32 @!p0 $0x1  }
0x1a5: {  	_ =	swait.ge @!p0 [sflag:s0], s1  }
0x1a6: {  	s1 =	ssub.s32 @!p0 $0x0, s1;
	[sflag:s0] =	ssyncset.done @!p0 $0x0  }
0x1a7: {  	[sflag:s0] =	ssyncadd.s32 @!p0 s1  }
0x1a8: {  	[bflag:$0x3] =	sbarrier.arrive $0xFFFF  }
0x1a9: {  	_ =	shalt  }

// kernel: scatter_offload_async_start
scs
__scs_entry_jumppad:
0x0: {  	(pc) =	sbr.rel $0x88, $3  }
0x1: {  	(tag) =	ssettag $0x0;
	lr =	simm.s32 $0x1  }
0x2: {  	[smem:$0x3F90] =	sst lr;
	_ =	strace $0xD0000000  }
0x3: {  	_ = 	snop  }
0x4: {  	_ = 	snop  }
0x5: {  	_ = 	snop  }
0x6: {  	_ = 	snop  }
0x7: {  	_ = 	snop  }
__scs_overlays_trampoline_lowered:
0x8: {  	[smem:$0x3F9F] =	sst s0  }
0x9: {  	[smem:$0x3FA0] =	sst s1  }
0xa: {  	[smem:$0x3FA1] =	sst s2  }
0xb: {  	[smem:$0x3FA2] =	sst s3  }
0xc: {  	[smem:$0x3FA3] =	sst s4  }
0xd: {  	[smem:$0x3FA4] =	sst s5  }
0xe: {  	[smem:$0x3FA5] =	sst s6  }
0xf: {  	[smem:$0x3FA6] =	sst s7  }
0x10: {  	[smem:$0x3FA7] =	sst s8  }
0x11: {  	[smem:$0x3FA8] =	sst s9;
	s0 =	simm.s32 @!p0 $0x0  }
0x12: {  	s1 =	sld [smem:$0x3F8E];
	s0 =	simm.s32 @p0 $0x1  }
0x13: {  	[smem:$0x3FA9] =	sst s0;
	s0 =	simm.s32 @!p1 $0x0  }
0x14: {  	s2 =	sld [smem:$0x3F8D];
	s0 =	simm.s32 @p1 $0x1  }
0x15: {  	[smem:$0x3FAA] =	sst s0;
	s0 =	simm.s32 @!p2 $0x0  }
0x16: {  	s3 =	sld [smem:$0x3FDB];
	s0 =	simm.s32 @p2 $0x1  }
0x17: {  	s4 =	simm.s32 $0x1BF5;
	[smem:$0x3FAC] =	sst s0  }
0x18: {  	s0 =	sld [smem:$0x3F8F];
	_ =	swait.ge [sflag:s4], $0x0  }
0x19: {  	s7 =	sld [smem:$0x3F90]  }
0x1a: {  	s8 =	sadd.s32 $0xFFFFE003, lr  }
0x1b: {  	s9 =	sadd.s32 $0xFFFFFEF7, lr;
	s5 =	simm.s32 $0xFFFFFFFF;
	p2 =	slt.u32 s8, $0xFFFFF086  }
0x1c: {  	p1 =	slt.u32 s9, $0xF7A;
	s5 =	simm.s32 @!p2 $0x0  }
0x1d: {  	s5 =	simm.s32 @p1 $0x1;
	p0 =	seq.s32 s7, s2  }
0x1e: {  	s7 =	smul.u32 @!p0 $0xF7A, s2;
	p2 =	seq.s32 @!p0 s5, $0x0  }
0x1f: {  	s9 =	smul.u32 $0xF7A, s1;
	s8 =	simm.s32 @!p0 $0x1BF5;
	p2 =	por !p2, p0  }
0x20: {  	[sflag:s8] =	ssyncset.s32 @!p0 $0xFFFFF086;
	s6 =	sadd.s32 @!p0 s3, s7;
	s7 =	simm.s32 @!p0 $0x108  }
0x21: {  	s3 =	sadd.s32 s3, s9;
	s6 =	sadd.s32 @!p0 $0x88, s6;
	s7 =	simm.s32 @p2 $0x1082  }
0x22: {  	[simem:s7], [sflag:s8] =	dma.local @!p0 [hbm:s6], $0xF7A  }
0x23: {  	s9 =	sor.u32 $0xD0000000, s2;
	s6 =	simm.s32 $0x108;
	_ =	swait.ge @!p0 [sflag:s8], $0x0  }
0x24: {  	s3 =	sadd.s32 $0x88, s3;
	s6 =	simm.s32 @!p1 $0x1082;
	[sflag:s4] =	ssyncset.s32 $0xFFFFF086  }
0x25: {  	[simem:s6], [sflag:s4] =	dma.local [hbm:s3], $0xF7A  }
0x26: {  	[smem:$0x3F90] =	sst s1;
	(tag) =	ssettag s2;
	_ =	strace s9  }
0x27: {  	s1 =	sld [smem:$0x3FA0]  }
0x28: {  	s2 =	sld [smem:$0x3FA1]  }
0x29: {  	s4 =	sld [smem:$0x3FA3]  }
0x2a: {  	p0 =	seq.s32 s5, $0x0;
	s5 =	sld [smem:$0x3FA4]  }
0x2b: {  	s6 =	sld [smem:$0x3FA5]  }
0x2c: {  	s7 =	sld [smem:$0x3FA6]  }
0x2d: {  	s3 =	simm.s32 $0x108;
	s8 =	sld [smem:$0x3FA7]  }
0x2e: {  	s3 =	simm.s32 @!p0 $0x1082;
	s9 =	sld [smem:$0x3FA8]  }
0x2f: {  	lr =	sadd.s32 s0, s3;
	s0 =	sld [smem:$0x3F9F]  }
0x30: {  	s3 =	sld [smem:$0x3FA2]  }
0x31: {  	[smem:$0x3FAB] =	sst s10  }
0x32: {  	s10 =	sld [smem:$0x3FA9];
	_ =	sdelay $0x3  }
0x33: {  	p0 =	seq.s32 s10, $0x1;
	s10 =	sld [smem:$0x3FAB];
	_ =	sdelay $0x3  }
0x34: {  	[smem:$0x3FAB] =	sst s10  }
0x35: {  	s10 =	sld [smem:$0x3FAA];
	_ =	sdelay $0x3  }
0x36: {  	p1 =	seq.s32 s10, $0x1;
	s10 =	sld [smem:$0x3FAB];
	_ =	sdelay $0x3  }
0x37: {  	[smem:$0x3FAB] =	sst s10  }
0x38: {  	s10 =	sld [smem:$0x3FAC]  }
0x39: {  	_ = 	snop;
	(pc) =	sbr.ind lr, $3  }
0x3a: {  	_ = 	snop  }
0x3b: {  	_ = 	snop  }
0x3c: {  	p2 =	seq.s32 s10, $0x1;
	s10 =	sld [smem:$0x3FAB]  }
0x3d: {  	_ =	shalt  }
0x3e: {  	_ =	shalt  }
0x3f: {  	_ =	shalt  }
0x40: {  	_ =	shalt  }
0x41: {  	_ =	shalt  }
0x42: {  	_ =	shalt  }
0x43: {  	_ =	shalt  }
0x44: {  	_ =	shalt  }
0x45: {  	_ =	shalt  }
0x46: {  	_ =	shalt  }
0x47: {  	_ =	shalt  }
0x48: {  	_ =	shalt  }
0x49: {  	_ =	shalt  }
0x4a: {  	_ =	shalt  }
0x4b: {  	_ =	shalt  }
0x4c: {  	_ =	shalt  }
0x4d: {  	_ =	shalt  }
0x4e: {  	_ =	shalt  }
0x4f: {  	_ =	shalt  }
0x50: {  	_ =	shalt  }
0x51: {  	_ =	shalt  }
0x52: {  	_ =	shalt  }
0x53: {  	_ =	shalt  }
0x54: {  	_ =	shalt  }
0x55: {  	_ =	shalt  }
0x56: {  	_ =	shalt  }
0x57: {  	_ =	shalt  }
0x58: {  	_ =	shalt  }
0x59: {  	_ =	shalt  }
0x5a: {  	_ =	shalt  }
0x5b: {  	_ =	shalt  }
0x5c: {  	_ =	shalt  }
0x5d: {  	_ =	shalt  }
0x5e: {  	_ =	shalt  }
0x5f: {  	_ =	shalt  }
0x60: {  	_ =	shalt  }
0x61: {  	_ =	shalt  }
0x62: {  	_ =	shalt  }
0x63: {  	_ =	shalt  }
0x64: {  	_ =	shalt  }
0x65: {  	_ =	shalt  }
0x66: {  	_ =	shalt  }
0x67: {  	_ =	shalt  }
0x68: {  	_ =	shalt  }
0x69: {  	_ =	shalt  }
0x6a: {  	_ =	shalt  }
0x6b: {  	_ =	shalt  }
0x6c: {  	_ =	shalt  }
0x6d: {  	_ =	shalt  }
0x6e: {  	_ =	shalt  }
0x6f: {  	_ =	shalt  }
0x70: {  	_ =	shalt  }
0x71: {  	_ =	shalt  }
0x72: {  	_ =	shalt  }
0x73: {  	_ =	shalt  }
0x74: {  	_ =	shalt  }
0x75: {  	_ =	shalt  }
0x76: {  	_ =	shalt  }
0x77: {  	_ =	shalt  }
0x78: {  	_ =	shalt  }
0x79: {  	_ =	shalt  }
0x7a: {  	_ =	shalt  }
0x7b: {  	_ =	shalt  }
0x7c: {  	_ =	shalt  }
0x7d: {  	_ =	shalt  }
0x7e: {  	_ =	shalt  }
0x7f: {  	_ =	shalt  }
0x80: {  	_ =	shalt  }
0x81: {  	_ =	shalt  }
0x82: {  	_ =	shalt  }
0x83: {  	_ =	shalt  }
0x84: {  	_ =	shalt  }
0x85: {  	_ =	shalt  }
0x86: {  	_ =	shalt  }
0x87: {  	_ =	shalt  }
.Lfunc_end0:
.L_simem_size_0:
called_computation_lowered:
.L_overlay_start_0:
0x88: {  	s2 =	sld [smem:$0x3FD9]  }
0x89: {  	s3 =	sld [smem:$0x3FFE];
	_ =	sdelay $0x1  }
0x8a: {  	s1 =	srdreg.scid  }
0x8b: {  	s0 =	sand.u32 $0x1, s1  }
0x8c: {  	s12 =	sshll.u32 s0, $0xA;
	s2 =	sadd.s32 s3, s2  }
0x8d: {  	s2 =	sadd.s32 s2, s12  }
0x8e: {  	[smem:$0x3FB7] =	sst s2  }
0x8f: {  	_ = 	snop  }
0x90: {  	(tm) =	ssettm $0x1  }
0x91: {  	s13 =	sld [smem:$0x3FFB];
	_ =	sdelay $0x3  }
0x92: {  	_ =	strace s13  }
0x93: {  	s2 =	sld [smem:$0x3FFC];
	_ =	sdelay $0x3  }
0x94: {  	_ =	strace s2  }
0x95: {  	s2 =	sld [smem:$0x3FFD];
	_ =	sdelay $0x3  }
0x96: {  	_ =	strace s2  }
0x97: {  	_ =	strace $0x8FFFFFFF  }
0x98: {  	s14 =	sld [smem:$0x3FDB];
	_ =	sdelay $0x1  }
0x99: {  	s15 =	simm.s32 $_scs_section_size  }
0x9a: {  	s4 =	simm.s32 $_size__tile_overlayer_lowered;
	s5 =	simm.s32 $_tile_overlayer_lowered  }
0x9b: {  	s19 =	simm.s32 $0x1BFF;
	s17 =	sshll.u32 s5, $0x1;
	s6 =	sadd.s32 s15, s14  }
0x9c: {  	s20 =	simm.s32 $0x0;
	s16 =	sshll.u32 s4, $0x1;
	s18 =	sadd.s32 s17, s6  }
0x9d: {  	[timem:s20], [sflag:s19] =	dma.local [hbm:s18], s16  }
0x9e: {  	_ =	swait.ge [sflag:s19], s16  }
0x9f: {  	s3 =	ssub.s32 $0x0, s16;
	[sflag:s19] =	ssyncset.done $0x0  }
0xa0: {  	[sflag:s19] =	ssyncadd.s32 s3;
	_ =	sdelay $0x1  }
0xa1: {  	s21 =	simm.s32 $0x1B8B  }
0xa2: {  	_ =	swait.ge [sflag:s21], $0x1  }
0xa3: {  	[sflag:s21] =	ssyncset.done $0x0  }
0xa4: {  	[sflag:s21] =	ssyncadd.s32 $0xFFFFFFFF  }
0xa5: {  	s3 =	sld [smem:$0x0]  }
0xa6: {  	s4 =	sand.u32 $0xFFFFFFFE, s1  }
0xa7: {  	p0 =	sne.s32 s1, s4  }
0xa8: {  	s4 =	sshll.u32 @p0 s4, $0xE  }
0xa9: {  	s5 =	sadd.s32 @p0 $0x11B8D, s4;
	s7 =	sshll.u32 @p0 s3, $0x11  }
0xaa: {  	s5 =	sor.u32 @p0 s7, s5  }
0xab: {  	[sflag:s5] =	ssyncadd.remote.s32 @p0 $0x1;
	_ =	sdelay $0x1  }
0xac: {  	s5 =	simm.s32 @p0 $0x1B8D  }
0xad: {  	_ =	swait.eq @p0 [sflag:s5], $0x1  }
0xae: {  	[sflag:s5] =	ssyncadd.s32 @p0 $0xFFFFFFFF  }
0xaf: {  	s7 =	sshll.u32 @!p0 s1, $0xE  }
0xb0: {  	s7 =	sor.u32 @!p0 $0x4000, s7;
	s5 =	simm.s32 @!p0 $0x1B8D  }
0xb1: {  	s9 =	sshll.u32 @!p0 s3, $0x11;
	s8 =	sadd.s32 @!p0 $0x11B8D, s7;
	_ =	swait.eq @!p0 [sflag:s5], $0x1  }
0xb2: {  	[sflag:s5] =	ssyncadd.s32 @!p0 $0xFFFFFFFF;
	s5 =	sor.u32 @!p0 s9, s8  }
0xb3: {  	s23 =	simm.s32 $0x1B8E;
	s22 =	sld [smem:$0x3FFE];
	[sflag:s5] =	ssyncadd.remote.s32 @!p0 $0x1  }
0xb4: {  	s24 =	simm.s32 $execute0_lowered;
	[smem:$0x3FD2] =	sst s23  }
0xb5: {  	s8 =	sshll.u32 s24, $0x1;
	_ =	strace $0x80000055;
	[dreg:$0x1] =	wrdreg $0xFFFFFFFF  }
0xb6: {  	s25 =	simm.s32 $_size_execute0_lowered;
	s8 =	sadd.s32 s6, s8;
	[dreg:$0x0] =	wrdreg $0x0  }
0xb7: {  	s9 =	sshll.u32 s25, $0x1;
	[dreg:$0x2] =	wrdreg s8  }
0xb8: {  	[dreg:$0x3] =	wrdreg s9  }
0xb9: {  	[dreg:$0x4] =	wrdreg $0xC0  }
0xba: {  	s26 =	simm.s32 $execute1_lowered;
	_ =	task [dreg:s20], $0x5FFFF  }
0xbb: {  	s8 =	sshll.u32 s26, $0x1;
	[dreg:$0x1] =	wrdreg $0xFFFFFFFF  }
0xbc: {  	s6 =	sadd.s32 s6, s8;
	[dreg:$0x0] =	wrdreg $0x60  }
0xbd: {  	[dreg:$0x2] =	wrdreg s6  }
0xbe: {  	[dreg:$0x3] =	wrdreg s22  }
0xbf: {  	[dreg:$0x4] =	wrdreg $0xE  }
0xc0: {  	_ =	task.clear_ibuf [dreg:s20], $0x5FFFF;
	_ =	strace $0x90000055  }
0xc1: {  	s28 =	simm.s32 $0xE;
	_ =	strace $0x80000057  }
0xc2: {  	_ =	swait.ge [sflag:s28], $0x1  }
0xc3: {  	[sflag:s28] =	ssyncadd.s32 $0xFFFFFFFF  }
0xc4: {  	_ =	strace $0x90000057  }
0xc5: {  	s6 =	sld [smem:$0x0];
	_ =	sdelay $0x3  }
0xc6: {  	s4 =	sadd.s32 @p0 $0x11BF3, s4;
	s8 =	sshll.u32 @p0 s6, $0x11  }
0xc7: {  	s4 =	sor.u32 @p0 s8, s4  }
0xc8: {  	[sflag:s4] =	ssyncadd.remote.s32 @p0 $0x1;
	_ =	sdelay $0x1  }
0xc9: {  	s4 =	simm.s32 @p0 $0x1BF3  }
0xca: {  	_ =	swait.eq @p0 [sflag:s4], $0x1  }
0xcb: {  	[sflag:s4] =	ssyncadd.s32 @p0 $0xFFFFFFFF;
	_ =	sdelay $0x1  }
0xcc: {  	s4 =	simm.s32 @!p0 $0x1BF3  }
0xcd: {  	s7 =	sadd.s32 @!p0 $0x11BF3, s7;
	s6 =	sshll.u32 @!p0 s6, $0x11;
	_ =	swait.eq @!p0 [sflag:s4], $0x1  }
0xce: {  	[sflag:s4] =	ssyncadd.s32 @!p0 $0xFFFFFFFF;
	s4 =	sor.u32 @!p0 s6, s7  }
0xcf: {  	[sflag:s4] =	ssyncadd.remote.s32 @!p0 $0x1  }
0xd0: {  	_ =	strace $0x80000058;
	[dreg:$0x1] =	wrdreg $0xFFFFFFFF  }
0xd1: {  	[dreg:$0x0] =	wrdreg $0x2030  }
0xd2: {  	[dreg:$0x2] =	wrdreg s22  }
0xd3: {  	[dreg:$0x3] =	wrdreg s1  }
0xd4: {  	[dreg:$0x4] =	wrdreg s3  }
0xd5: {  	[dreg:$0x5] =	wrdreg $0xF  }
0xd6: {  	_ =	task.clear_ibuf [dreg:s20], $0x6FFFF;
	_ =	strace $0x90000058  }
0xd7: {  	s29 =	simm.s32 $0xF;
	_ =	strace $0x8000005A  }
0xd8: {  	_ =	swait.ge [sflag:s29], $0x1  }
0xd9: {  	[sflag:s29] =	ssyncadd.s32 $0xFFFFFFFF  }
0xda: {  	_ =	strace $0x9000005A  }
0xdb: {  	_ =	sfence  }
0xdc: {  	s30 =	sld [smem:$0x0];
	_ =	sdelay $0x2  }
0xdd: {  	s31 =	sshll.u32 s1, $0xD;
	s1 =	sshrl.u32 s1, $0x2  }
0xde: {  	s4 =	sand.u32 $0x4000, s31;
	s1 =	sadd.s32 s1, s30  }
0xdf: {  	s0 =	sor.u32 s4, s0;
	s1 =	sshll.u32 s1, $0x11  }
0xe0: {  	s0 =	sor.u32 s1, s0  }
0xe1: {  	s0 =	sadd.s32 $0x8F2B, s0  }
0xe2: {  	[sflag:s0] =	ssyncadd.remote.s32 $0x1  }
0xe3: {  	_ =	sfence.sel $0xFFFF  }
0xe4: {  	[dreg:$0x0] =	wrdreg $0xFFFFFFFF;
	(pc) =	sbr.abs _section_cstart, $3  }
0xe5: {  	[dreg:$0x1] =	wrdreg $0xFFFFFFFF  }
0xe6: {  	_ =	task.clear_ibuf [dreg:s20], $0x2FFFF;
	_ =	strace $0x9FFFFFFF  }
0xe7: {  	(tm) =	ssettm $0x7FFFFFFF  }
tec
execute0_lowered:
.L_overlay_start_1:
0x0: {  	(tag) =	ssettag $0x1  }
0x1: {  	s2 =	rddreg [dreg:$0x0]  }
0x2: {  	s4 =	rddreg [dreg:$0x1]  }
0x3: {  	s0 =	rddreg [dreg:$0x2];
	s3 =	stileid.u32  }
0x4: {  	[bflag:$0x3] =	sbarrier.arrive $0xFFFF;
	s1 =	simm.s32 $_size_execute1_lowered;
	s29 =	srdreg.scid  }
0x5: {  	s7 =	simm.s32 $0x2;
	s8 =	simm.s32 $0x0;
	p0 =	sne.s32 s3, $0x0  }
0x6: {  	s1 =	sshll.u32 s1, $0x1;
	s5 =	simm.s32 @!p0 $0x1C3F;
	s6 =	simm.s32 @!p0 $0x4060  }
0x7: {  	[timem:s6], [sflag:s5] =	dma.local @!p0 [hbm:s2], s1  }
0x8: {  	s12 =	simm.s32 $0x0;
	s10 =	simm.s32 $0x0;
	s2 =	sshll.u32 s29, $0x7  }
.Ltmp0:
0x9: {  	s3 =	sshll.u32 s3, $0x8;
	s30 =	sand.u32 $0x80, s2;
	(pc) =	sbr.rel .LBB2_1-.Ltmp0, $4  }
0xa: {  	s11 =	simm.s32 $0x0;
	s5 =	simm.s32 $0x1;
	s3 =	sor.u32 s3, s30  }
0xb: {  	_ =	strace $0x80000056;
	s2 =	sadd.s32 $0x200, s4;
	s31 =	ssub.s32 $0x18680, s3  }
0xc: {  	s4 =	sadd.s32 $0x186C00, s4;
	[sflag:s5] =	ssyncpa.u1 $0x0;
	s6 =	sshrl.u32 s31, $0xC  }
0xd: {  	[sflag:s7] =	ssyncpa.u1 $0x0;
	s9 =	smov.u32 s3;
	s7 =	sadd.s32 $0x2, s6  }
.LBB2_4:
0xe: {  	_ = 	snop  }
.LBB2_7:
0xf: {  	_ =	sdelay $0x3  }
0x10: {  	[tilespmem:v0+s16+$0x0 ss:$0x1] =	vst.idx.msk @p1 $0xffff, v2  }
0x11: {  	v56 =	vld.idx.msk [tilespmem:v1+s15+$0x0 ss:$0x1], $0xffff;
	s24 =	sor.u32 $0x70, s15;
	[tilespmem:v0+s17+$0x0 ss:$0x1] =	vst.idx.msk @p1 $0xffff, v4  }
0x12: {  	s25 =	sor.u32 $0x10, s15;
	[tilespmem:v0+s18+$0x0 ss:$0x1] =	vst.idx.msk @p1 $0xffff, v3;
	v57 =	vld.idx.msk [tilespmem:v1+s24+$0x0 ss:$0x1], $0xffff  }
0x13: {  	s26 =	sor.u32 $0x20, s15;
	[tilespmem:v0+s19+$0x0 ss:$0x1] =	vst.idx.msk @p1 $0xffff, v5;
	v58 =	vld.idx.msk [tilespmem:v1+s25+$0x0 ss:$0x1], $0xffff  }
0x14: {  	s28 =	sor.u32 $0x30, s15;
	[tilespmem:v0+s20+$0x0 ss:$0x1] =	vst.idx.msk @p1 $0xffff, v6;
	v59 =	vld.idx.msk [tilespmem:v1+s26+$0x0 ss:$0x1], $0xffff  }
0x15: {  	s29 =	sor.u32 $0x40, s15;
	[tilespmem:v0+s21+$0x0 ss:$0x1] =	vst.idx.msk @p1 $0xffff, v7;
	v60 =	vld.idx.msk [tilespmem:v1+s28+$0x0 ss:$0x1], $0xffff  }
0x16: {  	s30 =	sor.u32 $0x50, s15;
	v61 =	vld.idx.msk [tilespmem:v1+s29+$0x0 ss:$0x1], $0xffff;
	[tilespmem:v0+s15+$0x0 ss:$0x1] =	vst.idx.msk $0xffff, v56  }
0x17: {  	s31 =	sor.u32 $0x60, s15;
	v62 =	vld.idx.msk [tilespmem:v1+s30+$0x0 ss:$0x1], $0xffff;
	[tilespmem:v0+s24+$0x0 ss:$0x1] =	vst.idx.msk $0xffff, v57  }
0x18: {  	v63 =	vld.idx.msk [tilespmem:v1+s31+$0x0 ss:$0x1], $0xffff;
	[tilespmem:v0+s25+$0x0 ss:$0x1] =	vst.idx.msk $0xffff, v58  }
0x19: {  	[tilespmem:v0+s26+$0x0 ss:$0x1] =	vst.idx.msk $0xffff, v59  }
0x1a: {  	[tilespmem:v0+s28+$0x0 ss:$0x1] =	vst.idx.msk $0xffff, v60  }
0x1b: {  	[tilespmem:v0+s29+$0x0 ss:$0x1] =	vst.idx.msk $0xffff, v61  }
0x1c: {  	[tilespmem:v0+s30+$0x0 ss:$0x1] =	vst.idx.msk $0xffff, v62  }
0x1d: {  	[tilespmem:v0+s31+$0x0 ss:$0x1] =	vst.idx.msk $0xffff, v63  }
.LBB2_8:
0x1e: {  	s15 =	sand.u32 $0x1FFFFFF, s10  }
0x1f: {  	s16 =	smulhi.u32 $0x14F8B59, s15;
	_ =	sdelay $0x1  }
0x20: {  	s16 =	sshrl.u32 s16, $0x9  }
0x21: {  	s16 =	smul.u32 $0x186A0, s16;
	_ =	sdelay $0x1  }
0x22: {  	s15 =	ssub.s32 s15, s16  }
0x23: {  	s15 =	sshll.u32 s15, $0x4  }
0x24: {  	s15 =	sadd.s32 s4, s15  }
0x25: {  	[hbm4b:s15+s8] =	stream.linear.scatter [tilespmem:s14], [sflag:$0x2], s13, $0x38;
	[tilespmem:$0x10000] =	vst v63  }
.LBB2_9:
0x26: {  	p1 =	slt.u32 s11, $0x2  }
0x27: {  	p2 =	sgt.s32 @!p1 s12, $0x18620  }
0x28: {  	s13 =	smov.u32 s12;
	s14 =	sshra.s32 @!p1 s12, $0x1F;
	p2 =	por !p2, p1  }
0x29: {  	s12 =	sand.u32 @!p1 s14, s12;
	s13 =	simm.s32 @p2 $0x18620  }
0x2a: {  	s12 =	ssub.s32 @!p1 s13, s12  }
0x2b: {  	s12 =	sadd.s32 @!p1 $0xFFFE79E0, s12  }
0x2c: {  	s13 =	sshll.u32 @!p1 s12, $0x9  }
0x2d: {  	p2 =	sgt.s32 @!p1 s12, $0x7F;
	s12 =	ssub.s32 @!p1 $0x10000, s13  }
0x2e: {  	s14 =	sadd.s32 $0x1000, s9;
	p2 =	por !p2, p1;
	s12 =	sshrl.u32 @!p1 s12, $0x2  }
0x2f: {  	s12 =	simm.s32 @!p2 $0x0;
	p2 =	sgt.s32 s14, $0x1869F  }
0x30: {  	s14 =	smov.u32 @p2 s3;
	p2 =	sne.s32 s11, s7  }
.Ltmp1:
0x31: {  	_ = 	snop;
	(pc) =	sbr.rel @!p2 .LBB2_10-.Ltmp1, $4  }
0x32: {  	s13 =	simm.s32 @!p1 $0x2  }
0x33: {  	_ =	swait.ge @!p1 [sflag:s13], s12;
	s15 =	ssub.s32 @!p1 $0x0, s12  }
0x34: {  	s12 =	smov.u32 s10;
	s11 =	sadd.s32 $0x1, s11;
	[sflag:s13] =	ssyncset.done @!p1 $0x0  }
0x35: {  	s10 =	smov.u32 s9;
	s9 =	smov.u32 s14;
	[sflag:s13] =	ssyncadd.s32 @!p1 s15  }
.LBB2_1:
0x36: {  	p1 =	sgt.u32 s11, s6  }
0x37: {  	s13 =	sand.u32 @!p1 $0x1FFFFFF, s9  }
0x38: {  	p2 =	sgt.s32 @!p1 s9, $0x18620;
	s14 =	smulhi.u32 @!p1 $0x14F8B59, s13  }
0x39: {  	s15 =	smov.u32 s9;
	s16 =	sshra.s32 @!p1 s9, $0x1F;
	p2 =	por !p2, p1  }
0x3a: {  	s16 =	sand.u32 @!p1 s16, s9;
	s15 =	simm.s32 @p2 $0x18620;
	s14 =	sshrl.u32 @!p1 s14, $0x9  }
0x3b: {  	s15 =	ssub.s32 @!p1 s15, s16;
	s14 =	smul.u32 @!p1 $0x186A0, s14  }
0x3c: {  	s16 =	sxor.u32 @!p1 $0xFFFFFFFF, s11;
	s15 =	sadd.s32 @!p1 $0xFFFE79E0, s15  }
0x3d: {  	s16 =	sshll.u32 @!p1 s16, $0xE;
	s13 =	ssub.s32 @!p1 s13, s14;
	s14 =	sshll.u32 @!p1 s15, $0x9  }
0x3e: {  	s16 =	sand.u32 @!p1 $0x4000, s16;
	p2 =	sgt.s32 @!p1 s15, $0x7F;
	s14 =	ssub.s32 @!p1 $0x10000, s14  }
0x3f: {  	p2 =	por !p2, p1;
	s13 =	sshll.u32 @!p1 s13, $0x4;
	s14 =	sshrl.u32 @!p1 s14, $0x2  }
0x40: {  	s15 =	simm.s32 @!p1 $0x0;
	s13 =	sadd.s32 @!p1 s2, s13;
	s14 =	simm.s32 @!p2 $0x0  }
0x41: {  	[tilespmem:s16], [sflag:$0x1] =	stream.linear.gather @!p1 [hbm4b:s13+s15], s14, $0x38;
	[tilespmem:$0x10000] =	vst v63  }
0x42: {  	p1 =	seq.s32 s11, $0x0  }
0x43: {  	p2 =	sge.u32 @!p1 s11, s7  }
0x44: {  	p1 =	por p1, p2  }
.Ltmp2:
0x45: {  	_ = 	snop;
	(pc) =	sbr.rel @p1 .LBB2_9-.Ltmp2, $1  }
0x46: {  	_ =	sdelay $0x3  }
0x47: {  	p1 =	sgt.s32 s10, $0x18620;
	s13 =	smov.u32 s10;
	s14 =	sshra.s32 s10, $0x1F  }
0x48: {  	s13 =	simm.s32 @!p1 $0x18620;
	s14 =	sand.u32 s14, s10  }
0x49: {  	s13 =	ssub.s32 s13, s14  }
0x4a: {  	s13 =	sadd.s32 $0xFFFE79E0, s13  }
0x4b: {  	s31 =	sshll.u32 s13, $0x9  }
0x4c: {  	s14 =	ssub.s32 $0x10000, s31  }
0x4d: {  	p1 =	sgt.s32 s13, $0x7F;
	s13 =	sshrl.u32 s14, $0x2;
	s14 =	sadd.s32 $0x80, s10  }
0x4e: {  	s13 =	simm.s32 @p1 $0x0;
	p1 =	slt.s32 s14, $0x186A0  }
0x4f: {  	s14 =	simm.s32 @!p1 $0x186A0  }
0x50: {  	s16 =	ssub.s32 s14, s10  }
0x51: {  	p1 =	slt.s32 s16, $0x1  }
.Ltmp3:
0x52: {  	_ = 	snop;
	(pc) =	sbr.rel @p1 .LBB2_8-.Ltmp3, $4  }
0x53: {  	_ = 	snop  }
0x54: {  	s15 =	sshll.u32 s11, $0xE;
	_ =	swait.ge [sflag:s5], s13  }
0x55: {  	s15 =	sand.u32 $0x4000, s15;
	s17 =	ssub.s32 $0x0, s13;
	[sflag:s5] =	ssyncset.done $0x0  }
0x56: {  	s14 =	sor.u32 $0x8000, s15;
	[sflag:s5] =	ssyncadd.s32 s17  }
0x57: {  	p2 =	sne.s32 s16, $0x1  }
.Ltmp4:
0x58: {  	v1 =	vmov s15;
	v0 =	vmov s14;
	(pc) =	sbr.rel @!p2 .LBB2_4-.Ltmp4, $3  }
0x59: {  	_ =	sdelay $0x1  }
0x5a: {  	s17 =	simm.s32 $0x0  }
0x5b: {  	s23 =	sadd.s32 $0xFFFFFFFF, s16;
	p1 =	por $0x0, $0x0;
	s15 =	sand.u32 $0x3F80, s17  }
0x5c: {  	_ =	sdelay $0x3  }
0x5d: {  	v6 =	vld.idx.msk [tilespmem:v1+s15+$0x0 ss:$0x1], $0xffff;
	s24 =	sor.u32 $0x70, s15  }
0x5e: {  	s16 =	sor.u32 $0x10, s15;
	v8 =	vld.idx.msk [tilespmem:v1+s24+$0x0 ss:$0x1], $0xffff  }
0x5f: {  	s17 =	sor.u32 $0x20, s15;
	p2 =	sne.s32 s23, $0x1;
	v2 =	vld.idx.msk [tilespmem:v1+s16+$0x0 ss:$0x1], $0xffff  }
.Ltmp5:
0x60: {  	s18 =	sor.u32 $0x30, s15;
	v4 =	vld.idx.msk [tilespmem:v1+s17+$0x0 ss:$0x1], $0xffff;
	(pc) =	sbr.rel @!p2 .LBB2_7-.Ltmp5, $4  }
0x61: {  	s19 =	sor.u32 $0x40, s15;
	v3 =	vld.idx.msk [tilespmem:v1+s18+$0x0 ss:$0x1], $0xffff  }
0x62: {  	s21 =	sor.u32 $0x60, s15;
	v5 =	vld.idx.msk [tilespmem:v1+s19+$0x0 ss:$0x1], $0xffff  }
0x63: {  	s20 =	sor.u32 $0x50, s15;
	s22 =	simm.s32 $0x80;
	v7 =	vld.idx.msk [tilespmem:v1+s21+$0x0 ss:$0x1], $0xffff;
	[tilespmem:v0+s15+$0x0 ss:$0x1] =	vst.idx.msk $0xffff, v6  }
0x64: {  	s23 =	sadd.s32 $0xFFFFFFFF, s23;
	p1 =	por $0x1, $0x1;
	v6 =	vld.idx.msk [tilespmem:v1+s20+$0x0 ss:$0x1], $0xffff;
	s15 =	sand.u32 $0x3F80, s22;
	[tilespmem:v0+s24+$0x0 ss:$0x1] =	vst.idx.msk $0xffff, v8  }
.LBB2_6:
0x65: {  	p2 =	sne.s32 s23, $0x1;
	v8 =	vld.idx.msk [tilespmem:v1+s15+$0x0 ss:$0x1], $0xffff;
	s24 =	sor.u32 $0x70, s15;
	[tilespmem:v0+s16+$0x0 ss:$0x1] =	vst.idx.msk $0xffff, v2;
	s16 =	sor.u32 $0x10, s15  }
0x66: {  	s25 =	sor.u32 $0x30, s15;
	s26 =	sor.u32 $0x40, s15;
	v9 =	vld.idx.msk [tilespmem:v1+s24+$0x0 ss:$0x1], $0xffff;
	[tilespmem:v0+s17+$0x0 ss:$0x1] =	vst.idx.msk $0xffff, v4;
	s17 =	sor.u32 $0x20, s15  }
0x67: {  	s28 =	sor.u32 $0x50, s15;
	s29 =	sor.u32 $0x60, s15;
	v2 =	vld.idx.msk [tilespmem:v1+s16+$0x0 ss:$0x1], $0xffff;
	[tilespmem:v0+s18+$0x0 ss:$0x1] =	vst.idx.msk $0xffff, v3;
	s18 =	smov.u32 s25  }
.Ltmp6:
0x68: {  	v4 =	vld.idx.msk [tilespmem:v1+s17+$0x0 ss:$0x1], $0xffff;
	[tilespmem:v0+s19+$0x0 ss:$0x1] =	vst.idx.msk $0xffff, v5;
	s19 =	smov.u32 s26;
	(pc) =	sbr.rel @p2 .LBB2_6-.Ltmp6, $4  }
0x69: {  	v3 =	vld.idx.msk [tilespmem:v1+s18+$0x0 ss:$0x1], $0xffff;
	[tilespmem:v0+s20+$0x0 ss:$0x1] =	vst.idx.msk $0xffff, v6;
	s20 =	smov.u32 s28  }
0x6a: {  	v5 =	vld.idx.msk [tilespmem:v1+s19+$0x0 ss:$0x1], $0xffff;
	[tilespmem:v0+s21+$0x0 ss:$0x1] =	vst.idx.msk $0xffff, v7;
	s21 =	smov.u32 s29  }
0x6b: {  	s22 =	sadd.s32 $0x80, s22;
	[tilespmem:v0+s15+$0x0 ss:$0x1] =	vst.idx.msk $0xffff, v8;
	v6 =	vld.idx.msk [tilespmem:v1+s20+$0x0 ss:$0x1], $0xffff  }
0x6c: {  	s23 =	sadd.s32 $0xFFFFFFFF, s23;
	s15 =	sand.u32 $0x3F80, s22;
	v7 =	vld.idx.msk [tilespmem:v1+s21+$0x0 ss:$0x1], $0xffff;
	[tilespmem:v0+s24+$0x0 ss:$0x1] =	vst.idx.msk $0xffff, v9  }
.Ltmp7:
0x6d: {  	_ = 	snop;
	(pc) =	sbr.rel .LBB2_7-.Ltmp7, $1  }
0x6e: {  	_ =	sdelay $0x3  }
.LBB2_10:
0x6f: {  	_ =	sfence.sel $0x180000  }
0x70: {  	s2 =	simm.s32 $0x1;
	[bflag:$0x0] =	sbarrier.arrive $0xFFFF  }
0x71: {  	s31 =	simm.s32 $0x2;
	[sflag:s2] =	ssyncpa.u1 $0x1  }
0x72: {  	[sflag:s31] =	ssyncpa.u1 $0x1  }
0x73: {  	_ =	strace $0x90000056  }
0x74: {  	s0 =	sadd.s32 @!p0 $0x100000, s0;
	[bflag:$0x2] =	sbarrier.arrive $0xFFFF  }
0x75: {  	[sflag:s0] =	ssyncadd.tile.s32 @!p0 $0x1;
	s0 =	simm.s32 @!p0 $0x3F  }
0x76: {  	_ =	swait.ge @!p0 [sflag:s0], s1  }
0x77: {  	s1 =	ssub.s32 @!p0 $0x0, s1;
	[sflag:s0] =	ssyncset.done @!p0 $0x0  }
0x78: {  	[sflag:s0] =	ssyncadd.s32 @!p0 s1  }
0x79: {  	[bflag:$0x3] =	sbarrier.arrive $0xFFFF  }
0x7a: {  	_ =	shalt  }
.Lfunc_end2:
execute1_lowered:
.L_overlay_start_2:
0x7b: {  	(tag) =	ssettag $0x2  }
0x7c: {  	s0 =	rddreg [dreg:$0x0]  }
0x7d: {  	s2 =	rddreg [dreg:$0x1];
	_ =	strace $0x80000059;
	s1 =	simm.s32 $0x1  }
0x7e: {  	s9 =	simm.s32 $0x108;
	v0 =	vimm.s32 $0x0;
	[sflag:s1] =	ssyncpa.u1 $0x0  }
0x7f: {  	[tilespmem:s9+$0x70] =	vst v0  }
0x80: {  	[tilespmem:s9+$0x60] =	vst v0  }
0x81: {  	[tilespmem:s9+$0x50] =	vst v0  }
0x82: {  	[tilespmem:s9+$0x40] =	vst v0  }
0x83: {  	s1 =	sadd.s32 $0x186C00, s0;
	[tilespmem:s9+$0x30] =	vst v0  }
0x84: {  	s15 =	sadd.s32 $0x49D400, s0;
	s6 =	sadd.s32 $0x4E4400, s0;
	[tilespmem:s9+$0x20] =	vst v0  }
0x85: {  	s14 =	sadd.s32 $0x4D7E00, s0;
	s5 =	sand.u32 $0x1, s2;
	s0 =	simm.s32 $0x40;
	[tilespmem:s9+$0x10] =	vst v0  }
.LBB3_1:
0x86: {  	s0 =	sadd.s32 $0x40, s0;
	[tilespmem:s9+$0x0] =	vst v0;
	s9 =	sadd.s32 $0x80, s9  }
0x87: {  	p0 =	slt.u32 s0, $0x3C40;
	[tilespmem:s9+$0x70] =	vst v0  }
0x88: {  	[tilespmem:s9+$0x60] =	vst v0  }
.Ltmp8:
0x89: {  	[tilespmem:s9+$0x50] =	vst v0;
	(pc) =	sbr.rel @p0 .LBB3_1-.Ltmp8, $4  }
0x8a: {  	[tilespmem:s9+$0x40] =	vst v0  }
0x8b: {  	[tilespmem:s9+$0x30] =	vst v0  }
0x8c: {  	[tilespmem:s9+$0x20] =	vst v0  }
0x8d: {  	[tilespmem:s9+$0x10] =	vst v0  }
0x8e: {  	s16 =	stileid.u32  }
0x8f: {  	s0 =	simm.s32 $0x1;
	p0 =	sne.s32 s16, $0x0;
	s2 =	smul.u32 $0x27, s16  }
0x90: {  	s0 =	simm.s32 @!p0 $0x0  }
0x91: {  	s0 =	sadd.s32 s0, s2  }
0x92: {  	p1 =	seq.s32 s16, $0x0;
	s7 =	smul.u32 $0xF0, s0;
	s0 =	simm.s32 $0x2580  }
0x93: {  	s0 =	simm.s32 @!p1 $0x2490  }
0x94: {  	s0 =	sadd.s32 s0, s7  }
0x95: {  	s8 =	smin.u32 s0, $0x249F0  }
0x96: {  	s0 =	ssub.s32 s8, s7  }
0x97: {  	p1 =	sgt.s32 s0, $0x0  }
0x98: {  	s3 =	simm.s32 $0x2;
	s10 =	simm.s32 $0x9;
	s0 =	simm.s32 @!p1 $0x0  }
0x99: {  	s4 =	simm.s32 $0xA;
	s11 =	simm.s32 $0xB;
	s29 =	smulhi.u32 $0x88888889, s0  }
0x9a: {  	[dreg:$0x4] =	wrdreg s5;
	s31 =	smul.u32 $0x493E, s5;
	s12 =	simm.s32 $0x1  }
0x9b: {  	s22 =	simm.s32 $0x0;
	s18 =	simm.s32 $0xC;
	s2 =	sshrl.u32 s29, $0x7  }
0x9c: {  	s20 =	simm.s32 $0x0;
	s21 =	simm.s32 $0x0;
	s30 =	smul.u32 $0xF0, s2  }
.Ltmp9:
0x9d: {  	[tilespmem:s9+$0x0] =	vst v0;
	v0 =	vimm.s32 $0xFFFFFFFF;
	[sflag:s3] =	ssyncpa.u1 $0x0;
	s16 =	sshll.u32 s16, $0x8;
	(pc) =	sbr.rel .LBB3_3-.Ltmp9, $4  }
0x9e: {  	[tilespmem:$0xF208] =	vst v0;
	[sflag:s10] =	ssyncpa.u1 $0x0;
	p1 =	sne.s32 s0, s30;
	s0 =	simm.s32 $0x1  }
0x9f: {  	s14 =	sadd.s32 s31, s14;
	[sflag:s4] =	ssyncpa.u1 $0x0;
	s0 =	simm.s32 @!p1 $0x0  }
0xa0: {  	s15 =	sadd.s32 s31, s15;
	[sflag:s11] =	ssyncpa.u1 $0x0;
	s13 =	sadd.s32 s0, s2  }
0xa1: {  	v0 =	vlaneseq.u32;
	s19 =	smov.u32 s7;
	p1 =	por $0x0, $0x0;
	s17 =	sadd.s32 $0x1, s13  }
.LBB3_18:
0xa2: {  	s0 =	sshrl.u32 s31, $0x2  }
.LBB3_20:
0xa3: {  	_ =	swait.ge [sflag:s18], s0  }
0xa4: {  	s31 =	ssub.s32 $0x0, s0;
	v1 =	vmov s24;
	vm0 =	veq.s32 v0, $0x0;
	[sflag:s18] =	ssyncset.done $0x0  }
0xa5: {  	vm15 =	veq.s32 v0, $0x2;
	v1 =	vsel vm0, s30, v1;
	[sflag:s18] =	ssyncadd.s32 s31  }
0xa6: {  	v1 =	vsel vm15, s22, v1;
	[sflag:s18] =	ssyncpa.u1 $0x1  }
0xa7: {  	[tilespmem:$0xF208] =	vst v1  }
.LBB3_21:
0xa8: {  	s0 =	sadd.s32 $0xF0, s19  }
0xa9: {  	s2 =	smov.u32 s7;
	p2 =	slt.s32 s0, s8  }
0xaa: {  	s2 =	smov.u32 @p2 s0;
	p2 =	sne.s32 s21, s17  }
.Ltmp10:
0xab: {  	_ = 	snop;
	(pc) =	sbr.rel @!p2 .LBB3_22-.Ltmp10, $3  }
0xac: {  	_ =	sdelay $0x1  }
0xad: {  	s22 =	smov.u32 s20;
	s31 =	sadd.s32 $0x1, s21;
	s20 =	smov.u32 s19  }
0xae: {  	p1 =	por !p1, !p1;
	s21 =	smov.u32 s31;
	s19 =	smov.u32 s2  }
.LBB3_3:
0xaf: {  	p2 =	sge.u32 s21, s13  }
0xb0: {  	s0 =	smulhi.u32 @!p2 $0xAAAAAAAB, s21  }
0xb1: {  	s2 =	smov.u32 s19;
	p3 =	sgt.s32 @!p2 s19, $0x24900  }
0xb2: {  	s3 =	sshra.s32 @!p2 s19, $0x1F;
	p3 =	por !p3, p2;
	s0 =	sshrl.u32 @!p2 s0, $0x1  }
0xb3: {  	s3 =	sand.u32 @!p2 s3, s19;
	s2 =	simm.s32 @p3 $0x24900;
	s0 =	smul.u32 @!p2 $0x3, s0  }
0xb4: {  	s2 =	ssub.s32 @!p2 s2, s3  }
0xb5: {  	s2 =	sadd.s32 @!p2 $0xFFFDB700, s2;
	s0 =	ssub.s32 @!p2 s21, s0  }
0xb6: {  	s3 =	sshll.u32 @!p2 s2, $0x2;
	p3 =	sgt.s32 @!p2 s2, $0xEF;
	s0 =	smul.u32 @!p2 $0x3C0, s0  }
0xb7: {  	s4 =	sand.u32 @!p2 $0x7, s19;
	s2 =	ssub.s32 @!p2 $0x3C0, s3;
	p3 =	por !p3, p2  }
0xb8: {  	s3 =	sshrl.u32 @!p2 s19, $0x3;
	s2 =	sshrl.u32 @!p2 s2, $0x2;
	s0 =	sshrl.u32 @!p2 s0, $0x2  }
0xb9: {  	s3 =	sadd.s32 @!p2 s3, s14;
	s2 =	simm.s32 @!p3 $0x0;
	s0 =	sadd.s32 @!p2 $0x10248, s0  }
0xba: {  	[tilespmem:s0], [sflag:$0xA] =	stream.linear.gather @!p2 [hbm4b:s3+s4], s2, $0x38;
	[tilespmem:$0x1F6F8] =	vst v63  }
0xbb: {  	s0 =	sadd.s32 $0xFFFFFFFF, s21  }
0xbc: {  	p2 =	sge.u32 s0, s13  }
0xbd: {  	p3 =	sgt.s32 @!p2 s20, $0x24900  }
0xbe: {  	s2 =	smov.u32 s20;
	s3 =	sshra.s32 @!p2 s20, $0x1F;
	p3 =	por !p3, p2  }
0xbf: {  	s3 =	sand.u32 @!p2 s3, s20;
	s2 =	simm.s32 @p3 $0x24900  }
0xc0: {  	s2 =	ssub.s32 @!p2 s2, s3  }
0xc1: {  	s2 =	sadd.s32 @!p2 $0xFFFDB700, s2  }
0xc2: {  	s4 =	smulhi.u32 @!p2 $0xAAAAAAAB, s0;
	s5 =	sand.u32 @!p2 $0x1, s0;
	s3 =	sshll.u32 @!p2 s2, $0x2  }
0xc3: {  	s24 =	smul.u32 @!p2 $0x3C0, s5;
	p3 =	sgt.s32 @!p2 s2, $0xEF;
	s2 =	ssub.s32 @!p2 $0x3C0, s3  }
0xc4: {  	p3 =	por !p3, p2;
	s3 =	sshrl.u32 @!p2 s4, $0x1;
	s2 =	sshrl.u32 @!p2 s2, $0x2  }
0xc5: {  	s4 =	simm.s32 @!p2 $0xA;
	s3 =	smul.u32 @!p2 $0x3, s3;
	s2 =	simm.s32 @!p3 $0x0  }
0xc6: {  	s5 =	smul.u32 @!p2 $0x1E000, s5;
	_ =	swait.ge @!p2 [sflag:s4], s2;
	s23 =	ssub.s32 @!p2 $0x0, s2  }
0xc7: {  	s0 =	ssub.s32 @!p2 s0, s3;
	s3 =	sshrl.u32 @!p2 s20, $0x3;
	[sflag:s4] =	ssyncset.done @!p2 $0x0  }
0xc8: {  	s3 =	sadd.s32 @!p2 s3, s15;
	[sflag:s4] =	ssyncadd.s32 @!p2 s23;
	s4 =	sshrl.u32 @!p2 s24, $0x2  }
0xc9: {  	s0 =	smul.u32 @!p2 $0x3C0, s0;
	s23 =	sand.u32 @!p2 $0x7, s20;
	s4 =	sadd.s32 @!p2 $0x10518, s4  }
0xca: {  	[tilespmem:s4], [sflag:$0xB] =	stream.linear.gather @!p2 [hbm4b:s3+s23], s2, $0x38;
	[tilespmem:$0x1F6F8] =	vst v63  }
0xcb: {  	s0 =	sshrl.u32 @!p2 s0, $0x2;
	s2 =	sshrl.u32 @!p2 s5, $0x2  }
0xcc: {  	s0 =	sadd.s32 @!p2 $0x10248, s0;
	s3 =	simm.s32 @!p2 $0xF0;
	s2 =	sor.u32 @!p2 $0x106F8, s2  }
0xcd: {  	[tilespmem:s2], [sflag:$0x9] =	stream.indirect.gather @!p2 [hbm4b:s6+s3], $0x80, s0, s3, $0xb8;
	[tilespmem:$0x1F6F8] =	vst v63  }
0xce: {  	p2 =	slt.u32 s21, $0x2  }
.Ltmp11:
0xcf: {  	_ = 	snop;
	(pc) =	sbr.rel @p2 .LBB3_21-.Ltmp11, $1  }
0xd0: {  	_ =	sdelay $0x3  }
0xd1: {  	p2 =	sgt.s32 s22, $0x24900;
	s0 =	smov.u32 s22;
	s2 =	sshra.s32 s22, $0x1F  }
0xd2: {  	s0 =	simm.s32 @!p2 $0x24900;
	s2 =	sand.u32 s2, s22  }
0xd3: {  	s0 =	ssub.s32 s0, s2  }
0xd4: {  	s0 =	sadd.s32 $0xFFFDB700, s0  }
0xd5: {  	s29 =	sshll.u32 s0, $0x2  }
0xd6: {  	_ =	swait.ge [sflag:s10], $0x7800;
	s2 =	ssub.s32 $0x3C0, s29  }
0xd7: {  	[sflag:s10] =	ssyncset.done $0x0;
	p2 =	sgt.s32 s0, $0xEF;
	s0 =	sshrl.u32 s2, $0x2  }
0xd8: {  	[sflag:s10] =	ssyncadd.s32 $0xFFFF8800;
	s0 =	simm.s32 @p2 $0x0  }
0xd9: {  	_ =	swait.ge [sflag:s11], s0  }
0xda: {  	s0 =	ssub.s32 $0x0, s0;
	[sflag:s11] =	ssyncset.done $0x0  }
0xdb: {  	[sflag:s11] =	ssyncadd.s32 s0  }
0xdc: {  	v1 =	vld [tilespmem:$0xF208];
	_ =	sdelay $0x4  }
0xdd: {  	(v2sf) =	vpush v1, $0x0  }
0xde: {  	(v2sf) =	vpush v1, $0x1  }
0xdf: {  	(v2sf) =	vpush v1, $0x2;
	_ =	sdelay $0x3  }
0xe0: {  	s0 =	sadd.s32 $0xF0, s22  }
0xe1: {  	s2 =	ssub.s32 $0x493E0, s22;
	p2 =	slt.s32 s8, s0  }
0xe2: {  	s0 =	smov.u32 @p2 s8;
	p2 =	sgt.s32 s2, $0x0  }
0xe3: {  	s26 =	ssub.s32 s0, s22;
	s2 =	simm.s32 @!p2 $0x0  }
0xe4: {  	p2 =	slt.s32 s2, s26  }
0xe5: {  	s26 =	smov.u32 @p2 s2  }
0xe6: {  	s25 =	simm.s32 $0x1;
	p2 =	slt.s32 s26, $0x1  }
.Ltmp12:
0xe7: {  	s25 =	simm.s32 @!p1 $0x0;
	(pc) =	sbr.rel @p2 .LBB3_8-.Ltmp12, $4  }
0xe8: {  	s31 =	smul.u32 $0x3C0, s25  }
0xe9: {  	s28 =	spop (v2sf)  }
0xea: {  	s0 =	sshrl.u32 s31, $0x2;
	s30 =	spop (v2sf)  }
0xeb: {  	s23 =	sadd.s32 $0x10518, s0;
	s22 =	spop (v2sf)  }
0xec: {  	s0 =	smin.u32 s26, $0x10  }
0xed: {  	v1 =	vmov s0  }
0xee: {  	p3 =	sgt.s32 s26, $0x10;
	vm1 =	vgt.u32 v1, v0  }
.Ltmp13:
0xef: {  	_ = 	snop;
	(pc) =	sbr.rel @!p3 .LBB3_7-.Ltmp13, $2  }
0xf0: {  	_ =	sdelay $0x2  }
0xf1: {  	s4 =	simm.s32 $0x10;
	s24 =	sadd.s32 $0xFFFFFFF0, s26;
	s0 =	smov.u32 s23;
	vm0 =	vmmov vm1  }
.LBB3_6:
0xf2: {  	s2 =	smin.u32 s24, $0x10;
	s4 =	sadd.s32 $0x10, s4;
	v1 =	vld.msk [tilespmem:s0+$0x0 ss:$0x1], vm1  }
0xf3: {  	v2 =	vmov s2;
	p3 =	slt.s32 s4, s26  }
0xf4: {  	vm1 =	vgt.u32 v2, v0  }
.Ltmp14:
0xf5: {  	(pc) =	sbr.rel @p3 .LBB3_6-.Ltmp14, $3  }
0xf6: {  	_ =	sdelay $0x1  }
0xf7: {  	v1 =	vshll.u32 v1, $0x4  }
0xf8: {  	s24 =	sadd.s32 $0xFFFFFFF0, s24;
	[tilespmem:s0+$0x0] =	vst.msk vm0, v1;
	s0 =	sadd.s32 $0x10, s0;
	vm0 =	vmmov vm1  }
.LBB3_7:
0xf9: {  	_ =	sdelay $0x4  }
0xfa: {  	v1 =	vld.msk [tilespmem:s0+$0x0 ss:$0x1], vm1;
	_ =	sdelay $0x4  }
0xfb: {  	v1 =	vshll.u32 v1, $0x4  }
0xfc: {  	[tilespmem:s0+$0x0] =	vst.msk vm0, v1  }
.LBB3_8:
0xfd: {  	s0 =	sand.u32 $0x1, s21  }
0xfe: {  	s0 =	smul.u32 $0xF0, s0  }
0xff: {  	p3 =	sne.s32 s30, $0xFFFFFFFF  }
0x100: {  	v1 =	vld.msk @!p3 [tilespmem:s0+$0x10518], $0x1;
	_ =	sdelay $0x4  }
0x101: {  	(v2sf) =	vpush @!p3 v1, $0x0;
	_ =	sdelay $0xc  }
.Ltmp15:
0x102: {  	_ = 	snop;
	(pc) =	sbr.rel @p2 .LBB3_19-.Ltmp15, $4  }
0x103: {  	_ = 	snop  }
0x104: {  	s29 =	spop @!p3 (v2sf)  }
0x105: {  	s22 =	simm.s32 @!p3 $0x0;
	s24 =	smov.u32 s29  }
0x106: {  	[sflag:s18] =	ssyncpa.u1 $0x0;
	s29 =	smov.u32 @p3 s28;
	s24 =	smov.u32 @p3 s30  }
0x107: {  	v1 =	vld.msk [tilespmem:s23+$0x0], $0x1;
	_ =	sdelay $0x4  }
0x108: {  	(v2sf) =	vpush v1, $0x0;
	_ =	sdelay $0xe  }
0x109: {  	s2 =	smul.u32 $0x1E000, s25;
	s0 =	spop (v2sf)  }
0x10a: {  	s26 =	ssub.s32 $0x0, s26;
	p2 =	seq.s32 s29, s0  }
0x10b: {  	s30 =	sadd.s32 $0x1, s26;
	s2 =	sshrl.u32 s2, $0x2;
	p3 =	sgt.s32 @!p2 s29, $0x0  }
0x10c: {  	s25 =	sor.u32 $0x10738, s2;
	s2 =	smov.u32 s29;
	p3 =	por !p3, p2  }
0x10d: {  	s2 =	simm.s32 @p3 $0x0;
	p3 =	seq.s32 s30, $0x0  }
.Ltmp16:
0x10e: {  	_ = 	snop;
	(pc) =	sbr.rel @p3 .LBB3_11-.Ltmp16, $4  }
0x10f: {  	_ = 	snop  }
0x110: {  	s28 =	simm.s32 $0x0;
	s31 =	sadd.s32 $0x1, s23;
	s2 =	smin.u32 @!p2 s2, $0x1869F0  }
0x111: {  	s4 =	simm.s32 @!p2 $0x1;
	s5 =	simm.s32 @!p2 $0x7988;
	s3 =	sand.u32 @!p2 $0x1FFFF8, s2  }
0x112: {  	s4 =	smov.u32 @p2 s28;
	s2 =	sand.u32 @!p2 $0x7, s2;
	s3 =	sadd.s32 @!p2 s1, s3  }
.LBB3_10:
0x113: {  	s9 =	smov.u32 s4  }
0x114: {  	[tilespmem:s5], [sflag:$0x2] =	stream.linear.gather @!p2 [hbm4b:s3+s2], $0x80, $0x38;
	[tilespmem:$0x1F6F8] =	vst v63  }
0x115: {  	s30 =	sadd.s32 $0x1, s30;
	s2 =	smov.u32 s0;
	v1 =	vld.msk [tilespmem:s31+$0x0], $0x1  }
0x116: {  	p3 =	seq.s32 s30, $0x0;
	_ =	sdelay $0x3  }
0x117: {  	(v2sf) =	vpush v1, $0x0;
	_ =	sdelay $0xe  }
0x118: {  	s0 =	spop (v2sf)  }
0x119: {  	p2 =	seq.s32 s2, s0  }
0x11a: {  	p4 =	sgt.s32 @!p2 s2, $0x0;
	s3 =	sshll.u32 @!p2 s4, $0x9;
	s4 =	sadd.s32 @!p2 $0x1, s4  }
.Ltmp17:
0x11b: {  	p4 =	por !p4, p2;
	s3 =	sshra.s32 @!p2 s3, $0x2;
	(pc) =	sbr.rel @!p3 .LBB3_10-.Ltmp17, $4  }
0x11c: {  	s4 =	smov.u32 @p2 s9;
	s2 =	simm.s32 @p4 $0x0;
	s5 =	sadd.s32 @!p2 $0x7988, s3  }
0x11d: {  	s2 =	smin.u32 @!p2 s2, $0x1869F0  }
0x11e: {  	s3 =	sand.u32 @!p2 $0x1FFFF8, s2;
	s2 =	sand.u32 @!p2 $0x7, s2  }
0x11f: {  	s31 =	sadd.s32 $0x1, s31;
	s3 =	sadd.s32 @!p2 s1, s3  }
.LBB3_11:
0x120: {  	[tilespmem:s5], [sflag:$0x2] =	stream.linear.gather @!p2 [hbm4b:s3+s2], $0x80, $0x38;
	[tilespmem:$0x1F6F8] =	vst v63  }
.Ltmp18:
0x121: {  	s0 =	sshll.u32 s4, $0x7;
	(pc) =	sbr.rel .LBB3_12-.Ltmp18, $4  }
0x122: {  	s30 =	simm.s32 $0x2;
	s0 =	sand.u32 $0x3FFFFF80, s0  }
0x123: {  	_ =	swait.ge [sflag:s30], s0  }
0x124: {  	s0 =	ssub.s32 $0x0, s0;
	[sflag:s30] =	ssyncset.done $0x0  }
0x125: {  	s31 =	simm.s32 $0x0;
	[sflag:s30] =	ssyncadd.s32 s0  }
.LBB3_13:
0x126: {  	v1 =	vld [tilespmem:s25+$0xFFFFFFC0];
	_ =	sdelay $0x3  }
0x127: {  	s0 =	sshra.s32 s0, $0x2  }
0x128: {  	[tilespmem:s0+$0x108] =	vst.add.f32.msk $0xffff, v1  }
0x129: {  	v1 =	vld [tilespmem:s25+$0xFFFFFFD0];
	_ =	sdelay $0x4  }
0x12a: {  	[tilespmem:s0+$0x118] =	vst.add.f32.msk $0xffff, v1  }
0x12b: {  	v1 =	vld [tilespmem:s25+$0xFFFFFFE0];
	_ =	sdelay $0x4  }
0x12c: {  	[tilespmem:s0+$0x128] =	vst.add.f32.msk $0xffff, v1  }
0x12d: {  	v1 =	vld [tilespmem:s25+$0xFFFFFFF0];
	_ =	sdelay $0x4  }
0x12e: {  	[tilespmem:s0+$0x138] =	vst.add.f32.msk $0xffff, v1  }
0x12f: {  	v1 =	vld [tilespmem:s25+$0x0];
	_ =	sdelay $0x4  }
0x130: {  	[tilespmem:s0+$0x148] =	vst.add.f32.msk $0xffff, v1  }
0x131: {  	v1 =	vld [tilespmem:s25+$0x10];
	_ =	sdelay $0x4  }
0x132: {  	[tilespmem:s0+$0x158] =	vst.add.f32.msk $0xffff, v1  }
0x133: {  	v1 =	vld [tilespmem:s25+$0x20];
	_ =	sdelay $0x4  }
0x134: {  	[tilespmem:s0+$0x168] =	vst.add.f32.msk $0xffff, v1  }
0x135: {  	v1 =	vld [tilespmem:s25+$0x30];
	_ =	sdelay $0x4  }
0x136: {  	[tilespmem:s0+$0x178] =	vst.add.f32.msk $0xffff, v1  }
.LBB3_17:
0x137: {  	s26 =	sadd.s32 $0x1, s26  }
0x138: {  	p2 =	seq.s32 s26, $0x0  }
.Ltmp19:
0x139: {  	_ = 	snop;
	(pc) =	sbr.rel @p2 .LBB3_18-.Ltmp19, $2  }
0x13a: {  	_ =	sdelay $0x2  }
0x13b: {  	s23 =	sadd.s32 $0x1, s23;
	s25 =	sadd.s32 $0x80, s25;
	s29 =	smov.u32 s30  }
.LBB3_12:
0x13c: {  	v1 =	vld.msk [tilespmem:s23+$0x0], $0x1;
	_ =	sdelay $0x4  }
0x13d: {  	(v2sf) =	vpush v1, $0x0;
	_ =	sdelay $0xe  }
0x13e: {  	s30 =	spop (v2sf)  }
0x13f: {  	p2 =	sne.s32 s29, s30  }
.Ltmp20:
0x140: {  	_ = 	snop;
	(pc) =	sbr.rel @!p2 .LBB3_13-.Ltmp20, $2  }
0x141: {  	_ =	sdelay $0x2  }
0x142: {  	s0 =	sshll.u32 s22, $0x9  }
0x143: {  	p2 =	seq.s32 s29, s24  }
.Ltmp21:
0x144: {  	_ = 	snop;
	(pc) =	sbr.rel @!p2 .LBB3_15-.Ltmp21, $1  }
0x145: {  	_ =	sdelay $0x3  }
0x146: {  	s0 =	sshra.s32 s0, $0x2  }
.Ltmp22:
0x147: {  	s0 =	sadd.s32 $0x108, s0;
	(pc) =	sbr.rel .LBB3_16-.Ltmp22, $4  }
0x148: {  	[spmem:s16] =	stream.linear.scatter [tilespmem:s0], [sflag:$0x1], $0x80, $0x38;
	[tilespmem:$0x1F6F8] =	vst v63  }
0x149: {  	_ =	swait.ge [sflag:s12], $0x80  }
0x14a: {  	[sflag:s12] =	ssyncset.done $0x0  }
0x14b: {  	[sflag:s12] =	ssyncadd.s32 $0xFFFFFF80  }
.LBB3_15:
0x14c: {  	s2 =	sshll.u32 s28, $0x9  }
0x14d: {  	s2 =	sshra.s32 s2, $0x2  }
0x14e: {  	v1 =	vld [tilespmem:s2+$0x7988];
	_ =	sdelay $0x3  }
0x14f: {  	s0 =	sshra.s32 s0, $0x2  }
0x150: {  	[tilespmem:s0+$0x108] =	vst.add.f32.msk $0xffff, v1  }
0x151: {  	v1 =	vld [tilespmem:s2+$0x7998];
	_ =	sdelay $0x4  }
0x152: {  	[tilespmem:s0+$0x118] =	vst.add.f32.msk $0xffff, v1  }
0x153: {  	v1 =	vld [tilespmem:s2+$0x79A8];
	_ =	sdelay $0x4  }
0x154: {  	[tilespmem:s0+$0x128] =	vst.add.f32.msk $0xffff, v1  }
0x155: {  	v1 =	vld [tilespmem:s2+$0x79B8];
	_ =	sdelay $0x4  }
0x156: {  	[tilespmem:s0+$0x138] =	vst.add.f32.msk $0xffff, v1  }
0x157: {  	v1 =	vld [tilespmem:s2+$0x79C8];
	_ =	sdelay $0x4  }
0x158: {  	[tilespmem:s0+$0x148] =	vst.add.f32.msk $0xffff, v1  }
0x159: {  	v1 =	vld [tilespmem:s2+$0x79D8];
	_ =	sdelay $0x4  }
0x15a: {  	[tilespmem:s0+$0x158] =	vst.add.f32.msk $0xffff, v1  }
0x15b: {  	v1 =	vld [tilespmem:s2+$0x79E8];
	_ =	sdelay $0x4  }
0x15c: {  	[tilespmem:s0+$0x168] =	vst.add.f32.msk $0xffff, v1  }
0x15d: {  	v1 =	vld [tilespmem:s2+$0x79F8];
	_ =	sdelay $0x2  }
0x15e: {  	p2 =	sgt.u32 s29, $0x1869F0  }
0x15f: {  	s2 =	sand.u32 @!p2 $0x1FFFF8, s29  }
0x160: {  	s3 =	sadd.s32 $0x108, s0;
	[tilespmem:s0+$0x178] =	vst.add.f32.msk $0xffff, v1;
	s0 =	sadd.s32 @!p2 s1, s2;
	s2 =	sand.u32 @!p2 $0x7, s29  }
0x161: {  	[hbm4b:s0+s2] =	stream.linear.scatter @!p2 [tilespmem:s3], [sflag:$0xC], $0x80, $0x38;
	[tilespmem:$0x1F6F8] =	vst v63  }
0x162: {  	s0 =	simm.s32 $0x0  }
0x163: {  	s0 =	simm.s32 @!p2 $0x200  }
0x164: {  	s31 =	sadd.s32 s0, s31  }
.LBB3_16:
0x165: {  	s0 =	sadd.s32 $0x1, s22  }
0x166: {  	s2 =	smulhi.u32 $0x88888889, s0;
	_ =	sdelay $0x1  }
0x167: {  	v1 =	vld [tilespmem:s25+$0xFFFFFFC0];
	s2 =	sshrl.u32 s2, $0x7  }
0x168: {  	s2 =	smul.u32 $0xF0, s2;
	_ =	sdelay $0x1  }
0x169: {  	s22 =	ssub.s32 s0, s2  }
0x16a: {  	s0 =	sshll.u32 s22, $0x7  }
0x16b: {  	[tilespmem:s0+$0x108] =	vst v1  }
0x16c: {  	v1 =	vld [tilespmem:s25+$0xFFFFFFD0];
	_ =	sdelay $0x4  }
0x16d: {  	[tilespmem:s0+$0x118] =	vst v1  }
0x16e: {  	v1 =	vld [tilespmem:s25+$0xFFFFFFE0];
	_ =	sdelay $0x4  }
0x16f: {  	[tilespmem:s0+$0x128] =	vst v1  }
0x170: {  	v1 =	vld [tilespmem:s25+$0xFFFFFFF0];
	_ =	sdelay $0x4  }
0x171: {  	[tilespmem:s0+$0x138] =	vst v1  }
0x172: {  	v1 =	vld [tilespmem:s25+$0x0];
	_ =	sdelay $0x4  }
0x173: {  	[tilespmem:s0+$0x148] =	vst v1  }
0x174: {  	v1 =	vld [tilespmem:s25+$0x10];
	_ =	sdelay $0x4  }
0x175: {  	[tilespmem:s0+$0x158] =	vst v1  }
0x176: {  	v1 =	vld [tilespmem:s25+$0x20];
	_ =	sdelay $0x4  }
0x177: {  	[tilespmem:s0+$0x168] =	vst v1  }
0x178: {  	v1 =	vld [tilespmem:s25+$0x30]  }
.Ltmp23:
0x179: {  	_ = 	snop;
	(pc) =	sbr.rel .LBB3_17-.Ltmp23, $2  }
0x17a: {  	_ =	sdelay $0x2  }
0x17b: {  	s28 =	sadd.s32 $0x1, s28;
	[tilespmem:s0+$0x178] =	vst v1  }
.LBB3_19:
.Ltmp24:
0x17c: {  	(pc) =	sbr.rel .LBB3_20-.Ltmp24, $4  }
0x17d: {  	_ = 	snop  }
0x17e: {  	s0 =	simm.s32 $0x2  }
0x17f: {  	_ =	swait.ge [sflag:s0], $0x0  }
0x180: {  	s30 =	smov.u32 s29;
	[sflag:s0] =	ssyncset.done $0x0;
	s0 =	simm.s32 $0x0  }
.LBB3_22:
0x181: {  	_ =	sfence.sel $0x180000  }
0x182: {  	s0 =	simm.s32 $0x9;
	[bflag:$0x0] =	sbarrier.arrive $0xFFFF  }
0x183: {  	s24 =	simm.s32 $0xA;
	[sflag:s0] =	ssyncpa.u1 $0x1  }
0x184: {  	s25 =	simm.s32 $0xB;
	[sflag:s24] =	ssyncpa.u1 $0x1  }
0x185: {  	s26 =	simm.s32 $0x2;
	[sflag:s25] =	ssyncpa.u1 $0x1  }
0x186: {  	[sflag:s26] =	ssyncpa.u1 $0x1  }
0x187: {  	v0 =	vld [tilespmem:$0xF208];
	_ =	sdelay $0x4  }
0x188: {  	(v2sf) =	vpush v0, $0x0  }
0x189: {  	(v2sf) =	vpush v0, $0x1;
	_ =	sdelay $0x1  }
0x18a: {  	(v2sf) =	vpush v0, $0x2;
	_ =	sdelay $0xb  }
0x18b: {  	s0 =	spop (v2sf)  }
0x18c: {  	s2 =	spop (v2sf)  }
0x18d: {  	s3 =	smov.u32 s0;
	p1 =	sne.s32 s0, s2  }
0x18e: {  	s4 =	spop (v2sf);
	s3 =	simm.s32 @!p1 $0xFFFFFFFF  }
0x18f: {  	v2 =	vimm.s32 $0x1;
	v3 =	vlaneseq.u32;
	p1 =	seq.s32 s4, $0xFFFFFFFF;
	v1 =	vmov s3  }
0x190: {  	s16 =	stileid.u32;
	v0 =	vperm.xlane v0, v2;
	p2 =	sne.s32 @!p1 s0, s2;
	v1 =	vperm.xlane v1, v3  }
0x191: {  	vm0 =	vcmask $0x3F04;
	s6 =	simm.s32 $0xF208;
	s0 =	simm.s32 @!p1 $0x1;
	p2 =	por !p2, p1  }
0x192: {  	s3 =	sshll.u32 s16, $0x1;
	s2 =	sshll.u32 @!p1 s4, $0x9;
	s0 =	simm.s32 @p2 $0x0;
	v0 =	vsel vm0, v1, v0  }
0x193: {  	s5 =	sor.u32 $0x1000, s3;
	s2 =	sshra.s32 @!p1 s2, $0x2;
	s0 =	sor.u32 @!p1 s0, s3;
	[tilespmem:$0xF208] =	vst v0  }
0x194: {  	[spmem:s5] =	stream.linear.scatter [tilespmem:s6], [sflag:$0x1], $0x2, $0x38;
	[tilespmem:$0x1F6F8] =	vst v63  }
0x195: {  	s2 =	sadd.s32 @!p1 $0x108, s2;
	s0 =	sshll.u32 @!p1 s0, $0x7  }
0x196: {  	[spmem:s0] =	stream.linear.scatter @!p1 [tilespmem:s2], [sflag:$0x1], $0x80, $0x38;
	[tilespmem:$0x1F6F8] =	vst v63  }
0x197: {  	s0 =	simm.s32 @!p1 $0x82  }
0x198: {  	s28 =	simm.s32 $0x1;
	s0 =	simm.s32 @p1 $0x2  }
0x199: {  	_ =	swait.ge [sflag:s28], s0  }
0x19a: {  	s0 =	ssub.s32 $0x0, s0;
	[sflag:s28] =	ssyncset.done $0x0  }
0x19b: {  	[sflag:s28] =	ssyncadd.s32 s0  }
.Ltmp25:
0x19c: {  	_ =	sfence.stream.spmem;
	(pc) =	sbr.rel @p0 .LBB3_39-.Ltmp25, $4  }
0x19d: {  	s29 =	simm.s32 $0x3;
	[bflag:$0x0] =	sbarrier.arrive $0xFFFF  }
0x19e: {  	s30 =	simm.s32 $0x4;
	[sflag:s29] =	ssyncpa.u1 $0x1  }
0x19f: {  	s31 =	simm.s32 $0x3C;
	[sflag:s30] =	ssyncpa.u1 $0x1  }
0x1a0: {  	s15 =	rddreg [dreg:$0x4];
	[sflag:s31] =	ssyncpa.u1 $0x1  }
0x1a1: {  	_ =	sfence.stream.spmem;
	s0 =	simm.s32 $0x5  }
0x1a2: {  	s2 =	simm.s32 $0x1000;
	s3 =	simm.s32 $0xF218;
	[sflag:s0] =	ssyncpa.u1 $0x0  }
0x1a3: {  	[tilespmem:s3], [sflag:$0x5] =	stream.linear.gather [spmem:s2], $0x20, $0x38;
	[tilespmem:$0x1F6F8] =	vst v63  }
0x1a4: {  	s26 =	simm.s32 $0x0;
	s28 =	simm.s32 $0xF238  }
0x1a5: {  	[tilespmem:s28], [sflag:$0x5] =	stream.linear.gather [spmem:s26], $0x1000, $0x38;
	[tilespmem:$0x1F6F8] =	vst v63  }
0x1a6: {  	_ =	swait.ge [sflag:s0], $0x1020  }
0x1a7: {  	[sflag:s0] =	ssyncset.done $0x0  }
0x1a8: {  	s29 =	simm.s32 $0x0;
	[sflag:s0] =	ssyncadd.s32 $0xFFFFEFE0  }
0x1a9: {  	v0 =	vld.msk [tilespmem:s29+$0xF218], $0x1;
	_ =	sdelay $0x1  }
0x1aa: {  	s30 =	simm.s32 $0x1  }
0x1ab: {  	v1 =	vld.msk [tilespmem:s30+$0xF218], $0x1;
	_ =	sdelay $0x1  }
0x1ac: {  	(v2sf) =	vpush v0, $0x0;
	_ =	sdelay $0x2  }
0x1ad: {  	(v2sf) =	vpush v1, $0x0;
	_ =	sdelay $0x2  }
0x1ae: {  	s31 =	simm.s32 $0x2  }
0x1af: {  	v0 =	vld.msk [tilespmem:s31+$0xF218], $0x1;
	_ =	sdelay $0x2  }
0x1b0: {  	s4 =	simm.s32 $0xFFFFFFFF;
	s5 =	simm.s32 $0xFFFFFFFF;
	s0 =	simm.s32 $0xC  }
.LBB3_24:
0x1b1: {  	s2 =	smov.u32 s5;
	s3 =	smov.u32 s4  }
0x1b2: {  	s4 =	sshra.s32 s0, $0x2;
	p1 =	sne.s32 s0, $0x7C;
	s0 =	sadd.s32 $0x4, s0;
	(v2sf) =	vpush v0, $0x0  }
0x1b3: {  	v0 =	vld.msk [tilespmem:s4+$0xF218], $0x1  }
.Ltmp26:
0x1b4: {  	(pc) =	sbr.rel @p1 .LBB3_24-.Ltmp26, $4  }
0x1b5: {  	s5 =	spop (v2sf)  }
0x1b6: {  	p2 =	sne.s32 s3, $0xFFFFFFFF;
	s4 =	smov.u32 s5  }
0x1b7: {  	p3 =	seq.s32 s5, $0xFFFFFFFF;
	s4 =	smov.u32 @p2 s3  }
0x1b8: {  	s5 =	smov.u32 @p3 s2;
	s4 =	smov.u32 @p3 s3  }
0x1b9: {  	(v2sf) =	vpush v0, $0x0;
	_ =	sdelay $0x8  }
0x1ba: {  	s0 =	spop (v2sf)  }
0x1bb: {  	p1 =	sne.s32 s4, $0xFFFFFFFF;
	s2 =	smov.u32 s0  }
0x1bc: {  	s9 =	simm.s32 $0x6;
	p2 =	seq.s32 s0, $0xFFFFFFFF;
	s2 =	smov.u32 @p1 s4  }
0x1bd: {  	s6 =	simm.s32 $0x0;
	s2 =	smov.u32 @p2 s4;
	s3 =	spop (v2sf)  }
0x1be: {  	s0 =	smov.u32 @p2 s5;
	p1 =	sne.s32 s2, $0xFFFFFFFF;
	s4 =	smov.u32 s3  }
.Ltmp27:
0x1bf: {  	p2 =	seq.s32 s3, $0xFFFFFFFF;
	s4 =	smov.u32 @p1 s2;
	(pc) =	sbr.rel .LBB3_26-.Ltmp27, $4  }
0x1c0: {  	s10 =	simm.s32 $0xF188;
	s4 =	smov.u32 @p2 s2;
	s7 =	spop (v2sf)  }
0x1c1: {  	s11 =	simm.s32 $0x0;
	p1 =	sne.s32 s4, $0xFFFFFFFF;
	s8 =	smov.u32 s7  }
0x1c2: {  	s3 =	smov.u32 @p2 s0;
	p2 =	seq.s32 s7, $0xFFFFFFFF;
	s8 =	smov.u32 @p1 s4  }
0x1c3: {  	[sflag:s9] =	ssyncpa.u1 $0x0;
	s7 =	smov.u32 @p2 s3;
	s8 =	smov.u32 @p2 s4  }
.LBB3_32:
0x1c4: {  	p1 =	sgt.u32 s12, $0x1869F0  }
0x1c5: {  	p2 =	seq.s32 @!p1 s12, s8  }
0x1c6: {  	p1 =	por p1, p2  }
0x1c7: {  	p2 =	sne.s32 @!p1 s12, s7  }
0x1c8: {  	p1 =	por p1, !p2  }
0x1c9: {  	s0 =	sshll.u32 @p1 s11, $0x9  }
0x1ca: {  	s0 =	sand.u32 @!p1 $0x1FFFF8, s12  }
0x1cb: {  	s2 =	sand.u32 @!p1 $0x7, s12;
	s0 =	sadd.s32 @!p1 s1, s0  }
0x1cc: {  	[tilespmem:s10], [sflag:$0x6] =	stream.linear.gather @!p1 [hbm4b:s0+s2], $0x80, $0x38;
	[tilespmem:$0x1F6F8] =	vst v63  }
0x1cd: {  	_ =	swait.ge @!p1 [sflag:s9], $0x80  }
0x1ce: {  	[sflag:s9] =	ssyncset.done @!p1 $0x0  }
0x1cf: {  	[sflag:s9] =	ssyncadd.s32 @!p1 $0xFFFFFF80  }
0x1d0: {  	v1 =	vld @!p1 [tilespmem:$0xF188];
	_ =	sdelay $0x2  }
0x1d1: {  	s0 =	sshll.u32 @!p1 s11, $0x9  }
0x1d2: {  	s2 =	sshrl.u32 @!p1 s0, $0x2  }
0x1d3: {  	[tilespmem:s2+$0xF238] =	vst.add.f32.msk @!p1 $0xffff, v1  }
0x1d4: {  	v1 =	vld @!p1 [tilespmem:$0xF198];
	_ =	sdelay $0x4  }
0x1d5: {  	[tilespmem:s2+$0xF248] =	vst.add.f32.msk @!p1 $0xffff, v1  }
0x1d6: {  	v1 =	vld @!p1 [tilespmem:$0xF1A8];
	_ =	sdelay $0x4  }
0x1d7: {  	[tilespmem:s2+$0xF258] =	vst.add.f32.msk @!p1 $0xffff, v1  }
0x1d8: {  	v1 =	vld @!p1 [tilespmem:$0xF1B8];
	_ =	sdelay $0x4  }
0x1d9: {  	[tilespmem:s2+$0xF268] =	vst.add.f32.msk @!p1 $0xffff, v1  }
0x1da: {  	v1 =	vld @!p1 [tilespmem:$0xF1C8];
	_ =	sdelay $0x4  }
0x1db: {  	[tilespmem:s2+$0xF278] =	vst.add.f32.msk @!p1 $0xffff, v1  }
0x1dc: {  	v1 =	vld @!p1 [tilespmem:$0xF1D8];
	_ =	sdelay $0x4  }
0x1dd: {  	[tilespmem:s2+$0xF288] =	vst.add.f32.msk @!p1 $0xffff, v1  }
0x1de: {  	v1 =	vld @!p1 [tilespmem:$0xF1E8];
	_ =	sdelay $0x4  }
0x1df: {  	[tilespmem:s2+$0xF298] =	vst.add.f32.msk @!p1 $0xffff, v1  }
0x1e0: {  	v1 =	vld @!p1 [tilespmem:$0xF1F8];
	_ =	sdelay $0x4  }
0x1e1: {  	[tilespmem:s2+$0xF2A8] =	vst.add.f32.msk @!p1 $0xffff, v1  }
0x1e2: {  	s0 =	sshrl.u32 s0, $0x2;
	[tilespmem:s6+$0xF218] =	vst.msk $0x1, v0  }
0x1e3: {  	v0 =	vld [tilespmem:s0+$0xF238];
	_ =	sdelay $0x2  }
0x1e4: {  	s31 =	sshll.u32 s6, $0x9  }
0x1e5: {  	s2 =	sshra.s32 s31, $0x2  }
0x1e6: {  	[tilespmem:s2+$0xF238] =	vst v0  }
0x1e7: {  	v0 =	vld [tilespmem:s0+$0xF248];
	_ =	sdelay $0x4  }
0x1e8: {  	[tilespmem:s2+$0xF248] =	vst v0  }
0x1e9: {  	v0 =	vld [tilespmem:s0+$0xF258];
	_ =	sdelay $0x4  }
0x1ea: {  	[tilespmem:s2+$0xF258] =	vst v0  }
0x1eb: {  	v0 =	vld [tilespmem:s0+$0xF268];
	_ =	sdelay $0x4  }
0x1ec: {  	[tilespmem:s2+$0xF268] =	vst v0  }
0x1ed: {  	v0 =	vld [tilespmem:s0+$0xF278];
	_ =	sdelay $0x4  }
0x1ee: {  	[tilespmem:s2+$0xF278] =	vst v0  }
0x1ef: {  	v0 =	vld [tilespmem:s0+$0xF288];
	_ =	sdelay $0x4  }
0x1f0: {  	[tilespmem:s2+$0xF288] =	vst v0  }
0x1f1: {  	v0 =	vld [tilespmem:s0+$0xF298];
	_ =	sdelay $0x4  }
0x1f2: {  	[tilespmem:s2+$0xF298] =	vst v0  }
0x1f3: {  	v0 =	vld [tilespmem:s0+$0xF2A8];
	_ =	sdelay $0x4  }
0x1f4: {  	s6 =	sadd.s32 $0x1, s6;
	[tilespmem:s2+$0xF2A8] =	vst v0  }
.LBB3_33:
0x1f5: {  	s11 =	sadd.s32 $0x1, s11  }
0x1f6: {  	p1 =	sne.s32 s11, $0x20  }
.Ltmp28:
0x1f7: {  	_ = 	snop;
	(pc) =	sbr.rel @!p1 .LBB3_34-.Ltmp28, $1  }
0x1f8: {  	_ =	sdelay $0x3  }
.LBB3_26:
0x1f9: {  	v0 =	vld.msk [tilespmem:s11+$0xF218], $0x1;
	_ =	sdelay $0x4  }
0x1fa: {  	(v2sf) =	vpush v0, $0x0;
	_ =	sdelay $0xe  }
0x1fb: {  	s12 =	spop (v2sf)  }
0x1fc: {  	p1 =	seq.s32 s12, $0xFFFFFFFF  }
.Ltmp29:
0x1fd: {  	_ = 	snop;
	(pc) =	sbr.rel @p1 .LBB3_33-.Ltmp29, $1  }
0x1fe: {  	_ =	sdelay $0x3  }
0x1ff: {  	p1 =	slt.s32 s6, $0x1  }
.Ltmp30:
0x200: {  	_ = 	snop;
	(pc) =	sbr.rel @p1 .LBB3_32-.Ltmp30, $1  }
0x201: {  	_ =	sdelay $0x3  }
0x202: {  	s13 =	simm.s32 $0xF218;
	p1 =	por $0x0, $0x0  }
0x203: {  	v1 =	vld.msk @!p1 [tilespmem:s13+$0x0], $0x1;
	_ =	sdelay $0x4  }
0x204: {  	(v2sf) =	vpush @!p1 v1, $0x0;
	_ =	sdelay $0xd  }
0x205: {  	p3 =	sne.s32 s6, $0x1  }
.Ltmp31:
0x206: {  	s0 =	spop @!p1 (v2sf);
	(pc) =	sbr.rel @!p3 .LBB3_30-.Ltmp31, $4  }
0x207: {  	p2 =	seq.s32 @!p1 s12, s0  }
0x208: {  	s14 =	simm.s32 $0x0;
	p2 =	por !p2, p1  }
0x209: {  	s2 =	simm.s32 $0xFFFFFFFF;
	s14 =	simm.s32 @p2 $0xFFFFFFFF  }
0x20a: {  	s0 =	simm.s32 $0x1;
	s14 =	smov.u32 @p1 s2  }
.LBB3_29:
0x20b: {  	s2 =	smov.u32 s14;
	p1 =	sne.s32 s14, $0xFFFFFFFF  }
0x20c: {  	s13 =	sadd.s32 $0x1, s13;
	s14 =	smov.u32 s0;
	s0 =	sadd.s32 $0x1, s0  }
0x20d: {  	p2 =	sne.s32 s6, s0;
	v1 =	vld.msk @!p1 [tilespmem:s13+$0x0], $0x1;
	_ =	sdelay $0x4  }
0x20e: {  	(v2sf) =	vpush @!p1 v1, $0x0;
	_ =	sdelay $0xe  }
.Ltmp32:
0x20f: {  	s3 =	spop @!p1 (v2sf);
	(pc) =	sbr.rel @p2 .LBB3_29-.Ltmp32, $4  }
0x210: {  	p3 =	seq.s32 @!p1 s12, s3  }
0x211: {  	p3 =	por !p3, p1  }
0x212: {  	s14 =	simm.s32 @p3 $0xFFFFFFFF  }
0x213: {  	s14 =	smov.u32 @p1 s2  }
.LBB3_30:
0x214: {  	p1 =	seq.s32 s14, $0xFFFFFFFF  }
.Ltmp33:
0x215: {  	_ = 	snop;
	(pc) =	sbr.rel @p1 .LBB3_32-.Ltmp33, $1  }
0x216: {  	_ =	sdelay $0x3  }
0x217: {  	s0 =	sshll.u32 s11, $0x7  }
0x218: {  	s0 =	sand.u32 $0x3FFFFF80, s0  }
0x219: {  	v0 =	vld [tilespmem:s0+$0xF238];
	_ =	sdelay $0x2  }
0x21a: {  	s2 =	sshll.u32 s14, $0x9  }
0x21b: {  	s2 =	sshra.s32 s2, $0x2  }
0x21c: {  	[tilespmem:s2+$0xF238] =	vst.add.f32.msk $0xffff, v0  }
0x21d: {  	v0 =	vld [tilespmem:s0+$0xF248];
	_ =	sdelay $0x4  }
0x21e: {  	[tilespmem:s2+$0xF248] =	vst.add.f32.msk $0xffff, v0  }
0x21f: {  	v0 =	vld [tilespmem:s0+$0xF258];
	_ =	sdelay $0x4  }
0x220: {  	[tilespmem:s2+$0xF258] =	vst.add.f32.msk $0xffff, v0  }
0x221: {  	v0 =	vld [tilespmem:s0+$0xF268];
	_ =	sdelay $0x4  }
0x222: {  	[tilespmem:s2+$0xF268] =	vst.add.f32.msk $0xffff, v0  }
0x223: {  	v0 =	vld [tilespmem:s0+$0xF278];
	_ =	sdelay $0x4  }
0x224: {  	[tilespmem:s2+$0xF278] =	vst.add.f32.msk $0xffff, v0  }
0x225: {  	v0 =	vld [tilespmem:s0+$0xF288];
	_ =	sdelay $0x4  }
0x226: {  	[tilespmem:s2+$0xF288] =	vst.add.f32.msk $0xffff, v0  }
0x227: {  	v0 =	vld [tilespmem:s0+$0xF298];
	_ =	sdelay $0x4  }
0x228: {  	[tilespmem:s2+$0xF298] =	vst.add.f32.msk $0xffff, v0  }
0x229: {  	v0 =	vld [tilespmem:s0+$0xF2A8]  }
.Ltmp34:
0x22a: {  	_ = 	snop;
	(pc) =	sbr.rel .LBB3_33-.Ltmp34, $2  }
0x22b: {  	_ =	sdelay $0x2  }
0x22c: {  	[tilespmem:s2+$0xF2A8] =	vst.add.f32.msk $0xffff, v0  }
.LBB3_34:
0x22d: {  	s0 =	simm.s32 $0x6;
	p1 =	seq.s32 s6, $0x0  }
0x22e: {  	[sflag:s0] =	ssyncpa.u1 $0x1;
	v0 =	vimm.s32 @p1 $0xFFFFFFFF  }
0x22f: {  	s9 =	sadd.s32 $0xFFFFFFFF, s6;
	[tilespmem:$0x10238] =	vst @p1 v0  }
0x230: {  	v0 =	vld.msk @!p1 [tilespmem:s9+$0xF218], $0x1;
	_ =	sdelay $0x1  }
0x231: {  	v1 =	vld.msk @!p1 [tilespmem:$0xF218], $0x1;
	_ =	sdelay $0x2  }
0x232: {  	p2 =	seq.s32 @!p1 s9, $0x0;
	v0 =	vbroadcast @!p1 v0, $0x0  }
0x233: {  	vm0 =	vmmov @!p1 $0x1;
	p2 =	por !p2, p1  }
0x234: {  	v1 =	vnsel @!p1 vm0, $0xFFFFFFFF, v1;
	vm0 =	vcmask @!p1 $0x308;
	v0 =	vpsel !p2, $0xFFFFFFFF, v0  }
0x235: {  	p2 =	sne.s32 @!p1 s8, s7;
	v0 =	vsel @!p1 vm0, v1, v0  }
0x236: {  	s0 =	simm.s32 @!p1 $0xF238;
	s2 =	simm.s32 @!p1 $0x0;
	p3 =	por !p2, p1;
	[tilespmem:$0x10238] =	vst @!p1 v0  }
0x237: {  	[spmem:s2] =	stream.linear.scatter @!p1 [tilespmem:s0], [sflag:$0x1], $0x80, $0x38;
	[tilespmem:$0x1F6F8] =	vst v63  }
0x238: {  	s0 =	sshll.u32 @!p3 s9, $0x9  }
0x239: {  	s0 =	sshra.s32 @!p3 s0, $0x2  }
0x23a: {  	s2 =	simm.s32 @!p3 $0x80;
	s0 =	sadd.s32 @!p3 $0xF238, s0  }
0x23b: {  	[spmem:s2] =	stream.linear.scatter @!p3 [tilespmem:s0], [sflag:$0x1], $0x80, $0x38;
	[tilespmem:$0x1F6F8] =	vst v63  }
0x23c: {  	s0 =	simm.s32 @!p3 $0x1  }
0x23d: {  	_ =	swait.ge @!p3 [sflag:s0], $0x100  }
0x23e: {  	p1 =	por p2, p1;
	[sflag:s0] =	ssyncset.done @!p3 $0x0  }
0x23f: {  	[sflag:s0] =	ssyncadd.s32 @!p3 $0xFFFFFF00;
	s0 =	simm.s32 @!p1 $0x1  }
0x240: {  	_ =	swait.ge @!p1 [sflag:s0], $0x80  }
0x241: {  	s29 =	simm.s32 $0x10238;
	[sflag:s0] =	ssyncset.done @!p1 $0x0  }
0x242: {  	s30 =	simm.s32 $0x1000;
	s31 =	simm.s32 $0x1;
	[sflag:s0] =	ssyncadd.s32 @!p1 $0xFFFFFF80  }
0x243: {  	[spmem:s30] =	stream.linear.scatter [tilespmem:s29], [sflag:$0x1], $0x10, $0x38;
	[tilespmem:$0x1F6F8] =	vst v63  }
0x244: {  	_ =	swait.ge [sflag:s31], $0x10  }
0x245: {  	[sflag:s31] =	ssyncset.done $0x0  }
0x246: {  	p1 =	seq.s32 s15, $0x0;
	s8 =	rddreg [dreg:$0x1];
	[sflag:s31] =	ssyncadd.s32 $0xFFFFFFF0  }
0x247: {  	s2 =	sshll.u32 @p1 s8, $0xE;
	s7 =	rddreg [dreg:$0x2]  }
0x248: {  	s0 =	sadd.s32 @p1 $0x15C3C, s2;
	s2 =	sshll.u32 @p1 s7, $0x11  }
0x249: {  	_ =	sfence.stream.spmem;
	s0 =	sor.u32 @p1 s2, s0  }
0x24a: {  	[sflag:s0] =	ssyncadd.remote.s32 @p1 $0x1;
	s0 =	simm.s32 @p1 $0x4  }
0x24b: {  	s3 =	simm.s32 @!p1 $0x3C;
	s2 =	sand.u32 $0xFFFFFFFE, s8;
	_ =	swait.ge @p1 [sflag:s0], $0x22  }
0x24c: {  	s4 =	simm.s32 @!p1 $0x0;
	s2 =	sadd.s32 @!p1 $0x4, s2;
	[sflag:s0] =	ssyncset.done @p1 $0x0  }
0x24d: {  	s5 =	simm.s32 @!p1 $0x100;
	[sflag:s0] =	ssyncadd.s32 @p1 $0xFFFFFFDE;
	s0 =	sshll.u32 @!p1 s2, $0x1A  }
0x24e: {  	s2 =	sshll.u32 @!p1 s2, $0xD;
	s0 =	sor.u32 @!p1 s0, s7;
	_ =	swait.eq @!p1 [sflag:s3], $0x1  }
0x24f: {  	s2 =	sor.u32 @!p1 $0x1C04, s2;
	s3 =	simm.s32 @!p1 $0x1C03;
	s0 =	sor.u32 @!p1 $0x80004000, s0  }
0x250: {  	[spmem:s5], [sflag:s2] =	dma.general @!p1 [spmem:s4], [sflag:s3], length:$0x20, [dreg:$0x0], stride_count:$0x0, ici_dest:s0, dma_misc:DstOpCode:WRITE  }
0x251: {  	p2 =	slt.s32 s9, $0x2;
	s4 =	simm.s32 @!p1 $0x200;
	s5 =	simm.s32 @!p1 $0x202  }
0x252: {  	[spmem:s5], [sflag:s2] =	dma.general @!p1 [spmem:s4], [sflag:s3], length:$0x2, [dreg:$0x0], stride_count:$0x0, ici_dest:s0, dma_misc:DstOpCode:WRITE  }
.Ltmp35:
0x253: {  	s0 =	simm.s32 @!p1 $0x3;
	(pc) =	sbr.rel @p2 .LBB3_38-.Ltmp35, $4  }
0x254: {  	s2 =	sshll.u32 @!p1 s8, $0xE;
	_ =	swait.ge @!p1 [sflag:s0], $0x22  }
0x255: {  	s3 =	sshll.u32 @!p1 s7, $0x11;
	s2 =	sadd.s32 @!p1 $0x11C3C, s2;
	[sflag:s0] =	ssyncset.done @!p1 $0x0  }
0x256: {  	[sflag:s0] =	ssyncadd.s32 @!p1 $0xFFFFFFDE;
	s0 =	sor.u32 @!p1 s3, s2  }
0x257: {  	[sflag:s0] =	ssyncadd.remote.s32 @!p1 $0xFFFFFFFF;
	s0 =	simm.s32 $0x0  }
0x258: {  	s0 =	simm.s32 $0xF219  }
0x259: {  	v0 =	vld.msk [tilespmem:s0+$0x0], $0x1;
	_ =	sdelay $0x4  }
0x25a: {  	(v2sf) =	vpush v0, $0x0;
	_ =	sdelay $0xb  }
0x25b: {  	s31 =	sadd.s32 $0xFFFFFFFE, s6  }
0x25c: {  	s0 =	sadd.s32 $0xFFFFFFFF, s31  }
0x25d: {  	p2 =	sne.s32 s0, $0x0  }
.Ltmp36:
0x25e: {  	s2 =	spop (v2sf);
	(pc) =	sbr.rel @!p2 .LBB3_37-.Ltmp36, $4  }
0x25f: {  	s4 =	simm.s32 $0xF2B8;
	s7 =	simm.s32 $0x0;
	p1 =	sgt.u32 s2, $0x1869F0  }
0x260: {  	s5 =	simm.s32 $0x0;
	s6 =	simm.s32 $0xF21A;
	s3 =	sand.u32 @!p1 $0x1FFFF8, s2  }
0x261: {  	s2 =	sand.u32 @!p1 $0x7, s2;
	s7 =	simm.s32 @!p1 $0x200;
	s3 =	sadd.s32 @!p1 s1, s3  }
0x262: {  	[hbm4b:s3+s2] =	stream.linear.scatter @!p1 [tilespmem:s4], [sflag:$0x5], $0x80, $0x38;
	[tilespmem:$0x1F6F8] =	vst v63  }
.LBB3_36:
0x263: {  	v0 =	vld.msk [tilespmem:s6+$0x0], $0x1;
	s0 =	sadd.s32 $0xFFFFFFFF, s0;
	s5 =	sadd.s32 s5, s7  }
0x264: {  	p1 =	sne.s32 s0, $0x0;
	_ =	sdelay $0x3  }
0x265: {  	(v2sf) =	vpush v0, $0x0;
	_ =	sdelay $0xe  }
.Ltmp37:
0x266: {  	s2 =	spop (v2sf);
	(pc) =	sbr.rel @p1 .LBB3_36-.Ltmp37, $4  }
0x267: {  	s7 =	simm.s32 $0x0;
	p2 =	sgt.u32 s2, $0x1869F0  }
0x268: {  	s4 =	sadd.s32 $0x80, s4;
	s7 =	simm.s32 @!p2 $0x200;
	s3 =	sand.u32 @!p2 $0x1FFFF8, s2  }
0x269: {  	s6 =	sadd.s32 $0x1, s6;
	s2 =	sand.u32 @!p2 $0x7, s2;
	s3 =	sadd.s32 @!p2 s1, s3  }
0x26a: {  	[hbm4b:s3+s2] =	stream.linear.scatter @!p2 [tilespmem:s4], [sflag:$0x5], $0x80, $0x38;
	[tilespmem:$0x1F6F8] =	vst v63  }
.LBB3_37:
0x26b: {  	s0 =	sadd.s32 s5, s7  }
0x26c: {  	s0 =	sshrl.u32 s0, $0x2  }
.LBB3_38:
0x26d: {  	s2 =	simm.s32 $0x5  }
0x26e: {  	_ =	swait.ge [sflag:s2], s0  }
0x26f: {  	s31 =	ssub.s32 $0x0, s0;
	[sflag:s2] =	ssyncset.done $0x0  }
0x270: {  	[sflag:s2] =	ssyncadd.s32 s31  }
0x271: {  	[sflag:s2] =	ssyncpa.u1 $0x1  }
.LBB3_39:
0x272: {  	s0 =	sor.u32 s15, s16  }
0x273: {  	p1 =	sne.s32 s0, $0x0  }
.Ltmp38:
0x274: {  	_ = 	snop;
	(pc) =	sbr.rel @p1 .LBB3_54-.Ltmp38, $3  }
0x275: {  	_ =	sdelay $0x1  }
0x276: {  	[bflag:$0x0] =	sbarrier.arrive $0xFFFF  }
0x277: {  	_ =	sfence  }
0x278: {  	s0 =	simm.s32 $0x7  }
0x279: {  	s2 =	simm.s32 $0x1000;
	s3 =	simm.s32 $0xF218;
	[sflag:s0] =	ssyncpa.u1 $0x0  }
0x27a: {  	[tilespmem:s3], [sflag:$0x7] =	stream.linear.gather [spmem:s2], $0x20, $0x38;
	[tilespmem:$0x1F6F8] =	vst v63  }
0x27b: {  	s30 =	simm.s32 $0xF238;
	s2 =	simm.s32 $0x0  }
0x27c: {  	[tilespmem:s30], [sflag:$0x7] =	stream.linear.gather [spmem:s2], $0x1000, $0x38;
	[tilespmem:$0x1F6F8] =	vst v63  }
.Ltmp39:
0x27d: {  	_ = 	snop;
	(pc) =	sbr.rel .LBB3_41-.Ltmp39, $4  }
0x27e: {  	_ =	swait.ge [sflag:s0], $0x1020  }
0x27f: {  	[sflag:s0] =	ssyncset.done $0x0  }
0x280: {  	s31 =	simm.s32 $0x8;
	[sflag:s0] =	ssyncadd.s32 $0xFFFFEFE0  }
0x281: {  	s3 =	simm.s32 $0x0;
	[sflag:s31] =	ssyncpa.u1 $0x0  }
.LBB3_47:
0x282: {  	p1 =	slt.u32 s4, $0x1869F1  }
0x283: {  	s0 =	sand.u32 @p1 $0x1FFFF8, s4  }
0x284: {  	s4 =	sand.u32 @p1 $0x7, s4;
	s5 =	simm.s32 @p1 $0xF188;
	s0 =	sadd.s32 @p1 s1, s0  }
0x285: {  	[tilespmem:s5], [sflag:$0x8] =	stream.linear.gather @p1 [hbm4b:s0+s4], $0x80, $0x38;
	[tilespmem:$0x1F6F8] =	vst v63  }
0x286: {  	s0 =	simm.s32 @p1 $0x8  }
0x287: {  	_ =	swait.ge @p1 [sflag:s0], $0x80  }
0x288: {  	[sflag:s0] =	ssyncset.done @p1 $0x0  }
0x289: {  	[sflag:s0] =	ssyncadd.s32 @p1 $0xFFFFFF80  }
0x28a: {  	v1 =	vld @p1 [tilespmem:$0xF188];
	_ =	sdelay $0x2  }
0x28b: {  	s0 =	sshll.u32 @p1 s3, $0x9  }
0x28c: {  	s4 =	sshrl.u32 @p1 s0, $0x2  }
0x28d: {  	[tilespmem:s4+$0xF238] =	vst.add.f32.msk @p1 $0xffff, v1  }
0x28e: {  	v1 =	vld @p1 [tilespmem:$0xF198];
	_ =	sdelay $0x4  }
0x28f: {  	[tilespmem:s4+$0xF248] =	vst.add.f32.msk @p1 $0xffff, v1  }
0x290: {  	v1 =	vld @p1 [tilespmem:$0xF1A8];
	_ =	sdelay $0x4  }
0x291: {  	[tilespmem:s4+$0xF258] =	vst.add.f32.msk @p1 $0xffff, v1  }
0x292: {  	v1 =	vld @p1 [tilespmem:$0xF1B8];
	_ =	sdelay $0x4  }
0x293: {  	[tilespmem:s4+$0xF268] =	vst.add.f32.msk @p1 $0xffff, v1  }
0x294: {  	v1 =	vld @p1 [tilespmem:$0xF1C8];
	_ =	sdelay $0x4  }
0x295: {  	[tilespmem:s4+$0xF278] =	vst.add.f32.msk @p1 $0xffff, v1  }
0x296: {  	v1 =	vld @p1 [tilespmem:$0xF1D8];
	_ =	sdelay $0x4  }
0x297: {  	[tilespmem:s4+$0xF288] =	vst.add.f32.msk @p1 $0xffff, v1  }
0x298: {  	v1 =	vld @p1 [tilespmem:$0xF1E8];
	_ =	sdelay $0x4  }
0x299: {  	[tilespmem:s4+$0xF298] =	vst.add.f32.msk @p1 $0xffff, v1  }
0x29a: {  	v1 =	vld @p1 [tilespmem:$0xF1F8];
	_ =	sdelay $0x3  }
0x29b: {  	s5 =	sshll.u32 @!p1 s3, $0x9  }
0x29c: {  	s5 =	smov.u32 @p1 s0;
	[tilespmem:s4+$0xF2A8] =	vst.add.f32.msk @p1 $0xffff, v1  }
0x29d: {  	s0 =	sshrl.u32 s5, $0x2;
	[tilespmem:s2+$0xF218] =	vst.msk $0x1, v0  }
0x29e: {  	v0 =	vld [tilespmem:s0+$0xF238];
	_ =	sdelay $0x2  }
0x29f: {  	s31 =	sshll.u32 s2, $0x9  }
0x2a0: {  	s4 =	sshra.s32 s31, $0x2  }
0x2a1: {  	[tilespmem:s4+$0xF238] =	vst v0  }
0x2a2: {  	v0 =	vld [tilespmem:s0+$0xF248];
	_ =	sdelay $0x4  }
0x2a3: {  	[tilespmem:s4+$0xF248] =	vst v0  }
0x2a4: {  	v0 =	vld [tilespmem:s0+$0xF258];
	_ =	sdelay $0x4  }
0x2a5: {  	[tilespmem:s4+$0xF258] =	vst v0  }
0x2a6: {  	v0 =	vld [tilespmem:s0+$0xF268];
	_ =	sdelay $0x4  }
0x2a7: {  	[tilespmem:s4+$0xF268] =	vst v0  }
0x2a8: {  	v0 =	vld [tilespmem:s0+$0xF278];
	_ =	sdelay $0x4  }
0x2a9: {  	[tilespmem:s4+$0xF278] =	vst v0  }
0x2aa: {  	v0 =	vld [tilespmem:s0+$0xF288];
	_ =	sdelay $0x4  }
0x2ab: {  	[tilespmem:s4+$0xF288] =	vst v0  }
0x2ac: {  	v0 =	vld [tilespmem:s0+$0xF298];
	_ =	sdelay $0x4  }
0x2ad: {  	[tilespmem:s4+$0xF298] =	vst v0  }
0x2ae: {  	v0 =	vld [tilespmem:s0+$0xF2A8];
	_ =	sdelay $0x4  }
0x2af: {  	s2 =	sadd.s32 $0x1, s2;
	[tilespmem:s4+$0xF2A8] =	vst v0  }
.LBB3_48:
0x2b0: {  	s3 =	sadd.s32 $0x1, s3  }
0x2b1: {  	p1 =	sne.s32 s3, $0x20  }
.Ltmp40:
0x2b2: {  	_ = 	snop;
	(pc) =	sbr.rel @!p1 .LBB3_49-.Ltmp40, $1  }
0x2b3: {  	_ =	sdelay $0x3  }
.LBB3_41:
0x2b4: {  	v0 =	vld.msk [tilespmem:s3+$0xF218], $0x1;
	_ =	sdelay $0x4  }
0x2b5: {  	(v2sf) =	vpush v0, $0x0;
	_ =	sdelay $0xe  }
0x2b6: {  	s4 =	spop (v2sf)  }
0x2b7: {  	p1 =	seq.s32 s4, $0xFFFFFFFF  }
.Ltmp41:
0x2b8: {  	_ = 	snop;
	(pc) =	sbr.rel @p1 .LBB3_48-.Ltmp41, $1  }
0x2b9: {  	_ =	sdelay $0x3  }
0x2ba: {  	p1 =	slt.s32 s2, $0x1  }
.Ltmp42:
0x2bb: {  	_ = 	snop;
	(pc) =	sbr.rel @p1 .LBB3_47-.Ltmp42, $1  }
0x2bc: {  	_ =	sdelay $0x3  }
0x2bd: {  	s5 =	simm.s32 $0xF218;
	p1 =	por $0x0, $0x0  }
0x2be: {  	v1 =	vld.msk @!p1 [tilespmem:s5+$0x0], $0x1;
	_ =	sdelay $0x4  }
0x2bf: {  	(v2sf) =	vpush @!p1 v1, $0x0;
	_ =	sdelay $0xd  }
0x2c0: {  	p3 =	sne.s32 s2, $0x1  }
.Ltmp43:
0x2c1: {  	s0 =	spop @!p1 (v2sf);
	(pc) =	sbr.rel @!p3 .LBB3_45-.Ltmp43, $4  }
0x2c2: {  	p2 =	seq.s32 @!p1 s4, s0  }
0x2c3: {  	s6 =	simm.s32 $0x0;
	p2 =	por !p2, p1  }
0x2c4: {  	s7 =	simm.s32 $0xFFFFFFFF;
	s6 =	simm.s32 @p2 $0xFFFFFFFF  }
0x2c5: {  	s0 =	simm.s32 $0x1;
	s6 =	smov.u32 @p1 s7  }
.LBB3_44:
0x2c6: {  	s7 =	smov.u32 s6;
	p1 =	sne.s32 s6, $0xFFFFFFFF  }
0x2c7: {  	s5 =	sadd.s32 $0x1, s5;
	s6 =	smov.u32 s0;
	s0 =	sadd.s32 $0x1, s0  }
0x2c8: {  	p2 =	sne.s32 s2, s0;
	v1 =	vld.msk @!p1 [tilespmem:s5+$0x0], $0x1;
	_ =	sdelay $0x4  }
0x2c9: {  	(v2sf) =	vpush @!p1 v1, $0x0;
	_ =	sdelay $0xe  }
.Ltmp44:
0x2ca: {  	s8 =	spop @!p1 (v2sf);
	(pc) =	sbr.rel @p2 .LBB3_44-.Ltmp44, $4  }
0x2cb: {  	p3 =	seq.s32 @!p1 s4, s8  }
0x2cc: {  	p3 =	por !p3, p1  }
0x2cd: {  	s6 =	simm.s32 @p3 $0xFFFFFFFF  }
0x2ce: {  	s6 =	smov.u32 @p1 s7  }
.LBB3_45:
0x2cf: {  	p1 =	seq.s32 s6, $0xFFFFFFFF  }
.Ltmp45:
0x2d0: {  	_ = 	snop;
	(pc) =	sbr.rel @p1 .LBB3_47-.Ltmp45, $1  }
0x2d1: {  	_ =	sdelay $0x3  }
0x2d2: {  	s0 =	sshll.u32 s3, $0x7  }
0x2d3: {  	s0 =	sand.u32 $0x3FFFFF80, s0  }
0x2d4: {  	v0 =	vld [tilespmem:s0+$0xF238];
	_ =	sdelay $0x2  }
0x2d5: {  	s4 =	sshll.u32 s6, $0x9  }
0x2d6: {  	s4 =	sshra.s32 s4, $0x2  }
0x2d7: {  	[tilespmem:s4+$0xF238] =	vst.add.f32.msk $0xffff, v0  }
0x2d8: {  	v0 =	vld [tilespmem:s0+$0xF248];
	_ =	sdelay $0x4  }
0x2d9: {  	[tilespmem:s4+$0xF248] =	vst.add.f32.msk $0xffff, v0  }
0x2da: {  	v0 =	vld [tilespmem:s0+$0xF258];
	_ =	sdelay $0x4  }
0x2db: {  	[tilespmem:s4+$0xF258] =	vst.add.f32.msk $0xffff, v0  }
0x2dc: {  	v0 =	vld [tilespmem:s0+$0xF268];
	_ =	sdelay $0x4  }
0x2dd: {  	[tilespmem:s4+$0xF268] =	vst.add.f32.msk $0xffff, v0  }
0x2de: {  	v0 =	vld [tilespmem:s0+$0xF278];
	_ =	sdelay $0x4  }
0x2df: {  	[tilespmem:s4+$0xF278] =	vst.add.f32.msk $0xffff, v0  }
0x2e0: {  	v0 =	vld [tilespmem:s0+$0xF288];
	_ =	sdelay $0x4  }
0x2e1: {  	[tilespmem:s4+$0xF288] =	vst.add.f32.msk $0xffff, v0  }
0x2e2: {  	v0 =	vld [tilespmem:s0+$0xF298];
	_ =	sdelay $0x4  }
0x2e3: {  	[tilespmem:s4+$0xF298] =	vst.add.f32.msk $0xffff, v0  }
0x2e4: {  	v0 =	vld [tilespmem:s0+$0xF2A8]  }
.Ltmp46:
0x2e5: {  	_ = 	snop;
	(pc) =	sbr.rel .LBB3_48-.Ltmp46, $2  }
0x2e6: {  	_ =	sdelay $0x2  }
0x2e7: {  	[tilespmem:s4+$0xF2A8] =	vst.add.f32.msk $0xffff, v0  }
.LBB3_49:
0x2e8: {  	p1 =	slt.s32 s2, $0x1  }
.Ltmp47:
0x2e9: {  	_ = 	snop;
	(pc) =	sbr.rel @p1 .LBB3_53-.Ltmp47, $3  }
0x2ea: {  	_ =	sdelay $0x1  }
0x2eb: {  	s0 =	simm.s32 $0x8  }
0x2ec: {  	s3 =	simm.s32 $0x0;
	[sflag:s0] =	ssyncpa.u1 $0x1  }
0x2ed: {  	s0 =	simm.s32 $0xF218  }
0x2ee: {  	v0 =	vld.msk [tilespmem:s0+$0x0], $0x1;
	_ =	sdelay $0x4  }
0x2ef: {  	(v2sf) =	vpush v0, $0x0;
	_ =	sdelay $0xe  }
0x2f0: {  	s0 =	sadd.s32 $0xFFFFFFFF, s2;
	s5 =	spop (v2sf)  }
0x2f1: {  	p2 =	sne.s32 s0, $0x0;
	p1 =	sgt.u32 s5, $0x1869F0  }
.Ltmp48:
0x2f2: {  	s6 =	sand.u32 @!p1 $0x1FFFF8, s5;
	(pc) =	sbr.rel @!p2 .LBB3_52-.Ltmp48, $4  }
0x2f3: {  	s4 =	simm.s32 $0xF238;
	s5 =	sand.u32 @!p1 $0x7, s5;
	s2 =	sadd.s32 @!p1 s1, s6  }
0x2f4: {  	[hbm4b:s2+s5] =	stream.linear.scatter @!p1 [tilespmem:s4], [sflag:$0x7], $0x80, $0x38;
	[tilespmem:$0x1F6F8] =	vst v63  }
0x2f5: {  	s5 =	simm.s32 $0x0  }
0x2f6: {  	s2 =	simm.s32 $0xF219;
	s5 =	simm.s32 @!p1 $0x200  }
.LBB3_51:
0x2f7: {  	v0 =	vld.msk [tilespmem:s2+$0x0], $0x1;
	s0 =	sadd.s32 $0xFFFFFFFF, s0;
	s3 =	sadd.s32 s3, s5  }
0x2f8: {  	p1 =	sne.s32 s0, $0x0;
	_ =	sdelay $0x3  }
0x2f9: {  	(v2sf) =	vpush v0, $0x0;
	_ =	sdelay $0xe  }
.Ltmp49:
0x2fa: {  	s6 =	spop (v2sf);
	(pc) =	sbr.rel @p1 .LBB3_51-.Ltmp49, $4  }
0x2fb: {  	s5 =	simm.s32 $0x0;
	p2 =	sgt.u32 s6, $0x1869F0  }
0x2fc: {  	s4 =	sadd.s32 $0x80, s4;
	s5 =	simm.s32 @!p2 $0x200;
	s7 =	sand.u32 @!p2 $0x1FFFF8, s6  }
0x2fd: {  	s2 =	sadd.s32 $0x1, s2;
	s6 =	sand.u32 @!p2 $0x7, s6;
	s7 =	sadd.s32 @!p2 s1, s7  }
0x2fe: {  	[hbm4b:s7+s6] =	stream.linear.scatter @!p2 [tilespmem:s4], [sflag:$0x7], $0x80, $0x38;
	[tilespmem:$0x1F6F8] =	vst v63  }
.LBB3_52:
0x2ff: {  	s0 =	sadd.s32 s3, s5  }
0x300: {  	s3 =	sshrl.u32 s0, $0x2  }
.LBB3_53:
0x301: {  	s0 =	simm.s32 $0x7  }
0x302: {  	_ =	swait.ge [sflag:s0], s3  }
0x303: {  	s1 =	ssub.s32 $0x0, s3;
	[sflag:s0] =	ssyncset.done $0x0  }
0x304: {  	[sflag:s0] =	ssyncadd.s32 s1  }
0x305: {  	[sflag:s0] =	ssyncpa.u1 $0x1  }
.LBB3_54:
0x306: {  	_ =	sfence;
	s0 =	simm.s32 $0x1  }
0x307: {  	[sflag:s0] =	ssyncpa.u1 $0x1  }
0x308: {  	_ =	strace $0x90000059  }
0x309: {  	[bflag:$0x2] =	sbarrier.arrive $0xFFFF  }
0x30a: {  	s0 =	rddreg [dreg:$0x3]  }
0x30b: {  	s0 =	sadd.s32 @!p0 $0x100000, s0  }
0x30c: {  	[sflag:s0] =	ssyncadd.tile.s32 @!p0 $0x1;
	_ =	shalt  }
.Lfunc_end3:
_tile_overlayer_lowered:
.L_overlay_start_3:
0x30d: {  	(tag) =	ssettag $0x3  }
0x30e: {  	s0 =	rddreg [dreg:$0x0];
	s2 =	stileid.u32  }
0x30f: {  	s1 =	rddreg [dreg:$0x1];
	p0 =	sne.s32 s2, $0x0  }
0x310: {  	s3 =	rddreg [dreg:$0x2];
	[bflag:$0x3] =	sbarrier.arrive $0xFFFF;
	s2 =	simm.s32 @!p0 $0x1C01  }
0x311: {  	[timem:s3], [sflag:s2] =	dma.local @!p0 [hbm:s0], s1  }
0x312: {  	s0 =	simm.s32 @!p0 $0x1  }
0x313: {  	_ =	swait.ge @!p0 [sflag:s0], s1  }
0x314: {  	s1 =	ssub.s32 @!p0 $0x0, s1;
	[sflag:s0] =	ssyncset.done @!p0 $0x0  }
0x315: {  	[sflag:s0] =	ssyncadd.s32 @!p0 s1  }
0x316: {  	[bflag:$0x3] =	sbarrier.arrive $0xFFFF  }
0x317: {  	_ =	shalt  }

</sc_bundles>
